<compile_context>
chip_gen: v7x
topology: tpu7x:2x2x1
jax: 0.10.2.dev20260603
libtpu: 0.0.44.dev20260713+nightly
codegen_flags: <defaults>
</compile_context>

<pallas_src>
import jax
import jax.numpy as jnp
from jax import lax
from jax.experimental import pallas as pl
from jax.experimental.pallas import tpu as pltpu
from jax.experimental.pallas import tpu_sc as plsc

N = 320000
D = 128
NC = 2
NS = 16
NW = NC * NS
C = 400
L = 16
SCALE = 1.0 / D

K_SC = 9
N_SC = NW * C * K_SC
N_TC = N - N_SC
BLK = 20480

_DNUMS = lax.GatherDimensionNumbers(
    offset_dims=(), collapsed_slice_dims=(0,), start_index_map=(0,)
)


def _lane_shuffle(v, idx):
    return lax.gather(
        v,
        idx[:, None],
        _DNUMS,
        slice_sizes=(1,),
        mode=lax.GatherScatterMode.PROMISE_IN_BOUNDS,
    )


def _reduce_chunk(xv, ov, lane_iota):

    def group_loop(g, carry):
        rbase = g * L
        acc = jnp.zeros((L,), jnp.float32)
        for k in range(L):
            r = rbase + k
            v0 = xv[r, 0:16]
            v1 = xv[r, 16:32]
            v2 = xv[r, 32:48]
            v3 = xv[r, 48:64]
            v4 = xv[r, 64:80]
            v5 = xv[r, 80:96]
            v6 = xv[r, 96:112]
            v7 = xv[r, 112:128]
            s = ((v0 + v1) + (v2 + v3)) + ((v4 + v5) + (v6 + v7))
            s = s + _lane_shuffle(s, lane_iota ^ 8)
            s = s + _lane_shuffle(s, lane_iota ^ 4)
            s = s + _lane_shuffle(s, lane_iota ^ 2)
            s = s + _lane_shuffle(s, lane_iota ^ 1)
            acc = jnp.where(lane_iota == k, s, acc)
        ov[pl.ds(rbase, L)] = acc * SCALE
        return carry

    lax.fori_loop(0, C // L, group_loop, None)


def _sc_body(x_hbm, out_hbm, x0, x1, o0, o1, isem0, isem1, osem0, osem1):
    wid = lax.axis_index("s") * NC + lax.axis_index("c")
    base = N_TC + wid * (K_SC * C)
    obase = wid * (K_SC * C)
    lane_iota = lax.iota(jnp.int32, L)
    xb = (x0, x1)
    ob = (o0, o1)
    isem = (isem0, isem1)
    osem = (osem0, osem1)

    def start_in(ci, b):
        pltpu.async_copy(x_hbm.at[pl.ds(base + ci * C, C), :], xb[b], isem[b])

    start_in(0, 0)
    start_in(1, 1)
    pltpu.async_copy(o0, out_hbm.at[pl.ds(obase + 0 * C, C)], osem0)
    pltpu.async_copy(o1, out_hbm.at[pl.ds(obase + 1 * C, C)], osem1)

    def outer(g, carry):
        for b in range(2):
            ci = g * 2 + b
            pltpu.make_async_copy(
                x_hbm.at[pl.ds(0, C), :], xb[b], isem[b]
            ).wait()
            pltpu.make_async_copy(
                ob[b], out_hbm.at[pl.ds(0, C)], osem[b]
            ).wait()

            _reduce_chunk(xb[b], ob[b], lane_iota)
            pltpu.async_copy(
                ob[b], out_hbm.at[pl.ds(obase + ci * C, C)], osem[b]
            )

            start_in(jnp.minimum(ci + 2, K_SC - 1), b)

        return carry

    lax.fori_loop(0, K_SC // 2, outer, None)

    if K_SC % 2 == 1:
        pltpu.make_async_copy(x_hbm.at[pl.ds(0, C), :], x0, isem0).wait()
        pltpu.make_async_copy(o0, out_hbm.at[pl.ds(0, C)], osem0).wait()
        _reduce_chunk(x0, o0, lane_iota)
        pltpu.async_copy(
            o0, out_hbm.at[pl.ds(obase + (K_SC - 1) * C, C)], osem0
        )

    pltpu.make_async_copy(x_hbm.at[pl.ds(0, C), :], x1, isem1).wait()
    pltpu.make_async_copy(o0, out_hbm.at[pl.ds(0, C)], osem0).wait()
    pltpu.make_async_copy(o1, out_hbm.at[pl.ds(0, C)], osem1).wait()


def _sc_mean(X):
    mesh = plsc.VectorSubcoreMesh(core_axis_name="c", subcore_axis_name="s")
    f = pl.kernel(
        _sc_body,
        out_type=jax.ShapeDtypeStruct((N_SC,), jnp.float32),
        mesh=mesh,
        scratch_types=[
            pltpu.VMEM((C, D), jnp.float32),
            pltpu.VMEM((C, D), jnp.float32),
            pltpu.VMEM((C,), jnp.float32),
            pltpu.VMEM((C,), jnp.float32),
            pltpu.SemaphoreType.DMA,
            pltpu.SemaphoreType.DMA,
            pltpu.SemaphoreType.DMA,
            pltpu.SemaphoreType.DMA,
        ],
    )
    return f(X)


NSTREAM = 1


def _tc_block(*refs):
    x_refs = refs[:NSTREAM]
    o_refs = refs[NSTREAM:]
    ones = jnp.full((8, D), SCALE, dtype=jnp.float32)
    for x_ref, o_ref in zip(x_refs, o_refs):
        o_ref[...] = jax.lax.dot_general(
            ones, x_ref[...], (((1,), (1,)), ((), ())),
            preferred_element_type=jnp.float32,
        )


def _tc_mean(X, n_rows):
    half = n_rows // NSTREAM
    grid_n = half // BLK

    def in_map(k):
        return lambda i: (k * grid_n + i, 0)

    outs = pl.pallas_call(
        _tc_block,
        grid=(grid_n,),
        in_specs=[pl.BlockSpec((BLK, D), in_map(k)) for k in range(NSTREAM)],
        out_specs=[
            pl.BlockSpec((8, BLK), lambda i: (0, i)) for _ in range(NSTREAM)
        ],
        out_shape=[
            jax.ShapeDtypeStruct((8, half), jnp.float32)
            for _ in range(NSTREAM)
        ],
    )(*([X] * NSTREAM))
    return jnp.concatenate([o[0, :] for o in outs])


@jax.jit
def kernel(X):
    out_tc = _tc_mean(X, N_TC)
    out_sc = _sc_mean(X)
    return jnp.concatenate([out_tc, out_sc])

# --- scband reference (transcript-rebuilt; emitter-appended) ---
"""Pipeline reference for scband-mean-aggregator-22969485099575 (READ-ONLY COPY).

The authoritative reference and input builder live on the scoring server;
editing this copy changes nothing except your own understanding.
"""

import jax, jax.numpy as jnp
import numpy as np


def setup_inputs(seed: int = 0) -> dict:
    key = jax.random.key(seed)
    X = jax.random.normal(key, (320000, 128), dtype=jnp.float32)
    return {"X": X}


def reference(X):
    # MeanAggregator: iterates over the first axis of X and takes the mean of
    # each element, producing a 1-D tensor of per-row means. Equivalent to
    # reducing over all non-leading axes.
    return jnp.mean(X, axis=tuple(range(1, X.ndim)))

if __name__ == "__main__":
    import jax
    _d = setup_inputs()
    print(jax.jit(kernel)(*tuple(_d.values())))

</pallas_src>

<mosaic_0001>
#map = affine_map<(d0, d1) -> (0, 0)>
#map1 = affine_map<(d0, d1) -> (0)>
module attributes {stable_mosaic.version = 14 : i64} {
  func.func @_sc_body(%arg0: i32, %arg1: i32, %arg2: memref<320000x128xf32, #tpu.memory_space<hbm>>, %arg3: memref<115200xf32, #tpu.memory_space<hbm>>, %arg4: memref<400x128xf32, #tpu.memory_space<vmem>>, %arg5: memref<400x128xf32, #tpu.memory_space<vmem>>, %arg6: memref<400xf32, #tpu.memory_space<vmem>>, %arg7: memref<400xf32, #tpu.memory_space<vmem>>, %arg8: memref<!tpu.dma_semaphore, #tpu.memory_space<semaphore_mem>>, %arg9: memref<!tpu.dma_semaphore, #tpu.memory_space<semaphore_mem>>, %arg10: memref<!tpu.dma_semaphore, #tpu.memory_space<semaphore_mem>>, %arg11: memref<!tpu.dma_semaphore, #tpu.memory_space<semaphore_mem>>) attributes {dimension_semantics = [#tpu.dimension_semantics<core_parallel>, #tpu.dimension_semantics<subcore_parallel>], iteration_bounds = array<i64: 2, 16>, scalar_prefetch = 0 : i64, scratch_operands = 8 : i64, tpu.core_type = #tpu.core_type<sc_vector_subcore>, window_params = [{transform_indices = #map}, {transform_indices = #map1}]} {
    %mul3A = arith.constant 2 : i32
    %mul3A_0 = arith.muli %arg1, %mul3A : i32
    %add3A = arith.addi %mul3A_0, %arg0 : i32
    %mul3A_1 = arith.constant 3600 : i32
    %mul3A_2 = arith.muli %add3A, %mul3A_1 : i32
    %add3A_3 = arith.constant 204800 : i32
    %add3A_4 = arith.addi %add3A_3, %mul3A_2 : i32
    %mul3A_5 = arith.constant 3600 : i32
    %mul3A_6 = arith.muli %add3A, %mul3A_5 : i32
    %iota3A = tpu.iota {dimensions = array<i32: 0>} : vector<16xi32>
    %add3A_7 = arith.constant 0 : i32
    %add3A_8 = arith.addi %add3A_4, %add3A_7 : i32
    %dma_start3A = arith.constant 0 : i32
    %dma_start3A_9 = tpu.memref_slice %arg2[%add3A_8, %dma_start3A] : memref<320000x128xf32, #tpu.memory_space<hbm>> -> memref<400x128xf32, #tpu.memory_space<hbm>>
    %dma_start3A_10 = arith.constant 0 : i32
    %dma_start3A_11 = tpu.memref_slice %arg2[%add3A_8, %dma_start3A_10] : memref<320000x128xf32, #tpu.memory_space<hbm>> -> memref<400x128xf32, #tpu.memory_space<hbm>>
    tpu.enqueue_dma source(%dma_start3A_11 : memref<400x128xf32, #tpu.memory_space<hbm>>) target(%arg4 : memref<400x128xf32, #tpu.memory_space<vmem>>) target_semaphore(%arg8 : memref<!tpu.dma_semaphore, #tpu.memory_space<semaphore_mem>>)
    %add3A_12 = arith.constant 400 : i32
    %add3A_13 = arith.addi %add3A_4, %add3A_12 : i32
    %dma_start3A_14 = arith.constant 0 : i32
    %dma_start3A_15 = tpu.memref_slice %arg2[%add3A_13, %dma_start3A_14] : memref<320000x128xf32, #tpu.memory_space<hbm>> -> memref<400x128xf32, #tpu.memory_space<hbm>>
    %dma_start3A_16 = arith.constant 0 : i32
    %dma_start3A_17 = tpu.memref_slice %arg2[%add3A_13, %dma_start3A_16] : memref<320000x128xf32, #tpu.memory_space<hbm>> -> memref<400x128xf32, #tpu.memory_space<hbm>>
    tpu.enqueue_dma source(%dma_start3A_17 : memref<400x128xf32, #tpu.memory_space<hbm>>) target(%arg5 : memref<400x128xf32, #tpu.memory_space<vmem>>) target_semaphore(%arg9 : memref<!tpu.dma_semaphore, #tpu.memory_space<semaphore_mem>>)
    %add3A_18 = arith.constant 0 : i32
    %add3A_19 = arith.addi %mul3A_6, %add3A_18 : i32
    %dma_start3A_20 = tpu.memref_slice %arg3[%add3A_19] : memref<115200xf32, #tpu.memory_space<hbm>> -> memref<400xf32, #tpu.memory_space<hbm>>
    %dma_start3A_21 = tpu.memref_slice %arg3[%add3A_19] : memref<115200xf32, #tpu.memory_space<hbm>> -> memref<400xf32, #tpu.memory_space<hbm>>
    tpu.enqueue_dma source(%arg6 : memref<400xf32, #tpu.memory_space<vmem>>) target(%dma_start3A_21 : memref<400xf32, #tpu.memory_space<hbm>>) target_semaphore(%arg10 : memref<!tpu.dma_semaphore, #tpu.memory_space<semaphore_mem>>)
    %add3A_22 = arith.constant 400 : i32
    %add3A_23 = arith.addi %mul3A_6, %add3A_22 : i32
    %dma_start3A_24 = tpu.memref_slice %arg3[%add3A_23] : memref<115200xf32, #tpu.memory_space<hbm>> -> memref<400xf32, #tpu.memory_space<hbm>>
    %dma_start3A_25 = tpu.memref_slice %arg3[%add3A_23] : memref<115200xf32, #tpu.memory_space<hbm>> -> memref<400xf32, #tpu.memory_space<hbm>>
    tpu.enqueue_dma source(%arg7 : memref<400xf32, #tpu.memory_space<vmem>>) target(%dma_start3A_25 : memref<400xf32, #tpu.memory_space<hbm>>) target_semaphore(%arg11 : memref<!tpu.dma_semaphore, #tpu.memory_space<semaphore_mem>>)
    %scan3A = arith.constant 0 : i32
    %scan3A_26 = arith.constant 4 : i32
    %scan3A_27 = arith.addi %scan3A, %scan3A_26 : i32
    %scan3A_28 = arith.constant 1 : i32
    scf.for %scan3A_62 = %scan3A to %scan3A_27 step %scan3A_28  : i32 {
      %mul3A_63 = arith.constant 2 : i32
      %mul3A_64 = arith.muli %scan3A_62, %mul3A_63 : i32
      %add3A_65 = arith.constant 0 : i32
      %add3A_66 = arith.addi %mul3A_64, %add3A_65 : i32
      %dma_wait3A_67 = arith.constant 0 : i32
      %dma_wait3A_68 = arith.constant 0 : i32
      %dma_wait3A_69 = tpu.memref_slice %arg2[%dma_wait3A_67, %dma_wait3A_68] : memref<320000x128xf32, #tpu.memory_space<hbm>> -> memref<400x128xf32, #tpu.memory_space<hbm>>
      %dma_wait3A_70 = arith.constant 0 : i32
      %dma_wait3A_71 = arith.constant 0 : i32
      %dma_wait3A_72 = tpu.memref_slice %arg2[%dma_wait3A_70, %dma_wait3A_71] : memref<320000x128xf32, #tpu.memory_space<hbm>> -> memref<400x128xf32, #tpu.memory_space<hbm>>
      tpu.wait_dma2 semaphore(%arg8 : memref<!tpu.dma_semaphore, #tpu.memory_space<semaphore_mem>>) src(%dma_wait3A_72 : memref<400x128xf32, #tpu.memory_space<hbm>>) dst(%arg4 : memref<400x128xf32, #tpu.memory_space<vmem>>)
      %dma_wait3A_73 = arith.constant 0 : i32
      %dma_wait3A_74 = tpu.memref_slice %arg3[%dma_wait3A_73] : memref<115200xf32, #tpu.memory_space<hbm>> -> memref<400xf32, #tpu.memory_space<hbm>>
      %dma_wait3A_75 = arith.constant 0 : i32
      %dma_wait3A_76 = tpu.memref_slice %arg3[%dma_wait3A_75] : memref<115200xf32, #tpu.memory_space<hbm>> -> memref<400xf32, #tpu.memory_space<hbm>>
      tpu.wait_dma2 semaphore(%arg10 : memref<!tpu.dma_semaphore, #tpu.memory_space<semaphore_mem>>) src(%arg6 : memref<400xf32, #tpu.memory_space<vmem>>) dst(%dma_wait3A_76 : memref<400xf32, #tpu.memory_space<hbm>>)
      %scan3A_77 = arith.constant 0 : i32
      %scan3A_78 = arith.constant 25 : i32
      %scan3A_79 = arith.addi %scan3A_77, %scan3A_78 : i32
      %scan3A_80 = arith.constant 1 : i32
      scf.for %scan3A_132 = %scan3A_77 to %scan3A_79 step %scan3A_80  : i32 {
        %mul3A_133 = arith.constant 16 : i32
        %mul3A_134 = arith.muli %scan3A_132, %mul3A_133 : i32
        %broadcast_in_dim3A = arith.constant 0.000000e+00 : f32
        %broadcast_in_dim3A_135 = vector.broadcast %broadcast_in_dim3A : f32 to vector<16xf32>
        %add3A_136 = arith.constant 0 : i32
        %add3A_137 = arith.addi %mul3A_134, %add3A_136 : i32
        %get3A = arith.index_cast %add3A_137 : i32 to index
        %get3A_138 = arith.constant 0 : index
        %get3A_139 = tpu.vector_load %arg4[%get3A, %get3A_138] {strides = array<i32>} : memref<400x128xf32, #tpu.memory_space<vmem>>, vector<1x16xf32>,
        %get3A_140 = vector.shape_cast %get3A_139 : vector<1x16xf32> to vector<16xf32>
        %get3A_141 = arith.index_cast %add3A_137 : i32 to index
        %get3A_142 = arith.constant 16 : index
        %get3A_143 = tpu.vector_load %arg4[%get3A_141, %get3A_142] {strides = array<i32>} : memref<400x128xf32, #tpu.memory_space<vmem>>, vector<1x16xf32>,
        %get3A_144 = vector.shape_cast %get3A_143 : vector<1x16xf32> to vector<16xf32>
        %get3A_145 = arith.index_cast %add3A_137 : i32 to index
        %get3A_146 = arith.constant 32 : index
        %get3A_147 = tpu.vector_load %arg4[%get3A_145, %get3A_146] {strides = array<i32>} : memref<400x128xf32, #tpu.memory_space<vmem>>, vector<1x16xf32>,
        %get3A_148 = vector.shape_cast %get3A_147 : vector<1x16xf32> to vector<16xf32>
        %get3A_149 = arith.index_cast %add3A_137 : i32 to index
        %get3A_150 = arith.constant 48 : index
        %get3A_151 = tpu.vector_load %arg4[%get3A_149, %get3A_150] {strides = array<i32>} : memref<400x128xf32, #tpu.memory_space<vmem>>, vector<1x16xf32>,
        %get3A_152 = vector.shape_cast %get3A_151 : vector<1x16xf32> to vector<16xf32>
        %get3A_153 = arith.index_cast %add3A_137 : i32 to index
        %get3A_154 = arith.constant 64 : index
        %get3A_155 = tpu.vector_load %arg4[%get3A_153, %get3A_154] {strides = array<i32>} : memref<400x128xf32, #tpu.memory_space<vmem>>, vector<1x16xf32>,
        %get3A_156 = vector.shape_cast %get3A_155 : vector<1x16xf32> to vector<16xf32>
        %get3A_157 = arith.index_cast %add3A_137 : i32 to index
        %get3A_158 = arith.constant 80 : index
        %get3A_159 = tpu.vector_load %arg4[%get3A_157, %get3A_158] {strides = array<i32>} : memref<400x128xf32, #tpu.memory_space<vmem>>, vector<1x16xf32>,
        %get3A_160 = vector.shape_cast %get3A_159 : vector<1x16xf32> to vector<16xf32>
        %get3A_161 = arith.index_cast %add3A_137 : i32 to index
        %get3A_162 = arith.constant 96 : index
        %get3A_163 = tpu.vector_load %arg4[%get3A_161, %get3A_162] {strides = array<i32>} : memref<400x128xf32, #tpu.memory_space<vmem>>, vector<1x16xf32>,
        %get3A_164 = vector.shape_cast %get3A_163 : vector<1x16xf32> to vector<16xf32>
        %get3A_165 = arith.index_cast %add3A_137 : i32 to index
        %get3A_166 = arith.constant 112 : index
        %get3A_167 = tpu.vector_load %arg4[%get3A_165, %get3A_166] {strides = array<i32>} : memref<400x128xf32, #tpu.memory_space<vmem>>, vector<1x16xf32>,
        %get3A_168 = vector.shape_cast %get3A_167 : vector<1x16xf32> to vector<16xf32>
        %add3A_169 = arith.addf %get3A_140, %get3A_144 : vector<16xf32>
        %add3A_170 = arith.addf %get3A_148, %get3A_152 : vector<16xf32>
        %add3A_171 = arith.addf %add3A_169, %add3A_170 : vector<16xf32>
        %add3A_172 = arith.addf %get3A_156, %get3A_160 : vector<16xf32>
        %add3A_173 = arith.addf %get3A_164, %get3A_168 : vector<16xf32>
        %add3A_174 = arith.addf %add3A_172, %add3A_173 : vector<16xf32>
        %add3A_175 = arith.addf %add3A_171, %add3A_174 : vector<16xf32>
        %xor3A = arith.constant 8 : i32
        %xor3A_176 = vector.broadcast %xor3A : i32 to vector<16xi32>
        %xor3A_177 = arith.xori %iota3A, %xor3A_176 : vector<16xi32>
        %broadcast_in_dim3A_178 = vector.shape_cast %xor3A_177 : vector<16xi32> to vector<16x1xi32>
        %gather3A = vector.shape_cast %broadcast_in_dim3A_178 : vector<16x1xi32> to vector<16xi32>
        %gather3A_179 = tpu.dynamic_gather %add3A_175[%gather3A] in [0] : vector<16xf32>, vector<16xi32> -> vector<16xf32>
        %add3A_180 = arith.addf %add3A_175, %gather3A_179 : vector<16xf32>
        %xor3A_181 = arith.constant 4 : i32
        %xor3A_182 = vector.broadcast %xor3A_181 : i32 to vector<16xi32>
        %xor3A_183 = arith.xori %iota3A, %xor3A_182 : vector<16xi32>
        %broadcast_in_dim3A_184 = vector.shape_cast %xor3A_183 : vector<16xi32> to vector<16x1xi32>
        %gather3A_185 = vector.shape_cast %broadcast_in_dim3A_184 : vector<16x1xi32> to vector<16xi32>
        %gather3A_186 = tpu.dynamic_gather %add3A_180[%gather3A_185] in [0] : vector<16xf32>, vector<16xi32> -> vector<16xf32>
        %add3A_187 = arith.addf %add3A_180, %gather3A_186 : vector<16xf32>
        %xor3A_188 = arith.constant 2 : i32
        %xor3A_189 = vector.broadcast %xor3A_188 : i32 to vector<16xi32>
        %xor3A_190 = arith.xori %iota3A, %xor3A_189 : vector<16xi32>
        %broadcast_in_dim3A_191 = vector.shape_cast %xor3A_190 : vector<16xi32> to vector<16x1xi32>
        %gather3A_192 = vector.shape_cast %broadcast_in_dim3A_191 : vector<16x1xi32> to vector<16xi32>
        %gather3A_193 = tpu.dynamic_gather %add3A_187[%gather3A_192] in [0] : vector<16xf32>, vector<16xi32> -> vector<16xf32>
        %add3A_194 = arith.addf %add3A_187, %gather3A_193 : vector<16xf32>
        %xor3A_195 = arith.constant 1 : i32
        %xor3A_196 = vector.broadcast %xor3A_195 : i32 to vector<16xi32>
        %xor3A_197 = arith.xori %iota3A, %xor3A_196 : vector<16xi32>
        %broadcast_in_dim3A_198 = vector.shape_cast %xor3A_197 : vector<16xi32> to vector<16x1xi32>
        %gather3A_199 = vector.shape_cast %broadcast_in_dim3A_198 : vector<16x1xi32> to vector<16xi32>
        %gather3A_200 = tpu.dynamic_gather %add3A_194[%gather3A_199] in [0] : vector<16xf32>, vector<16xi32> -> vector<16xf32>
        %add3A_201 = arith.addf %add3A_194, %gather3A_200 : vector<16xf32>
        %eq3A = arith.constant 0 : i32
        %eq3A_202 = vector.broadcast %eq3A : i32 to vector<16xi32>
        %eq3A_203 = arith.cmpi eq, %iota3A, %eq3A_202 : vector<16xi32>
        %select_n3A = arith.select %eq3A_203, %add3A_201, %broadcast_in_dim3A_135 : vector<16xi1>, vector<16xf32>
        %add3A_204 = arith.constant 1 : i32
        %add3A_205 = arith.addi %mul3A_134, %add3A_204 : i32
        %get3A_206 = arith.index_cast %add3A_205 : i32 to index
        %get3A_207 = arith.constant 0 : index
        %get3A_208 = tpu.vector_load %arg4[%get3A_206, %get3A_207] {strides = array<i32>} : memref<400x128xf32, #tpu.memory_space<vmem>>, vector<1x16xf32>,
        %get3A_209 = vector.shape_cast %get3A_208 : vector<1x16xf32> to vector<16xf32>
        %get3A_210 = arith.index_cast %add3A_205 : i32 to index
        %get3A_211 = arith.constant 16 : index
        %get3A_212 = tpu.vector_load %arg4[%get3A_210, %get3A_211] {strides = array<i32>} : memref<400x128xf32, #tpu.memory_space<vmem>>, vector<1x16xf32>,
        %get3A_213 = vector.shape_cast %get3A_212 : vector<1x16xf32> to vector<16xf32>
        %get3A_214 = arith.index_cast %add3A_205 : i32 to index
        %get3A_215 = arith.constant 32 : index
        %get3A_216 = tpu.vector_load %arg4[%get3A_214, %get3A_215] {strides = array<i32>} : memref<400x128xf32, #tpu.memory_space<vmem>>, vector<1x16xf32>,
        %get3A_217 = vector.shape_cast %get3A_216 : vector<1x16xf32> to vector<16xf32>
        %get3A_218 = arith.index_cast %add3A_205 : i32 to index
        %get3A_219 = arith.constant 48 : index
        %get3A_220 = tpu.vector_load %arg4[%get3A_218, %get3A_219] {strides = array<i32>} : memref<400x128xf32, #tpu.memory_space<vmem>>, vector<1x16xf32>,
        %get3A_221 = vector.shape_cast %get3A_220 : vector<1x16xf32> to vector<16xf32>
        %get3A_222 = arith.index_cast %add3A_205 : i32 to index
        %get3A_223 = arith.constant 64 : index
        %get3A_224 = tpu.vector_load %arg4[%get3A_222, %get3A_223] {strides = array<i32>} : memref<400x128xf32, #tpu.memory_space<vmem>>, vector<1x16xf32>,
        %get3A_225 = vector.shape_cast %get3A_224 : vector<1x16xf32> to vector<16xf32>
        %get3A_226 = arith.index_cast %add3A_205 : i32 to index
        %get3A_227 = arith.constant 80 : index
        %get3A_228 = tpu.vector_load %arg4[%get3A_226, %get3A_227] {strides = array<i32>} : memref<400x128xf32, #tpu.memory_space<vmem>>, vector<1x16xf32>,
        %get3A_229 = vector.shape_cast %get3A_228 : vector<1x16xf32> to vector<16xf32>
        %get3A_230 = arith.index_cast %add3A_205 : i32 to index
        %get3A_231 = arith.constant 96 : index
        %get3A_232 = tpu.vector_load %arg4[%get3A_230, %get3A_231] {strides = array<i32>} : memref<400x128xf32, #tpu.memory_space<vmem>>, vector<1x16xf32>,
        %get3A_233 = vector.shape_cast %get3A_232 : vector<1x16xf32> to vector<16xf32>
        %get3A_234 = arith.index_cast %add3A_205 : i32 to index
        %get3A_235 = arith.constant 112 : index
        %get3A_236 = tpu.vector_load %arg4[%get3A_234, %get3A_235] {strides = array<i32>} : memref<400x128xf32, #tpu.memory_space<vmem>>, vector<1x16xf32>,
        %get3A_237 = vector.shape_cast %get3A_236 : vector<1x16xf32> to vector<16xf32>
        %add3A_238 = arith.addf %get3A_209, %get3A_213 : vector<16xf32>
        %add3A_239 = arith.addf %get3A_217, %get3A_221 : vector<16xf32>
        %add3A_240 = arith.addf %add3A_238, %add3A_239 : vector<16xf32>
        %add3A_241 = arith.addf %get3A_225, %get3A_229 : vector<16xf32>
        %add3A_242 = arith.addf %get3A_233, %get3A_237 : vector<16xf32>
        %add3A_243 = arith.addf %add3A_241, %add3A_242 : vector<16xf32>
        %add3A_244 = arith.addf %add3A_240, %add3A_243 : vector<16xf32>
        %xor3A_245 = arith.constant 8 : i32
        %xor3A_246 = vector.broadcast %xor3A_245 : i32 to vector<16xi32>
        %xor3A_247 = arith.xori %iota3A, %xor3A_246 : vector<16xi32>
        %broadcast_in_dim3A_248 = vector.shape_cast %xor3A_247 : vector<16xi32> to vector<16x1xi32>
        %gather3A_249 = vector.shape_cast %broadcast_in_dim3A_248 : vector<16x1xi32> to vector<16xi32>
        %gather3A_250 = tpu.dynamic_gather %add3A_244[%gather3A_249] in [0] : vector<16xf32>, vector<16xi32> -> vector<16xf32>
        %add3A_251 = arith.addf %add3A_244, %gather3A_250 : vector<16xf32>
        %xor3A_252 = arith.constant 4 : i32
        %xor3A_253 = vector.broadcast %xor3A_252 : i32 to vector<16xi32>
        %xor3A_254 = arith.xori %iota3A, %xor3A_253 : vector<16xi32>
        %broadcast_in_dim3A_255 = vector.shape_cast %xor3A_254 : vector<16xi32> to vector<16x1xi32>
        %gather3A_256 = vector.shape_cast %broadcast_in_dim3A_255 : vector<16x1xi32> to vector<16xi32>
        %gather3A_257 = tpu.dynamic_gather %add3A_251[%gather3A_256] in [0] : vector<16xf32>, vector<16xi32> -> vector<16xf32>
        %add3A_258 = arith.addf %add3A_251, %gather3A_257 : vector<16xf32>
        %xor3A_259 = arith.constant 2 : i32
        %xor3A_260 = vector.broadcast %xor3A_259 : i32 to vector<16xi32>
        %xor3A_261 = arith.xori %iota3A, %xor3A_260 : vector<16xi32>
        %broadcast_in_dim3A_262 = vector.shape_cast %xor3A_261 : vector<16xi32> to vector<16x1xi32>
        %gather3A_263 = vector.shape_cast %broadcast_in_dim3A_262 : vector<16x1xi32> to vector<16xi32>
        %gather3A_264 = tpu.dynamic_gather %add3A_258[%gather3A_263] in [0] : vector<16xf32>, vector<16xi32> -> vector<16xf32>
        %add3A_265 = arith.addf %add3A_258, %gather3A_264 : vector<16xf32>
        %xor3A_266 = arith.constant 1 : i32
        %xor3A_267 = vector.broadcast %xor3A_266 : i32 to vector<16xi32>
        %xor3A_268 = arith.xori %iota3A, %xor3A_267 : vector<16xi32>
        %broadcast_in_dim3A_269 = vector.shape_cast %xor3A_268 : vector<16xi32> to vector<16x1xi32>
        %gather3A_270 = vector.shape_cast %broadcast_in_dim3A_269 : vector<16x1xi32> to vector<16xi32>
        %gather3A_271 = tpu.dynamic_gather %add3A_265[%gather3A_270] in [0] : vector<16xf32>, vector<16xi32> -> vector<16xf32>
        %add3A_272 = arith.addf %add3A_265, %gather3A_271 : vector<16xf32>
        %eq3A_273 = arith.constant 1 : i32
        %eq3A_274 = vector.broadcast %eq3A_273 : i32 to vector<16xi32>
        %eq3A_275 = arith.cmpi eq, %iota3A, %eq3A_274 : vector<16xi32>
        %select_n3A_276 = arith.select %eq3A_275, %add3A_272, %select_n3A : vector<16xi1>, vector<16xf32>
        %add3A_277 = arith.constant 2 : i32
        %add3A_278 = arith.addi %mul3A_134, %add3A_277 : i32
        %get3A_279 = arith.index_cast %add3A_278 : i32 to index
        %get3A_280 = arith.constant 0 : index
        %get3A_281 = tpu.vector_load %arg4[%get3A_279, %get3A_280] {strides = array<i32>} : memref<400x128xf32, #tpu.memory_space<vmem>>, vector<1x16xf32>,
        %get3A_282 = vector.shape_cast %get3A_281 : vector<1x16xf32> to vector<16xf32>
        %get3A_283 = arith.index_cast %add3A_278 : i32 to index
        %get3A_284 = arith.constant 16 : index
        %get3A_285 = tpu.vector_load %arg4[%get3A_283, %get3A_284] {strides = array<i32>} : memref<400x128xf32, #tpu.memory_space<vmem>>, vector<1x16xf32>,
        %get3A_286 = vector.shape_cast %get3A_285 : vector<1x16xf32> to vector<16xf32>
        %get3A_287 = arith.index_cast %add3A_278 : i32 to index
        %get3A_288 = arith.constant 32 : index
        %get3A_289 = tpu.vector_load %arg4[%get3A_287, %get3A_288] {strides = array<i32>} : memref<400x128xf32, #tpu.memory_space<vmem>>, vector<1x16xf32>,
        %get3A_290 = vector.shape_cast %get3A_289 : vector<1x16xf32> to vector<16xf32>
        %get3A_291 = arith.index_cast %add3A_278 : i32 to index
        %get3A_292 = arith.constant 48 : index
        %get3A_293 = tpu.vector_load %arg4[%get3A_291, %get3A_292] {strides = array<i32>} : memref<400x128xf32, #tpu.memory_space<vmem>>, vector<1x16xf32>,
        %get3A_294 = vector.shape_cast %get3A_293 : vector<1x16xf32> to vector<16xf32>
        %get3A_295 = arith.index_cast %add3A_278 : i32 to index
        %get3A_296 = arith.constant 64 : index
        %get3A_297 = tpu.vector_load %arg4[%get3A_295, %get3A_296] {strides = array<i32>} : memref<400x128xf32, #tpu.memory_space<vmem>>, vector<1x16xf32>,
        %get3A_298 = vector.shape_cast %get3A_297 : vector<1x16xf32> to vector<16xf32>
        %get3A_299 = arith.index_cast %add3A_278 : i32 to index
        %get3A_300 = arith.constant 80 : index
        %get3A_301 = tpu.vector_load %arg4[%get3A_299, %get3A_300] {strides = array<i32>} : memref<400x128xf32, #tpu.memory_space<vmem>>, vector<1x16xf32>,
        %get3A_302 = vector.shape_cast %get3A_301 : vector<1x16xf32> to vector<16xf32>
        %get3A_303 = arith.index_cast %add3A_278 : i32 to index
        %get3A_304 = arith.constant 96 : index
        %get3A_305 = tpu.vector_load %arg4[%get3A_303, %get3A_304] {strides = array<i32>} : memref<400x128xf32, #tpu.memory_space<vmem>>, vector<1x16xf32>,
        %get3A_306 = vector.shape_cast %get3A_305 : vector<1x16xf32> to vector<16xf32>
        %get3A_307 = arith.index_cast %add3A_278 : i32 to index
        %get3A_308 = arith.constant 112 : index
        %get3A_309 = tpu.vector_load %arg4[%get3A_307, %get3A_308] {strides = array<i32>} : memref<400x128xf32, #tpu.memory_space<vmem>>, vector<1x16xf32>,
        %get3A_310 = vector.shape_cast %get3A_309 : vector<1x16xf32> to vector<16xf32>
        %add3A_311 = arith.addf %get3A_282, %get3A_286 : vector<16xf32>
        %add3A_312 = arith.addf %get3A_290, %get3A_294 : vector<16xf32>
        %add3A_313 = arith.addf %add3A_311, %add3A_312 : vector<16xf32>
        %add3A_314 = arith.addf %get3A_298, %get3A_302 : vector<16xf32>
        %add3A_315 = arith.addf %get3A_306, %get3A_310 : vector<16xf32>
        %add3A_316 = arith.addf %add3A_314, %add3A_315 : vector<16xf32>
        %add3A_317 = arith.addf %add3A_313, %add3A_316 : vector<16xf32>
        %xor3A_318 = arith.constant 8 : i32
        %xor3A_319 = vector.broadcast %xor3A_318 : i32 to vector<16xi32>
        %xor3A_320 = arith.xori %iota3A, %xor3A_319 : vector<16xi32>
        %broadcast_in_dim3A_321 = vector.shape_cast %xor3A_320 : vector<16xi32> to vector<16x1xi32>
        %gather3A_322 = vector.shape_cast %broadcast_in_dim3A_321 : vector<16x1xi32> to vector<16xi32>
        %gather3A_323 = tpu.dynamic_gather %add3A_317[%gather3A_322] in [0] : vector<16xf32>, vector<16xi32> -> vector<16xf32>
        %add3A_324 = arith.addf %add3A_317, %gather3A_323 : vector<16xf32>
        %xor3A_325 = arith.constant 4 : i32
        %xor3A_326 = vector.broadcast %xor3A_325 : i32 to vector<16xi32>
        %xor3A_327 = arith.xori %iota3A, %xor3A_326 : vector<16xi32>
        %broadcast_in_dim3A_328 = vector.shape_cast %xor3A_327 : vector<16xi32> to vector<16x1xi32>
        %gather3A_329 = vector.shape_cast %broadcast_in_dim3A_328 : vector<16x1xi32> to vector<16xi32>
        %gather3A_330 = tpu.dynamic_gather %add3A_324[%gather3A_329] in [0] : vector<16xf32>, vector<16xi32> -> vector<16xf32>
        %add3A_331 = arith.addf %add3A_324, %gather3A_330 : vector<16xf32>
        %xor3A_332 = arith.constant 2 : i32
        %xor3A_333 = vector.broadcast %xor3A_332 : i32 to vector<16xi32>
        %xor3A_334 = arith.xori %iota3A, %xor3A_333 : vector<16xi32>
        %broadcast_in_dim3A_335 = vector.shape_cast %xor3A_334 : vector<16xi32> to vector<16x1xi32>
        %gather3A_336 = vector.shape_cast %broadcast_in_dim3A_335 : vector<16x1xi32> to vector<16xi32>
        %gather3A_337 = tpu.dynamic_gather %add3A_331[%gather3A_336] in [0] : vector<16xf32>, vector<16xi32> -> vector<16xf32>
        %add3A_338 = arith.addf %add3A_331, %gather3A_337 : vector<16xf32>
        %xor3A_339 = arith.constant 1 : i32
        %xor3A_340 = vector.broadcast %xor3A_339 : i32 to vector<16xi32>
        %xor3A_341 = arith.xori %iota3A, %xor3A_340 : vector<16xi32>
        %broadcast_in_dim3A_342 = vector.shape_cast %xor3A_341 : vector<16xi32> to vector<16x1xi32>
        %gather3A_343 = vector.shape_cast %broadcast_in_dim3A_342 : vector<16x1xi32> to vector<16xi32>
        %gather3A_344 = tpu.dynamic_gather %add3A_338[%gather3A_343] in [0] : vector<16xf32>, vector<16xi32> -> vector<16xf32>
        %add3A_345 = arith.addf %add3A_338, %gather3A_344 : vector<16xf32>
        %eq3A_346 = arith.constant 2 : i32
        %eq3A_347 = vector.broadcast %eq3A_346 : i32 to vector<16xi32>
        %eq3A_348 = arith.cmpi eq, %iota3A, %eq3A_347 : vector<16xi32>
        %select_n3A_349 = arith.select %eq3A_348, %add3A_345, %select_n3A_276 : vector<16xi1>, vector<16xf32>
        %add3A_350 = arith.constant 3 : i32
        %add3A_351 = arith.addi %mul3A_134, %add3A_350 : i32
        %get3A_352 = arith.index_cast %add3A_351 : i32 to index
        %get3A_353 = arith.constant 0 : index
        %get3A_354 = tpu.vector_load %arg4[%get3A_352, %get3A_353] {strides = array<i32>} : memref<400x128xf32, #tpu.memory_space<vmem>>, vector<1x16xf32>,
        %get3A_355 = vector.shape_cast %get3A_354 : vector<1x16xf32> to vector<16xf32>
        %get3A_356 = arith.index_cast %add3A_351 : i32 to index
        %get3A_357 = arith.constant 16 : index
        %get3A_358 = tpu.vector_load %arg4[%get3A_356, %get3A_357] {strides = array<i32>} : memref<400x128xf32, #tpu.memory_space<vmem>>, vector<1x16xf32>,
        %get3A_359 = vector.shape_cast %get3A_358 : vector<1x16xf32> to vector<16xf32>
        %get3A_360 = arith.index_cast %add3A_351 : i32 to index
        %get3A_361 = arith.constant 32 : index
        %get3A_362 = tpu.vector_load %arg4[%get3A_360, %get3A_361] {strides = array<i32>} : memref<400x128xf32, #tpu.memory_space<vmem>>, vector<1x16xf32>,
        %get3A_363 = vector.shape_cast %get3A_362 : vector<1x16xf32> to vector<16xf32>
        %get3A_364 = arith.index_cast %add3A_351 : i32 to index
        %get3A_365 = arith.constant 48 : index
        %get3A_366 = tpu.vector_load %arg4[%get3A_364, %get3A_365] {strides = array<i32>} : memref<400x128xf32, #tpu.memory_space<vmem>>, vector<1x16xf32>,
        %get3A_367 = vector.shape_cast %get3A_366 : vector<1x16xf32> to vector<16xf32>
        %get3A_368 = arith.index_cast %add3A_351 : i32 to index
        %get3A_369 = arith.constant 64 : index
        %get3A_370 = tpu.vector_load %arg4[%get3A_368, %get3A_369] {strides = array<i32>} : memref<400x128xf32, #tpu.memory_space<vmem>>, vector<1x16xf32>,
        %get3A_371 = vector.shape_cast %get3A_370 : vector<1x16xf32> to vector<16xf32>
        %get3A_372 = arith.index_cast %add3A_351 : i32 to index
        %get3A_373 = arith.constant 80 : index
        %get3A_374 = tpu.vector_load %arg4[%get3A_372, %get3A_373] {strides = array<i32>} : memref<400x128xf32, #tpu.memory_space<vmem>>, vector<1x16xf32>,
        %get3A_375 = vector.shape_cast %get3A_374 : vector<1x16xf32> to vector<16xf32>
        %get3A_376 = arith.index_cast %add3A_351 : i32 to index
        %get3A_377 = arith.constant 96 : index
        %get3A_378 = tpu.vector_load %arg4[%get3A_376, %get3A_377] {strides = array<i32>} : memref<400x128xf32, #tpu.memory_space<vmem>>, vector<1x16xf32>,
        %get3A_379 = vector.shape_cast %get3A_378 : vector<1x16xf32> to vector<16xf32>
        %get3A_380 = arith.index_cast %add3A_351 : i32 to index
        %get3A_381 = arith.constant 112 : index
        %get3A_382 = tpu.vector_load %arg4[%get3A_380, %get3A_381] {strides = array<i32>} : memref<400x128xf32, #tpu.memory_space<vmem>>, vector<1x16xf32>,
        %get3A_383 = vector.shape_cast %get3A_382 : vector<1x16xf32> to vector<16xf32>
        %add3A_384 = arith.addf %get3A_355, %get3A_359 : vector<16xf32>
        %add3A_385 = arith.addf %get3A_363, %get3A_367 : vector<16xf32>
        %add3A_386 = arith.addf %add3A_384, %add3A_385 : vector<16xf32>
        %add3A_387 = arith.addf %get3A_371, %get3A_375 : vector<16xf32>
        %add3A_388 = arith.addf %get3A_379, %get3A_383 : vector<16xf32>
        %add3A_389 = arith.addf %add3A_387, %add3A_388 : vector<16xf32>
        %add3A_390 = arith.addf %add3A_386, %add3A_389 : vector<16xf32>
        %xor3A_391 = arith.constant 8 : i32
        %xor3A_392 = vector.broadcast %xor3A_391 : i32 to vector<16xi32>
        %xor3A_393 = arith.xori %iota3A, %xor3A_392 : vector<16xi32>
        %broadcast_in_dim3A_394 = vector.shape_cast %xor3A_393 : vector<16xi32> to vector<16x1xi32>
        %gather3A_395 = vector.shape_cast %broadcast_in_dim3A_394 : vector<16x1xi32> to vector<16xi32>
        %gather3A_396 = tpu.dynamic_gather %add3A_390[%gather3A_395] in [0] : vector<16xf32>, vector<16xi32> -> vector<16xf32>
        %add3A_397 = arith.addf %add3A_390, %gather3A_396 : vector<16xf32>
        %xor3A_398 = arith.constant 4 : i32
        %xor3A_399 = vector.broadcast %xor3A_398 : i32 to vector<16xi32>
        %xor3A_400 = arith.xori %iota3A, %xor3A_399 : vector<16xi32>
        %broadcast_in_dim3A_401 = vector.shape_cast %xor3A_400 : vector<16xi32> to vector<16x1xi32>
        %gather3A_402 = vector.shape_cast %broadcast_in_dim3A_401 : vector<16x1xi32> to vector<16xi32>
        %gather3A_403 = tpu.dynamic_gather %add3A_397[%gather3A_402] in [0] : vector<16xf32>, vector<16xi32> -> vector<16xf32>
        %add3A_404 = arith.addf %add3A_397, %gather3A_403 : vector<16xf32>
        %xor3A_405 = arith.constant 2 : i32
        %xor3A_406 = vector.broadcast %xor3A_405 : i32 to vector<16xi32>
        %xor3A_407 = arith.xori %iota3A, %xor3A_406 : vector<16xi32>
        %broadcast_in_dim3A_408 = vector.shape_cast %xor3A_407 : vector<16xi32> to vector<16x1xi32>
        %gather3A_409 = vector.shape_cast %broadcast_in_dim3A_408 : vector<16x1xi32> to vector<16xi32>
        %gather3A_410 = tpu.dynamic_gather %add3A_404[%gather3A_409] in [0] : vector<16xf32>, vector<16xi32> -> vector<16xf32>
        %add3A_411 = arith.addf %add3A_404, %gather3A_410 : vector<16xf32>
        %xor3A_412 = arith.constant 1 : i32
        %xor3A_413 = vector.broadcast %xor3A_412 : i32 to vector<16xi32>
        %xor3A_414 = arith.xori %iota3A, %xor3A_413 : vector<16xi32>
        %broadcast_in_dim3A_415 = vector.shape_cast %xor3A_414 : vector<16xi32> to vector<16x1xi32>
        %gather3A_416 = vector.shape_cast %broadcast_in_dim3A_415 : vector<16x1xi32> to vector<16xi32>
        %gather3A_417 = tpu.dynamic_gather %add3A_411[%gather3A_416] in [0] : vector<16xf32>, vector<16xi32> -> vector<16xf32>
        %add3A_418 = arith.addf %add3A_411, %gather3A_417 : vector<16xf32>
        %eq3A_419 = arith.constant 3 : i32
        %eq3A_420 = vector.broadcast %eq3A_419 : i32 to vector<16xi32>
        %eq3A_421 = arith.cmpi eq, %iota3A, %eq3A_420 : vector<16xi32>
        %select_n3A_422 = arith.select %eq3A_421, %add3A_418, %select_n3A_349 : vector<16xi1>, vector<16xf32>
        %add3A_423 = arith.constant 4 : i32
        %add3A_424 = arith.addi %mul3A_134, %add3A_423 : i32
        %get3A_425 = arith.index_cast %add3A_424 : i32 to index
        %get3A_426 = arith.constant 0 : index
        %get3A_427 = tpu.vector_load %arg4[%get3A_425, %get3A_426] {strides = array<i32>} : memref<400x128xf32, #tpu.memory_space<vmem>>, vector<1x16xf32>,
        %get3A_428 = vector.shape_cast %get3A_427 : vector<1x16xf32> to vector<16xf32>
        %get3A_429 = arith.index_cast %add3A_424 : i32 to index
        %get3A_430 = arith.constant 16 : index
        %get3A_431 = tpu.vector_load %arg4[%get3A_429, %get3A_430] {strides = array<i32>} : memref<400x128xf32, #tpu.memory_space<vmem>>, vector<1x16xf32>,
        %get3A_432 = vector.shape_cast %get3A_431 : vector<1x16xf32> to vector<16xf32>
        %get3A_433 = arith.index_cast %add3A_424 : i32 to index
        %get3A_434 = arith.constant 32 : index
        %get3A_435 = tpu.vector_load %arg4[%get3A_433, %get3A_434] {strides = array<i32>} : memref<400x128xf32, #tpu.memory_space<vmem>>, vector<1x16xf32>,
        %get3A_436 = vector.shape_cast %get3A_435 : vector<1x16xf32> to vector<16xf32>
        %get3A_437 = arith.index_cast %add3A_424 : i32 to index
        %get3A_438 = arith.constant 48 : index
        %get3A_439 = tpu.vector_load %arg4[%get3A_437, %get3A_438] {strides = array<i32>} : memref<400x128xf32, #tpu.memory_space<vmem>>, vector<1x16xf32>,
        %get3A_440 = vector.shape_cast %get3A_439 : vector<1x16xf32> to vector<16xf32>
        %get3A_441 = arith.index_cast %add3A_424 : i32 to index
        %get3A_442 = arith.constant 64 : index
        %get3A_443 = tpu.vector_load %arg4[%get3A_441, %get3A_442] {strides = array<i32>} : memref<400x128xf32, #tpu.memory_space<vmem>>, vector<1x16xf32>,
        %get3A_444 = vector.shape_cast %get3A_443 : vector<1x16xf32> to vector<16xf32>
        %get3A_445 = arith.index_cast %add3A_424 : i32 to index
        %get3A_446 = arith.constant 80 : index
        %get3A_447 = tpu.vector_load %arg4[%get3A_445, %get3A_446] {strides = array<i32>} : memref<400x128xf32, #tpu.memory_space<vmem>>, vector<1x16xf32>,
        %get3A_448 = vector.shape_cast %get3A_447 : vector<1x16xf32> to vector<16xf32>
        %get3A_449 = arith.index_cast %add3A_424 : i32 to index
        %get3A_450 = arith.constant 96 : index
        %get3A_451 = tpu.vector_load %arg4[%get3A_449, %get3A_450] {strides = array<i32>} : memref<400x128xf32, #tpu.memory_space<vmem>>, vector<1x16xf32>,
        %get3A_452 = vector.shape_cast %get3A_451 : vector<1x16xf32> to vector<16xf32>
        %get3A_453 = arith.index_cast %add3A_424 : i32 to index
        %get3A_454 = arith.constant 112 : index
        %get3A_455 = tpu.vector_load %arg4[%get3A_453, %get3A_454] {strides = array<i32>} : memref<400x128xf32, #tpu.memory_space<vmem>>, vector<1x16xf32>,
        %get3A_456 = vector.shape_cast %get3A_455 : vector<1x16xf32> to vector<16xf32>
        %add3A_457 = arith.addf %get3A_428, %get3A_432 : vector<16xf32>
        %add3A_458 = arith.addf %get3A_436, %get3A_440 : vector<16xf32>
        %add3A_459 = arith.addf %add3A_457, %add3A_458 : vector<16xf32>
        %add3A_460 = arith.addf %get3A_444, %get3A_448 : vector<16xf32>
        %add3A_461 = arith.addf %get3A_452, %get3A_456 : vector<16xf32>
        %add3A_462 = arith.addf %add3A_460, %add3A_461 : vector<16xf32>
        %add3A_463 = arith.addf %add3A_459, %add3A_462 : vector<16xf32>
        %xor3A_464 = arith.constant 8 : i32
        %xor3A_465 = vector.broadcast %xor3A_464 : i32 to vector<16xi32>
        %xor3A_466 = arith.xori %iota3A, %xor3A_465 : vector<16xi32>
        %broadcast_in_dim3A_467 = vector.shape_cast %xor3A_466 : vector<16xi32> to vector<16x1xi32>
        %gather3A_468 = vector.shape_cast %broadcast_in_dim3A_467 : vector<16x1xi32> to vector<16xi32>
        %gather3A_469 = tpu.dynamic_gather %add3A_463[%gather3A_468] in [0] : vector<16xf32>, vector<16xi32> -> vector<16xf32>
        %add3A_470 = arith.addf %add3A_463, %gather3A_469 : vector<16xf32>
        %xor3A_471 = arith.constant 4 : i32
        %xor3A_472 = vector.broadcast %xor3A_471 : i32 to vector<16xi32>
        %xor3A_473 = arith.xori %iota3A, %xor3A_472 : vector<16xi32>
        %broadcast_in_dim3A_474 = vector.shape_cast %xor3A_473 : vector<16xi32> to vector<16x1xi32>
        %gather3A_475 = vector.shape_cast %broadcast_in_dim3A_474 : vector<16x1xi32> to vector<16xi32>
        %gather3A_476 = tpu.dynamic_gather %add3A_470[%gather3A_475] in [0] : vector<16xf32>, vector<16xi32> -> vector<16xf32>
        %add3A_477 = arith.addf %add3A_470, %gather3A_476 : vector<16xf32>
        %xor3A_478 = arith.constant 2 : i32
        %xor3A_479 = vector.broadcast %xor3A_478 : i32 to vector<16xi32>
        %xor3A_480 = arith.xori %iota3A, %xor3A_479 : vector<16xi32>
        %broadcast_in_dim3A_481 = vector.shape_cast %xor3A_480 : vector<16xi32> to vector<16x1xi32>
        %gather3A_482 = vector.shape_cast %broadcast_in_dim3A_481 : vector<16x1xi32> to vector<16xi32>
        %gather3A_483 = tpu.dynamic_gather %add3A_477[%gather3A_482] in [0] : vector<16xf32>, vector<16xi32> -> vector<16xf32>
        %add3A_484 = arith.addf %add3A_477, %gather3A_483 : vector<16xf32>
        %xor3A_485 = arith.constant 1 : i32
        %xor3A_486 = vector.broadcast %xor3A_485 : i32 to vector<16xi32>
        %xor3A_487 = arith.xori %iota3A, %xor3A_486 : vector<16xi32>
        %broadcast_in_dim3A_488 = vector.shape_cast %xor3A_487 : vector<16xi32> to vector<16x1xi32>
        %gather3A_489 = vector.shape_cast %broadcast_in_dim3A_488 : vector<16x1xi32> to vector<16xi32>
        %gather3A_490 = tpu.dynamic_gather %add3A_484[%gather3A_489] in [0] : vector<16xf32>, vector<16xi32> -> vector<16xf32>
        %add3A_491 = arith.addf %add3A_484, %gather3A_490 : vector<16xf32>
        %eq3A_492 = arith.constant 4 : i32
        %eq3A_493 = vector.broadcast %eq3A_492 : i32 to vector<16xi32>
        %eq3A_494 = arith.cmpi eq, %iota3A, %eq3A_493 : vector<16xi32>
        %select_n3A_495 = arith.select %eq3A_494, %add3A_491, %select_n3A_422 : vector<16xi1>, vector<16xf32>
        %add3A_496 = arith.constant 5 : i32
        %add3A_497 = arith.addi %mul3A_134, %add3A_496 : i32
        %get3A_498 = arith.index_cast %add3A_497 : i32 to index
        %get3A_499 = arith.constant 0 : index
        %get3A_500 = tpu.vector_load %arg4[%get3A_498, %get3A_499] {strides = array<i32>} : memref<400x128xf32, #tpu.memory_space<vmem>>, vector<1x16xf32>,
        %get3A_501 = vector.shape_cast %get3A_500 : vector<1x16xf32> to vector<16xf32>
        %get3A_502 = arith.index_cast %add3A_497 : i32 to index
        %get3A_503 = arith.constant 16 : index
        %get3A_504 = tpu.vector_load %arg4[%get3A_502, %get3A_503] {strides = array<i32>} : memref<400x128xf32, #tpu.memory_space<vmem>>, vector<1x16xf32>,
        %get3A_505 = vector.shape_cast %get3A_504 : vector<1x16xf32> to vector<16xf32>
        %get3A_506 = arith.index_cast %add3A_497 : i32 to index
        %get3A_507 = arith.constant 32 : index
        %get3A_508 = tpu.vector_load %arg4[%get3A_506, %get3A_507] {strides = array<i32>} : memref<400x128xf32, #tpu.memory_space<vmem>>, vector<1x16xf32>,
        %get3A_509 = vector.shape_cast %get3A_508 : vector<1x16xf32> to vector<16xf32>
        %get3A_510 = arith.index_cast %add3A_497 : i32 to index
        %get3A_511 = arith.constant 48 : index
        %get3A_512 = tpu.vector_load %arg4[%get3A_510, %get3A_511] {strides = array<i32>} : memref<400x128xf32, #tpu.memory_space<vmem>>, vector<1x16xf32>,
        %get3A_513 = vector.shape_cast %get3A_512 : vector<1x16xf32> to vector<16xf32>
        %get3A_514 = arith.index_cast %add3A_497 : i32 to index
        %get3A_515 = arith.constant 64 : index
        %get3A_516 = tpu.vector_load %arg4[%get3A_514, %get3A_515] {strides = array<i32>} : memref<400x128xf32, #tpu.memory_space<vmem>>, vector<1x16xf32>,
        %get3A_517 = vector.shape_cast %get3A_516 : vector<1x16xf32> to vector<16xf32>
        %get3A_518 = arith.index_cast %add3A_497 : i32 to index
        %get3A_519 = arith.constant 80 : index
        %get3A_520 = tpu.vector_load %arg4[%get3A_518, %get3A_519] {strides = array<i32>} : memref<400x128xf32, #tpu.memory_space<vmem>>, vector<1x16xf32>,
        %get3A_521 = vector.shape_cast %get3A_520 : vector<1x16xf32> to vector<16xf32>
        %get3A_522 = arith.index_cast %add3A_497 : i32 to index
        %get3A_523 = arith.constant 96 : index
        %get3A_524 = tpu.vector_load %arg4[%get3A_522, %get3A_523] {strides = array<i32>} : memref<400x128xf32, #tpu.memory_space<vmem>>, vector<1x16xf32>,
        %get3A_525 = vector.shape_cast %get3A_524 : vector<1x16xf32> to vector<16xf32>
        %get3A_526 = arith.index_cast %add3A_497 : i32 to index
        %get3A_527 = arith.constant 112 : index
        %get3A_528 = tpu.vector_load %arg4[%get3A_526, %get3A_527] {strides = array<i32>} : memref<400x128xf32, #tpu.memory_space<vmem>>, vector<1x16xf32>,
        %get3A_529 = vector.shape_cast %get3A_528 : vector<1x16xf32> to vector<16xf32>
        %add3A_530 = arith.addf %get3A_501, %get3A_505 : vector<16xf32>
        %add3A_531 = arith.addf %get3A_509, %get3A_513 : vector<16xf32>
        %add3A_532 = arith.addf %add3A_530, %add3A_531 : vector<16xf32>
        %add3A_533 = arith.addf %get3A_517, %get3A_521 : vector<16xf32>
        %add3A_534 = arith.addf %get3A_525, %get3A_529 : vector<16xf32>
        %add3A_535 = arith.addf %add3A_533, %add3A_534 : vector<16xf32>
        %add3A_536 = arith.addf %add3A_532, %add3A_535 : vector<16xf32>
        %xor3A_537 = arith.constant 8 : i32
        %xor3A_538 = vector.broadcast %xor3A_537 : i32 to vector<16xi32>
        %xor3A_539 = arith.xori %iota3A, %xor3A_538 : vector<16xi32>
        %broadcast_in_dim3A_540 = vector.shape_cast %xor3A_539 : vector<16xi32> to vector<16x1xi32>
        %gather3A_541 = vector.shape_cast %broadcast_in_dim3A_540 : vector<16x1xi32> to vector<16xi32>
        %gather3A_542 = tpu.dynamic_gather %add3A_536[%gather3A_541] in [0] : vector<16xf32>, vector<16xi32> -> vector<16xf32>
        %add3A_543 = arith.addf %add3A_536, %gather3A_542 : vector<16xf32>
        %xor3A_544 = arith.constant 4 : i32
        %xor3A_545 = vector.broadcast %xor3A_544 : i32 to vector<16xi32>
        %xor3A_546 = arith.xori %iota3A, %xor3A_545 : vector<16xi32>
        %broadcast_in_dim3A_547 = vector.shape_cast %xor3A_546 : vector<16xi32> to vector<16x1xi32>
        %gather3A_548 = vector.shape_cast %broadcast_in_dim3A_547 : vector<16x1xi32> to vector<16xi32>
        %gather3A_549 = tpu.dynamic_gather %add3A_543[%gather3A_548] in [0] : vector<16xf32>, vector<16xi32> -> vector<16xf32>
        %add3A_550 = arith.addf %add3A_543, %gather3A_549 : vector<16xf32>
        %xor3A_551 = arith.constant 2 : i32
        %xor3A_552 = vector.broadcast %xor3A_551 : i32 to vector<16xi32>
        %xor3A_553 = arith.xori %iota3A, %xor3A_552 : vector<16xi32>
        %broadcast_in_dim3A_554 = vector.shape_cast %xor3A_553 : vector<16xi32> to vector<16x1xi32>
        %gather3A_555 = vector.shape_cast %broadcast_in_dim3A_554 : vector<16x1xi32> to vector<16xi32>
        %gather3A_556 = tpu.dynamic_gather %add3A_550[%gather3A_555] in [0] : vector<16xf32>, vector<16xi32> -> vector<16xf32>
        %add3A_557 = arith.addf %add3A_550, %gather3A_556 : vector<16xf32>
        %xor3A_558 = arith.constant 1 : i32
        %xor3A_559 = vector.broadcast %xor3A_558 : i32 to vector<16xi32>
        %xor3A_560 = arith.xori %iota3A, %xor3A_559 : vector<16xi32>
        %broadcast_in_dim3A_561 = vector.shape_cast %xor3A_560 : vector<16xi32> to vector<16x1xi32>
        %gather3A_562 = vector.shape_cast %broadcast_in_dim3A_561 : vector<16x1xi32> to vector<16xi32>
        %gather3A_563 = tpu.dynamic_gather %add3A_557[%gather3A_562] in [0] : vector<16xf32>, vector<16xi32> -> vector<16xf32>
        %add3A_564 = arith.addf %add3A_557, %gather3A_563 : vector<16xf32>
        %eq3A_565 = arith.constant 5 : i32
        %eq3A_566 = vector.broadcast %eq3A_565 : i32 to vector<16xi32>
        %eq3A_567 = arith.cmpi eq, %iota3A, %eq3A_566 : vector<16xi32>
        %select_n3A_568 = arith.select %eq3A_567, %add3A_564, %select_n3A_495 : vector<16xi1>, vector<16xf32>
        %add3A_569 = arith.constant 6 : i32
        %add3A_570 = arith.addi %mul3A_134, %add3A_569 : i32
        %get3A_571 = arith.index_cast %add3A_570 : i32 to index
        %get3A_572 = arith.constant 0 : index
        %get3A_573 = tpu.vector_load %arg4[%get3A_571, %get3A_572] {strides = array<i32>} : memref<400x128xf32, #tpu.memory_space<vmem>>, vector<1x16xf32>,
        %get3A_574 = vector.shape_cast %get3A_573 : vector<1x16xf32> to vector<16xf32>
        %get3A_575 = arith.index_cast %add3A_570 : i32 to index
        %get3A_576 = arith.constant 16 : index
        %get3A_577 = tpu.vector_load %arg4[%get3A_575, %get3A_576] {strides = array<i32>} : memref<400x128xf32, #tpu.memory_space<vmem>>, vector<1x16xf32>,
        %get3A_578 = vector.shape_cast %get3A_577 : vector<1x16xf32> to vector<16xf32>
        %get3A_579 = arith.index_cast %add3A_570 : i32 to index
        %get3A_580 = arith.constant 32 : index
        %get3A_581 = tpu.vector_load %arg4[%get3A_579, %get3A_580] {strides = array<i32>} : memref<400x128xf32, #tpu.memory_space<vmem>>, vector<1x16xf32>,
        %get3A_582 = vector.shape_cast %get3A_581 : vector<1x16xf32> to vector<16xf32>
        %get3A_583 = arith.index_cast %add3A_570 : i32 to index
        %get3A_584 = arith.constant 48 : index
        %get3A_585 = tpu.vector_load %arg4[%get3A_583, %get3A_584] {strides = array<i32>} : memref<400x128xf32, #tpu.memory_space<vmem>>, vector<1x16xf32>,
        %get3A_586 = vector.shape_cast %get3A_585 : vector<1x16xf32> to vector<16xf32>
        %get3A_587 = arith.index_cast %add3A_570 : i32 to index
        %get3A_588 = arith.constant 64 : index
        %get3A_589 = tpu.vector_load %arg4[%get3A_587, %get3A_588] {strides = array<i32>} : memref<400x128xf32, #tpu.memory_space<vmem>>, vector<1x16xf32>,
        %get3A_590 = vector.shape_cast %get3A_589 : vector<1x16xf32> to vector<16xf32>
        %get3A_591 = arith.index_cast %add3A_570 : i32 to index
        %get3A_592 = arith.constant 80 : index
        %get3A_593 = tpu.vector_load %arg4[%get3A_591, %get3A_592] {strides = array<i32>} : memref<400x128xf32, #tpu.memory_space<vmem>>, vector<1x16xf32>,
        %get3A_594 = vector.shape_cast %get3A_593 : vector<1x16xf32> to vector<16xf32>
        %get3A_595 = arith.index_cast %add3A_570 : i32 to index
        %get3A_596 = arith.constant 96 : index
        %get3A_597 = tpu.vector_load %arg4[%get3A_595, %get3A_596] {strides = array<i32>} : memref<400x128xf32, #tpu.memory_space<vmem>>, vector<1x16xf32>,
        %get3A_598 = vector.shape_cast %get3A_597 : vector<1x16xf32> to vector<16xf32>
        %get3A_599 = arith.index_cast %add3A_570 : i32 to index
        %get3A_600 = arith.constant 112 : index
        %get3A_601 = tpu.vector_load %arg4[%get3A_599, %get3A_600] {strides = array<i32>} : memref<400x128xf32, #tpu.memory_space<vmem>>, vector<1x16xf32>,
        %get3A_602 = vector.shape_cast %get3A_601 : vector<1x16xf32> to vector<16xf32>
        %add3A_603 = arith.addf %get3A_574, %get3A_578 : vector<16xf32>
        %add3A_604 = arith.addf %get3A_582, %get3A_586 : vector<16xf32>
        %add3A_605 = arith.addf %add3A_603, %add3A_604 : vector<16xf32>
        %add3A_606 = arith.addf %get3A_590, %get3A_594 : vector<16xf32>
        %add3A_607 = arith.addf %get3A_598, %get3A_602 : vector<16xf32>
        %add3A_608 = arith.addf %add3A_606, %add3A_607 : vector<16xf32>
        %add3A_609 = arith.addf %add3A_605, %add3A_608 : vector<16xf32>
        %xor3A_610 = arith.constant 8 : i32
        %xor3A_611 = vector.broadcast %xor3A_610 : i32 to vector<16xi32>
        %xor3A_612 = arith.xori %iota3A, %xor3A_611 : vector<16xi32>
        %broadcast_in_dim3A_613 = vector.shape_cast %xor3A_612 : vector<16xi32> to vector<16x1xi32>
        %gather3A_614 = vector.shape_cast %broadcast_in_dim3A_613 : vector<16x1xi32> to vector<16xi32>
        %gather3A_615 = tpu.dynamic_gather %add3A_609[%gather3A_614] in [0] : vector<16xf32>, vector<16xi32> -> vector<16xf32>
        %add3A_616 = arith.addf %add3A_609, %gather3A_615 : vector<16xf32>
        %xor3A_617 = arith.constant 4 : i32
        %xor3A_618 = vector.broadcast %xor3A_617 : i32 to vector<16xi32>
        %xor3A_619 = arith.xori %iota3A, %xor3A_618 : vector<16xi32>
        %broadcast_in_dim3A_620 = vector.shape_cast %xor3A_619 : vector<16xi32> to vector<16x1xi32>
        %gather3A_621 = vector.shape_cast %broadcast_in_dim3A_620 : vector<16x1xi32> to vector<16xi32>
        %gather3A_622 = tpu.dynamic_gather %add3A_616[%gather3A_621] in [0] : vector<16xf32>, vector<16xi32> -> vector<16xf32>
        %add3A_623 = arith.addf %add3A_616, %gather3A_622 : vector<16xf32>
        %xor3A_624 = arith.constant 2 : i32
        %xor3A_625 = vector.broadcast %xor3A_624 : i32 to vector<16xi32>
        %xor3A_626 = arith.xori %iota3A, %xor3A_625 : vector<16xi32>
        %broadcast_in_dim3A_627 = vector.shape_cast %xor3A_626 : vector<16xi32> to vector<16x1xi32>
        %gather3A_628 = vector.shape_cast %broadcast_in_dim3A_627 : vector<16x1xi32> to vector<16xi32>
        %gather3A_629 = tpu.dynamic_gather %add3A_623[%gather3A_628] in [0] : vector<16xf32>, vector<16xi32> -> vector<16xf32>
        %add3A_630 = arith.addf %add3A_623, %gather3A_629 : vector<16xf32>
        %xor3A_631 = arith.constant 1 : i32
        %xor3A_632 = vector.broadcast %xor3A_631 : i32 to vector<16xi32>
        %xor3A_633 = arith.xori %iota3A, %xor3A_632 : vector<16xi32>
        %broadcast_in_dim3A_634 = vector.shape_cast %xor3A_633 : vector<16xi32> to vector<16x1xi32>
        %gather3A_635 = vector.shape_cast %broadcast_in_dim3A_634 : vector<16x1xi32> to vector<16xi32>
        %gather3A_636 = tpu.dynamic_gather %add3A_630[%gather3A_635] in [0] : vector<16xf32>, vector<16xi32> -> vector<16xf32>
        %add3A_637 = arith.addf %add3A_630, %gather3A_636 : vector<16xf32>
        %eq3A_638 = arith.constant 6 : i32
        %eq3A_639 = vector.broadcast %eq3A_638 : i32 to vector<16xi32>
        %eq3A_640 = arith.cmpi eq, %iota3A, %eq3A_639 : vector<16xi32>
        %select_n3A_641 = arith.select %eq3A_640, %add3A_637, %select_n3A_568 : vector<16xi1>, vector<16xf32>
        %add3A_642 = arith.constant 7 : i32
        %add3A_643 = arith.addi %mul3A_134, %add3A_642 : i32
        %get3A_644 = arith.index_cast %add3A_643 : i32 to index
        %get3A_645 = arith.constant 0 : index
        %get3A_646 = tpu.vector_load %arg4[%get3A_644, %get3A_645] {strides = array<i32>} : memref<400x128xf32, #tpu.memory_space<vmem>>, vector<1x16xf32>,
        %get3A_647 = vector.shape_cast %get3A_646 : vector<1x16xf32> to vector<16xf32>
        %get3A_648 = arith.index_cast %add3A_643 : i32 to index
        %get3A_649 = arith.constant 16 : index
        %get3A_650 = tpu.vector_load %arg4[%get3A_648, %get3A_649] {strides = array<i32>} : memref<400x128xf32, #tpu.memory_space<vmem>>, vector<1x16xf32>,
        %get3A_651 = vector.shape_cast %get3A_650 : vector<1x16xf32> to vector<16xf32>
        %get3A_652 = arith.index_cast %add3A_643 : i32 to index
        %get3A_653 = arith.constant 32 : index
        %get3A_654 = tpu.vector_load %arg4[%get3A_652, %get3A_653] {strides = array<i32>} : memref<400x128xf32, #tpu.memory_space<vmem>>, vector<1x16xf32>,
        %get3A_655 = vector.shape_cast %get3A_654 : vector<1x16xf32> to vector<16xf32>
        %get3A_656 = arith.index_cast %add3A_643 : i32 to index
        %get3A_657 = arith.constant 48 : index
        %get3A_658 = tpu.vector_load %arg4[%get3A_656, %get3A_657] {strides = array<i32>} : memref<400x128xf32, #tpu.memory_space<vmem>>, vector<1x16xf32>,
        %get3A_659 = vector.shape_cast %get3A_658 : vector<1x16xf32> to vector<16xf32>
        %get3A_660 = arith.index_cast %add3A_643 : i32 to index
        %get3A_661 = arith.constant 64 : index
        %get3A_662 = tpu.vector_load %arg4[%get3A_660, %get3A_661] {strides = array<i32>} : memref<400x128xf32, #tpu.memory_space<vmem>>, vector<1x16xf32>,
        %get3A_663 = vector.shape_cast %get3A_662 : vector<1x16xf32> to vector<16xf32>
        %get3A_664 = arith.index_cast %add3A_643 : i32 to index
        %get3A_665 = arith.constant 80 : index
        %get3A_666 = tpu.vector_load %arg4[%get3A_664, %get3A_665] {strides = array<i32>} : memref<400x128xf32, #tpu.memory_space<vmem>>, vector<1x16xf32>,
        %get3A_667 = vector.shape_cast %get3A_666 : vector<1x16xf32> to vector<16xf32>
        %get3A_668 = arith.index_cast %add3A_643 : i32 to index
        %get3A_669 = arith.constant 96 : index
        %get3A_670 = tpu.vector_load %arg4[%get3A_668, %get3A_669] {strides = array<i32>} : memref<400x128xf32, #tpu.memory_space<vmem>>, vector<1x16xf32>,
        %get3A_671 = vector.shape_cast %get3A_670 : vector<1x16xf32> to vector<16xf32>
        %get3A_672 = arith.index_cast %add3A_643 : i32 to index
        %get3A_673 = arith.constant 112 : index
        %get3A_674 = tpu.vector_load %arg4[%get3A_672, %get3A_673] {strides = array<i32>} : memref<400x128xf32, #tpu.memory_space<vmem>>, vector<1x16xf32>,
        %get3A_675 = vector.shape_cast %get3A_674 : vector<1x16xf32> to vector<16xf32>
        %add3A_676 = arith.addf %get3A_647, %get3A_651 : vector<16xf32>
        %add3A_677 = arith.addf %get3A_655, %get3A_659 : vector<16xf32>
        %add3A_678 = arith.addf %add3A_676, %add3A_677 : vector<16xf32>
        %add3A_679 = arith.addf %get3A_663, %get3A_667 : vector<16xf32>
        %add3A_680 = arith.addf %get3A_671, %get3A_675 : vector<16xf32>
        %add3A_681 = arith.addf %add3A_679, %add3A_680 : vector<16xf32>
        %add3A_682 = arith.addf %add3A_678, %add3A_681 : vector<16xf32>
        %xor3A_683 = arith.constant 8 : i32
        %xor3A_684 = vector.broadcast %xor3A_683 : i32 to vector<16xi32>
        %xor3A_685 = arith.xori %iota3A, %xor3A_684 : vector<16xi32>
        %broadcast_in_dim3A_686 = vector.shape_cast %xor3A_685 : vector<16xi32> to vector<16x1xi32>
        %gather3A_687 = vector.shape_cast %broadcast_in_dim3A_686 : vector<16x1xi32> to vector<16xi32>
        %gather3A_688 = tpu.dynamic_gather %add3A_682[%gather3A_687] in [0] : vector<16xf32>, vector<16xi32> -> vector<16xf32>
        %add3A_689 = arith.addf %add3A_682, %gather3A_688 : vector<16xf32>
        %xor3A_690 = arith.constant 4 : i32
        %xor3A_691 = vector.broadcast %xor3A_690 : i32 to vector<16xi32>
        %xor3A_692 = arith.xori %iota3A, %xor3A_691 : vector<16xi32>
        %broadcast_in_dim3A_693 = vector.shape_cast %xor3A_692 : vector<16xi32> to vector<16x1xi32>
        %gather3A_694 = vector.shape_cast %broadcast_in_dim3A_693 : vector<16x1xi32> to vector<16xi32>
        %gather3A_695 = tpu.dynamic_gather %add3A_689[%gather3A_694] in [0] : vector<16xf32>, vector<16xi32> -> vector<16xf32>
        %add3A_696 = arith.addf %add3A_689, %gather3A_695 : vector<16xf32>
        %xor3A_697 = arith.constant 2 : i32
        %xor3A_698 = vector.broadcast %xor3A_697 : i32 to vector<16xi32>
        %xor3A_699 = arith.xori %iota3A, %xor3A_698 : vector<16xi32>
        %broadcast_in_dim3A_700 = vector.shape_cast %xor3A_699 : vector<16xi32> to vector<16x1xi32>
        %gather3A_701 = vector.shape_cast %broadcast_in_dim3A_700 : vector<16x1xi32> to vector<16xi32>
        %gather3A_702 = tpu.dynamic_gather %add3A_696[%gather3A_701] in [0] : vector<16xf32>, vector<16xi32> -> vector<16xf32>
        %add3A_703 = arith.addf %add3A_696, %gather3A_702 : vector<16xf32>
        %xor3A_704 = arith.constant 1 : i32
        %xor3A_705 = vector.broadcast %xor3A_704 : i32 to vector<16xi32>
        %xor3A_706 = arith.xori %iota3A, %xor3A_705 : vector<16xi32>
        %broadcast_in_dim3A_707 = vector.shape_cast %xor3A_706 : vector<16xi32> to vector<16x1xi32>
        %gather3A_708 = vector.shape_cast %broadcast_in_dim3A_707 : vector<16x1xi32> to vector<16xi32>
        %gather3A_709 = tpu.dynamic_gather %add3A_703[%gather3A_708] in [0] : vector<16xf32>, vector<16xi32> -> vector<16xf32>
        %add3A_710 = arith.addf %add3A_703, %gather3A_709 : vector<16xf32>
        %eq3A_711 = arith.constant 7 : i32
        %eq3A_712 = vector.broadcast %eq3A_711 : i32 to vector<16xi32>
        %eq3A_713 = arith.cmpi eq, %iota3A, %eq3A_712 : vector<16xi32>
        %select_n3A_714 = arith.select %eq3A_713, %add3A_710, %select_n3A_641 : vector<16xi1>, vector<16xf32>
        %add3A_715 = arith.constant 8 : i32
        %add3A_716 = arith.addi %mul3A_134, %add3A_715 : i32
        %get3A_717 = arith.index_cast %add3A_716 : i32 to index
        %get3A_718 = arith.constant 0 : index
        %get3A_719 = tpu.vector_load %arg4[%get3A_717, %get3A_718] {strides = array<i32>} : memref<400x128xf32, #tpu.memory_space<vmem>>, vector<1x16xf32>,
        %get3A_720 = vector.shape_cast %get3A_719 : vector<1x16xf32> to vector<16xf32>
        %get3A_721 = arith.index_cast %add3A_716 : i32 to index
        %get3A_722 = arith.constant 16 : index
        %get3A_723 = tpu.vector_load %arg4[%get3A_721, %get3A_722] {strides = array<i32>} : memref<400x128xf32, #tpu.memory_space<vmem>>, vector<1x16xf32>,
        %get3A_724 = vector.shape_cast %get3A_723 : vector<1x16xf32> to vector<16xf32>
        %get3A_725 = arith.index_cast %add3A_716 : i32 to index
        %get3A_726 = arith.constant 32 : index
        %get3A_727 = tpu.vector_load %arg4[%get3A_725, %get3A_726] {strides = array<i32>} : memref<400x128xf32, #tpu.memory_space<vmem>>, vector<1x16xf32>,
        %get3A_728 = vector.shape_cast %get3A_727 : vector<1x16xf32> to vector<16xf32>
        %get3A_729 = arith.index_cast %add3A_716 : i32 to index
        %get3A_730 = arith.constant 48 : index
        %get3A_731 = tpu.vector_load %arg4[%get3A_729, %get3A_730] {strides = array<i32>} : memref<400x128xf32, #tpu.memory_space<vmem>>, vector<1x16xf32>,
        %get3A_732 = vector.shape_cast %get3A_731 : vector<1x16xf32> to vector<16xf32>
        %get3A_733 = arith.index_cast %add3A_716 : i32 to index
        %get3A_734 = arith.constant 64 : index
        %get3A_735 = tpu.vector_load %arg4[%get3A_733, %get3A_734] {strides = array<i32>} : memref<400x128xf32, #tpu.memory_space<vmem>>, vector<1x16xf32>,
        %get3A_736 = vector.shape_cast %get3A_735 : vector<1x16xf32> to vector<16xf32>
        %get3A_737 = arith.index_cast %add3A_716 : i32 to index
        %get3A_738 = arith.constant 80 : index
        %get3A_739 = tpu.vector_load %arg4[%get3A_737, %get3A_738] {strides = array<i32>} : memref<400x128xf32, #tpu.memory_space<vmem>>, vector<1x16xf32>,
        %get3A_740 = vector.shape_cast %get3A_739 : vector<1x16xf32> to vector<16xf32>
        %get3A_741 = arith.index_cast %add3A_716 : i32 to index
        %get3A_742 = arith.constant 96 : index
        %get3A_743 = tpu.vector_load %arg4[%get3A_741, %get3A_742] {strides = array<i32>} : memref<400x128xf32, #tpu.memory_space<vmem>>, vector<1x16xf32>,
        %get3A_744 = vector.shape_cast %get3A_743 : vector<1x16xf32> to vector<16xf32>
        %get3A_745 = arith.index_cast %add3A_716 : i32 to index
        %get3A_746 = arith.constant 112 : index
        %get3A_747 = tpu.vector_load %arg4[%get3A_745, %get3A_746] {strides = array<i32>} : memref<400x128xf32, #tpu.memory_space<vmem>>, vector<1x16xf32>,
        %get3A_748 = vector.shape_cast %get3A_747 : vector<1x16xf32> to vector<16xf32>
        %add3A_749 = arith.addf %get3A_720, %get3A_724 : vector<16xf32>
        %add3A_750 = arith.addf %get3A_728, %get3A_732 : vector<16xf32>
        %add3A_751 = arith.addf %add3A_749, %add3A_750 : vector<16xf32>
        %add3A_752 = arith.addf %get3A_736, %get3A_740 : vector<16xf32>
        %add3A_753 = arith.addf %get3A_744, %get3A_748 : vector<16xf32>
        %add3A_754 = arith.addf %add3A_752, %add3A_753 : vector<16xf32>
        %add3A_755 = arith.addf %add3A_751, %add3A_754 : vector<16xf32>
        %xor3A_756 = arith.constant 8 : i32
        %xor3A_757 = vector.broadcast %xor3A_756 : i32 to vector<16xi32>
        %xor3A_758 = arith.xori %iota3A, %xor3A_757 : vector<16xi32>
        %broadcast_in_dim3A_759 = vector.shape_cast %xor3A_758 : vector<16xi32> to vector<16x1xi32>
        %gather3A_760 = vector.shape_cast %broadcast_in_dim3A_759 : vector<16x1xi32> to vector<16xi32>
        %gather3A_761 = tpu.dynamic_gather %add3A_755[%gather3A_760] in [0] : vector<16xf32>, vector<16xi32> -> vector<16xf32>
        %add3A_762 = arith.addf %add3A_755, %gather3A_761 : vector<16xf32>
        %xor3A_763 = arith.constant 4 : i32
        %xor3A_764 = vector.broadcast %xor3A_763 : i32 to vector<16xi32>
        %xor3A_765 = arith.xori %iota3A, %xor3A_764 : vector<16xi32>
        %broadcast_in_dim3A_766 = vector.shape_cast %xor3A_765 : vector<16xi32> to vector<16x1xi32>
        %gather3A_767 = vector.shape_cast %broadcast_in_dim3A_766 : vector<16x1xi32> to vector<16xi32>
        %gather3A_768 = tpu.dynamic_gather %add3A_762[%gather3A_767] in [0] : vector<16xf32>, vector<16xi32> -> vector<16xf32>
        %add3A_769 = arith.addf %add3A_762, %gather3A_768 : vector<16xf32>
        %xor3A_770 = arith.constant 2 : i32
        %xor3A_771 = vector.broadcast %xor3A_770 : i32 to vector<16xi32>
        %xor3A_772 = arith.xori %iota3A, %xor3A_771 : vector<16xi32>
        %broadcast_in_dim3A_773 = vector.shape_cast %xor3A_772 : vector<16xi32> to vector<16x1xi32>
        %gather3A_774 = vector.shape_cast %broadcast_in_dim3A_773 : vector<16x1xi32> to vector<16xi32>
        %gather3A_775 = tpu.dynamic_gather %add3A_769[%gather3A_774] in [0] : vector<16xf32>, vector<16xi32> -> vector<16xf32>
        %add3A_776 = arith.addf %add3A_769, %gather3A_775 : vector<16xf32>
        %xor3A_777 = arith.constant 1 : i32
        %xor3A_778 = vector.broadcast %xor3A_777 : i32 to vector<16xi32>
        %xor3A_779 = arith.xori %iota3A, %xor3A_778 : vector<16xi32>
        %broadcast_in_dim3A_780 = vector.shape_cast %xor3A_779 : vector<16xi32> to vector<16x1xi32>
        %gather3A_781 = vector.shape_cast %broadcast_in_dim3A_780 : vector<16x1xi32> to vector<16xi32>
        %gather3A_782 = tpu.dynamic_gather %add3A_776[%gather3A_781] in [0] : vector<16xf32>, vector<16xi32> -> vector<16xf32>
        %add3A_783 = arith.addf %add3A_776, %gather3A_782 : vector<16xf32>
        %eq3A_784 = arith.constant 8 : i32
        %eq3A_785 = vector.broadcast %eq3A_784 : i32 to vector<16xi32>
        %eq3A_786 = arith.cmpi eq, %iota3A, %eq3A_785 : vector<16xi32>
        %select_n3A_787 = arith.select %eq3A_786, %add3A_783, %select_n3A_714 : vector<16xi1>, vector<16xf32>
        %add3A_788 = arith.constant 9 : i32
        %add3A_789 = arith.addi %mul3A_134, %add3A_788 : i32
        %get3A_790 = arith.index_cast %add3A_789 : i32 to index
        %get3A_791 = arith.constant 0 : index
        %get3A_792 = tpu.vector_load %arg4[%get3A_790, %get3A_791] {strides = array<i32>} : memref<400x128xf32, #tpu.memory_space<vmem>>, vector<1x16xf32>,
        %get3A_793 = vector.shape_cast %get3A_792 : vector<1x16xf32> to vector<16xf32>
        %get3A_794 = arith.index_cast %add3A_789 : i32 to index
        %get3A_795 = arith.constant 16 : index
        %get3A_796 = tpu.vector_load %arg4[%get3A_794, %get3A_795] {strides = array<i32>} : memref<400x128xf32, #tpu.memory_space<vmem>>, vector<1x16xf32>,
        %get3A_797 = vector.shape_cast %get3A_796 : vector<1x16xf32> to vector<16xf32>
        %get3A_798 = arith.index_cast %add3A_789 : i32 to index
        %get3A_799 = arith.constant 32 : index
        %get3A_800 = tpu.vector_load %arg4[%get3A_798, %get3A_799] {strides = array<i32>} : memref<400x128xf32, #tpu.memory_space<vmem>>, vector<1x16xf32>,
        %get3A_801 = vector.shape_cast %get3A_800 : vector<1x16xf32> to vector<16xf32>
        %get3A_802 = arith.index_cast %add3A_789 : i32 to index
        %get3A_803 = arith.constant 48 : index
        %get3A_804 = tpu.vector_load %arg4[%get3A_802, %get3A_803] {strides = array<i32>} : memref<400x128xf32, #tpu.memory_space<vmem>>, vector<1x16xf32>,
        %get3A_805 = vector.shape_cast %get3A_804 : vector<1x16xf32> to vector<16xf32>
        %get3A_806 = arith.index_cast %add3A_789 : i32 to index
        %get3A_807 = arith.constant 64 : index
        %get3A_808 = tpu.vector_load %arg4[%get3A_806, %get3A_807] {strides = array<i32>} : memref<400x128xf32, #tpu.memory_space<vmem>>, vector<1x16xf32>,
        %get3A_809 = vector.shape_cast %get3A_808 : vector<1x16xf32> to vector<16xf32>
        %get3A_810 = arith.index_cast %add3A_789 : i32 to index
        %get3A_811 = arith.constant 80 : index
        %get3A_812 = tpu.vector_load %arg4[%get3A_810, %get3A_811] {strides = array<i32>} : memref<400x128xf32, #tpu.memory_space<vmem>>, vector<1x16xf32>,
        %get3A_813 = vector.shape_cast %get3A_812 : vector<1x16xf32> to vector<16xf32>
        %get3A_814 = arith.index_cast %add3A_789 : i32 to index
        %get3A_815 = arith.constant 96 : index
        %get3A_816 = tpu.vector_load %arg4[%get3A_814, %get3A_815] {strides = array<i32>} : memref<400x128xf32, #tpu.memory_space<vmem>>, vector<1x16xf32>,
        %get3A_817 = vector.shape_cast %get3A_816 : vector<1x16xf32> to vector<16xf32>
        %get3A_818 = arith.index_cast %add3A_789 : i32 to index
        %get3A_819 = arith.constant 112 : index
        %get3A_820 = tpu.vector_load %arg4[%get3A_818, %get3A_819] {strides = array<i32>} : memref<400x128xf32, #tpu.memory_space<vmem>>, vector<1x16xf32>,
        %get3A_821 = vector.shape_cast %get3A_820 : vector<1x16xf32> to vector<16xf32>
        %add3A_822 = arith.addf %get3A_793, %get3A_797 : vector<16xf32>
        %add3A_823 = arith.addf %get3A_801, %get3A_805 : vector<16xf32>
        %add3A_824 = arith.addf %add3A_822, %add3A_823 : vector<16xf32>
        %add3A_825 = arith.addf %get3A_809, %get3A_813 : vector<16xf32>
        %add3A_826 = arith.addf %get3A_817, %get3A_821 : vector<16xf32>
        %add3A_827 = arith.addf %add3A_825, %add3A_826 : vector<16xf32>
        %add3A_828 = arith.addf %add3A_824, %add3A_827 : vector<16xf32>
        %xor3A_829 = arith.constant 8 : i32
        %xor3A_830 = vector.broadcast %xor3A_829 : i32 to vector<16xi32>
        %xor3A_831 = arith.xori %iota3A, %xor3A_830 : vector<16xi32>
        %broadcast_in_dim3A_832 = vector.shape_cast %xor3A_831 : vector<16xi32> to vector<16x1xi32>
        %gather3A_833 = vector.shape_cast %broadcast_in_dim3A_832 : vector<16x1xi32> to vector<16xi32>
        %gather3A_834 = tpu.dynamic_gather %add3A_828[%gather3A_833] in [0] : vector<16xf32>, vector<16xi32> -> vector<16xf32>
        %add3A_835 = arith.addf %add3A_828, %gather3A_834 : vector<16xf32>
        %xor3A_836 = arith.constant 4 : i32
        %xor3A_837 = vector.broadcast %xor3A_836 : i32 to vector<16xi32>
        %xor3A_838 = arith.xori %iota3A, %xor3A_837 : vector<16xi32>
        %broadcast_in_dim3A_839 = vector.shape_cast %xor3A_838 : vector<16xi32> to vector<16x1xi32>
        %gather3A_840 = vector.shape_cast %broadcast_in_dim3A_839 : vector<16x1xi32> to vector<16xi32>
        %gather3A_841 = tpu.dynamic_gather %add3A_835[%gather3A_840] in [0] : vector<16xf32>, vector<16xi32> -> vector<16xf32>
        %add3A_842 = arith.addf %add3A_835, %gather3A_841 : vector<16xf32>
        %xor3A_843 = arith.constant 2 : i32
        %xor3A_844 = vector.broadcast %xor3A_843 : i32 to vector<16xi32>
        %xor3A_845 = arith.xori %iota3A, %xor3A_844 : vector<16xi32>
        %broadcast_in_dim3A_846 = vector.shape_cast %xor3A_845 : vector<16xi32> to vector<16x1xi32>
        %gather3A_847 = vector.shape_cast %broadcast_in_dim3A_846 : vector<16x1xi32> to vector<16xi32>
        %gather3A_848 = tpu.dynamic_gather %add3A_842[%gather3A_847] in [0] : vector<16xf32>, vector<16xi32> -> vector<16xf32>
        %add3A_849 = arith.addf %add3A_842, %gather3A_848 : vector<16xf32>
        %xor3A_850 = arith.constant 1 : i32
        %xor3A_851 = vector.broadcast %xor3A_850 : i32 to vector<16xi32>
        %xor3A_852 = arith.xori %iota3A, %xor3A_851 : vector<16xi32>
        %broadcast_in_dim3A_853 = vector.shape_cast %xor3A_852 : vector<16xi32> to vector<16x1xi32>
        %gather3A_854 = vector.shape_cast %broadcast_in_dim3A_853 : vector<16x1xi32> to vector<16xi32>
        %gather3A_855 = tpu.dynamic_gather %add3A_849[%gather3A_854] in [0] : vector<16xf32>, vector<16xi32> -> vector<16xf32>
        %add3A_856 = arith.addf %add3A_849, %gather3A_855 : vector<16xf32>
        %eq3A_857 = arith.constant 9 : i32
        %eq3A_858 = vector.broadcast %eq3A_857 : i32 to vector<16xi32>
        %eq3A_859 = arith.cmpi eq, %iota3A, %eq3A_858 : vector<16xi32>
        %select_n3A_860 = arith.select %eq3A_859, %add3A_856, %select_n3A_787 : vector<16xi1>, vector<16xf32>
        %add3A_861 = arith.constant 10 : i32
        %add3A_862 = arith.addi %mul3A_134, %add3A_861 : i32
        %get3A_863 = arith.index_cast %add3A_862 : i32 to index
        %get3A_864 = arith.constant 0 : index
        %get3A_865 = tpu.vector_load %arg4[%get3A_863, %get3A_864] {strides = array<i32>} : memref<400x128xf32, #tpu.memory_space<vmem>>, vector<1x16xf32>,
        %get3A_866 = vector.shape_cast %get3A_865 : vector<1x16xf32> to vector<16xf32>
        %get3A_867 = arith.index_cast %add3A_862 : i32 to index
        %get3A_868 = arith.constant 16 : index
        %get3A_869 = tpu.vector_load %arg4[%get3A_867, %get3A_868] {strides = array<i32>} : memref<400x128xf32, #tpu.memory_space<vmem>>, vector<1x16xf32>,
        %get3A_870 = vector.shape_cast %get3A_869 : vector<1x16xf32> to vector<16xf32>
        %get3A_871 = arith.index_cast %add3A_862 : i32 to index
        %get3A_872 = arith.constant 32 : index
        %get3A_873 = tpu.vector_load %arg4[%get3A_871, %get3A_872] {strides = array<i32>} : memref<400x128xf32, #tpu.memory_space<vmem>>, vector<1x16xf32>,
        %get3A_874 = vector.shape_cast %get3A_873 : vector<1x16xf32> to vector<16xf32>
        %get3A_875 = arith.index_cast %add3A_862 : i32 to index
        %get3A_876 = arith.constant 48 : index
        %get3A_877 = tpu.vector_load %arg4[%get3A_875, %get3A_876] {strides = array<i32>} : memref<400x128xf32, #tpu.memory_space<vmem>>, vector<1x16xf32>,
        %get3A_878 = vector.shape_cast %get3A_877 : vector<1x16xf32> to vector<16xf32>
        %get3A_879 = arith.index_cast %add3A_862 : i32 to index
        %get3A_880 = arith.constant 64 : index
        %get3A_881 = tpu.vector_load %arg4[%get3A_879, %get3A_880] {strides = array<i32>} : memref<400x128xf32, #tpu.memory_space<vmem>>, vector<1x16xf32>,
        %get3A_882 = vector.shape_cast %get3A_881 : vector<1x16xf32> to vector<16xf32>
        %get3A_883 = arith.index_cast %add3A_862 : i32 to index
        %get3A_884 = arith.constant 80 : index
        %get3A_885 = tpu.vector_load %arg4[%get3A_883, %get3A_884] {strides = array<i32>} : memref<400x128xf32, #tpu.memory_space<vmem>>, vector<1x16xf32>,
        %get3A_886 = vector.shape_cast %get3A_885 : vector<1x16xf32> to vector<16xf32>
        %get3A_887 = arith.index_cast %add3A_862 : i32 to index
        %get3A_888 = arith.constant 96 : index
        %get3A_889 = tpu.vector_load %arg4[%get3A_887, %get3A_888] {strides = array<i32>} : memref<400x128xf32, #tpu.memory_space<vmem>>, vector<1x16xf32>,
        %get3A_890 = vector.shape_cast %get3A_889 : vector<1x16xf32> to vector<16xf32>
        %get3A_891 = arith.index_cast %add3A_862 : i32 to index
        %get3A_892 = arith.constant 112 : index
        %get3A_893 = tpu.vector_load %arg4[%get3A_891, %get3A_892] {strides = array<i32>} : memref<400x128xf32, #tpu.memory_space<vmem>>, vector<1x16xf32>,
        %get3A_894 = vector.shape_cast %get3A_893 : vector<1x16xf32> to vector<16xf32>
        %add3A_895 = arith.addf %get3A_866, %get3A_870 : vector<16xf32>
        %add3A_896 = arith.addf %get3A_874, %get3A_878 : vector<16xf32>
        %add3A_897 = arith.addf %add3A_895, %add3A_896 : vector<16xf32>
        %add3A_898 = arith.addf %get3A_882, %get3A_886 : vector<16xf32>
        %add3A_899 = arith.addf %get3A_890, %get3A_894 : vector<16xf32>
        %add3A_900 = arith.addf %add3A_898, %add3A_899 : vector<16xf32>
        %add3A_901 = arith.addf %add3A_897, %add3A_900 : vector<16xf32>
        %xor3A_902 = arith.constant 8 : i32
        %xor3A_903 = vector.broadcast %xor3A_902 : i32 to vector<16xi32>
        %xor3A_904 = arith.xori %iota3A, %xor3A_903 : vector<16xi32>
        %broadcast_in_dim3A_905 = vector.shape_cast %xor3A_904 : vector<16xi32> to vector<16x1xi32>
        %gather3A_906 = vector.shape_cast %broadcast_in_dim3A_905 : vector<16x1xi32> to vector<16xi32>
        %gather3A_907 = tpu.dynamic_gather %add3A_901[%gather3A_906] in [0] : vector<16xf32>, vector<16xi32> -> vector<16xf32>
        %add3A_908 = arith.addf %add3A_901, %gather3A_907 : vector<16xf32>
        %xor3A_909 = arith.constant 4 : i32
        %xor3A_910 = vector.broadcast %xor3A_909 : i32 to vector<16xi32>
        %xor3A_911 = arith.xori %iota3A, %xor3A_910 : vector<16xi32>
        %broadcast_in_dim3A_912 = vector.shape_cast %xor3A_911 : vector<16xi32> to vector<16x1xi32>
        %gather3A_913 = vector.shape_cast %broadcast_in_dim3A_912 : vector<16x1xi32> to vector<16xi32>
        %gather3A_914 = tpu.dynamic_gather %add3A_908[%gather3A_913] in [0] : vector<16xf32>, vector<16xi32> -> vector<16xf32>
        %add3A_915 = arith.addf %add3A_908, %gather3A_914 : vector<16xf32>
        %xor3A_916 = arith.constant 2 : i32
        %xor3A_917 = vector.broadcast %xor3A_916 : i32 to vector<16xi32>
        %xor3A_918 = arith.xori %iota3A, %xor3A_917 : vector<16xi32>
        %broadcast_in_dim3A_919 = vector.shape_cast %xor3A_918 : vector<16xi32> to vector<16x1xi32>
        %gather3A_920 = vector.shape_cast %broadcast_in_dim3A_919 : vector<16x1xi32> to vector<16xi32>
        %gather3A_921 = tpu.dynamic_gather %add3A_915[%gather3A_920] in [0] : vector<16xf32>, vector<16xi32> -> vector<16xf32>
        %add3A_922 = arith.addf %add3A_915, %gather3A_921 : vector<16xf32>
        %xor3A_923 = arith.constant 1 : i32
        %xor3A_924 = vector.broadcast %xor3A_923 : i32 to vector<16xi32>
        %xor3A_925 = arith.xori %iota3A, %xor3A_924 : vector<16xi32>
        %broadcast_in_dim3A_926 = vector.shape_cast %xor3A_925 : vector<16xi32> to vector<16x1xi32>
        %gather3A_927 = vector.shape_cast %broadcast_in_dim3A_926 : vector<16x1xi32> to vector<16xi32>
        %gather3A_928 = tpu.dynamic_gather %add3A_922[%gather3A_927] in [0] : vector<16xf32>, vector<16xi32> -> vector<16xf32>
        %add3A_929 = arith.addf %add3A_922, %gather3A_928 : vector<16xf32>
        %eq3A_930 = arith.constant 10 : i32
        %eq3A_931 = vector.broadcast %eq3A_930 : i32 to vector<16xi32>
        %eq3A_932 = arith.cmpi eq, %iota3A, %eq3A_931 : vector<16xi32>
        %select_n3A_933 = arith.select %eq3A_932, %add3A_929, %select_n3A_860 : vector<16xi1>, vector<16xf32>
        %add3A_934 = arith.constant 11 : i32
        %add3A_935 = arith.addi %mul3A_134, %add3A_934 : i32
        %get3A_936 = arith.index_cast %add3A_935 : i32 to index
        %get3A_937 = arith.constant 0 : index
        %get3A_938 = tpu.vector_load %arg4[%get3A_936, %get3A_937] {strides = array<i32>} : memref<400x128xf32, #tpu.memory_space<vmem>>, vector<1x16xf32>,
        %get3A_939 = vector.shape_cast %get3A_938 : vector<1x16xf32> to vector<16xf32>
        %get3A_940 = arith.index_cast %add3A_935 : i32 to index
        %get3A_941 = arith.constant 16 : index
        %get3A_942 = tpu.vector_load %arg4[%get3A_940, %get3A_941] {strides = array<i32>} : memref<400x128xf32, #tpu.memory_space<vmem>>, vector<1x16xf32>,
        %get3A_943 = vector.shape_cast %get3A_942 : vector<1x16xf32> to vector<16xf32>
        %get3A_944 = arith.index_cast %add3A_935 : i32 to index
        %get3A_945 = arith.constant 32 : index
        %get3A_946 = tpu.vector_load %arg4[%get3A_944, %get3A_945] {strides = array<i32>} : memref<400x128xf32, #tpu.memory_space<vmem>>, vector<1x16xf32>,
        %get3A_947 = vector.shape_cast %get3A_946 : vector<1x16xf32> to vector<16xf32>
        %get3A_948 = arith.index_cast %add3A_935 : i32 to index
        %get3A_949 = arith.constant 48 : index
        %get3A_950 = tpu.vector_load %arg4[%get3A_948, %get3A_949] {strides = array<i32>} : memref<400x128xf32, #tpu.memory_space<vmem>>, vector<1x16xf32>,
        %get3A_951 = vector.shape_cast %get3A_950 : vector<1x16xf32> to vector<16xf32>
        %get3A_952 = arith.index_cast %add3A_935 : i32 to index
        %get3A_953 = arith.constant 64 : index
        %get3A_954 = tpu.vector_load %arg4[%get3A_952, %get3A_953] {strides = array<i32>} : memref<400x128xf32, #tpu.memory_space<vmem>>, vector<1x16xf32>,
        %get3A_955 = vector.shape_cast %get3A_954 : vector<1x16xf32> to vector<16xf32>
        %get3A_956 = arith.index_cast %add3A_935 : i32 to index
        %get3A_957 = arith.constant 80 : index
        %get3A_958 = tpu.vector_load %arg4[%get3A_956, %get3A_957] {strides = array<i32>} : memref<400x128xf32, #tpu.memory_space<vmem>>, vector<1x16xf32>,
        %get3A_959 = vector.shape_cast %get3A_958 : vector<1x16xf32> to vector<16xf32>
        %get3A_960 = arith.index_cast %add3A_935 : i32 to index
        %get3A_961 = arith.constant 96 : index
        %get3A_962 = tpu.vector_load %arg4[%get3A_960, %get3A_961] {strides = array<i32>} : memref<400x128xf32, #tpu.memory_space<vmem>>, vector<1x16xf32>,
        %get3A_963 = vector.shape_cast %get3A_962 : vector<1x16xf32> to vector<16xf32>
        %get3A_964 = arith.index_cast %add3A_935 : i32 to index
        %get3A_965 = arith.constant 112 : index
        %get3A_966 = tpu.vector_load %arg4[%get3A_964, %get3A_965] {strides = array<i32>} : memref<400x128xf32, #tpu.memory_space<vmem>>, vector<1x16xf32>,
        %get3A_967 = vector.shape_cast %get3A_966 : vector<1x16xf32> to vector<16xf32>
        %add3A_968 = arith.addf %get3A_939, %get3A_943 : vector<16xf32>
        %add3A_969 = arith.addf %get3A_947, %get3A_951 : vector<16xf32>
        %add3A_970 = arith.addf %add3A_968, %add3A_969 : vector<16xf32>
        %add3A_971 = arith.addf %get3A_955, %get3A_959 : vector<16xf32>
        %add3A_972 = arith.addf %get3A_963, %get3A_967 : vector<16xf32>
        %add3A_973 = arith.addf %add3A_971, %add3A_972 : vector<16xf32>
        %add3A_974 = arith.addf %add3A_970, %add3A_973 : vector<16xf32>
        %xor3A_975 = arith.constant 8 : i32
        %xor3A_976 = vector.broadcast %xor3A_975 : i32 to vector<16xi32>
        %xor3A_977 = arith.xori %iota3A, %xor3A_976 : vector<16xi32>
        %broadcast_in_dim3A_978 = vector.shape_cast %xor3A_977 : vector<16xi32> to vector<16x1xi32>
        %gather3A_979 = vector.shape_cast %broadcast_in_dim3A_978 : vector<16x1xi32> to vector<16xi32>
        %gather3A_980 = tpu.dynamic_gather %add3A_974[%gather3A_979] in [0] : vector<16xf32>, vector<16xi32> -> vector<16xf32>
        %add3A_981 = arith.addf %add3A_974, %gather3A_980 : vector<16xf32>
        %xor3A_982 = arith.constant 4 : i32
        %xor3A_983 = vector.broadcast %xor3A_982 : i32 to vector<16xi32>
        %xor3A_984 = arith.xori %iota3A, %xor3A_983 : vector<16xi32>
        %broadcast_in_dim3A_985 = vector.shape_cast %xor3A_984 : vector<16xi32> to vector<16x1xi32>
        %gather3A_986 = vector.shape_cast %broadcast_in_dim3A_985 : vector<16x1xi32> to vector<16xi32>
        %gather3A_987 = tpu.dynamic_gather %add3A_981[%gather3A_986] in [0] : vector<16xf32>, vector<16xi32> -> vector<16xf32>
        %add3A_988 = arith.addf %add3A_981, %gather3A_987 : vector<16xf32>
        %xor3A_989 = arith.constant 2 : i32
        %xor3A_990 = vector.broadcast %xor3A_989 : i32 to vector<16xi32>
        %xor3A_991 = arith.xori %iota3A, %xor3A_990 : vector<16xi32>
        %broadcast_in_dim3A_992 = vector.shape_cast %xor3A_991 : vector<16xi32> to vector<16x1xi32>
        %gather3A_993 = vector.shape_cast %broadcast_in_dim3A_992 : vector<16x1xi32> to vector<16xi32>
        %gather3A_994 = tpu.dynamic_gather %add3A_988[%gather3A_993] in [0] : vector<16xf32>, vector<16xi32> -> vector<16xf32>
        %add3A_995 = arith.addf %add3A_988, %gather3A_994 : vector<16xf32>
        %xor3A_996 = arith.constant 1 : i32
        %xor3A_997 = vector.broadcast %xor3A_996 : i32 to vector<16xi32>
        %xor3A_998 = arith.xori %iota3A, %xor3A_997 : vector<16xi32>
        %broadcast_in_dim3A_999 = vector.shape_cast %xor3A_998 : vector<16xi32> to vector<16x1xi32>
        %gather3A_1000 = vector.shape_cast %broadcast_in_dim3A_999 : vector<16x1xi32> to vector<16xi32>
        %gather3A_1001 = tpu.dynamic_gather %add3A_995[%gather3A_1000] in [0] : vector<16xf32>, vector<16xi32> -> vector<16xf32>
        %add3A_1002 = arith.addf %add3A_995, %gather3A_1001 : vector<16xf32>
        %eq3A_1003 = arith.constant 11 : i32
        %eq3A_1004 = vector.broadcast %eq3A_1003 : i32 to vector<16xi32>
        %eq3A_1005 = arith.cmpi eq, %iota3A, %eq3A_1004 : vector<16xi32>
        %select_n3A_1006 = arith.select %eq3A_1005, %add3A_1002, %select_n3A_933 : vector<16xi1>, vector<16xf32>
        %add3A_1007 = arith.constant 12 : i32
        %add3A_1008 = arith.addi %mul3A_134, %add3A_1007 : i32
        %get3A_1009 = arith.index_cast %add3A_1008 : i32 to index
        %get3A_1010 = arith.constant 0 : index
        %get3A_1011 = tpu.vector_load %arg4[%get3A_1009, %get3A_1010] {strides = array<i32>} : memref<400x128xf32, #tpu.memory_space<vmem>>, vector<1x16xf32>,
        %get3A_1012 = vector.shape_cast %get3A_1011 : vector<1x16xf32> to vector<16xf32>
        %get3A_1013 = arith.index_cast %add3A_1008 : i32 to index
        %get3A_1014 = arith.constant 16 : index
        %get3A_1015 = tpu.vector_load %arg4[%get3A_1013, %get3A_1014] {strides = array<i32>} : memref<400x128xf32, #tpu.memory_space<vmem>>, vector<1x16xf32>,
        %get3A_1016 = vector.shape_cast %get3A_1015 : vector<1x16xf32> to vector<16xf32>
        %get3A_1017 = arith.index_cast %add3A_1008 : i32 to index
        %get3A_1018 = arith.constant 32 : index
        %get3A_1019 = tpu.vector_load %arg4[%get3A_1017, %get3A_1018] {strides = array<i32>} : memref<400x128xf32, #tpu.memory_space<vmem>>, vector<1x16xf32>,
        %get3A_1020 = vector.shape_cast %get3A_1019 : vector<1x16xf32> to vector<16xf32>
        %get3A_1021 = arith.index_cast %add3A_1008 : i32 to index
        %get3A_1022 = arith.constant 48 : index
        %get3A_1023 = tpu.vector_load %arg4[%get3A_1021, %get3A_1022] {strides = array<i32>} : memref<400x128xf32, #tpu.memory_space<vmem>>, vector<1x16xf32>,
        %get3A_1024 = vector.shape_cast %get3A_1023 : vector<1x16xf32> to vector<16xf32>
        %get3A_1025 = arith.index_cast %add3A_1008 : i32 to index
        %get3A_1026 = arith.constant 64 : index
        %get3A_1027 = tpu.vector_load %arg4[%get3A_1025, %get3A_1026] {strides = array<i32>} : memref<400x128xf32, #tpu.memory_space<vmem>>, vector<1x16xf32>,
        %get3A_1028 = vector.shape_cast %get3A_1027 : vector<1x16xf32> to vector<16xf32>
        %get3A_1029 = arith.index_cast %add3A_1008 : i32 to index
        %get3A_1030 = arith.constant 80 : index
        %get3A_1031 = tpu.vector_load %arg4[%get3A_1029, %get3A_1030] {strides = array<i32>} : memref<400x128xf32, #tpu.memory_space<vmem>>, vector<1x16xf32>,
        %get3A_1032 = vector.shape_cast %get3A_1031 : vector<1x16xf32> to vector<16xf32>
        %get3A_1033 = arith.index_cast %add3A_1008 : i32 to index
        %get3A_1034 = arith.constant 96 : index
        %get3A_1035 = tpu.vector_load %arg4[%get3A_1033, %get3A_1034] {strides = array<i32>} : memref<400x128xf32, #tpu.memory_space<vmem>>, vector<1x16xf32>,
        %get3A_1036 = vector.shape_cast %get3A_1035 : vector<1x16xf32> to vector<16xf32>
        %get3A_1037 = arith.index_cast %add3A_1008 : i32 to index
        %get3A_1038 = arith.constant 112 : index
        %get3A_1039 = tpu.vector_load %arg4[%get3A_1037, %get3A_1038] {strides = array<i32>} : memref<400x128xf32, #tpu.memory_space<vmem>>, vector<1x16xf32>,
        %get3A_1040 = vector.shape_cast %get3A_1039 : vector<1x16xf32> to vector<16xf32>
        %add3A_1041 = arith.addf %get3A_1012, %get3A_1016 : vector<16xf32>
        %add3A_1042 = arith.addf %get3A_1020, %get3A_1024 : vector<16xf32>
        %add3A_1043 = arith.addf %add3A_1041, %add3A_1042 : vector<16xf32>
        %add3A_1044 = arith.addf %get3A_1028, %get3A_1032 : vector<16xf32>
        %add3A_1045 = arith.addf %get3A_1036, %get3A_1040 : vector<16xf32>
        %add3A_1046 = arith.addf %add3A_1044, %add3A_1045 : vector<16xf32>
        %add3A_1047 = arith.addf %add3A_1043, %add3A_1046 : vector<16xf32>
        %xor3A_1048 = arith.constant 8 : i32
        %xor3A_1049 = vector.broadcast %xor3A_1048 : i32 to vector<16xi32>
        %xor3A_1050 = arith.xori %iota3A, %xor3A_1049 : vector<16xi32>
        %broadcast_in_dim3A_1051 = vector.shape_cast %xor3A_1050 : vector<16xi32> to vector<16x1xi32>
        %gather3A_1052 = vector.shape_cast %broadcast_in_dim3A_1051 : vector<16x1xi32> to vector<16xi32>
        %gather3A_1053 = tpu.dynamic_gather %add3A_1047[%gather3A_1052] in [0] : vector<16xf32>, vector<16xi32> -> vector<16xf32>
        %add3A_1054 = arith.addf %add3A_1047, %gather3A_1053 : vector<16xf32>
        %xor3A_1055 = arith.constant 4 : i32
        %xor3A_1056 = vector.broadcast %xor3A_1055 : i32 to vector<16xi32>
        %xor3A_1057 = arith.xori %iota3A, %xor3A_1056 : vector<16xi32>
        %broadcast_in_dim3A_1058 = vector.shape_cast %xor3A_1057 : vector<16xi32> to vector<16x1xi32>
        %gather3A_1059 = vector.shape_cast %broadcast_in_dim3A_1058 : vector<16x1xi32> to vector<16xi32>
        %gather3A_1060 = tpu.dynamic_gather %add3A_1054[%gather3A_1059] in [0] : vector<16xf32>, vector<16xi32> -> vector<16xf32>
        %add3A_1061 = arith.addf %add3A_1054, %gather3A_1060 : vector<16xf32>
        %xor3A_1062 = arith.constant 2 : i32
        %xor3A_1063 = vector.broadcast %xor3A_1062 : i32 to vector<16xi32>
        %xor3A_1064 = arith.xori %iota3A, %xor3A_1063 : vector<16xi32>
        %broadcast_in_dim3A_1065 = vector.shape_cast %xor3A_1064 : vector<16xi32> to vector<16x1xi32>
        %gather3A_1066 = vector.shape_cast %broadcast_in_dim3A_1065 : vector<16x1xi32> to vector<16xi32>
        %gather3A_1067 = tpu.dynamic_gather %add3A_1061[%gather3A_1066] in [0] : vector<16xf32>, vector<16xi32> -> vector<16xf32>
        %add3A_1068 = arith.addf %add3A_1061, %gather3A_1067 : vector<16xf32>
        %xor3A_1069 = arith.constant 1 : i32
        %xor3A_1070 = vector.broadcast %xor3A_1069 : i32 to vector<16xi32>
        %xor3A_1071 = arith.xori %iota3A, %xor3A_1070 : vector<16xi32>
        %broadcast_in_dim3A_1072 = vector.shape_cast %xor3A_1071 : vector<16xi32> to vector<16x1xi32>
        %gather3A_1073 = vector.shape_cast %broadcast_in_dim3A_1072 : vector<16x1xi32> to vector<16xi32>
        %gather3A_1074 = tpu.dynamic_gather %add3A_1068[%gather3A_1073] in [0] : vector<16xf32>, vector<16xi32> -> vector<16xf32>
        %add3A_1075 = arith.addf %add3A_1068, %gather3A_1074 : vector<16xf32>
        %eq3A_1076 = arith.constant 12 : i32
        %eq3A_1077 = vector.broadcast %eq3A_1076 : i32 to vector<16xi32>
        %eq3A_1078 = arith.cmpi eq, %iota3A, %eq3A_1077 : vector<16xi32>
        %select_n3A_1079 = arith.select %eq3A_1078, %add3A_1075, %select_n3A_1006 : vector<16xi1>, vector<16xf32>
        %add3A_1080 = arith.constant 13 : i32
        %add3A_1081 = arith.addi %mul3A_134, %add3A_1080 : i32
        %get3A_1082 = arith.index_cast %add3A_1081 : i32 to index
        %get3A_1083 = arith.constant 0 : index
        %get3A_1084 = tpu.vector_load %arg4[%get3A_1082, %get3A_1083] {strides = array<i32>} : memref<400x128xf32, #tpu.memory_space<vmem>>, vector<1x16xf32>,
        %get3A_1085 = vector.shape_cast %get3A_1084 : vector<1x16xf32> to vector<16xf32>
        %get3A_1086 = arith.index_cast %add3A_1081 : i32 to index
        %get3A_1087 = arith.constant 16 : index
        %get3A_1088 = tpu.vector_load %arg4[%get3A_1086, %get3A_1087] {strides = array<i32>} : memref<400x128xf32, #tpu.memory_space<vmem>>, vector<1x16xf32>,
        %get3A_1089 = vector.shape_cast %get3A_1088 : vector<1x16xf32> to vector<16xf32>
        %get3A_1090 = arith.index_cast %add3A_1081 : i32 to index
        %get3A_1091 = arith.constant 32 : index
        %get3A_1092 = tpu.vector_load %arg4[%get3A_1090, %get3A_1091] {strides = array<i32>} : memref<400x128xf32, #tpu.memory_space<vmem>>, vector<1x16xf32>,
        %get3A_1093 = vector.shape_cast %get3A_1092 : vector<1x16xf32> to vector<16xf32>
        %get3A_1094 = arith.index_cast %add3A_1081 : i32 to index
        %get3A_1095 = arith.constant 48 : index
        %get3A_1096 = tpu.vector_load %arg4[%get3A_1094, %get3A_1095] {strides = array<i32>} : memref<400x128xf32, #tpu.memory_space<vmem>>, vector<1x16xf32>,
        %get3A_1097 = vector.shape_cast %get3A_1096 : vector<1x16xf32> to vector<16xf32>
        %get3A_1098 = arith.index_cast %add3A_1081 : i32 to index
        %get3A_1099 = arith.constant 64 : index
        %get3A_1100 = tpu.vector_load %arg4[%get3A_1098, %get3A_1099] {strides = array<i32>} : memref<400x128xf32, #tpu.memory_space<vmem>>, vector<1x16xf32>,
        %get3A_1101 = vector.shape_cast %get3A_1100 : vector<1x16xf32> to vector<16xf32>
        %get3A_1102 = arith.index_cast %add3A_1081 : i32 to index
        %get3A_1103 = arith.constant 80 : index
        %get3A_1104 = tpu.vector_load %arg4[%get3A_1102, %get3A_1103] {strides = array<i32>} : memref<400x128xf32, #tpu.memory_space<vmem>>, vector<1x16xf32>,
        %get3A_1105 = vector.shape_cast %get3A_1104 : vector<1x16xf32> to vector<16xf32>
        %get3A_1106 = arith.index_cast %add3A_1081 : i32 to index
        %get3A_1107 = arith.constant 96 : index
        %get3A_1108 = tpu.vector_load %arg4[%get3A_1106, %get3A_1107] {strides = array<i32>} : memref<400x128xf32, #tpu.memory_space<vmem>>, vector<1x16xf32>,
        %get3A_1109 = vector.shape_cast %get3A_1108 : vector<1x16xf32> to vector<16xf32>
        %get3A_1110 = arith.index_cast %add3A_1081 : i32 to index
        %get3A_1111 = arith.constant 112 : index
        %get3A_1112 = tpu.vector_load %arg4[%get3A_1110, %get3A_1111] {strides = array<i32>} : memref<400x128xf32, #tpu.memory_space<vmem>>, vector<1x16xf32>,
        %get3A_1113 = vector.shape_cast %get3A_1112 : vector<1x16xf32> to vector<16xf32>
        %add3A_1114 = arith.addf %get3A_1085, %get3A_1089 : vector<16xf32>
        %add3A_1115 = arith.addf %get3A_1093, %get3A_1097 : vector<16xf32>
        %add3A_1116 = arith.addf %add3A_1114, %add3A_1115 : vector<16xf32>
        %add3A_1117 = arith.addf %get3A_1101, %get3A_1105 : vector<16xf32>
        %add3A_1118 = arith.addf %get3A_1109, %get3A_1113 : vector<16xf32>
        %add3A_1119 = arith.addf %add3A_1117, %add3A_1118 : vector<16xf32>
        %add3A_1120 = arith.addf %add3A_1116, %add3A_1119 : vector<16xf32>
        %xor3A_1121 = arith.constant 8 : i32
        %xor3A_1122 = vector.broadcast %xor3A_1121 : i32 to vector<16xi32>
        %xor3A_1123 = arith.xori %iota3A, %xor3A_1122 : vector<16xi32>
        %broadcast_in_dim3A_1124 = vector.shape_cast %xor3A_1123 : vector<16xi32> to vector<16x1xi32>
        %gather3A_1125 = vector.shape_cast %broadcast_in_dim3A_1124 : vector<16x1xi32> to vector<16xi32>
        %gather3A_1126 = tpu.dynamic_gather %add3A_1120[%gather3A_1125] in [0] : vector<16xf32>, vector<16xi32> -> vector<16xf32>
        %add3A_1127 = arith.addf %add3A_1120, %gather3A_1126 : vector<16xf32>
        %xor3A_1128 = arith.constant 4 : i32
        %xor3A_1129 = vector.broadcast %xor3A_1128 : i32 to vector<16xi32>
        %xor3A_1130 = arith.xori %iota3A, %xor3A_1129 : vector<16xi32>
        %broadcast_in_dim3A_1131 = vector.shape_cast %xor3A_1130 : vector<16xi32> to vector<16x1xi32>
        %gather3A_1132 = vector.shape_cast %broadcast_in_dim3A_1131 : vector<16x1xi32> to vector<16xi32>
        %gather3A_1133 = tpu.dynamic_gather %add3A_1127[%gather3A_1132] in [0] : vector<16xf32>, vector<16xi32> -> vector<16xf32>
        %add3A_1134 = arith.addf %add3A_1127, %gather3A_1133 : vector<16xf32>
        %xor3A_1135 = arith.constant 2 : i32
        %xor3A_1136 = vector.broadcast %xor3A_1135 : i32 to vector<16xi32>
        %xor3A_1137 = arith.xori %iota3A, %xor3A_1136 : vector<16xi32>
        %broadcast_in_dim3A_1138 = vector.shape_cast %xor3A_1137 : vector<16xi32> to vector<16x1xi32>
        %gather3A_1139 = vector.shape_cast %broadcast_in_dim3A_1138 : vector<16x1xi32> to vector<16xi32>
        %gather3A_1140 = tpu.dynamic_gather %add3A_1134[%gather3A_1139] in [0] : vector<16xf32>, vector<16xi32> -> vector<16xf32>
        %add3A_1141 = arith.addf %add3A_1134, %gather3A_1140 : vector<16xf32>
        %xor3A_1142 = arith.constant 1 : i32
        %xor3A_1143 = vector.broadcast %xor3A_1142 : i32 to vector<16xi32>
        %xor3A_1144 = arith.xori %iota3A, %xor3A_1143 : vector<16xi32>
        %broadcast_in_dim3A_1145 = vector.shape_cast %xor3A_1144 : vector<16xi32> to vector<16x1xi32>
        %gather3A_1146 = vector.shape_cast %broadcast_in_dim3A_1145 : vector<16x1xi32> to vector<16xi32>
        %gather3A_1147 = tpu.dynamic_gather %add3A_1141[%gather3A_1146] in [0] : vector<16xf32>, vector<16xi32> -> vector<16xf32>
        %add3A_1148 = arith.addf %add3A_1141, %gather3A_1147 : vector<16xf32>
        %eq3A_1149 = arith.constant 13 : i32
        %eq3A_1150 = vector.broadcast %eq3A_1149 : i32 to vector<16xi32>
        %eq3A_1151 = arith.cmpi eq, %iota3A, %eq3A_1150 : vector<16xi32>
        %select_n3A_1152 = arith.select %eq3A_1151, %add3A_1148, %select_n3A_1079 : vector<16xi1>, vector<16xf32>
        %add3A_1153 = arith.constant 14 : i32
        %add3A_1154 = arith.addi %mul3A_134, %add3A_1153 : i32
        %get3A_1155 = arith.index_cast %add3A_1154 : i32 to index
        %get3A_1156 = arith.constant 0 : index
        %get3A_1157 = tpu.vector_load %arg4[%get3A_1155, %get3A_1156] {strides = array<i32>} : memref<400x128xf32, #tpu.memory_space<vmem>>, vector<1x16xf32>,
        %get3A_1158 = vector.shape_cast %get3A_1157 : vector<1x16xf32> to vector<16xf32>
        %get3A_1159 = arith.index_cast %add3A_1154 : i32 to index
        %get3A_1160 = arith.constant 16 : index
        %get3A_1161 = tpu.vector_load %arg4[%get3A_1159, %get3A_1160] {strides = array<i32>} : memref<400x128xf32, #tpu.memory_space<vmem>>, vector<1x16xf32>,
        %get3A_1162 = vector.shape_cast %get3A_1161 : vector<1x16xf32> to vector<16xf32>
        %get3A_1163 = arith.index_cast %add3A_1154 : i32 to index
        %get3A_1164 = arith.constant 32 : index
        %get3A_1165 = tpu.vector_load %arg4[%get3A_1163, %get3A_1164] {strides = array<i32>} : memref<400x128xf32, #tpu.memory_space<vmem>>, vector<1x16xf32>,
        %get3A_1166 = vector.shape_cast %get3A_1165 : vector<1x16xf32> to vector<16xf32>
        %get3A_1167 = arith.index_cast %add3A_1154 : i32 to index
        %get3A_1168 = arith.constant 48 : index
        %get3A_1169 = tpu.vector_load %arg4[%get3A_1167, %get3A_1168] {strides = array<i32>} : memref<400x128xf32, #tpu.memory_space<vmem>>, vector<1x16xf32>,
        %get3A_1170 = vector.shape_cast %get3A_1169 : vector<1x16xf32> to vector<16xf32>
        %get3A_1171 = arith.index_cast %add3A_1154 : i32 to index
        %get3A_1172 = arith.constant 64 : index
        %get3A_1173 = tpu.vector_load %arg4[%get3A_1171, %get3A_1172] {strides = array<i32>} : memref<400x128xf32, #tpu.memory_space<vmem>>, vector<1x16xf32>,
        %get3A_1174 = vector.shape_cast %get3A_1173 : vector<1x16xf32> to vector<16xf32>
        %get3A_1175 = arith.index_cast %add3A_1154 : i32 to index
        %get3A_1176 = arith.constant 80 : index
        %get3A_1177 = tpu.vector_load %arg4[%get3A_1175, %get3A_1176] {strides = array<i32>} : memref<400x128xf32, #tpu.memory_space<vmem>>, vector<1x16xf32>,
        %get3A_1178 = vector.shape_cast %get3A_1177 : vector<1x16xf32> to vector<16xf32>
        %get3A_1179 = arith.index_cast %add3A_1154 : i32 to index
        %get3A_1180 = arith.constant 96 : index
        %get3A_1181 = tpu.vector_load %arg4[%get3A_1179, %get3A_1180] {strides = array<i32>} : memref<400x128xf32, #tpu.memory_space<vmem>>, vector<1x16xf32>,
        %get3A_1182 = vector.shape_cast %get3A_1181 : vector<1x16xf32> to vector<16xf32>
        %get3A_1183 = arith.index_cast %add3A_1154 : i32 to index
        %get3A_1184 = arith.constant 112 : index
        %get3A_1185 = tpu.vector_load %arg4[%get3A_1183, %get3A_1184] {strides = array<i32>} : memref<400x128xf32, #tpu.memory_space<vmem>>, vector<1x16xf32>,
        %get3A_1186 = vector.shape_cast %get3A_1185 : vector<1x16xf32> to vector<16xf32>
        %add3A_1187 = arith.addf %get3A_1158, %get3A_1162 : vector<16xf32>
        %add3A_1188 = arith.addf %get3A_1166, %get3A_1170 : vector<16xf32>
        %add3A_1189 = arith.addf %add3A_1187, %add3A_1188 : vector<16xf32>
        %add3A_1190 = arith.addf %get3A_1174, %get3A_1178 : vector<16xf32>
        %add3A_1191 = arith.addf %get3A_1182, %get3A_1186 : vector<16xf32>
        %add3A_1192 = arith.addf %add3A_1190, %add3A_1191 : vector<16xf32>
        %add3A_1193 = arith.addf %add3A_1189, %add3A_1192 : vector<16xf32>
        %xor3A_1194 = arith.constant 8 : i32
        %xor3A_1195 = vector.broadcast %xor3A_1194 : i32 to vector<16xi32>
        %xor3A_1196 = arith.xori %iota3A, %xor3A_1195 : vector<16xi32>
        %broadcast_in_dim3A_1197 = vector.shape_cast %xor3A_1196 : vector<16xi32> to vector<16x1xi32>
        %gather3A_1198 = vector.shape_cast %broadcast_in_dim3A_1197 : vector<16x1xi32> to vector<16xi32>
        %gather3A_1199 = tpu.dynamic_gather %add3A_1193[%gather3A_1198] in [0] : vector<16xf32>, vector<16xi32> -> vector<16xf32>
        %add3A_1200 = arith.addf %add3A_1193, %gather3A_1199 : vector<16xf32>
        %xor3A_1201 = arith.constant 4 : i32
        %xor3A_1202 = vector.broadcast %xor3A_1201 : i32 to vector<16xi32>
        %xor3A_1203 = arith.xori %iota3A, %xor3A_1202 : vector<16xi32>
        %broadcast_in_dim3A_1204 = vector.shape_cast %xor3A_1203 : vector<16xi32> to vector<16x1xi32>
        %gather3A_1205 = vector.shape_cast %broadcast_in_dim3A_1204 : vector<16x1xi32> to vector<16xi32>
        %gather3A_1206 = tpu.dynamic_gather %add3A_1200[%gather3A_1205] in [0] : vector<16xf32>, vector<16xi32> -> vector<16xf32>
        %add3A_1207 = arith.addf %add3A_1200, %gather3A_1206 : vector<16xf32>
        %xor3A_1208 = arith.constant 2 : i32
        %xor3A_1209 = vector.broadcast %xor3A_1208 : i32 to vector<16xi32>
        %xor3A_1210 = arith.xori %iota3A, %xor3A_1209 : vector<16xi32>
        %broadcast_in_dim3A_1211 = vector.shape_cast %xor3A_1210 : vector<16xi32> to vector<16x1xi32>
        %gather3A_1212 = vector.shape_cast %broadcast_in_dim3A_1211 : vector<16x1xi32> to vector<16xi32>
        %gather3A_1213 = tpu.dynamic_gather %add3A_1207[%gather3A_1212] in [0] : vector<16xf32>, vector<16xi32> -> vector<16xf32>
        %add3A_1214 = arith.addf %add3A_1207, %gather3A_1213 : vector<16xf32>
        %xor3A_1215 = arith.constant 1 : i32
        %xor3A_1216 = vector.broadcast %xor3A_1215 : i32 to vector<16xi32>
        %xor3A_1217 = arith.xori %iota3A, %xor3A_1216 : vector<16xi32>
        %broadcast_in_dim3A_1218 = vector.shape_cast %xor3A_1217 : vector<16xi32> to vector<16x1xi32>
        %gather3A_1219 = vector.shape_cast %broadcast_in_dim3A_1218 : vector<16x1xi32> to vector<16xi32>
        %gather3A_1220 = tpu.dynamic_gather %add3A_1214[%gather3A_1219] in [0] : vector<16xf32>, vector<16xi32> -> vector<16xf32>
        %add3A_1221 = arith.addf %add3A_1214, %gather3A_1220 : vector<16xf32>
        %eq3A_1222 = arith.constant 14 : i32
        %eq3A_1223 = vector.broadcast %eq3A_1222 : i32 to vector<16xi32>
        %eq3A_1224 = arith.cmpi eq, %iota3A, %eq3A_1223 : vector<16xi32>
        %select_n3A_1225 = arith.select %eq3A_1224, %add3A_1221, %select_n3A_1152 : vector<16xi1>, vector<16xf32>
        %add3A_1226 = arith.constant 15 : i32
        %add3A_1227 = arith.addi %mul3A_134, %add3A_1226 : i32
        %get3A_1228 = arith.index_cast %add3A_1227 : i32 to index
        %get3A_1229 = arith.constant 0 : index
        %get3A_1230 = tpu.vector_load %arg4[%get3A_1228, %get3A_1229] {strides = array<i32>} : memref<400x128xf32, #tpu.memory_space<vmem>>, vector<1x16xf32>,
        %get3A_1231 = vector.shape_cast %get3A_1230 : vector<1x16xf32> to vector<16xf32>
        %get3A_1232 = arith.index_cast %add3A_1227 : i32 to index
        %get3A_1233 = arith.constant 16 : index
        %get3A_1234 = tpu.vector_load %arg4[%get3A_1232, %get3A_1233] {strides = array<i32>} : memref<400x128xf32, #tpu.memory_space<vmem>>, vector<1x16xf32>,
        %get3A_1235 = vector.shape_cast %get3A_1234 : vector<1x16xf32> to vector<16xf32>
        %get3A_1236 = arith.index_cast %add3A_1227 : i32 to index
        %get3A_1237 = arith.constant 32 : index
        %get3A_1238 = tpu.vector_load %arg4[%get3A_1236, %get3A_1237] {strides = array<i32>} : memref<400x128xf32, #tpu.memory_space<vmem>>, vector<1x16xf32>,
        %get3A_1239 = vector.shape_cast %get3A_1238 : vector<1x16xf32> to vector<16xf32>
        %get3A_1240 = arith.index_cast %add3A_1227 : i32 to index
        %get3A_1241 = arith.constant 48 : index
        %get3A_1242 = tpu.vector_load %arg4[%get3A_1240, %get3A_1241] {strides = array<i32>} : memref<400x128xf32, #tpu.memory_space<vmem>>, vector<1x16xf32>,
        %get3A_1243 = vector.shape_cast %get3A_1242 : vector<1x16xf32> to vector<16xf32>
        %get3A_1244 = arith.index_cast %add3A_1227 : i32 to index
        %get3A_1245 = arith.constant 64 : index
        %get3A_1246 = tpu.vector_load %arg4[%get3A_1244, %get3A_1245] {strides = array<i32>} : memref<400x128xf32, #tpu.memory_space<vmem>>, vector<1x16xf32>,
        %get3A_1247 = vector.shape_cast %get3A_1246 : vector<1x16xf32> to vector<16xf32>
        %get3A_1248 = arith.index_cast %add3A_1227 : i32 to index
        %get3A_1249 = arith.constant 80 : index
        %get3A_1250 = tpu.vector_load %arg4[%get3A_1248, %get3A_1249] {strides = array<i32>} : memref<400x128xf32, #tpu.memory_space<vmem>>, vector<1x16xf32>,
        %get3A_1251 = vector.shape_cast %get3A_1250 : vector<1x16xf32> to vector<16xf32>
        %get3A_1252 = arith.index_cast %add3A_1227 : i32 to index
        %get3A_1253 = arith.constant 96 : index
        %get3A_1254 = tpu.vector_load %arg4[%get3A_1252, %get3A_1253] {strides = array<i32>} : memref<400x128xf32, #tpu.memory_space<vmem>>, vector<1x16xf32>,
        %get3A_1255 = vector.shape_cast %get3A_1254 : vector<1x16xf32> to vector<16xf32>
        %get3A_1256 = arith.index_cast %add3A_1227 : i32 to index
        %get3A_1257 = arith.constant 112 : index
        %get3A_1258 = tpu.vector_load %arg4[%get3A_1256, %get3A_1257] {strides = array<i32>} : memref<400x128xf32, #tpu.memory_space<vmem>>, vector<1x16xf32>,
        %get3A_1259 = vector.shape_cast %get3A_1258 : vector<1x16xf32> to vector<16xf32>
        %add3A_1260 = arith.addf %get3A_1231, %get3A_1235 : vector<16xf32>
        %add3A_1261 = arith.addf %get3A_1239, %get3A_1243 : vector<16xf32>
        %add3A_1262 = arith.addf %add3A_1260, %add3A_1261 : vector<16xf32>
        %add3A_1263 = arith.addf %get3A_1247, %get3A_1251 : vector<16xf32>
        %add3A_1264 = arith.addf %get3A_1255, %get3A_1259 : vector<16xf32>
        %add3A_1265 = arith.addf %add3A_1263, %add3A_1264 : vector<16xf32>
        %add3A_1266 = arith.addf %add3A_1262, %add3A_1265 : vector<16xf32>
        %xor3A_1267 = arith.constant 8 : i32
        %xor3A_1268 = vector.broadcast %xor3A_1267 : i32 to vector<16xi32>
        %xor3A_1269 = arith.xori %iota3A, %xor3A_1268 : vector<16xi32>
        %broadcast_in_dim3A_1270 = vector.shape_cast %xor3A_1269 : vector<16xi32> to vector<16x1xi32>
        %gather3A_1271 = vector.shape_cast %broadcast_in_dim3A_1270 : vector<16x1xi32> to vector<16xi32>
        %gather3A_1272 = tpu.dynamic_gather %add3A_1266[%gather3A_1271] in [0] : vector<16xf32>, vector<16xi32> -> vector<16xf32>
        %add3A_1273 = arith.addf %add3A_1266, %gather3A_1272 : vector<16xf32>
        %xor3A_1274 = arith.constant 4 : i32
        %xor3A_1275 = vector.broadcast %xor3A_1274 : i32 to vector<16xi32>
        %xor3A_1276 = arith.xori %iota3A, %xor3A_1275 : vector<16xi32>
        %broadcast_in_dim3A_1277 = vector.shape_cast %xor3A_1276 : vector<16xi32> to vector<16x1xi32>
        %gather3A_1278 = vector.shape_cast %broadcast_in_dim3A_1277 : vector<16x1xi32> to vector<16xi32>
        %gather3A_1279 = tpu.dynamic_gather %add3A_1273[%gather3A_1278] in [0] : vector<16xf32>, vector<16xi32> -> vector<16xf32>
        %add3A_1280 = arith.addf %add3A_1273, %gather3A_1279 : vector<16xf32>
        %xor3A_1281 = arith.constant 2 : i32
        %xor3A_1282 = vector.broadcast %xor3A_1281 : i32 to vector<16xi32>
        %xor3A_1283 = arith.xori %iota3A, %xor3A_1282 : vector<16xi32>
        %broadcast_in_dim3A_1284 = vector.shape_cast %xor3A_1283 : vector<16xi32> to vector<16x1xi32>
        %gather3A_1285 = vector.shape_cast %broadcast_in_dim3A_1284 : vector<16x1xi32> to vector<16xi32>
        %gather3A_1286 = tpu.dynamic_gather %add3A_1280[%gather3A_1285] in [0] : vector<16xf32>, vector<16xi32> -> vector<16xf32>
        %add3A_1287 = arith.addf %add3A_1280, %gather3A_1286 : vector<16xf32>
        %xor3A_1288 = arith.constant 1 : i32
        %xor3A_1289 = vector.broadcast %xor3A_1288 : i32 to vector<16xi32>
        %xor3A_1290 = arith.xori %iota3A, %xor3A_1289 : vector<16xi32>
        %broadcast_in_dim3A_1291 = vector.shape_cast %xor3A_1290 : vector<16xi32> to vector<16x1xi32>
        %gather3A_1292 = vector.shape_cast %broadcast_in_dim3A_1291 : vector<16x1xi32> to vector<16xi32>
        %gather3A_1293 = tpu.dynamic_gather %add3A_1287[%gather3A_1292] in [0] : vector<16xf32>, vector<16xi32> -> vector<16xf32>
        %add3A_1294 = arith.addf %add3A_1287, %gather3A_1293 : vector<16xf32>
        %eq3A_1295 = arith.constant 15 : i32
        %eq3A_1296 = vector.broadcast %eq3A_1295 : i32 to vector<16xi32>
        %eq3A_1297 = arith.cmpi eq, %iota3A, %eq3A_1296 : vector<16xi32>
        %select_n3A_1298 = arith.select %eq3A_1297, %add3A_1294, %select_n3A_1225 : vector<16xi1>, vector<16xf32>
        %mul3A_1299 = arith.constant 7.812500e-03 : f32
        %mul3A_1300 = vector.broadcast %mul3A_1299 : f32 to vector<16xf32>
        %mul3A_1301 = arith.mulf %select_n3A_1298, %mul3A_1300 : vector<16xf32>
        %swap3A = arith.index_cast %mul3A_134 : i32 to index
        %swap3A_1302 = tpu.vector_load %arg6[%swap3A] {strides = array<i32>} : memref<400xf32, #tpu.memory_space<vmem>>, vector<16xf32>,
        %swap3A_1303 = vector.shape_cast %swap3A_1302 : vector<16xf32> to vector<16xf32>
        %swap3A_1304 = vector.shape_cast %mul3A_1301 : vector<16xf32> to vector<16xf32>
        tpu.vector_store %arg6[%swap3A], %swap3A_1304 {strides = array<i32>} : memref<400xf32, #tpu.memory_space<vmem>>, vector<16xf32>,
      }
      %scan3A_81 = arith.constant 25 : i32
      %mul3A_82 = arith.constant 400 : i32
      %mul3A_83 = arith.muli %add3A_66, %mul3A_82 : i32
      %add3A_84 = arith.addi %mul3A_6, %mul3A_83 : i32
      %dma_start3A_85 = tpu.memref_slice %arg3[%add3A_84] : memref<115200xf32, #tpu.memory_space<hbm>> -> memref<400xf32, #tpu.memory_space<hbm>>
      %dma_start3A_86 = tpu.memref_slice %arg3[%add3A_84] : memref<115200xf32, #tpu.memory_space<hbm>> -> memref<400xf32, #tpu.memory_space<hbm>>
      tpu.enqueue_dma source(%arg6 : memref<400xf32, #tpu.memory_space<vmem>>) target(%dma_start3A_86 : memref<400xf32, #tpu.memory_space<hbm>>) target_semaphore(%arg10 : memref<!tpu.dma_semaphore, #tpu.memory_space<semaphore_mem>>)
      %add3A_87 = arith.constant 2 : i32
      %add3A_88 = arith.addi %add3A_66, %add3A_87 : i32
      %min3A = arith.constant 8 : i32
      %min3A_89 = arith.minsi %add3A_88, %min3A : i32
      %mul3A_90 = arith.constant 400 : i32
      %mul3A_91 = arith.muli %min3A_89, %mul3A_90 : i32
      %add3A_92 = arith.addi %add3A_4, %mul3A_91 : i32
      %dma_start3A_93 = arith.constant 0 : i32
      %dma_start3A_94 = tpu.memref_slice %arg2[%add3A_92, %dma_start3A_93] : memref<320000x128xf32, #tpu.memory_space<hbm>> -> memref<400x128xf32, #tpu.memory_space<hbm>>
      %dma_start3A_95 = arith.constant 0 : i32
      %dma_start3A_96 = tpu.memref_slice %arg2[%add3A_92, %dma_start3A_95] : memref<320000x128xf32, #tpu.memory_space<hbm>> -> memref<400x128xf32, #tpu.memory_space<hbm>>
      tpu.enqueue_dma source(%dma_start3A_96 : memref<400x128xf32, #tpu.memory_space<hbm>>) target(%arg4 : memref<400x128xf32, #tpu.memory_space<vmem>>) target_semaphore(%arg8 : memref<!tpu.dma_semaphore, #tpu.memory_space<semaphore_mem>>)
      %mul3A_97 = arith.constant 2 : i32
      %mul3A_98 = arith.muli %scan3A_62, %mul3A_97 : i32
      %add3A_99 = arith.constant 1 : i32
      %add3A_100 = arith.addi %mul3A_98, %add3A_99 : i32
      %dma_wait3A_101 = arith.constant 0 : i32
      %dma_wait3A_102 = arith.constant 0 : i32
      %dma_wait3A_103 = tpu.memref_slice %arg2[%dma_wait3A_101, %dma_wait3A_102] : memref<320000x128xf32, #tpu.memory_space<hbm>> -> memref<400x128xf32, #tpu.memory_space<hbm>>
      %dma_wait3A_104 = arith.constant 0 : i32
      %dma_wait3A_105 = arith.constant 0 : i32
      %dma_wait3A_106 = tpu.memref_slice %arg2[%dma_wait3A_104, %dma_wait3A_105] : memref<320000x128xf32, #tpu.memory_space<hbm>> -> memref<400x128xf32, #tpu.memory_space<hbm>>
      tpu.wait_dma2 semaphore(%arg9 : memref<!tpu.dma_semaphore, #tpu.memory_space<semaphore_mem>>) src(%dma_wait3A_106 : memref<400x128xf32, #tpu.memory_space<hbm>>) dst(%arg5 : memref<400x128xf32, #tpu.memory_space<vmem>>)
      %dma_wait3A_107 = arith.constant 0 : i32
      %dma_wait3A_108 = tpu.memref_slice %arg3[%dma_wait3A_107] : memref<115200xf32, #tpu.memory_space<hbm>> -> memref<400xf32, #tpu.memory_space<hbm>>
      %dma_wait3A_109 = arith.constant 0 : i32
      %dma_wait3A_110 = tpu.memref_slice %arg3[%dma_wait3A_109] : memref<115200xf32, #tpu.memory_space<hbm>> -> memref<400xf32, #tpu.memory_space<hbm>>
      tpu.wait_dma2 semaphore(%arg11 : memref<!tpu.dma_semaphore, #tpu.memory_space<semaphore_mem>>) src(%arg7 : memref<400xf32, #tpu.memory_space<vmem>>) dst(%dma_wait3A_110 : memref<400xf32, #tpu.memory_space<hbm>>)
      %scan3A_111 = arith.constant 0 : i32
      %scan3A_112 = arith.constant 25 : i32
      %scan3A_113 = arith.addi %scan3A_111, %scan3A_112 : i32
      %scan3A_114 = arith.constant 1 : i32
      scf.for %scan3A_132 = %scan3A_111 to %scan3A_113 step %scan3A_114  : i32 {
        %mul3A_133 = arith.constant 16 : i32
        %mul3A_134 = arith.muli %scan3A_132, %mul3A_133 : i32
        %broadcast_in_dim3A = arith.constant 0.000000e+00 : f32
        %broadcast_in_dim3A_135 = vector.broadcast %broadcast_in_dim3A : f32 to vector<16xf32>
        %add3A_136 = arith.constant 0 : i32
        %add3A_137 = arith.addi %mul3A_134, %add3A_136 : i32
        %get3A = arith.index_cast %add3A_137 : i32 to index
        %get3A_138 = arith.constant 0 : index
        %get3A_139 = tpu.vector_load %arg5[%get3A, %get3A_138] {strides = array<i32>} : memref<400x128xf32, #tpu.memory_space<vmem>>, vector<1x16xf32>,
        %get3A_140 = vector.shape_cast %get3A_139 : vector<1x16xf32> to vector<16xf32>
        %get3A_141 = arith.index_cast %add3A_137 : i32 to index
        %get3A_142 = arith.constant 16 : index
        %get3A_143 = tpu.vector_load %arg5[%get3A_141, %get3A_142] {strides = array<i32>} : memref<400x128xf32, #tpu.memory_space<vmem>>, vector<1x16xf32>,
        %get3A_144 = vector.shape_cast %get3A_143 : vector<1x16xf32> to vector<16xf32>
        %get3A_145 = arith.index_cast %add3A_137 : i32 to index
        %get3A_146 = arith.constant 32 : index
        %get3A_147 = tpu.vector_load %arg5[%get3A_145, %get3A_146] {strides = array<i32>} : memref<400x128xf32, #tpu.memory_space<vmem>>, vector<1x16xf32>,
        %get3A_148 = vector.shape_cast %get3A_147 : vector<1x16xf32> to vector<16xf32>
        %get3A_149 = arith.index_cast %add3A_137 : i32 to index
        %get3A_150 = arith.constant 48 : index
        %get3A_151 = tpu.vector_load %arg5[%get3A_149, %get3A_150] {strides = array<i32>} : memref<400x128xf32, #tpu.memory_space<vmem>>, vector<1x16xf32>,
        %get3A_152 = vector.shape_cast %get3A_151 : vector<1x16xf32> to vector<16xf32>
        %get3A_153 = arith.index_cast %add3A_137 : i32 to index
        %get3A_154 = arith.constant 64 : index
        %get3A_155 = tpu.vector_load %arg5[%get3A_153, %get3A_154] {strides = array<i32>} : memref<400x128xf32, #tpu.memory_space<vmem>>, vector<1x16xf32>,
        %get3A_156 = vector.shape_cast %get3A_155 : vector<1x16xf32> to vector<16xf32>
        %get3A_157 = arith.index_cast %add3A_137 : i32 to index
        %get3A_158 = arith.constant 80 : index
        %get3A_159 = tpu.vector_load %arg5[%get3A_157, %get3A_158] {strides = array<i32>} : memref<400x128xf32, #tpu.memory_space<vmem>>, vector<1x16xf32>,
        %get3A_160 = vector.shape_cast %get3A_159 : vector<1x16xf32> to vector<16xf32>
        %get3A_161 = arith.index_cast %add3A_137 : i32 to index
        %get3A_162 = arith.constant 96 : index
        %get3A_163 = tpu.vector_load %arg5[%get3A_161, %get3A_162] {strides = array<i32>} : memref<400x128xf32, #tpu.memory_space<vmem>>, vector<1x16xf32>,
        %get3A_164 = vector.shape_cast %get3A_163 : vector<1x16xf32> to vector<16xf32>
        %get3A_165 = arith.index_cast %add3A_137 : i32 to index
        %get3A_166 = arith.constant 112 : index
        %get3A_167 = tpu.vector_load %arg5[%get3A_165, %get3A_166] {strides = array<i32>} : memref<400x128xf32, #tpu.memory_space<vmem>>, vector<1x16xf32>,
        %get3A_168 = vector.shape_cast %get3A_167 : vector<1x16xf32> to vector<16xf32>
        %add3A_169 = arith.addf %get3A_140, %get3A_144 : vector<16xf32>
        %add3A_170 = arith.addf %get3A_148, %get3A_152 : vector<16xf32>
        %add3A_171 = arith.addf %add3A_169, %add3A_170 : vector<16xf32>
        %add3A_172 = arith.addf %get3A_156, %get3A_160 : vector<16xf32>
        %add3A_173 = arith.addf %get3A_164, %get3A_168 : vector<16xf32>
        %add3A_174 = arith.addf %add3A_172, %add3A_173 : vector<16xf32>
        %add3A_175 = arith.addf %add3A_171, %add3A_174 : vector<16xf32>
        %xor3A = arith.constant 8 : i32
        %xor3A_176 = vector.broadcast %xor3A : i32 to vector<16xi32>
        %xor3A_177 = arith.xori %iota3A, %xor3A_176 : vector<16xi32>
        %broadcast_in_dim3A_178 = vector.shape_cast %xor3A_177 : vector<16xi32> to vector<16x1xi32>
        %gather3A = vector.shape_cast %broadcast_in_dim3A_178 : vector<16x1xi32> to vector<16xi32>
        %gather3A_179 = tpu.dynamic_gather %add3A_175[%gather3A] in [0] : vector<16xf32>, vector<16xi32> -> vector<16xf32>
        %add3A_180 = arith.addf %add3A_175, %gather3A_179 : vector<16xf32>
        %xor3A_181 = arith.constant 4 : i32
        %xor3A_182 = vector.broadcast %xor3A_181 : i32 to vector<16xi32>
        %xor3A_183 = arith.xori %iota3A, %xor3A_182 : vector<16xi32>
        %broadcast_in_dim3A_184 = vector.shape_cast %xor3A_183 : vector<16xi32> to vector<16x1xi32>
        %gather3A_185 = vector.shape_cast %broadcast_in_dim3A_184 : vector<16x1xi32> to vector<16xi32>
        %gather3A_186 = tpu.dynamic_gather %add3A_180[%gather3A_185] in [0] : vector<16xf32>, vector<16xi32> -> vector<16xf32>
        %add3A_187 = arith.addf %add3A_180, %gather3A_186 : vector<16xf32>
        %xor3A_188 = arith.constant 2 : i32
        %xor3A_189 = vector.broadcast %xor3A_188 : i32 to vector<16xi32>
        %xor3A_190 = arith.xori %iota3A, %xor3A_189 : vector<16xi32>
        %broadcast_in_dim3A_191 = vector.shape_cast %xor3A_190 : vector<16xi32> to vector<16x1xi32>
        %gather3A_192 = vector.shape_cast %broadcast_in_dim3A_191 : vector<16x1xi32> to vector<16xi32>
        %gather3A_193 = tpu.dynamic_gather %add3A_187[%gather3A_192] in [0] : vector<16xf32>, vector<16xi32> -> vector<16xf32>
        %add3A_194 = arith.addf %add3A_187, %gather3A_193 : vector<16xf32>
        %xor3A_195 = arith.constant 1 : i32
        %xor3A_196 = vector.broadcast %xor3A_195 : i32 to vector<16xi32>
        %xor3A_197 = arith.xori %iota3A, %xor3A_196 : vector<16xi32>
        %broadcast_in_dim3A_198 = vector.shape_cast %xor3A_197 : vector<16xi32> to vector<16x1xi32>
        %gather3A_199 = vector.shape_cast %broadcast_in_dim3A_198 : vector<16x1xi32> to vector<16xi32>
        %gather3A_200 = tpu.dynamic_gather %add3A_194[%gather3A_199] in [0] : vector<16xf32>, vector<16xi32> -> vector<16xf32>
        %add3A_201 = arith.addf %add3A_194, %gather3A_200 : vector<16xf32>
        %eq3A = arith.constant 0 : i32
        %eq3A_202 = vector.broadcast %eq3A : i32 to vector<16xi32>
        %eq3A_203 = arith.cmpi eq, %iota3A, %eq3A_202 : vector<16xi32>
        %select_n3A = arith.select %eq3A_203, %add3A_201, %broadcast_in_dim3A_135 : vector<16xi1>, vector<16xf32>
        %add3A_204 = arith.constant 1 : i32
        %add3A_205 = arith.addi %mul3A_134, %add3A_204 : i32
        %get3A_206 = arith.index_cast %add3A_205 : i32 to index
        %get3A_207 = arith.constant 0 : index
        %get3A_208 = tpu.vector_load %arg5[%get3A_206, %get3A_207] {strides = array<i32>} : memref<400x128xf32, #tpu.memory_space<vmem>>, vector<1x16xf32>,
        %get3A_209 = vector.shape_cast %get3A_208 : vector<1x16xf32> to vector<16xf32>
        %get3A_210 = arith.index_cast %add3A_205 : i32 to index
        %get3A_211 = arith.constant 16 : index
        %get3A_212 = tpu.vector_load %arg5[%get3A_210, %get3A_211] {strides = array<i32>} : memref<400x128xf32, #tpu.memory_space<vmem>>, vector<1x16xf32>,
        %get3A_213 = vector.shape_cast %get3A_212 : vector<1x16xf32> to vector<16xf32>
        %get3A_214 = arith.index_cast %add3A_205 : i32 to index
        %get3A_215 = arith.constant 32 : index
        %get3A_216 = tpu.vector_load %arg5[%get3A_214, %get3A_215] {strides = array<i32>} : memref<400x128xf32, #tpu.memory_space<vmem>>, vector<1x16xf32>,
        %get3A_217 = vector.shape_cast %get3A_216 : vector<1x16xf32> to vector<16xf32>
        %get3A_218 = arith.index_cast %add3A_205 : i32 to index
        %get3A_219 = arith.constant 48 : index
        %get3A_220 = tpu.vector_load %arg5[%get3A_218, %get3A_219] {strides = array<i32>} : memref<400x128xf32, #tpu.memory_space<vmem>>, vector<1x16xf32>,
        %get3A_221 = vector.shape_cast %get3A_220 : vector<1x16xf32> to vector<16xf32>
        %get3A_222 = arith.index_cast %add3A_205 : i32 to index
        %get3A_223 = arith.constant 64 : index
        %get3A_224 = tpu.vector_load %arg5[%get3A_222, %get3A_223] {strides = array<i32>} : memref<400x128xf32, #tpu.memory_space<vmem>>, vector<1x16xf32>,
        %get3A_225 = vector.shape_cast %get3A_224 : vector<1x16xf32> to vector<16xf32>
        %get3A_226 = arith.index_cast %add3A_205 : i32 to index
        %get3A_227 = arith.constant 80 : index
        %get3A_228 = tpu.vector_load %arg5[%get3A_226, %get3A_227] {strides = array<i32>} : memref<400x128xf32, #tpu.memory_space<vmem>>, vector<1x16xf32>,
        %get3A_229 = vector.shape_cast %get3A_228 : vector<1x16xf32> to vector<16xf32>
        %get3A_230 = arith.index_cast %add3A_205 : i32 to index
        %get3A_231 = arith.constant 96 : index
        %get3A_232 = tpu.vector_load %arg5[%get3A_230, %get3A_231] {strides = array<i32>} : memref<400x128xf32, #tpu.memory_space<vmem>>, vector<1x16xf32>,
        %get3A_233 = vector.shape_cast %get3A_232 : vector<1x16xf32> to vector<16xf32>
        %get3A_234 = arith.index_cast %add3A_205 : i32 to index
        %get3A_235 = arith.constant 112 : index
        %get3A_236 = tpu.vector_load %arg5[%get3A_234, %get3A_235] {strides = array<i32>} : memref<400x128xf32, #tpu.memory_space<vmem>>, vector<1x16xf32>,
        %get3A_237 = vector.shape_cast %get3A_236 : vector<1x16xf32> to vector<16xf32>
        %add3A_238 = arith.addf %get3A_209, %get3A_213 : vector<16xf32>
        %add3A_239 = arith.addf %get3A_217, %get3A_221 : vector<16xf32>
        %add3A_240 = arith.addf %add3A_238, %add3A_239 : vector<16xf32>
        %add3A_241 = arith.addf %get3A_225, %get3A_229 : vector<16xf32>
        %add3A_242 = arith.addf %get3A_233, %get3A_237 : vector<16xf32>
        %add3A_243 = arith.addf %add3A_241, %add3A_242 : vector<16xf32>
        %add3A_244 = arith.addf %add3A_240, %add3A_243 : vector<16xf32>
        %xor3A_245 = arith.constant 8 : i32
        %xor3A_246 = vector.broadcast %xor3A_245 : i32 to vector<16xi32>
        %xor3A_247 = arith.xori %iota3A, %xor3A_246 : vector<16xi32>
        %broadcast_in_dim3A_248 = vector.shape_cast %xor3A_247 : vector<16xi32> to vector<16x1xi32>
        %gather3A_249 = vector.shape_cast %broadcast_in_dim3A_248 : vector<16x1xi32> to vector<16xi32>
        %gather3A_250 = tpu.dynamic_gather %add3A_244[%gather3A_249] in [0] : vector<16xf32>, vector<16xi32> -> vector<16xf32>
        %add3A_251 = arith.addf %add3A_244, %gather3A_250 : vector<16xf32>
        %xor3A_252 = arith.constant 4 : i32
        %xor3A_253 = vector.broadcast %xor3A_252 : i32 to vector<16xi32>
        %xor3A_254 = arith.xori %iota3A, %xor3A_253 : vector<16xi32>
        %broadcast_in_dim3A_255 = vector.shape_cast %xor3A_254 : vector<16xi32> to vector<16x1xi32>
        %gather3A_256 = vector.shape_cast %broadcast_in_dim3A_255 : vector<16x1xi32> to vector<16xi32>
        %gather3A_257 = tpu.dynamic_gather %add3A_251[%gather3A_256] in [0] : vector<16xf32>, vector<16xi32> -> vector<16xf32>
        %add3A_258 = arith.addf %add3A_251, %gather3A_257 : vector<16xf32>
        %xor3A_259 = arith.constant 2 : i32
        %xor3A_260 = vector.broadcast %xor3A_259 : i32 to vector<16xi32>
        %xor3A_261 = arith.xori %iota3A, %xor3A_260 : vector<16xi32>
        %broadcast_in_dim3A_262 = vector.shape_cast %xor3A_261 : vector<16xi32> to vector<16x1xi32>
        %gather3A_263 = vector.shape_cast %broadcast_in_dim3A_262 : vector<16x1xi32> to vector<16xi32>
        %gather3A_264 = tpu.dynamic_gather %add3A_258[%gather3A_263] in [0] : vector<16xf32>, vector<16xi32> -> vector<16xf32>
        %add3A_265 = arith.addf %add3A_258, %gather3A_264 : vector<16xf32>
        %xor3A_266 = arith.constant 1 : i32
        %xor3A_267 = vector.broadcast %xor3A_266 : i32 to vector<16xi32>
        %xor3A_268 = arith.xori %iota3A, %xor3A_267 : vector<16xi32>
        %broadcast_in_dim3A_269 = vector.shape_cast %xor3A_268 : vector<16xi32> to vector<16x1xi32>
        %gather3A_270 = vector.shape_cast %broadcast_in_dim3A_269 : vector<16x1xi32> to vector<16xi32>
        %gather3A_271 = tpu.dynamic_gather %add3A_265[%gather3A_270] in [0] : vector<16xf32>, vector<16xi32> -> vector<16xf32>
        %add3A_272 = arith.addf %add3A_265, %gather3A_271 : vector<16xf32>
        %eq3A_273 = arith.constant 1 : i32
        %eq3A_274 = vector.broadcast %eq3A_273 : i32 to vector<16xi32>
        %eq3A_275 = arith.cmpi eq, %iota3A, %eq3A_274 : vector<16xi32>
        %select_n3A_276 = arith.select %eq3A_275, %add3A_272, %select_n3A : vector<16xi1>, vector<16xf32>
        %add3A_277 = arith.constant 2 : i32
        %add3A_278 = arith.addi %mul3A_134, %add3A_277 : i32
        %get3A_279 = arith.index_cast %add3A_278 : i32 to index
        %get3A_280 = arith.constant 0 : index
        %get3A_281 = tpu.vector_load %arg5[%get3A_279, %get3A_280] {strides = array<i32>} : memref<400x128xf32, #tpu.memory_space<vmem>>, vector<1x16xf32>,
        %get3A_282 = vector.shape_cast %get3A_281 : vector<1x16xf32> to vector<16xf32>
        %get3A_283 = arith.index_cast %add3A_278 : i32 to index
        %get3A_284 = arith.constant 16 : index
        %get3A_285 = tpu.vector_load %arg5[%get3A_283, %get3A_284] {strides = array<i32>} : memref<400x128xf32, #tpu.memory_space<vmem>>, vector<1x16xf32>,
        %get3A_286 = vector.shape_cast %get3A_285 : vector<1x16xf32> to vector<16xf32>
        %get3A_287 = arith.index_cast %add3A_278 : i32 to index
        %get3A_288 = arith.constant 32 : index
        %get3A_289 = tpu.vector_load %arg5[%get3A_287, %get3A_288] {strides = array<i32>} : memref<400x128xf32, #tpu.memory_space<vmem>>, vector<1x16xf32>,
        %get3A_290 = vector.shape_cast %get3A_289 : vector<1x16xf32> to vector<16xf32>
        %get3A_291 = arith.index_cast %add3A_278 : i32 to index
        %get3A_292 = arith.constant 48 : index
        %get3A_293 = tpu.vector_load %arg5[%get3A_291, %get3A_292] {strides = array<i32>} : memref<400x128xf32, #tpu.memory_space<vmem>>, vector<1x16xf32>,
        %get3A_294 = vector.shape_cast %get3A_293 : vector<1x16xf32> to vector<16xf32>
        %get3A_295 = arith.index_cast %add3A_278 : i32 to index
        %get3A_296 = arith.constant 64 : index
        %get3A_297 = tpu.vector_load %arg5[%get3A_295, %get3A_296] {strides = array<i32>} : memref<400x128xf32, #tpu.memory_space<vmem>>, vector<1x16xf32>,
        %get3A_298 = vector.shape_cast %get3A_297 : vector<1x16xf32> to vector<16xf32>
        %get3A_299 = arith.index_cast %add3A_278 : i32 to index
        %get3A_300 = arith.constant 80 : index
        %get3A_301 = tpu.vector_load %arg5[%get3A_299, %get3A_300] {strides = array<i32>} : memref<400x128xf32, #tpu.memory_space<vmem>>, vector<1x16xf32>,
        %get3A_302 = vector.shape_cast %get3A_301 : vector<1x16xf32> to vector<16xf32>
        %get3A_303 = arith.index_cast %add3A_278 : i32 to index
        %get3A_304 = arith.constant 96 : index
        %get3A_305 = tpu.vector_load %arg5[%get3A_303, %get3A_304] {strides = array<i32>} : memref<400x128xf32, #tpu.memory_space<vmem>>, vector<1x16xf32>,
        %get3A_306 = vector.shape_cast %get3A_305 : vector<1x16xf32> to vector<16xf32>
        %get3A_307 = arith.index_cast %add3A_278 : i32 to index
        %get3A_308 = arith.constant 112 : index
        %get3A_309 = tpu.vector_load %arg5[%get3A_307, %get3A_308] {strides = array<i32>} : memref<400x128xf32, #tpu.memory_space<vmem>>, vector<1x16xf32>,
        %get3A_310 = vector.shape_cast %get3A_309 : vector<1x16xf32> to vector<16xf32>
        %add3A_311 = arith.addf %get3A_282, %get3A_286 : vector<16xf32>
        %add3A_312 = arith.addf %get3A_290, %get3A_294 : vector<16xf32>
        %add3A_313 = arith.addf %add3A_311, %add3A_312 : vector<16xf32>
        %add3A_314 = arith.addf %get3A_298, %get3A_302 : vector<16xf32>
        %add3A_315 = arith.addf %get3A_306, %get3A_310 : vector<16xf32>
        %add3A_316 = arith.addf %add3A_314, %add3A_315 : vector<16xf32>
        %add3A_317 = arith.addf %add3A_313, %add3A_316 : vector<16xf32>
        %xor3A_318 = arith.constant 8 : i32
        %xor3A_319 = vector.broadcast %xor3A_318 : i32 to vector<16xi32>
        %xor3A_320 = arith.xori %iota3A, %xor3A_319 : vector<16xi32>
        %broadcast_in_dim3A_321 = vector.shape_cast %xor3A_320 : vector<16xi32> to vector<16x1xi32>
        %gather3A_322 = vector.shape_cast %broadcast_in_dim3A_321 : vector<16x1xi32> to vector<16xi32>
        %gather3A_323 = tpu.dynamic_gather %add3A_317[%gather3A_322] in [0] : vector<16xf32>, vector<16xi32> -> vector<16xf32>
        %add3A_324 = arith.addf %add3A_317, %gather3A_323 : vector<16xf32>
        %xor3A_325 = arith.constant 4 : i32
        %xor3A_326 = vector.broadcast %xor3A_325 : i32 to vector<16xi32>
        %xor3A_327 = arith.xori %iota3A, %xor3A_326 : vector<16xi32>
        %broadcast_in_dim3A_328 = vector.shape_cast %xor3A_327 : vector<16xi32> to vector<16x1xi32>
        %gather3A_329 = vector.shape_cast %broadcast_in_dim3A_328 : vector<16x1xi32> to vector<16xi32>
        %gather3A_330 = tpu.dynamic_gather %add3A_324[%gather3A_329] in [0] : vector<16xf32>, vector<16xi32> -> vector<16xf32>
        %add3A_331 = arith.addf %add3A_324, %gather3A_330 : vector<16xf32>
        %xor3A_332 = arith.constant 2 : i32
        %xor3A_333 = vector.broadcast %xor3A_332 : i32 to vector<16xi32>
        %xor3A_334 = arith.xori %iota3A, %xor3A_333 : vector<16xi32>
        %broadcast_in_dim3A_335 = vector.shape_cast %xor3A_334 : vector<16xi32> to vector<16x1xi32>
        %gather3A_336 = vector.shape_cast %broadcast_in_dim3A_335 : vector<16x1xi32> to vector<16xi32>
        %gather3A_337 = tpu.dynamic_gather %add3A_331[%gather3A_336] in [0] : vector<16xf32>, vector<16xi32> -> vector<16xf32>
        %add3A_338 = arith.addf %add3A_331, %gather3A_337 : vector<16xf32>
        %xor3A_339 = arith.constant 1 : i32
        %xor3A_340 = vector.broadcast %xor3A_339 : i32 to vector<16xi32>
        %xor3A_341 = arith.xori %iota3A, %xor3A_340 : vector<16xi32>
        %broadcast_in_dim3A_342 = vector.shape_cast %xor3A_341 : vector<16xi32> to vector<16x1xi32>
        %gather3A_343 = vector.shape_cast %broadcast_in_dim3A_342 : vector<16x1xi32> to vector<16xi32>
        %gather3A_344 = tpu.dynamic_gather %add3A_338[%gather3A_343] in [0] : vector<16xf32>, vector<16xi32> -> vector<16xf32>
        %add3A_345 = arith.addf %add3A_338, %gather3A_344 : vector<16xf32>
        %eq3A_346 = arith.constant 2 : i32
        %eq3A_347 = vector.broadcast %eq3A_346 : i32 to vector<16xi32>
        %eq3A_348 = arith.cmpi eq, %iota3A, %eq3A_347 : vector<16xi32>
        %select_n3A_349 = arith.select %eq3A_348, %add3A_345, %select_n3A_276 : vector<16xi1>, vector<16xf32>
        %add3A_350 = arith.constant 3 : i32
        %add3A_351 = arith.addi %mul3A_134, %add3A_350 : i32
        %get3A_352 = arith.index_cast %add3A_351 : i32 to index
        %get3A_353 = arith.constant 0 : index
        %get3A_354 = tpu.vector_load %arg5[%get3A_352, %get3A_353] {strides = array<i32>} : memref<400x128xf32, #tpu.memory_space<vmem>>, vector<1x16xf32>,
        %get3A_355 = vector.shape_cast %get3A_354 : vector<1x16xf32> to vector<16xf32>
        %get3A_356 = arith.index_cast %add3A_351 : i32 to index
        %get3A_357 = arith.constant 16 : index
        %get3A_358 = tpu.vector_load %arg5[%get3A_356, %get3A_357] {strides = array<i32>} : memref<400x128xf32, #tpu.memory_space<vmem>>, vector<1x16xf32>,
        %get3A_359 = vector.shape_cast %get3A_358 : vector<1x16xf32> to vector<16xf32>
        %get3A_360 = arith.index_cast %add3A_351 : i32 to index
        %get3A_361 = arith.constant 32 : index
        %get3A_362 = tpu.vector_load %arg5[%get3A_360, %get3A_361] {strides = array<i32>} : memref<400x128xf32, #tpu.memory_space<vmem>>, vector<1x16xf32>,
        %get3A_363 = vector.shape_cast %get3A_362 : vector<1x16xf32> to vector<16xf32>
        %get3A_364 = arith.index_cast %add3A_351 : i32 to index
        %get3A_365 = arith.constant 48 : index
        %get3A_366 = tpu.vector_load %arg5[%get3A_364, %get3A_365] {strides = array<i32>} : memref<400x128xf32, #tpu.memory_space<vmem>>, vector<1x16xf32>,
        %get3A_367 = vector.shape_cast %get3A_366 : vector<1x16xf32> to vector<16xf32>
        %get3A_368 = arith.index_cast %add3A_351 : i32 to index
        %get3A_369 = arith.constant 64 : index
        %get3A_370 = tpu.vector_load %arg5[%get3A_368, %get3A_369] {strides = array<i32>} : memref<400x128xf32, #tpu.memory_space<vmem>>, vector<1x16xf32>,
        %get3A_371 = vector.shape_cast %get3A_370 : vector<1x16xf32> to vector<16xf32>
        %get3A_372 = arith.index_cast %add3A_351 : i32 to index
        %get3A_373 = arith.constant 80 : index
        %get3A_374 = tpu.vector_load %arg5[%get3A_372, %get3A_373] {strides = array<i32>} : memref<400x128xf32, #tpu.memory_space<vmem>>, vector<1x16xf32>,
        %get3A_375 = vector.shape_cast %get3A_374 : vector<1x16xf32> to vector<16xf32>
        %get3A_376 = arith.index_cast %add3A_351 : i32 to index
        %get3A_377 = arith.constant 96 : index
        %get3A_378 = tpu.vector_load %arg5[%get3A_376, %get3A_377] {strides = array<i32>} : memref<400x128xf32, #tpu.memory_space<vmem>>, vector<1x16xf32>,
        %get3A_379 = vector.shape_cast %get3A_378 : vector<1x16xf32> to vector<16xf32>
        %get3A_380 = arith.index_cast %add3A_351 : i32 to index
        %get3A_381 = arith.constant 112 : index
        %get3A_382 = tpu.vector_load %arg5[%get3A_380, %get3A_381] {strides = array<i32>} : memref<400x128xf32, #tpu.memory_space<vmem>>, vector<1x16xf32>,
        %get3A_383 = vector.shape_cast %get3A_382 : vector<1x16xf32> to vector<16xf32>
        %add3A_384 = arith.addf %get3A_355, %get3A_359 : vector<16xf32>
        %add3A_385 = arith.addf %get3A_363, %get3A_367 : vector<16xf32>
        %add3A_386 = arith.addf %add3A_384, %add3A_385 : vector<16xf32>
        %add3A_387 = arith.addf %get3A_371, %get3A_375 : vector<16xf32>
        %add3A_388 = arith.addf %get3A_379, %get3A_383 : vector<16xf32>
        %add3A_389 = arith.addf %add3A_387, %add3A_388 : vector<16xf32>
        %add3A_390 = arith.addf %add3A_386, %add3A_389 : vector<16xf32>
        %xor3A_391 = arith.constant 8 : i32
        %xor3A_392 = vector.broadcast %xor3A_391 : i32 to vector<16xi32>
        %xor3A_393 = arith.xori %iota3A, %xor3A_392 : vector<16xi32>
        %broadcast_in_dim3A_394 = vector.shape_cast %xor3A_393 : vector<16xi32> to vector<16x1xi32>
        %gather3A_395 = vector.shape_cast %broadcast_in_dim3A_394 : vector<16x1xi32> to vector<16xi32>
        %gather3A_396 = tpu.dynamic_gather %add3A_390[%gather3A_395] in [0] : vector<16xf32>, vector<16xi32> -> vector<16xf32>
        %add3A_397 = arith.addf %add3A_390, %gather3A_396 : vector<16xf32>
        %xor3A_398 = arith.constant 4 : i32
        %xor3A_399 = vector.broadcast %xor3A_398 : i32 to vector<16xi32>
        %xor3A_400 = arith.xori %iota3A, %xor3A_399 : vector<16xi32>
        %broadcast_in_dim3A_401 = vector.shape_cast %xor3A_400 : vector<16xi32> to vector<16x1xi32>
        %gather3A_402 = vector.shape_cast %broadcast_in_dim3A_401 : vector<16x1xi32> to vector<16xi32>
        %gather3A_403 = tpu.dynamic_gather %add3A_397[%gather3A_402] in [0] : vector<16xf32>, vector<16xi32> -> vector<16xf32>
        %add3A_404 = arith.addf %add3A_397, %gather3A_403 : vector<16xf32>
        %xor3A_405 = arith.constant 2 : i32
        %xor3A_406 = vector.broadcast %xor3A_405 : i32 to vector<16xi32>
        %xor3A_407 = arith.xori %iota3A, %xor3A_406 : vector<16xi32>
        %broadcast_in_dim3A_408 = vector.shape_cast %xor3A_407 : vector<16xi32> to vector<16x1xi32>
        %gather3A_409 = vector.shape_cast %broadcast_in_dim3A_408 : vector<16x1xi32> to vector<16xi32>
        %gather3A_410 = tpu.dynamic_gather %add3A_404[%gather3A_409] in [0] : vector<16xf32>, vector<16xi32> -> vector<16xf32>
        %add3A_411 = arith.addf %add3A_404, %gather3A_410 : vector<16xf32>
        %xor3A_412 = arith.constant 1 : i32
        %xor3A_413 = vector.broadcast %xor3A_412 : i32 to vector<16xi32>
        %xor3A_414 = arith.xori %iota3A, %xor3A_413 : vector<16xi32>
        %broadcast_in_dim3A_415 = vector.shape_cast %xor3A_414 : vector<16xi32> to vector<16x1xi32>
        %gather3A_416 = vector.shape_cast %broadcast_in_dim3A_415 : vector<16x1xi32> to vector<16xi32>
        %gather3A_417 = tpu.dynamic_gather %add3A_411[%gather3A_416] in [0] : vector<16xf32>, vector<16xi32> -> vector<16xf32>
        %add3A_418 = arith.addf %add3A_411, %gather3A_417 : vector<16xf32>
        %eq3A_419 = arith.constant 3 : i32
        %eq3A_420 = vector.broadcast %eq3A_419 : i32 to vector<16xi32>
        %eq3A_421 = arith.cmpi eq, %iota3A, %eq3A_420 : vector<16xi32>
        %select_n3A_422 = arith.select %eq3A_421, %add3A_418, %select_n3A_349 : vector<16xi1>, vector<16xf32>
        %add3A_423 = arith.constant 4 : i32
        %add3A_424 = arith.addi %mul3A_134, %add3A_423 : i32
        %get3A_425 = arith.index_cast %add3A_424 : i32 to index
        %get3A_426 = arith.constant 0 : index
        %get3A_427 = tpu.vector_load %arg5[%get3A_425, %get3A_426] {strides = array<i32>} : memref<400x128xf32, #tpu.memory_space<vmem>>, vector<1x16xf32>,
        %get3A_428 = vector.shape_cast %get3A_427 : vector<1x16xf32> to vector<16xf32>
        %get3A_429 = arith.index_cast %add3A_424 : i32 to index
        %get3A_430 = arith.constant 16 : index
        %get3A_431 = tpu.vector_load %arg5[%get3A_429, %get3A_430] {strides = array<i32>} : memref<400x128xf32, #tpu.memory_space<vmem>>, vector<1x16xf32>,
        %get3A_432 = vector.shape_cast %get3A_431 : vector<1x16xf32> to vector<16xf32>
        %get3A_433 = arith.index_cast %add3A_424 : i32 to index
        %get3A_434 = arith.constant 32 : index
        %get3A_435 = tpu.vector_load %arg5[%get3A_433, %get3A_434] {strides = array<i32>} : memref<400x128xf32, #tpu.memory_space<vmem>>, vector<1x16xf32>,
        %get3A_436 = vector.shape_cast %get3A_435 : vector<1x16xf32> to vector<16xf32>
        %get3A_437 = arith.index_cast %add3A_424 : i32 to index
        %get3A_438 = arith.constant 48 : index
        %get3A_439 = tpu.vector_load %arg5[%get3A_437, %get3A_438] {strides = array<i32>} : memref<400x128xf32, #tpu.memory_space<vmem>>, vector<1x16xf32>,
        %get3A_440 = vector.shape_cast %get3A_439 : vector<1x16xf32> to vector<16xf32>
        %get3A_441 = arith.index_cast %add3A_424 : i32 to index
        %get3A_442 = arith.constant 64 : index
        %get3A_443 = tpu.vector_load %arg5[%get3A_441, %get3A_442] {strides = array<i32>} : memref<400x128xf32, #tpu.memory_space<vmem>>, vector<1x16xf32>,
        %get3A_444 = vector.shape_cast %get3A_443 : vector<1x16xf32> to vector<16xf32>
        %get3A_445 = arith.index_cast %add3A_424 : i32 to index
        %get3A_446 = arith.constant 80 : index
        %get3A_447 = tpu.vector_load %arg5[%get3A_445, %get3A_446] {strides = array<i32>} : memref<400x128xf32, #tpu.memory_space<vmem>>, vector<1x16xf32>,
        %get3A_448 = vector.shape_cast %get3A_447 : vector<1x16xf32> to vector<16xf32>
        %get3A_449 = arith.index_cast %add3A_424 : i32 to index
        %get3A_450 = arith.constant 96 : index
        %get3A_451 = tpu.vector_load %arg5[%get3A_449, %get3A_450] {strides = array<i32>} : memref<400x128xf32, #tpu.memory_space<vmem>>, vector<1x16xf32>,
        %get3A_452 = vector.shape_cast %get3A_451 : vector<1x16xf32> to vector<16xf32>
        %get3A_453 = arith.index_cast %add3A_424 : i32 to index
        %get3A_454 = arith.constant 112 : index
        %get3A_455 = tpu.vector_load %arg5[%get3A_453, %get3A_454] {strides = array<i32>} : memref<400x128xf32, #tpu.memory_space<vmem>>, vector<1x16xf32>,
        %get3A_456 = vector.shape_cast %get3A_455 : vector<1x16xf32> to vector<16xf32>
        %add3A_457 = arith.addf %get3A_428, %get3A_432 : vector<16xf32>
        %add3A_458 = arith.addf %get3A_436, %get3A_440 : vector<16xf32>
        %add3A_459 = arith.addf %add3A_457, %add3A_458 : vector<16xf32>
        %add3A_460 = arith.addf %get3A_444, %get3A_448 : vector<16xf32>
        %add3A_461 = arith.addf %get3A_452, %get3A_456 : vector<16xf32>
        %add3A_462 = arith.addf %add3A_460, %add3A_461 : vector<16xf32>
        %add3A_463 = arith.addf %add3A_459, %add3A_462 : vector<16xf32>
        %xor3A_464 = arith.constant 8 : i32
        %xor3A_465 = vector.broadcast %xor3A_464 : i32 to vector<16xi32>
        %xor3A_466 = arith.xori %iota3A, %xor3A_465 : vector<16xi32>
        %broadcast_in_dim3A_467 = vector.shape_cast %xor3A_466 : vector<16xi32> to vector<16x1xi32>
        %gather3A_468 = vector.shape_cast %broadcast_in_dim3A_467 : vector<16x1xi32> to vector<16xi32>
        %gather3A_469 = tpu.dynamic_gather %add3A_463[%gather3A_468] in [0] : vector<16xf32>, vector<16xi32> -> vector<16xf32>
        %add3A_470 = arith.addf %add3A_463, %gather3A_469 : vector<16xf32>
        %xor3A_471 = arith.constant 4 : i32
        %xor3A_472 = vector.broadcast %xor3A_471 : i32 to vector<16xi32>
        %xor3A_473 = arith.xori %iota3A, %xor3A_472 : vector<16xi32>
        %broadcast_in_dim3A_474 = vector.shape_cast %xor3A_473 : vector<16xi32> to vector<16x1xi32>
        %gather3A_475 = vector.shape_cast %broadcast_in_dim3A_474 : vector<16x1xi32> to vector<16xi32>
        %gather3A_476 = tpu.dynamic_gather %add3A_470[%gather3A_475] in [0] : vector<16xf32>, vector<16xi32> -> vector<16xf32>
        %add3A_477 = arith.addf %add3A_470, %gather3A_476 : vector<16xf32>
        %xor3A_478 = arith.constant 2 : i32
        %xor3A_479 = vector.broadcast %xor3A_478 : i32 to vector<16xi32>
        %xor3A_480 = arith.xori %iota3A, %xor3A_479 : vector<16xi32>
        %broadcast_in_dim3A_481 = vector.shape_cast %xor3A_480 : vector<16xi32> to vector<16x1xi32>
        %gather3A_482 = vector.shape_cast %broadcast_in_dim3A_481 : vector<16x1xi32> to vector<16xi32>
        %gather3A_483 = tpu.dynamic_gather %add3A_477[%gather3A_482] in [0] : vector<16xf32>, vector<16xi32> -> vector<16xf32>
        %add3A_484 = arith.addf %add3A_477, %gather3A_483 : vector<16xf32>
        %xor3A_485 = arith.constant 1 : i32
        %xor3A_486 = vector.broadcast %xor3A_485 : i32 to vector<16xi32>
        %xor3A_487 = arith.xori %iota3A, %xor3A_486 : vector<16xi32>
        %broadcast_in_dim3A_488 = vector.shape_cast %xor3A_487 : vector<16xi32> to vector<16x1xi32>
        %gather3A_489 = vector.shape_cast %broadcast_in_dim3A_488 : vector<16x1xi32> to vector<16xi32>
        %gather3A_490 = tpu.dynamic_gather %add3A_484[%gather3A_489] in [0] : vector<16xf32>, vector<16xi32> -> vector<16xf32>
        %add3A_491 = arith.addf %add3A_484, %gather3A_490 : vector<16xf32>
        %eq3A_492 = arith.constant 4 : i32
        %eq3A_493 = vector.broadcast %eq3A_492 : i32 to vector<16xi32>
        %eq3A_494 = arith.cmpi eq, %iota3A, %eq3A_493 : vector<16xi32>
        %select_n3A_495 = arith.select %eq3A_494, %add3A_491, %select_n3A_422 : vector<16xi1>, vector<16xf32>
        %add3A_496 = arith.constant 5 : i32
        %add3A_497 = arith.addi %mul3A_134, %add3A_496 : i32
        %get3A_498 = arith.index_cast %add3A_497 : i32 to index
        %get3A_499 = arith.constant 0 : index
        %get3A_500 = tpu.vector_load %arg5[%get3A_498, %get3A_499] {strides = array<i32>} : memref<400x128xf32, #tpu.memory_space<vmem>>, vector<1x16xf32>,
        %get3A_501 = vector.shape_cast %get3A_500 : vector<1x16xf32> to vector<16xf32>
        %get3A_502 = arith.index_cast %add3A_497 : i32 to index
        %get3A_503 = arith.constant 16 : index
        %get3A_504 = tpu.vector_load %arg5[%get3A_502, %get3A_503] {strides = array<i32>} : memref<400x128xf32, #tpu.memory_space<vmem>>, vector<1x16xf32>,
        %get3A_505 = vector.shape_cast %get3A_504 : vector<1x16xf32> to vector<16xf32>
        %get3A_506 = arith.index_cast %add3A_497 : i32 to index
        %get3A_507 = arith.constant 32 : index
        %get3A_508 = tpu.vector_load %arg5[%get3A_506, %get3A_507] {strides = array<i32>} : memref<400x128xf32, #tpu.memory_space<vmem>>, vector<1x16xf32>,
        %get3A_509 = vector.shape_cast %get3A_508 : vector<1x16xf32> to vector<16xf32>
        %get3A_510 = arith.index_cast %add3A_497 : i32 to index
        %get3A_511 = arith.constant 48 : index
        %get3A_512 = tpu.vector_load %arg5[%get3A_510, %get3A_511] {strides = array<i32>} : memref<400x128xf32, #tpu.memory_space<vmem>>, vector<1x16xf32>,
        %get3A_513 = vector.shape_cast %get3A_512 : vector<1x16xf32> to vector<16xf32>
        %get3A_514 = arith.index_cast %add3A_497 : i32 to index
        %get3A_515 = arith.constant 64 : index
        %get3A_516 = tpu.vector_load %arg5[%get3A_514, %get3A_515] {strides = array<i32>} : memref<400x128xf32, #tpu.memory_space<vmem>>, vector<1x16xf32>,
        %get3A_517 = vector.shape_cast %get3A_516 : vector<1x16xf32> to vector<16xf32>
        %get3A_518 = arith.index_cast %add3A_497 : i32 to index
        %get3A_519 = arith.constant 80 : index
        %get3A_520 = tpu.vector_load %arg5[%get3A_518, %get3A_519] {strides = array<i32>} : memref<400x128xf32, #tpu.memory_space<vmem>>, vector<1x16xf32>,
        %get3A_521 = vector.shape_cast %get3A_520 : vector<1x16xf32> to vector<16xf32>
        %get3A_522 = arith.index_cast %add3A_497 : i32 to index
        %get3A_523 = arith.constant 96 : index
        %get3A_524 = tpu.vector_load %arg5[%get3A_522, %get3A_523] {strides = array<i32>} : memref<400x128xf32, #tpu.memory_space<vmem>>, vector<1x16xf32>,
        %get3A_525 = vector.shape_cast %get3A_524 : vector<1x16xf32> to vector<16xf32>
        %get3A_526 = arith.index_cast %add3A_497 : i32 to index
        %get3A_527 = arith.constant 112 : index
        %get3A_528 = tpu.vector_load %arg5[%get3A_526, %get3A_527] {strides = array<i32>} : memref<400x128xf32, #tpu.memory_space<vmem>>, vector<1x16xf32>,
        %get3A_529 = vector.shape_cast %get3A_528 : vector<1x16xf32> to vector<16xf32>
        %add3A_530 = arith.addf %get3A_501, %get3A_505 : vector<16xf32>
        %add3A_531 = arith.addf %get3A_509, %get3A_513 : vector<16xf32>
        %add3A_532 = arith.addf %add3A_530, %add3A_531 : vector<16xf32>
        %add3A_533 = arith.addf %get3A_517, %get3A_521 : vector<16xf32>
        %add3A_534 = arith.addf %get3A_525, %get3A_529 : vector<16xf32>
        %add3A_535 = arith.addf %add3A_533, %add3A_534 : vector<16xf32>
        %add3A_536 = arith.addf %add3A_532, %add3A_535 : vector<16xf32>
        %xor3A_537 = arith.constant 8 : i32
        %xor3A_538 = vector.broadcast %xor3A_537 : i32 to vector<16xi32>
        %xor3A_539 = arith.xori %iota3A, %xor3A_538 : vector<16xi32>
        %broadcast_in_dim3A_540 = vector.shape_cast %xor3A_539 : vector<16xi32> to vector<16x1xi32>
        %gather3A_541 = vector.shape_cast %broadcast_in_dim3A_540 : vector<16x1xi32> to vector<16xi32>
        %gather3A_542 = tpu.dynamic_gather %add3A_536[%gather3A_541] in [0] : vector<16xf32>, vector<16xi32> -> vector<16xf32>
        %add3A_543 = arith.addf %add3A_536, %gather3A_542 : vector<16xf32>
        %xor3A_544 = arith.constant 4 : i32
        %xor3A_545 = vector.broadcast %xor3A_544 : i32 to vector<16xi32>
        %xor3A_546 = arith.xori %iota3A, %xor3A_545 : vector<16xi32>
        %broadcast_in_dim3A_547 = vector.shape_cast %xor3A_546 : vector<16xi32> to vector<16x1xi32>
        %gather3A_548 = vector.shape_cast %broadcast_in_dim3A_547 : vector<16x1xi32> to vector<16xi32>
        %gather3A_549 = tpu.dynamic_gather %add3A_543[%gather3A_548] in [0] : vector<16xf32>, vector<16xi32> -> vector<16xf32>
        %add3A_550 = arith.addf %add3A_543, %gather3A_549 : vector<16xf32>
        %xor3A_551 = arith.constant 2 : i32
        %xor3A_552 = vector.broadcast %xor3A_551 : i32 to vector<16xi32>
        %xor3A_553 = arith.xori %iota3A, %xor3A_552 : vector<16xi32>
        %broadcast_in_dim3A_554 = vector.shape_cast %xor3A_553 : vector<16xi32> to vector<16x1xi32>
        %gather3A_555 = vector.shape_cast %broadcast_in_dim3A_554 : vector<16x1xi32> to vector<16xi32>
        %gather3A_556 = tpu.dynamic_gather %add3A_550[%gather3A_555] in [0] : vector<16xf32>, vector<16xi32> -> vector<16xf32>
        %add3A_557 = arith.addf %add3A_550, %gather3A_556 : vector<16xf32>
        %xor3A_558 = arith.constant 1 : i32
        %xor3A_559 = vector.broadcast %xor3A_558 : i32 to vector<16xi32>
        %xor3A_560 = arith.xori %iota3A, %xor3A_559 : vector<16xi32>
        %broadcast_in_dim3A_561 = vector.shape_cast %xor3A_560 : vector<16xi32> to vector<16x1xi32>
        %gather3A_562 = vector.shape_cast %broadcast_in_dim3A_561 : vector<16x1xi32> to vector<16xi32>
        %gather3A_563 = tpu.dynamic_gather %add3A_557[%gather3A_562] in [0] : vector<16xf32>, vector<16xi32> -> vector<16xf32>
        %add3A_564 = arith.addf %add3A_557, %gather3A_563 : vector<16xf32>
        %eq3A_565 = arith.constant 5 : i32
        %eq3A_566 = vector.broadcast %eq3A_565 : i32 to vector<16xi32>
        %eq3A_567 = arith.cmpi eq, %iota3A, %eq3A_566 : vector<16xi32>
        %select_n3A_568 = arith.select %eq3A_567, %add3A_564, %select_n3A_495 : vector<16xi1>, vector<16xf32>
        %add3A_569 = arith.constant 6 : i32
        %add3A_570 = arith.addi %mul3A_134, %add3A_569 : i32
        %get3A_571 = arith.index_cast %add3A_570 : i32 to index
        %get3A_572 = arith.constant 0 : index
        %get3A_573 = tpu.vector_load %arg5[%get3A_571, %get3A_572] {strides = array<i32>} : memref<400x128xf32, #tpu.memory_space<vmem>>, vector<1x16xf32>,
        %get3A_574 = vector.shape_cast %get3A_573 : vector<1x16xf32> to vector<16xf32>
        %get3A_575 = arith.index_cast %add3A_570 : i32 to index
        %get3A_576 = arith.constant 16 : index
        %get3A_577 = tpu.vector_load %arg5[%get3A_575, %get3A_576] {strides = array<i32>} : memref<400x128xf32, #tpu.memory_space<vmem>>, vector<1x16xf32>,
        %get3A_578 = vector.shape_cast %get3A_577 : vector<1x16xf32> to vector<16xf32>
        %get3A_579 = arith.index_cast %add3A_570 : i32 to index
        %get3A_580 = arith.constant 32 : index
        %get3A_581 = tpu.vector_load %arg5[%get3A_579, %get3A_580] {strides = array<i32>} : memref<400x128xf32, #tpu.memory_space<vmem>>, vector<1x16xf32>,
        %get3A_582 = vector.shape_cast %get3A_581 : vector<1x16xf32> to vector<16xf32>
        %get3A_583 = arith.index_cast %add3A_570 : i32 to index
        %get3A_584 = arith.constant 48 : index
        %get3A_585 = tpu.vector_load %arg5[%get3A_583, %get3A_584] {strides = array<i32>} : memref<400x128xf32, #tpu.memory_space<vmem>>, vector<1x16xf32>,
        %get3A_586 = vector.shape_cast %get3A_585 : vector<1x16xf32> to vector<16xf32>
        %get3A_587 = arith.index_cast %add3A_570 : i32 to index
        %get3A_588 = arith.constant 64 : index
        %get3A_589 = tpu.vector_load %arg5[%get3A_587, %get3A_588] {strides = array<i32>} : memref<400x128xf32, #tpu.memory_space<vmem>>, vector<1x16xf32>,
        %get3A_590 = vector.shape_cast %get3A_589 : vector<1x16xf32> to vector<16xf32>
        %get3A_591 = arith.index_cast %add3A_570 : i32 to index
        %get3A_592 = arith.constant 80 : index
        %get3A_593 = tpu.vector_load %arg5[%get3A_591, %get3A_592] {strides = array<i32>} : memref<400x128xf32, #tpu.memory_space<vmem>>, vector<1x16xf32>,
        %get3A_594 = vector.shape_cast %get3A_593 : vector<1x16xf32> to vector<16xf32>
        %get3A_595 = arith.index_cast %add3A_570 : i32 to index
        %get3A_596 = arith.constant 96 : index
        %get3A_597 = tpu.vector_load %arg5[%get3A_595, %get3A_596] {strides = array<i32>} : memref<400x128xf32, #tpu.memory_space<vmem>>, vector<1x16xf32>,
        %get3A_598 = vector.shape_cast %get3A_597 : vector<1x16xf32> to vector<16xf32>
        %get3A_599 = arith.index_cast %add3A_570 : i32 to index
        %get3A_600 = arith.constant 112 : index
        %get3A_601 = tpu.vector_load %arg5[%get3A_599, %get3A_600] {strides = array<i32>} : memref<400x128xf32, #tpu.memory_space<vmem>>, vector<1x16xf32>,
        %get3A_602 = vector.shape_cast %get3A_601 : vector<1x16xf32> to vector<16xf32>
        %add3A_603 = arith.addf %get3A_574, %get3A_578 : vector<16xf32>
        %add3A_604 = arith.addf %get3A_582, %get3A_586 : vector<16xf32>
        %add3A_605 = arith.addf %add3A_603, %add3A_604 : vector<16xf32>
        %add3A_606 = arith.addf %get3A_590, %get3A_594 : vector<16xf32>
        %add3A_607 = arith.addf %get3A_598, %get3A_602 : vector<16xf32>
        %add3A_608 = arith.addf %add3A_606, %add3A_607 : vector<16xf32>
        %add3A_609 = arith.addf %add3A_605, %add3A_608 : vector<16xf32>
        %xor3A_610 = arith.constant 8 : i32
        %xor3A_611 = vector.broadcast %xor3A_610 : i32 to vector<16xi32>
        %xor3A_612 = arith.xori %iota3A, %xor3A_611 : vector<16xi32>
        %broadcast_in_dim3A_613 = vector.shape_cast %xor3A_612 : vector<16xi32> to vector<16x1xi32>
        %gather3A_614 = vector.shape_cast %broadcast_in_dim3A_613 : vector<16x1xi32> to vector<16xi32>
        %gather3A_615 = tpu.dynamic_gather %add3A_609[%gather3A_614] in [0] : vector<16xf32>, vector<16xi32> -> vector<16xf32>
        %add3A_616 = arith.addf %add3A_609, %gather3A_615 : vector<16xf32>
        %xor3A_617 = arith.constant 4 : i32
        %xor3A_618 = vector.broadcast %xor3A_617 : i32 to vector<16xi32>
        %xor3A_619 = arith.xori %iota3A, %xor3A_618 : vector<16xi32>
        %broadcast_in_dim3A_620 = vector.shape_cast %xor3A_619 : vector<16xi32> to vector<16x1xi32>
        %gather3A_621 = vector.shape_cast %broadcast_in_dim3A_620 : vector<16x1xi32> to vector<16xi32>
        %gather3A_622 = tpu.dynamic_gather %add3A_616[%gather3A_621] in [0] : vector<16xf32>, vector<16xi32> -> vector<16xf32>
        %add3A_623 = arith.addf %add3A_616, %gather3A_622 : vector<16xf32>
        %xor3A_624 = arith.constant 2 : i32
        %xor3A_625 = vector.broadcast %xor3A_624 : i32 to vector<16xi32>
        %xor3A_626 = arith.xori %iota3A, %xor3A_625 : vector<16xi32>
        %broadcast_in_dim3A_627 = vector.shape_cast %xor3A_626 : vector<16xi32> to vector<16x1xi32>
        %gather3A_628 = vector.shape_cast %broadcast_in_dim3A_627 : vector<16x1xi32> to vector<16xi32>
        %gather3A_629 = tpu.dynamic_gather %add3A_623[%gather3A_628] in [0] : vector<16xf32>, vector<16xi32> -> vector<16xf32>
        %add3A_630 = arith.addf %add3A_623, %gather3A_629 : vector<16xf32>
        %xor3A_631 = arith.constant 1 : i32
        %xor3A_632 = vector.broadcast %xor3A_631 : i32 to vector<16xi32>
        %xor3A_633 = arith.xori %iota3A, %xor3A_632 : vector<16xi32>
        %broadcast_in_dim3A_634 = vector.shape_cast %xor3A_633 : vector<16xi32> to vector<16x1xi32>
        %gather3A_635 = vector.shape_cast %broadcast_in_dim3A_634 : vector<16x1xi32> to vector<16xi32>
        %gather3A_636 = tpu.dynamic_gather %add3A_630[%gather3A_635] in [0] : vector<16xf32>, vector<16xi32> -> vector<16xf32>
        %add3A_637 = arith.addf %add3A_630, %gather3A_636 : vector<16xf32>
        %eq3A_638 = arith.constant 6 : i32
        %eq3A_639 = vector.broadcast %eq3A_638 : i32 to vector<16xi32>
        %eq3A_640 = arith.cmpi eq, %iota3A, %eq3A_639 : vector<16xi32>
        %select_n3A_641 = arith.select %eq3A_640, %add3A_637, %select_n3A_568 : vector<16xi1>, vector<16xf32>
        %add3A_642 = arith.constant 7 : i32
        %add3A_643 = arith.addi %mul3A_134, %add3A_642 : i32
        %get3A_644 = arith.index_cast %add3A_643 : i32 to index
        %get3A_645 = arith.constant 0 : index
        %get3A_646 = tpu.vector_load %arg5[%get3A_644, %get3A_645] {strides = array<i32>} : memref<400x128xf32, #tpu.memory_space<vmem>>, vector<1x16xf32>,
        %get3A_647 = vector.shape_cast %get3A_646 : vector<1x16xf32> to vector<16xf32>
        %get3A_648 = arith.index_cast %add3A_643 : i32 to index
        %get3A_649 = arith.constant 16 : index
        %get3A_650 = tpu.vector_load %arg5[%get3A_648, %get3A_649] {strides = array<i32>} : memref<400x128xf32, #tpu.memory_space<vmem>>, vector<1x16xf32>,
        %get3A_651 = vector.shape_cast %get3A_650 : vector<1x16xf32> to vector<16xf32>
        %get3A_652 = arith.index_cast %add3A_643 : i32 to index
        %get3A_653 = arith.constant 32 : index
        %get3A_654 = tpu.vector_load %arg5[%get3A_652, %get3A_653] {strides = array<i32>} : memref<400x128xf32, #tpu.memory_space<vmem>>, vector<1x16xf32>,
        %get3A_655 = vector.shape_cast %get3A_654 : vector<1x16xf32> to vector<16xf32>
        %get3A_656 = arith.index_cast %add3A_643 : i32 to index
        %get3A_657 = arith.constant 48 : index
        %get3A_658 = tpu.vector_load %arg5[%get3A_656, %get3A_657] {strides = array<i32>} : memref<400x128xf32, #tpu.memory_space<vmem>>, vector<1x16xf32>,
        %get3A_659 = vector.shape_cast %get3A_658 : vector<1x16xf32> to vector<16xf32>
        %get3A_660 = arith.index_cast %add3A_643 : i32 to index
        %get3A_661 = arith.constant 64 : index
        %get3A_662 = tpu.vector_load %arg5[%get3A_660, %get3A_661] {strides = array<i32>} : memref<400x128xf32, #tpu.memory_space<vmem>>, vector<1x16xf32>,
        %get3A_663 = vector.shape_cast %get3A_662 : vector<1x16xf32> to vector<16xf32>
        %get3A_664 = arith.index_cast %add3A_643 : i32 to index
        %get3A_665 = arith.constant 80 : index
        %get3A_666 = tpu.vector_load %arg5[%get3A_664, %get3A_665] {strides = array<i32>} : memref<400x128xf32, #tpu.memory_space<vmem>>, vector<1x16xf32>,
        %get3A_667 = vector.shape_cast %get3A_666 : vector<1x16xf32> to vector<16xf32>
        %get3A_668 = arith.index_cast %add3A_643 : i32 to index
        %get3A_669 = arith.constant 96 : index
        %get3A_670 = tpu.vector_load %arg5[%get3A_668, %get3A_669] {strides = array<i32>} : memref<400x128xf32, #tpu.memory_space<vmem>>, vector<1x16xf32>,
        %get3A_671 = vector.shape_cast %get3A_670 : vector<1x16xf32> to vector<16xf32>
        %get3A_672 = arith.index_cast %add3A_643 : i32 to index
        %get3A_673 = arith.constant 112 : index
        %get3A_674 = tpu.vector_load %arg5[%get3A_672, %get3A_673] {strides = array<i32>} : memref<400x128xf32, #tpu.memory_space<vmem>>, vector<1x16xf32>,
        %get3A_675 = vector.shape_cast %get3A_674 : vector<1x16xf32> to vector<16xf32>
        %add3A_676 = arith.addf %get3A_647, %get3A_651 : vector<16xf32>
        %add3A_677 = arith.addf %get3A_655, %get3A_659 : vector<16xf32>
        %add3A_678 = arith.addf %add3A_676, %add3A_677 : vector<16xf32>
        %add3A_679 = arith.addf %get3A_663, %get3A_667 : vector<16xf32>
        %add3A_680 = arith.addf %get3A_671, %get3A_675 : vector<16xf32>
        %add3A_681 = arith.addf %add3A_679, %add3A_680 : vector<16xf32>
        %add3A_682 = arith.addf %add3A_678, %add3A_681 : vector<16xf32>
        %xor3A_683 = arith.constant 8 : i32
        %xor3A_684 = vector.broadcast %xor3A_683 : i32 to vector<16xi32>
        %xor3A_685 = arith.xori %iota3A, %xor3A_684 : vector<16xi32>
        %broadcast_in_dim3A_686 = vector.shape_cast %xor3A_685 : vector<16xi32> to vector<16x1xi32>
        %gather3A_687 = vector.shape_cast %broadcast_in_dim3A_686 : vector<16x1xi32> to vector<16xi32>
        %gather3A_688 = tpu.dynamic_gather %add3A_682[%gather3A_687] in [0] : vector<16xf32>, vector<16xi32> -> vector<16xf32>
        %add3A_689 = arith.addf %add3A_682, %gather3A_688 : vector<16xf32>
        %xor3A_690 = arith.constant 4 : i32
        %xor3A_691 = vector.broadcast %xor3A_690 : i32 to vector<16xi32>
        %xor3A_692 = arith.xori %iota3A, %xor3A_691 : vector<16xi32>
        %broadcast_in_dim3A_693 = vector.shape_cast %xor3A_692 : vector<16xi32> to vector<16x1xi32>
        %gather3A_694 = vector.shape_cast %broadcast_in_dim3A_693 : vector<16x1xi32> to vector<16xi32>
        %gather3A_695 = tpu.dynamic_gather %add3A_689[%gather3A_694] in [0] : vector<16xf32>, vector<16xi32> -> vector<16xf32>
        %add3A_696 = arith.addf %add3A_689, %gather3A_695 : vector<16xf32>
        %xor3A_697 = arith.constant 2 : i32
        %xor3A_698 = vector.broadcast %xor3A_697 : i32 to vector<16xi32>
        %xor3A_699 = arith.xori %iota3A, %xor3A_698 : vector<16xi32>
        %broadcast_in_dim3A_700 = vector.shape_cast %xor3A_699 : vector<16xi32> to vector<16x1xi32>
        %gather3A_701 = vector.shape_cast %broadcast_in_dim3A_700 : vector<16x1xi32> to vector<16xi32>
        %gather3A_702 = tpu.dynamic_gather %add3A_696[%gather3A_701] in [0] : vector<16xf32>, vector<16xi32> -> vector<16xf32>
        %add3A_703 = arith.addf %add3A_696, %gather3A_702 : vector<16xf32>
        %xor3A_704 = arith.constant 1 : i32
        %xor3A_705 = vector.broadcast %xor3A_704 : i32 to vector<16xi32>
        %xor3A_706 = arith.xori %iota3A, %xor3A_705 : vector<16xi32>
        %broadcast_in_dim3A_707 = vector.shape_cast %xor3A_706 : vector<16xi32> to vector<16x1xi32>
        %gather3A_708 = vector.shape_cast %broadcast_in_dim3A_707 : vector<16x1xi32> to vector<16xi32>
        %gather3A_709 = tpu.dynamic_gather %add3A_703[%gather3A_708] in [0] : vector<16xf32>, vector<16xi32> -> vector<16xf32>
        %add3A_710 = arith.addf %add3A_703, %gather3A_709 : vector<16xf32>
        %eq3A_711 = arith.constant 7 : i32
        %eq3A_712 = vector.broadcast %eq3A_711 : i32 to vector<16xi32>
        %eq3A_713 = arith.cmpi eq, %iota3A, %eq3A_712 : vector<16xi32>
        %select_n3A_714 = arith.select %eq3A_713, %add3A_710, %select_n3A_641 : vector<16xi1>, vector<16xf32>
        %add3A_715 = arith.constant 8 : i32
        %add3A_716 = arith.addi %mul3A_134, %add3A_715 : i32
        %get3A_717 = arith.index_cast %add3A_716 : i32 to index
        %get3A_718 = arith.constant 0 : index
        %get3A_719 = tpu.vector_load %arg5[%get3A_717, %get3A_718] {strides = array<i32>} : memref<400x128xf32, #tpu.memory_space<vmem>>, vector<1x16xf32>,
        %get3A_720 = vector.shape_cast %get3A_719 : vector<1x16xf32> to vector<16xf32>
        %get3A_721 = arith.index_cast %add3A_716 : i32 to index
        %get3A_722 = arith.constant 16 : index
        %get3A_723 = tpu.vector_load %arg5[%get3A_721, %get3A_722] {strides = array<i32>} : memref<400x128xf32, #tpu.memory_space<vmem>>, vector<1x16xf32>,
        %get3A_724 = vector.shape_cast %get3A_723 : vector<1x16xf32> to vector<16xf32>
        %get3A_725 = arith.index_cast %add3A_716 : i32 to index
        %get3A_726 = arith.constant 32 : index
        %get3A_727 = tpu.vector_load %arg5[%get3A_725, %get3A_726] {strides = array<i32>} : memref<400x128xf32, #tpu.memory_space<vmem>>, vector<1x16xf32>,
        %get3A_728 = vector.shape_cast %get3A_727 : vector<1x16xf32> to vector<16xf32>
        %get3A_729 = arith.index_cast %add3A_716 : i32 to index
        %get3A_730 = arith.constant 48 : index
        %get3A_731 = tpu.vector_load %arg5[%get3A_729, %get3A_730] {strides = array<i32>} : memref<400x128xf32, #tpu.memory_space<vmem>>, vector<1x16xf32>,
        %get3A_732 = vector.shape_cast %get3A_731 : vector<1x16xf32> to vector<16xf32>
        %get3A_733 = arith.index_cast %add3A_716 : i32 to index
        %get3A_734 = arith.constant 64 : index
        %get3A_735 = tpu.vector_load %arg5[%get3A_733, %get3A_734] {strides = array<i32>} : memref<400x128xf32, #tpu.memory_space<vmem>>, vector<1x16xf32>,
        %get3A_736 = vector.shape_cast %get3A_735 : vector<1x16xf32> to vector<16xf32>
        %get3A_737 = arith.index_cast %add3A_716 : i32 to index
        %get3A_738 = arith.constant 80 : index
        %get3A_739 = tpu.vector_load %arg5[%get3A_737, %get3A_738] {strides = array<i32>} : memref<400x128xf32, #tpu.memory_space<vmem>>, vector<1x16xf32>,
        %get3A_740 = vector.shape_cast %get3A_739 : vector<1x16xf32> to vector<16xf32>
        %get3A_741 = arith.index_cast %add3A_716 : i32 to index
        %get3A_742 = arith.constant 96 : index
        %get3A_743 = tpu.vector_load %arg5[%get3A_741, %get3A_742] {strides = array<i32>} : memref<400x128xf32, #tpu.memory_space<vmem>>, vector<1x16xf32>,
        %get3A_744 = vector.shape_cast %get3A_743 : vector<1x16xf32> to vector<16xf32>
        %get3A_745 = arith.index_cast %add3A_716 : i32 to index
        %get3A_746 = arith.constant 112 : index
        %get3A_747 = tpu.vector_load %arg5[%get3A_745, %get3A_746] {strides = array<i32>} : memref<400x128xf32, #tpu.memory_space<vmem>>, vector<1x16xf32>,
        %get3A_748 = vector.shape_cast %get3A_747 : vector<1x16xf32> to vector<16xf32>
        %add3A_749 = arith.addf %get3A_720, %get3A_724 : vector<16xf32>
        %add3A_750 = arith.addf %get3A_728, %get3A_732 : vector<16xf32>
        %add3A_751 = arith.addf %add3A_749, %add3A_750 : vector<16xf32>
        %add3A_752 = arith.addf %get3A_736, %get3A_740 : vector<16xf32>
        %add3A_753 = arith.addf %get3A_744, %get3A_748 : vector<16xf32>
        %add3A_754 = arith.addf %add3A_752, %add3A_753 : vector<16xf32>
        %add3A_755 = arith.addf %add3A_751, %add3A_754 : vector<16xf32>
        %xor3A_756 = arith.constant 8 : i32
        %xor3A_757 = vector.broadcast %xor3A_756 : i32 to vector<16xi32>
        %xor3A_758 = arith.xori %iota3A, %xor3A_757 : vector<16xi32>
        %broadcast_in_dim3A_759 = vector.shape_cast %xor3A_758 : vector<16xi32> to vector<16x1xi32>
        %gather3A_760 = vector.shape_cast %broadcast_in_dim3A_759 : vector<16x1xi32> to vector<16xi32>
        %gather3A_761 = tpu.dynamic_gather %add3A_755[%gather3A_760] in [0] : vector<16xf32>, vector<16xi32> -> vector<16xf32>
        %add3A_762 = arith.addf %add3A_755, %gather3A_761 : vector<16xf32>
        %xor3A_763 = arith.constant 4 : i32
        %xor3A_764 = vector.broadcast %xor3A_763 : i32 to vector<16xi32>
        %xor3A_765 = arith.xori %iota3A, %xor3A_764 : vector<16xi32>
        %broadcast_in_dim3A_766 = vector.shape_cast %xor3A_765 : vector<16xi32> to vector<16x1xi32>
        %gather3A_767 = vector.shape_cast %broadcast_in_dim3A_766 : vector<16x1xi32> to vector<16xi32>
        %gather3A_768 = tpu.dynamic_gather %add3A_762[%gather3A_767] in [0] : vector<16xf32>, vector<16xi32> -> vector<16xf32>
        %add3A_769 = arith.addf %add3A_762, %gather3A_768 : vector<16xf32>
        %xor3A_770 = arith.constant 2 : i32
        %xor3A_771 = vector.broadcast %xor3A_770 : i32 to vector<16xi32>
        %xor3A_772 = arith.xori %iota3A, %xor3A_771 : vector<16xi32>
        %broadcast_in_dim3A_773 = vector.shape_cast %xor3A_772 : vector<16xi32> to vector<16x1xi32>
        %gather3A_774 = vector.shape_cast %broadcast_in_dim3A_773 : vector<16x1xi32> to vector<16xi32>
        %gather3A_775 = tpu.dynamic_gather %add3A_769[%gather3A_774] in [0] : vector<16xf32>, vector<16xi32> -> vector<16xf32>
        %add3A_776 = arith.addf %add3A_769, %gather3A_775 : vector<16xf32>
        %xor3A_777 = arith.constant 1 : i32
        %xor3A_778 = vector.broadcast %xor3A_777 : i32 to vector<16xi32>
        %xor3A_779 = arith.xori %iota3A, %xor3A_778 : vector<16xi32>
        %broadcast_in_dim3A_780 = vector.shape_cast %xor3A_779 : vector<16xi32> to vector<16x1xi32>
        %gather3A_781 = vector.shape_cast %broadcast_in_dim3A_780 : vector<16x1xi32> to vector<16xi32>
        %gather3A_782 = tpu.dynamic_gather %add3A_776[%gather3A_781] in [0] : vector<16xf32>, vector<16xi32> -> vector<16xf32>
        %add3A_783 = arith.addf %add3A_776, %gather3A_782 : vector<16xf32>
        %eq3A_784 = arith.constant 8 : i32
        %eq3A_785 = vector.broadcast %eq3A_784 : i32 to vector<16xi32>
        %eq3A_786 = arith.cmpi eq, %iota3A, %eq3A_785 : vector<16xi32>
        %select_n3A_787 = arith.select %eq3A_786, %add3A_783, %select_n3A_714 : vector<16xi1>, vector<16xf32>
        %add3A_788 = arith.constant 9 : i32
        %add3A_789 = arith.addi %mul3A_134, %add3A_788 : i32
        %get3A_790 = arith.index_cast %add3A_789 : i32 to index
        %get3A_791 = arith.constant 0 : index
        %get3A_792 = tpu.vector_load %arg5[%get3A_790, %get3A_791] {strides = array<i32>} : memref<400x128xf32, #tpu.memory_space<vmem>>, vector<1x16xf32>,
        %get3A_793 = vector.shape_cast %get3A_792 : vector<1x16xf32> to vector<16xf32>
        %get3A_794 = arith.index_cast %add3A_789 : i32 to index
        %get3A_795 = arith.constant 16 : index
        %get3A_796 = tpu.vector_load %arg5[%get3A_794, %get3A_795] {strides = array<i32>} : memref<400x128xf32, #tpu.memory_space<vmem>>, vector<1x16xf32>,
        %get3A_797 = vector.shape_cast %get3A_796 : vector<1x16xf32> to vector<16xf32>
        %get3A_798 = arith.index_cast %add3A_789 : i32 to index
        %get3A_799 = arith.constant 32 : index
        %get3A_800 = tpu.vector_load %arg5[%get3A_798, %get3A_799] {strides = array<i32>} : memref<400x128xf32, #tpu.memory_space<vmem>>, vector<1x16xf32>,
        %get3A_801 = vector.shape_cast %get3A_800 : vector<1x16xf32> to vector<16xf32>
        %get3A_802 = arith.index_cast %add3A_789 : i32 to index
        %get3A_803 = arith.constant 48 : index
        %get3A_804 = tpu.vector_load %arg5[%get3A_802, %get3A_803] {strides = array<i32>} : memref<400x128xf32, #tpu.memory_space<vmem>>, vector<1x16xf32>,
        %get3A_805 = vector.shape_cast %get3A_804 : vector<1x16xf32> to vector<16xf32>
        %get3A_806 = arith.index_cast %add3A_789 : i32 to index
        %get3A_807 = arith.constant 64 : index
        %get3A_808 = tpu.vector_load %arg5[%get3A_806, %get3A_807] {strides = array<i32>} : memref<400x128xf32, #tpu.memory_space<vmem>>, vector<1x16xf32>,
        %get3A_809 = vector.shape_cast %get3A_808 : vector<1x16xf32> to vector<16xf32>
        %get3A_810 = arith.index_cast %add3A_789 : i32 to index
        %get3A_811 = arith.constant 80 : index
        %get3A_812 = tpu.vector_load %arg5[%get3A_810, %get3A_811] {strides = array<i32>} : memref<400x128xf32, #tpu.memory_space<vmem>>, vector<1x16xf32>,
        %get3A_813 = vector.shape_cast %get3A_812 : vector<1x16xf32> to vector<16xf32>
        %get3A_814 = arith.index_cast %add3A_789 : i32 to index
        %get3A_815 = arith.constant 96 : index
        %get3A_816 = tpu.vector_load %arg5[%get3A_814, %get3A_815] {strides = array<i32>} : memref<400x128xf32, #tpu.memory_space<vmem>>, vector<1x16xf32>,
        %get3A_817 = vector.shape_cast %get3A_816 : vector<1x16xf32> to vector<16xf32>
        %get3A_818 = arith.index_cast %add3A_789 : i32 to index
        %get3A_819 = arith.constant 112 : index
        %get3A_820 = tpu.vector_load %arg5[%get3A_818, %get3A_819] {strides = array<i32>} : memref<400x128xf32, #tpu.memory_space<vmem>>, vector<1x16xf32>,
        %get3A_821 = vector.shape_cast %get3A_820 : vector<1x16xf32> to vector<16xf32>
        %add3A_822 = arith.addf %get3A_793, %get3A_797 : vector<16xf32>
        %add3A_823 = arith.addf %get3A_801, %get3A_805 : vector<16xf32>
        %add3A_824 = arith.addf %add3A_822, %add3A_823 : vector<16xf32>
        %add3A_825 = arith.addf %get3A_809, %get3A_813 : vector<16xf32>
        %add3A_826 = arith.addf %get3A_817, %get3A_821 : vector<16xf32>
        %add3A_827 = arith.addf %add3A_825, %add3A_826 : vector<16xf32>
        %add3A_828 = arith.addf %add3A_824, %add3A_827 : vector<16xf32>
        %xor3A_829 = arith.constant 8 : i32
        %xor3A_830 = vector.broadcast %xor3A_829 : i32 to vector<16xi32>
        %xor3A_831 = arith.xori %iota3A, %xor3A_830 : vector<16xi32>
        %broadcast_in_dim3A_832 = vector.shape_cast %xor3A_831 : vector<16xi32> to vector<16x1xi32>
        %gather3A_833 = vector.shape_cast %broadcast_in_dim3A_832 : vector<16x1xi32> to vector<16xi32>
        %gather3A_834 = tpu.dynamic_gather %add3A_828[%gather3A_833] in [0] : vector<16xf32>, vector<16xi32> -> vector<16xf32>
        %add3A_835 = arith.addf %add3A_828, %gather3A_834 : vector<16xf32>
        %xor3A_836 = arith.constant 4 : i32
        %xor3A_837 = vector.broadcast %xor3A_836 : i32 to vector<16xi32>
        %xor3A_838 = arith.xori %iota3A, %xor3A_837 : vector<16xi32>
        %broadcast_in_dim3A_839 = vector.shape_cast %xor3A_838 : vector<16xi32> to vector<16x1xi32>
        %gather3A_840 = vector.shape_cast %broadcast_in_dim3A_839 : vector<16x1xi32> to vector<16xi32>
        %gather3A_841 = tpu.dynamic_gather %add3A_835[%gather3A_840] in [0] : vector<16xf32>, vector<16xi32> -> vector<16xf32>
        %add3A_842 = arith.addf %add3A_835, %gather3A_841 : vector<16xf32>
        %xor3A_843 = arith.constant 2 : i32
        %xor3A_844 = vector.broadcast %xor3A_843 : i32 to vector<16xi32>
        %xor3A_845 = arith.xori %iota3A, %xor3A_844 : vector<16xi32>
        %broadcast_in_dim3A_846 = vector.shape_cast %xor3A_845 : vector<16xi32> to vector<16x1xi32>
        %gather3A_847 = vector.shape_cast %broadcast_in_dim3A_846 : vector<16x1xi32> to vector<16xi32>
        %gather3A_848 = tpu.dynamic_gather %add3A_842[%gather3A_847] in [0] : vector<16xf32>, vector<16xi32> -> vector<16xf32>
        %add3A_849 = arith.addf %add3A_842, %gather3A_848 : vector<16xf32>
        %xor3A_850 = arith.constant 1 : i32
        %xor3A_851 = vector.broadcast %xor3A_850 : i32 to vector<16xi32>
        %xor3A_852 = arith.xori %iota3A, %xor3A_851 : vector<16xi32>
        %broadcast_in_dim3A_853 = vector.shape_cast %xor3A_852 : vector<16xi32> to vector<16x1xi32>
        %gather3A_854 = vector.shape_cast %broadcast_in_dim3A_853 : vector<16x1xi32> to vector<16xi32>
        %gather3A_855 = tpu.dynamic_gather %add3A_849[%gather3A_854] in [0] : vector<16xf32>, vector<16xi32> -> vector<16xf32>
        %add3A_856 = arith.addf %add3A_849, %gather3A_855 : vector<16xf32>
        %eq3A_857 = arith.constant 9 : i32
        %eq3A_858 = vector.broadcast %eq3A_857 : i32 to vector<16xi32>
        %eq3A_859 = arith.cmpi eq, %iota3A, %eq3A_858 : vector<16xi32>
        %select_n3A_860 = arith.select %eq3A_859, %add3A_856, %select_n3A_787 : vector<16xi1>, vector<16xf32>
        %add3A_861 = arith.constant 10 : i32
        %add3A_862 = arith.addi %mul3A_134, %add3A_861 : i32
        %get3A_863 = arith.index_cast %add3A_862 : i32 to index
        %get3A_864 = arith.constant 0 : index
        %get3A_865 = tpu.vector_load %arg5[%get3A_863, %get3A_864] {strides = array<i32>} : memref<400x128xf32, #tpu.memory_space<vmem>>, vector<1x16xf32>,
        %get3A_866 = vector.shape_cast %get3A_865 : vector<1x16xf32> to vector<16xf32>
        %get3A_867 = arith.index_cast %add3A_862 : i32 to index
        %get3A_868 = arith.constant 16 : index
        %get3A_869 = tpu.vector_load %arg5[%get3A_867, %get3A_868] {strides = array<i32>} : memref<400x128xf32, #tpu.memory_space<vmem>>, vector<1x16xf32>,
        %get3A_870 = vector.shape_cast %get3A_869 : vector<1x16xf32> to vector<16xf32>
        %get3A_871 = arith.index_cast %add3A_862 : i32 to index
        %get3A_872 = arith.constant 32 : index
        %get3A_873 = tpu.vector_load %arg5[%get3A_871, %get3A_872] {strides = array<i32>} : memref<400x128xf32, #tpu.memory_space<vmem>>, vector<1x16xf32>,
        %get3A_874 = vector.shape_cast %get3A_873 : vector<1x16xf32> to vector<16xf32>
        %get3A_875 = arith.index_cast %add3A_862 : i32 to index
        %get3A_876 = arith.constant 48 : index
        %get3A_877 = tpu.vector_load %arg5[%get3A_875, %get3A_876] {strides = array<i32>} : memref<400x128xf32, #tpu.memory_space<vmem>>, vector<1x16xf32>,
        %get3A_878 = vector.shape_cast %get3A_877 : vector<1x16xf32> to vector<16xf32>
        %get3A_879 = arith.index_cast %add3A_862 : i32 to index
        %get3A_880 = arith.constant 64 : index
        %get3A_881 = tpu.vector_load %arg5[%get3A_879, %get3A_880] {strides = array<i32>} : memref<400x128xf32, #tpu.memory_space<vmem>>, vector<1x16xf32>,
        %get3A_882 = vector.shape_cast %get3A_881 : vector<1x16xf32> to vector<16xf32>
        %get3A_883 = arith.index_cast %add3A_862 : i32 to index
        %get3A_884 = arith.constant 80 : index
        %get3A_885 = tpu.vector_load %arg5[%get3A_883, %get3A_884] {strides = array<i32>} : memref<400x128xf32, #tpu.memory_space<vmem>>, vector<1x16xf32>,
        %get3A_886 = vector.shape_cast %get3A_885 : vector<1x16xf32> to vector<16xf32>
        %get3A_887 = arith.index_cast %add3A_862 : i32 to index
        %get3A_888 = arith.constant 96 : index
        %get3A_889 = tpu.vector_load %arg5[%get3A_887, %get3A_888] {strides = array<i32>} : memref<400x128xf32, #tpu.memory_space<vmem>>, vector<1x16xf32>,
        %get3A_890 = vector.shape_cast %get3A_889 : vector<1x16xf32> to vector<16xf32>
        %get3A_891 = arith.index_cast %add3A_862 : i32 to index
        %get3A_892 = arith.constant 112 : index
        %get3A_893 = tpu.vector_load %arg5[%get3A_891, %get3A_892] {strides = array<i32>} : memref<400x128xf32, #tpu.memory_space<vmem>>, vector<1x16xf32>,
        %get3A_894 = vector.shape_cast %get3A_893 : vector<1x16xf32> to vector<16xf32>
        %add3A_895 = arith.addf %get3A_866, %get3A_870 : vector<16xf32>
        %add3A_896 = arith.addf %get3A_874, %get3A_878 : vector<16xf32>
        %add3A_897 = arith.addf %add3A_895, %add3A_896 : vector<16xf32>
        %add3A_898 = arith.addf %get3A_882, %get3A_886 : vector<16xf32>
        %add3A_899 = arith.addf %get3A_890, %get3A_894 : vector<16xf32>
        %add3A_900 = arith.addf %add3A_898, %add3A_899 : vector<16xf32>
        %add3A_901 = arith.addf %add3A_897, %add3A_900 : vector<16xf32>
        %xor3A_902 = arith.constant 8 : i32
        %xor3A_903 = vector.broadcast %xor3A_902 : i32 to vector<16xi32>
        %xor3A_904 = arith.xori %iota3A, %xor3A_903 : vector<16xi32>
        %broadcast_in_dim3A_905 = vector.shape_cast %xor3A_904 : vector<16xi32> to vector<16x1xi32>
        %gather3A_906 = vector.shape_cast %broadcast_in_dim3A_905 : vector<16x1xi32> to vector<16xi32>
        %gather3A_907 = tpu.dynamic_gather %add3A_901[%gather3A_906] in [0] : vector<16xf32>, vector<16xi32> -> vector<16xf32>
        %add3A_908 = arith.addf %add3A_901, %gather3A_907 : vector<16xf32>
        %xor3A_909 = arith.constant 4 : i32
        %xor3A_910 = vector.broadcast %xor3A_909 : i32 to vector<16xi32>
        %xor3A_911 = arith.xori %iota3A, %xor3A_910 : vector<16xi32>
        %broadcast_in_dim3A_912 = vector.shape_cast %xor3A_911 : vector<16xi32> to vector<16x1xi32>
        %gather3A_913 = vector.shape_cast %broadcast_in_dim3A_912 : vector<16x1xi32> to vector<16xi32>
        %gather3A_914 = tpu.dynamic_gather %add3A_908[%gather3A_913] in [0] : vector<16xf32>, vector<16xi32> -> vector<16xf32>
        %add3A_915 = arith.addf %add3A_908, %gather3A_914 : vector<16xf32>
        %xor3A_916 = arith.constant 2 : i32
        %xor3A_917 = vector.broadcast %xor3A_916 : i32 to vector<16xi32>
        %xor3A_918 = arith.xori %iota3A, %xor3A_917 : vector<16xi32>
        %broadcast_in_dim3A_919 = vector.shape_cast %xor3A_918 : vector<16xi32> to vector<16x1xi32>
        %gather3A_920 = vector.shape_cast %broadcast_in_dim3A_919 : vector<16x1xi32> to vector<16xi32>
        %gather3A_921 = tpu.dynamic_gather %add3A_915[%gather3A_920] in [0] : vector<16xf32>, vector<16xi32> -> vector<16xf32>
        %add3A_922 = arith.addf %add3A_915, %gather3A_921 : vector<16xf32>
        %xor3A_923 = arith.constant 1 : i32
        %xor3A_924 = vector.broadcast %xor3A_923 : i32 to vector<16xi32>
        %xor3A_925 = arith.xori %iota3A, %xor3A_924 : vector<16xi32>
        %broadcast_in_dim3A_926 = vector.shape_cast %xor3A_925 : vector<16xi32> to vector<16x1xi32>
        %gather3A_927 = vector.shape_cast %broadcast_in_dim3A_926 : vector<16x1xi32> to vector<16xi32>
        %gather3A_928 = tpu.dynamic_gather %add3A_922[%gather3A_927] in [0] : vector<16xf32>, vector<16xi32> -> vector<16xf32>
        %add3A_929 = arith.addf %add3A_922, %gather3A_928 : vector<16xf32>
        %eq3A_930 = arith.constant 10 : i32
        %eq3A_931 = vector.broadcast %eq3A_930 : i32 to vector<16xi32>
        %eq3A_932 = arith.cmpi eq, %iota3A, %eq3A_931 : vector<16xi32>
        %select_n3A_933 = arith.select %eq3A_932, %add3A_929, %select_n3A_860 : vector<16xi1>, vector<16xf32>
        %add3A_934 = arith.constant 11 : i32
        %add3A_935 = arith.addi %mul3A_134, %add3A_934 : i32
        %get3A_936 = arith.index_cast %add3A_935 : i32 to index
        %get3A_937 = arith.constant 0 : index
        %get3A_938 = tpu.vector_load %arg5[%get3A_936, %get3A_937] {strides = array<i32>} : memref<400x128xf32, #tpu.memory_space<vmem>>, vector<1x16xf32>,
        %get3A_939 = vector.shape_cast %get3A_938 : vector<1x16xf32> to vector<16xf32>
        %get3A_940 = arith.index_cast %add3A_935 : i32 to index
        %get3A_941 = arith.constant 16 : index
        %get3A_942 = tpu.vector_load %arg5[%get3A_940, %get3A_941] {strides = array<i32>} : memref<400x128xf32, #tpu.memory_space<vmem>>, vector<1x16xf32>,
        %get3A_943 = vector.shape_cast %get3A_942 : vector<1x16xf32> to vector<16xf32>
        %get3A_944 = arith.index_cast %add3A_935 : i32 to index
        %get3A_945 = arith.constant 32 : index
        %get3A_946 = tpu.vector_load %arg5[%get3A_944, %get3A_945] {strides = array<i32>} : memref<400x128xf32, #tpu.memory_space<vmem>>, vector<1x16xf32>,
        %get3A_947 = vector.shape_cast %get3A_946 : vector<1x16xf32> to vector<16xf32>
        %get3A_948 = arith.index_cast %add3A_935 : i32 to index
        %get3A_949 = arith.constant 48 : index
        %get3A_950 = tpu.vector_load %arg5[%get3A_948, %get3A_949] {strides = array<i32>} : memref<400x128xf32, #tpu.memory_space<vmem>>, vector<1x16xf32>,
        %get3A_951 = vector.shape_cast %get3A_950 : vector<1x16xf32> to vector<16xf32>
        %get3A_952 = arith.index_cast %add3A_935 : i32 to index
        %get3A_953 = arith.constant 64 : index
        %get3A_954 = tpu.vector_load %arg5[%get3A_952, %get3A_953] {strides = array<i32>} : memref<400x128xf32, #tpu.memory_space<vmem>>, vector<1x16xf32>,
        %get3A_955 = vector.shape_cast %get3A_954 : vector<1x16xf32> to vector<16xf32>
        %get3A_956 = arith.index_cast %add3A_935 : i32 to index
        %get3A_957 = arith.constant 80 : index
        %get3A_958 = tpu.vector_load %arg5[%get3A_956, %get3A_957] {strides = array<i32>} : memref<400x128xf32, #tpu.memory_space<vmem>>, vector<1x16xf32>,
        %get3A_959 = vector.shape_cast %get3A_958 : vector<1x16xf32> to vector<16xf32>
        %get3A_960 = arith.index_cast %add3A_935 : i32 to index
        %get3A_961 = arith.constant 96 : index
        %get3A_962 = tpu.vector_load %arg5[%get3A_960, %get3A_961] {strides = array<i32>} : memref<400x128xf32, #tpu.memory_space<vmem>>, vector<1x16xf32>,
        %get3A_963 = vector.shape_cast %get3A_962 : vector<1x16xf32> to vector<16xf32>
        %get3A_964 = arith.index_cast %add3A_935 : i32 to index
        %get3A_965 = arith.constant 112 : index
        %get3A_966 = tpu.vector_load %arg5[%get3A_964, %get3A_965] {strides = array<i32>} : memref<400x128xf32, #tpu.memory_space<vmem>>, vector<1x16xf32>,
        %get3A_967 = vector.shape_cast %get3A_966 : vector<1x16xf32> to vector<16xf32>
        %add3A_968 = arith.addf %get3A_939, %get3A_943 : vector<16xf32>
        %add3A_969 = arith.addf %get3A_947, %get3A_951 : vector<16xf32>
        %add3A_970 = arith.addf %add3A_968, %add3A_969 : vector<16xf32>
        %add3A_971 = arith.addf %get3A_955, %get3A_959 : vector<16xf32>
        %add3A_972 = arith.addf %get3A_963, %get3A_967 : vector<16xf32>
        %add3A_973 = arith.addf %add3A_971, %add3A_972 : vector<16xf32>
        %add3A_974 = arith.addf %add3A_970, %add3A_973 : vector<16xf32>
        %xor3A_975 = arith.constant 8 : i32
        %xor3A_976 = vector.broadcast %xor3A_975 : i32 to vector<16xi32>
        %xor3A_977 = arith.xori %iota3A, %xor3A_976 : vector<16xi32>
        %broadcast_in_dim3A_978 = vector.shape_cast %xor3A_977 : vector<16xi32> to vector<16x1xi32>
        %gather3A_979 = vector.shape_cast %broadcast_in_dim3A_978 : vector<16x1xi32> to vector<16xi32>
        %gather3A_980 = tpu.dynamic_gather %add3A_974[%gather3A_979] in [0] : vector<16xf32>, vector<16xi32> -> vector<16xf32>
        %add3A_981 = arith.addf %add3A_974, %gather3A_980 : vector<16xf32>
        %xor3A_982 = arith.constant 4 : i32
        %xor3A_983 = vector.broadcast %xor3A_982 : i32 to vector<16xi32>
        %xor3A_984 = arith.xori %iota3A, %xor3A_983 : vector<16xi32>
        %broadcast_in_dim3A_985 = vector.shape_cast %xor3A_984 : vector<16xi32> to vector<16x1xi32>
        %gather3A_986 = vector.shape_cast %broadcast_in_dim3A_985 : vector<16x1xi32> to vector<16xi32>
        %gather3A_987 = tpu.dynamic_gather %add3A_981[%gather3A_986] in [0] : vector<16xf32>, vector<16xi32> -> vector<16xf32>
        %add3A_988 = arith.addf %add3A_981, %gather3A_987 : vector<16xf32>
        %xor3A_989 = arith.constant 2 : i32
        %xor3A_990 = vector.broadcast %xor3A_989 : i32 to vector<16xi32>
        %xor3A_991 = arith.xori %iota3A, %xor3A_990 : vector<16xi32>
        %broadcast_in_dim3A_992 = vector.shape_cast %xor3A_991 : vector<16xi32> to vector<16x1xi32>
        %gather3A_993 = vector.shape_cast %broadcast_in_dim3A_992 : vector<16x1xi32> to vector<16xi32>
        %gather3A_994 = tpu.dynamic_gather %add3A_988[%gather3A_993] in [0] : vector<16xf32>, vector<16xi32> -> vector<16xf32>
        %add3A_995 = arith.addf %add3A_988, %gather3A_994 : vector<16xf32>
        %xor3A_996 = arith.constant 1 : i32
        %xor3A_997 = vector.broadcast %xor3A_996 : i32 to vector<16xi32>
        %xor3A_998 = arith.xori %iota3A, %xor3A_997 : vector<16xi32>
        %broadcast_in_dim3A_999 = vector.shape_cast %xor3A_998 : vector<16xi32> to vector<16x1xi32>
        %gather3A_1000 = vector.shape_cast %broadcast_in_dim3A_999 : vector<16x1xi32> to vector<16xi32>
        %gather3A_1001 = tpu.dynamic_gather %add3A_995[%gather3A_1000] in [0] : vector<16xf32>, vector<16xi32> -> vector<16xf32>
        %add3A_1002 = arith.addf %add3A_995, %gather3A_1001 : vector<16xf32>
        %eq3A_1003 = arith.constant 11 : i32
        %eq3A_1004 = vector.broadcast %eq3A_1003 : i32 to vector<16xi32>
        %eq3A_1005 = arith.cmpi eq, %iota3A, %eq3A_1004 : vector<16xi32>
        %select_n3A_1006 = arith.select %eq3A_1005, %add3A_1002, %select_n3A_933 : vector<16xi1>, vector<16xf32>
        %add3A_1007 = arith.constant 12 : i32
        %add3A_1008 = arith.addi %mul3A_134, %add3A_1007 : i32
        %get3A_1009 = arith.index_cast %add3A_1008 : i32 to index
        %get3A_1010 = arith.constant 0 : index
        %get3A_1011 = tpu.vector_load %arg5[%get3A_1009, %get3A_1010] {strides = array<i32>} : memref<400x128xf32, #tpu.memory_space<vmem>>, vector<1x16xf32>,
        %get3A_1012 = vector.shape_cast %get3A_1011 : vector<1x16xf32> to vector<16xf32>
        %get3A_1013 = arith.index_cast %add3A_1008 : i32 to index
        %get3A_1014 = arith.constant 16 : index
        %get3A_1015 = tpu.vector_load %arg5[%get3A_1013, %get3A_1014] {strides = array<i32>} : memref<400x128xf32, #tpu.memory_space<vmem>>, vector<1x16xf32>,
        %get3A_1016 = vector.shape_cast %get3A_1015 : vector<1x16xf32> to vector<16xf32>
        %get3A_1017 = arith.index_cast %add3A_1008 : i32 to index
        %get3A_1018 = arith.constant 32 : index
        %get3A_1019 = tpu.vector_load %arg5[%get3A_1017, %get3A_1018] {strides = array<i32>} : memref<400x128xf32, #tpu.memory_space<vmem>>, vector<1x16xf32>,
        %get3A_1020 = vector.shape_cast %get3A_1019 : vector<1x16xf32> to vector<16xf32>
        %get3A_1021 = arith.index_cast %add3A_1008 : i32 to index
        %get3A_1022 = arith.constant 48 : index
        %get3A_1023 = tpu.vector_load %arg5[%get3A_1021, %get3A_1022] {strides = array<i32>} : memref<400x128xf32, #tpu.memory_space<vmem>>, vector<1x16xf32>,
        %get3A_1024 = vector.shape_cast %get3A_1023 : vector<1x16xf32> to vector<16xf32>
        %get3A_1025 = arith.index_cast %add3A_1008 : i32 to index
        %get3A_1026 = arith.constant 64 : index
        %get3A_1027 = tpu.vector_load %arg5[%get3A_1025, %get3A_1026] {strides = array<i32>} : memref<400x128xf32, #tpu.memory_space<vmem>>, vector<1x16xf32>,
        %get3A_1028 = vector.shape_cast %get3A_1027 : vector<1x16xf32> to vector<16xf32>
        %get3A_1029 = arith.index_cast %add3A_1008 : i32 to index
        %get3A_1030 = arith.constant 80 : index
        %get3A_1031 = tpu.vector_load %arg5[%get3A_1029, %get3A_1030] {strides = array<i32>} : memref<400x128xf32, #tpu.memory_space<vmem>>, vector<1x16xf32>,
        %get3A_1032 = vector.shape_cast %get3A_1031 : vector<1x16xf32> to vector<16xf32>
        %get3A_1033 = arith.index_cast %add3A_1008 : i32 to index
        %get3A_1034 = arith.constant 96 : index
        %get3A_1035 = tpu.vector_load %arg5[%get3A_1033, %get3A_1034] {strides = array<i32>} : memref<400x128xf32, #tpu.memory_space<vmem>>, vector<1x16xf32>,
        %get3A_1036 = vector.shape_cast %get3A_1035 : vector<1x16xf32> to vector<16xf32>
        %get3A_1037 = arith.index_cast %add3A_1008 : i32 to index
        %get3A_1038 = arith.constant 112 : index
        %get3A_1039 = tpu.vector_load %arg5[%get3A_1037, %get3A_1038] {strides = array<i32>} : memref<400x128xf32, #tpu.memory_space<vmem>>, vector<1x16xf32>,
        %get3A_1040 = vector.shape_cast %get3A_1039 : vector<1x16xf32> to vector<16xf32>
        %add3A_1041 = arith.addf %get3A_1012, %get3A_1016 : vector<16xf32>
        %add3A_1042 = arith.addf %get3A_1020, %get3A_1024 : vector<16xf32>
        %add3A_1043 = arith.addf %add3A_1041, %add3A_1042 : vector<16xf32>
        %add3A_1044 = arith.addf %get3A_1028, %get3A_1032 : vector<16xf32>
        %add3A_1045 = arith.addf %get3A_1036, %get3A_1040 : vector<16xf32>
        %add3A_1046 = arith.addf %add3A_1044, %add3A_1045 : vector<16xf32>
        %add3A_1047 = arith.addf %add3A_1043, %add3A_1046 : vector<16xf32>
        %xor3A_1048 = arith.constant 8 : i32
        %xor3A_1049 = vector.broadcast %xor3A_1048 : i32 to vector<16xi32>
        %xor3A_1050 = arith.xori %iota3A, %xor3A_1049 : vector<16xi32>
        %broadcast_in_dim3A_1051 = vector.shape_cast %xor3A_1050 : vector<16xi32> to vector<16x1xi32>
        %gather3A_1052 = vector.shape_cast %broadcast_in_dim3A_1051 : vector<16x1xi32> to vector<16xi32>
        %gather3A_1053 = tpu.dynamic_gather %add3A_1047[%gather3A_1052] in [0] : vector<16xf32>, vector<16xi32> -> vector<16xf32>
        %add3A_1054 = arith.addf %add3A_1047, %gather3A_1053 : vector<16xf32>
        %xor3A_1055 = arith.constant 4 : i32
        %xor3A_1056 = vector.broadcast %xor3A_1055 : i32 to vector<16xi32>
        %xor3A_1057 = arith.xori %iota3A, %xor3A_1056 : vector<16xi32>
        %broadcast_in_dim3A_1058 = vector.shape_cast %xor3A_1057 : vector<16xi32> to vector<16x1xi32>
        %gather3A_1059 = vector.shape_cast %broadcast_in_dim3A_1058 : vector<16x1xi32> to vector<16xi32>
        %gather3A_1060 = tpu.dynamic_gather %add3A_1054[%gather3A_1059] in [0] : vector<16xf32>, vector<16xi32> -> vector<16xf32>
        %add3A_1061 = arith.addf %add3A_1054, %gather3A_1060 : vector<16xf32>
        %xor3A_1062 = arith.constant 2 : i32
        %xor3A_1063 = vector.broadcast %xor3A_1062 : i32 to vector<16xi32>
        %xor3A_1064 = arith.xori %iota3A, %xor3A_1063 : vector<16xi32>
        %broadcast_in_dim3A_1065 = vector.shape_cast %xor3A_1064 : vector<16xi32> to vector<16x1xi32>
        %gather3A_1066 = vector.shape_cast %broadcast_in_dim3A_1065 : vector<16x1xi32> to vector<16xi32>
        %gather3A_1067 = tpu.dynamic_gather %add3A_1061[%gather3A_1066] in [0] : vector<16xf32>, vector<16xi32> -> vector<16xf32>
        %add3A_1068 = arith.addf %add3A_1061, %gather3A_1067 : vector<16xf32>
        %xor3A_1069 = arith.constant 1 : i32
        %xor3A_1070 = vector.broadcast %xor3A_1069 : i32 to vector<16xi32>
        %xor3A_1071 = arith.xori %iota3A, %xor3A_1070 : vector<16xi32>
        %broadcast_in_dim3A_1072 = vector.shape_cast %xor3A_1071 : vector<16xi32> to vector<16x1xi32>
        %gather3A_1073 = vector.shape_cast %broadcast_in_dim3A_1072 : vector<16x1xi32> to vector<16xi32>
        %gather3A_1074 = tpu.dynamic_gather %add3A_1068[%gather3A_1073] in [0] : vector<16xf32>, vector<16xi32> -> vector<16xf32>
        %add3A_1075 = arith.addf %add3A_1068, %gather3A_1074 : vector<16xf32>
        %eq3A_1076 = arith.constant 12 : i32
        %eq3A_1077 = vector.broadcast %eq3A_1076 : i32 to vector<16xi32>
        %eq3A_1078 = arith.cmpi eq, %iota3A, %eq3A_1077 : vector<16xi32>
        %select_n3A_1079 = arith.select %eq3A_1078, %add3A_1075, %select_n3A_1006 : vector<16xi1>, vector<16xf32>
        %add3A_1080 = arith.constant 13 : i32
        %add3A_1081 = arith.addi %mul3A_134, %add3A_1080 : i32
        %get3A_1082 = arith.index_cast %add3A_1081 : i32 to index
        %get3A_1083 = arith.constant 0 : index
        %get3A_1084 = tpu.vector_load %arg5[%get3A_1082, %get3A_1083] {strides = array<i32>} : memref<400x128xf32, #tpu.memory_space<vmem>>, vector<1x16xf32>,
        %get3A_1085 = vector.shape_cast %get3A_1084 : vector<1x16xf32> to vector<16xf32>
        %get3A_1086 = arith.index_cast %add3A_1081 : i32 to index
        %get3A_1087 = arith.constant 16 : index
        %get3A_1088 = tpu.vector_load %arg5[%get3A_1086, %get3A_1087] {strides = array<i32>} : memref<400x128xf32, #tpu.memory_space<vmem>>, vector<1x16xf32>,
        %get3A_1089 = vector.shape_cast %get3A_1088 : vector<1x16xf32> to vector<16xf32>
        %get3A_1090 = arith.index_cast %add3A_1081 : i32 to index
        %get3A_1091 = arith.constant 32 : index
        %get3A_1092 = tpu.vector_load %arg5[%get3A_1090, %get3A_1091] {strides = array<i32>} : memref<400x128xf32, #tpu.memory_space<vmem>>, vector<1x16xf32>,
        %get3A_1093 = vector.shape_cast %get3A_1092 : vector<1x16xf32> to vector<16xf32>
        %get3A_1094 = arith.index_cast %add3A_1081 : i32 to index
        %get3A_1095 = arith.constant 48 : index
        %get3A_1096 = tpu.vector_load %arg5[%get3A_1094, %get3A_1095] {strides = array<i32>} : memref<400x128xf32, #tpu.memory_space<vmem>>, vector<1x16xf32>,
        %get3A_1097 = vector.shape_cast %get3A_1096 : vector<1x16xf32> to vector<16xf32>
        %get3A_1098 = arith.index_cast %add3A_1081 : i32 to index
        %get3A_1099 = arith.constant 64 : index
        %get3A_1100 = tpu.vector_load %arg5[%get3A_1098, %get3A_1099] {strides = array<i32>} : memref<400x128xf32, #tpu.memory_space<vmem>>, vector<1x16xf32>,
        %get3A_1101 = vector.shape_cast %get3A_1100 : vector<1x16xf32> to vector<16xf32>
        %get3A_1102 = arith.index_cast %add3A_1081 : i32 to index
        %get3A_1103 = arith.constant 80 : index
        %get3A_1104 = tpu.vector_load %arg5[%get3A_1102, %get3A_1103] {strides = array<i32>} : memref<400x128xf32, #tpu.memory_space<vmem>>, vector<1x16xf32>,
        %get3A_1105 = vector.shape_cast %get3A_1104 : vector<1x16xf32> to vector<16xf32>
        %get3A_1106 = arith.index_cast %add3A_1081 : i32 to index
        %get3A_1107 = arith.constant 96 : index
        %get3A_1108 = tpu.vector_load %arg5[%get3A_1106, %get3A_1107] {strides = array<i32>} : memref<400x128xf32, #tpu.memory_space<vmem>>, vector<1x16xf32>,
        %get3A_1109 = vector.shape_cast %get3A_1108 : vector<1x16xf32> to vector<16xf32>
        %get3A_1110 = arith.index_cast %add3A_1081 : i32 to index
        %get3A_1111 = arith.constant 112 : index
        %get3A_1112 = tpu.vector_load %arg5[%get3A_1110, %get3A_1111] {strides = array<i32>} : memref<400x128xf32, #tpu.memory_space<vmem>>, vector<1x16xf32>,
        %get3A_1113 = vector.shape_cast %get3A_1112 : vector<1x16xf32> to vector<16xf32>
        %add3A_1114 = arith.addf %get3A_1085, %get3A_1089 : vector<16xf32>
        %add3A_1115 = arith.addf %get3A_1093, %get3A_1097 : vector<16xf32>
        %add3A_1116 = arith.addf %add3A_1114, %add3A_1115 : vector<16xf32>
        %add3A_1117 = arith.addf %get3A_1101, %get3A_1105 : vector<16xf32>
        %add3A_1118 = arith.addf %get3A_1109, %get3A_1113 : vector<16xf32>
        %add3A_1119 = arith.addf %add3A_1117, %add3A_1118 : vector<16xf32>
        %add3A_1120 = arith.addf %add3A_1116, %add3A_1119 : vector<16xf32>
        %xor3A_1121 = arith.constant 8 : i32
        %xor3A_1122 = vector.broadcast %xor3A_1121 : i32 to vector<16xi32>
        %xor3A_1123 = arith.xori %iota3A, %xor3A_1122 : vector<16xi32>
        %broadcast_in_dim3A_1124 = vector.shape_cast %xor3A_1123 : vector<16xi32> to vector<16x1xi32>
        %gather3A_1125 = vector.shape_cast %broadcast_in_dim3A_1124 : vector<16x1xi32> to vector<16xi32>
        %gather3A_1126 = tpu.dynamic_gather %add3A_1120[%gather3A_1125] in [0] : vector<16xf32>, vector<16xi32> -> vector<16xf32>
        %add3A_1127 = arith.addf %add3A_1120, %gather3A_1126 : vector<16xf32>
        %xor3A_1128 = arith.constant 4 : i32
        %xor3A_1129 = vector.broadcast %xor3A_1128 : i32 to vector<16xi32>
        %xor3A_1130 = arith.xori %iota3A, %xor3A_1129 : vector<16xi32>
        %broadcast_in_dim3A_1131 = vector.shape_cast %xor3A_1130 : vector<16xi32> to vector<16x1xi32>
        %gather3A_1132 = vector.shape_cast %broadcast_in_dim3A_1131 : vector<16x1xi32> to vector<16xi32>
        %gather3A_1133 = tpu.dynamic_gather %add3A_1127[%gather3A_1132] in [0] : vector<16xf32>, vector<16xi32> -> vector<16xf32>
        %add3A_1134 = arith.addf %add3A_1127, %gather3A_1133 : vector<16xf32>
        %xor3A_1135 = arith.constant 2 : i32
        %xor3A_1136 = vector.broadcast %xor3A_1135 : i32 to vector<16xi32>
        %xor3A_1137 = arith.xori %iota3A, %xor3A_1136 : vector<16xi32>
        %broadcast_in_dim3A_1138 = vector.shape_cast %xor3A_1137 : vector<16xi32> to vector<16x1xi32>
        %gather3A_1139 = vector.shape_cast %broadcast_in_dim3A_1138 : vector<16x1xi32> to vector<16xi32>
        %gather3A_1140 = tpu.dynamic_gather %add3A_1134[%gather3A_1139] in [0] : vector<16xf32>, vector<16xi32> -> vector<16xf32>
        %add3A_1141 = arith.addf %add3A_1134, %gather3A_1140 : vector<16xf32>
        %xor3A_1142 = arith.constant 1 : i32
        %xor3A_1143 = vector.broadcast %xor3A_1142 : i32 to vector<16xi32>
        %xor3A_1144 = arith.xori %iota3A, %xor3A_1143 : vector<16xi32>
        %broadcast_in_dim3A_1145 = vector.shape_cast %xor3A_1144 : vector<16xi32> to vector<16x1xi32>
        %gather3A_1146 = vector.shape_cast %broadcast_in_dim3A_1145 : vector<16x1xi32> to vector<16xi32>
        %gather3A_1147 = tpu.dynamic_gather %add3A_1141[%gather3A_1146] in [0] : vector<16xf32>, vector<16xi32> -> vector<16xf32>
        %add3A_1148 = arith.addf %add3A_1141, %gather3A_1147 : vector<16xf32>
        %eq3A_1149 = arith.constant 13 : i32
        %eq3A_1150 = vector.broadcast %eq3A_1149 : i32 to vector<16xi32>
        %eq3A_1151 = arith.cmpi eq, %iota3A, %eq3A_1150 : vector<16xi32>
        %select_n3A_1152 = arith.select %eq3A_1151, %add3A_1148, %select_n3A_1079 : vector<16xi1>, vector<16xf32>
        %add3A_1153 = arith.constant 14 : i32
        %add3A_1154 = arith.addi %mul3A_134, %add3A_1153 : i32
        %get3A_1155 = arith.index_cast %add3A_1154 : i32 to index
        %get3A_1156 = arith.constant 0 : index
        %get3A_1157 = tpu.vector_load %arg5[%get3A_1155, %get3A_1156] {strides = array<i32>} : memref<400x128xf32, #tpu.memory_space<vmem>>, vector<1x16xf32>,
        %get3A_1158 = vector.shape_cast %get3A_1157 : vector<1x16xf32> to vector<16xf32>
        %get3A_1159 = arith.index_cast %add3A_1154 : i32 to index
        %get3A_1160 = arith.constant 16 : index
        %get3A_1161 = tpu.vector_load %arg5[%get3A_1159, %get3A_1160] {strides = array<i32>} : memref<400x128xf32, #tpu.memory_space<vmem>>, vector<1x16xf32>,
        %get3A_1162 = vector.shape_cast %get3A_1161 : vector<1x16xf32> to vector<16xf32>
        %get3A_1163 = arith.index_cast %add3A_1154 : i32 to index
        %get3A_1164 = arith.constant 32 : index
        %get3A_1165 = tpu.vector_load %arg5[%get3A_1163, %get3A_1164] {strides = array<i32>} : memref<400x128xf32, #tpu.memory_space<vmem>>, vector<1x16xf32>,
        %get3A_1166 = vector.shape_cast %get3A_1165 : vector<1x16xf32> to vector<16xf32>
        %get3A_1167 = arith.index_cast %add3A_1154 : i32 to index
        %get3A_1168 = arith.constant 48 : index
        %get3A_1169 = tpu.vector_load %arg5[%get3A_1167, %get3A_1168] {strides = array<i32>} : memref<400x128xf32, #tpu.memory_space<vmem>>, vector<1x16xf32>,
        %get3A_1170 = vector.shape_cast %get3A_1169 : vector<1x16xf32> to vector<16xf32>
        %get3A_1171 = arith.index_cast %add3A_1154 : i32 to index
        %get3A_1172 = arith.constant 64 : index
        %get3A_1173 = tpu.vector_load %arg5[%get3A_1171, %get3A_1172] {strides = array<i32>} : memref<400x128xf32, #tpu.memory_space<vmem>>, vector<1x16xf32>,
        %get3A_1174 = vector.shape_cast %get3A_1173 : vector<1x16xf32> to vector<16xf32>
        %get3A_1175 = arith.index_cast %add3A_1154 : i32 to index
        %get3A_1176 = arith.constant 80 : index
        %get3A_1177 = tpu.vector_load %arg5[%get3A_1175, %get3A_1176] {strides = array<i32>} : memref<400x128xf32, #tpu.memory_space<vmem>>, vector<1x16xf32>,
        %get3A_1178 = vector.shape_cast %get3A_1177 : vector<1x16xf32> to vector<16xf32>
        %get3A_1179 = arith.index_cast %add3A_1154 : i32 to index
        %get3A_1180 = arith.constant 96 : index
        %get3A_1181 = tpu.vector_load %arg5[%get3A_1179, %get3A_1180] {strides = array<i32>} : memref<400x128xf32, #tpu.memory_space<vmem>>, vector<1x16xf32>,
        %get3A_1182 = vector.shape_cast %get3A_1181 : vector<1x16xf32> to vector<16xf32>
        %get3A_1183 = arith.index_cast %add3A_1154 : i32 to index
        %get3A_1184 = arith.constant 112 : index
        %get3A_1185 = tpu.vector_load %arg5[%get3A_1183, %get3A_1184] {strides = array<i32>} : memref<400x128xf32, #tpu.memory_space<vmem>>, vector<1x16xf32>,
        %get3A_1186 = vector.shape_cast %get3A_1185 : vector<1x16xf32> to vector<16xf32>
        %add3A_1187 = arith.addf %get3A_1158, %get3A_1162 : vector<16xf32>
        %add3A_1188 = arith.addf %get3A_1166, %get3A_1170 : vector<16xf32>
        %add3A_1189 = arith.addf %add3A_1187, %add3A_1188 : vector<16xf32>
        %add3A_1190 = arith.addf %get3A_1174, %get3A_1178 : vector<16xf32>
        %add3A_1191 = arith.addf %get3A_1182, %get3A_1186 : vector<16xf32>
        %add3A_1192 = arith.addf %add3A_1190, %add3A_1191 : vector<16xf32>
        %add3A_1193 = arith.addf %add3A_1189, %add3A_1192 : vector<16xf32>
        %xor3A_1194 = arith.constant 8 : i32
        %xor3A_1195 = vector.broadcast %xor3A_1194 : i32 to vector<16xi32>
        %xor3A_1196 = arith.xori %iota3A, %xor3A_1195 : vector<16xi32>
        %broadcast_in_dim3A_1197 = vector.shape_cast %xor3A_1196 : vector<16xi32> to vector<16x1xi32>
        %gather3A_1198 = vector.shape_cast %broadcast_in_dim3A_1197 : vector<16x1xi32> to vector<16xi32>
        %gather3A_1199 = tpu.dynamic_gather %add3A_1193[%gather3A_1198] in [0] : vector<16xf32>, vector<16xi32> -> vector<16xf32>
        %add3A_1200 = arith.addf %add3A_1193, %gather3A_1199 : vector<16xf32>
        %xor3A_1201 = arith.constant 4 : i32
        %xor3A_1202 = vector.broadcast %xor3A_1201 : i32 to vector<16xi32>
        %xor3A_1203 = arith.xori %iota3A, %xor3A_1202 : vector<16xi32>
        %broadcast_in_dim3A_1204 = vector.shape_cast %xor3A_1203 : vector<16xi32> to vector<16x1xi32>
        %gather3A_1205 = vector.shape_cast %broadcast_in_dim3A_1204 : vector<16x1xi32> to vector<16xi32>
        %gather3A_1206 = tpu.dynamic_gather %add3A_1200[%gather3A_1205] in [0] : vector<16xf32>, vector<16xi32> -> vector<16xf32>
        %add3A_1207 = arith.addf %add3A_1200, %gather3A_1206 : vector<16xf32>
        %xor3A_1208 = arith.constant 2 : i32
        %xor3A_1209 = vector.broadcast %xor3A_1208 : i32 to vector<16xi32>
        %xor3A_1210 = arith.xori %iota3A, %xor3A_1209 : vector<16xi32>
        %broadcast_in_dim3A_1211 = vector.shape_cast %xor3A_1210 : vector<16xi32> to vector<16x1xi32>
        %gather3A_1212 = vector.shape_cast %broadcast_in_dim3A_1211 : vector<16x1xi32> to vector<16xi32>
        %gather3A_1213 = tpu.dynamic_gather %add3A_1207[%gather3A_1212] in [0] : vector<16xf32>, vector<16xi32> -> vector<16xf32>
        %add3A_1214 = arith.addf %add3A_1207, %gather3A_1213 : vector<16xf32>
        %xor3A_1215 = arith.constant 1 : i32
        %xor3A_1216 = vector.broadcast %xor3A_1215 : i32 to vector<16xi32>
        %xor3A_1217 = arith.xori %iota3A, %xor3A_1216 : vector<16xi32>
        %broadcast_in_dim3A_1218 = vector.shape_cast %xor3A_1217 : vector<16xi32> to vector<16x1xi32>
        %gather3A_1219 = vector.shape_cast %broadcast_in_dim3A_1218 : vector<16x1xi32> to vector<16xi32>
        %gather3A_1220 = tpu.dynamic_gather %add3A_1214[%gather3A_1219] in [0] : vector<16xf32>, vector<16xi32> -> vector<16xf32>
        %add3A_1221 = arith.addf %add3A_1214, %gather3A_1220 : vector<16xf32>
        %eq3A_1222 = arith.constant 14 : i32
        %eq3A_1223 = vector.broadcast %eq3A_1222 : i32 to vector<16xi32>
        %eq3A_1224 = arith.cmpi eq, %iota3A, %eq3A_1223 : vector<16xi32>
        %select_n3A_1225 = arith.select %eq3A_1224, %add3A_1221, %select_n3A_1152 : vector<16xi1>, vector<16xf32>
        %add3A_1226 = arith.constant 15 : i32
        %add3A_1227 = arith.addi %mul3A_134, %add3A_1226 : i32
        %get3A_1228 = arith.index_cast %add3A_1227 : i32 to index
        %get3A_1229 = arith.constant 0 : index
        %get3A_1230 = tpu.vector_load %arg5[%get3A_1228, %get3A_1229] {strides = array<i32>} : memref<400x128xf32, #tpu.memory_space<vmem>>, vector<1x16xf32>,
        %get3A_1231 = vector.shape_cast %get3A_1230 : vector<1x16xf32> to vector<16xf32>
        %get3A_1232 = arith.index_cast %add3A_1227 : i32 to index
        %get3A_1233 = arith.constant 16 : index
        %get3A_1234 = tpu.vector_load %arg5[%get3A_1232, %get3A_1233] {strides = array<i32>} : memref<400x128xf32, #tpu.memory_space<vmem>>, vector<1x16xf32>,
        %get3A_1235 = vector.shape_cast %get3A_1234 : vector<1x16xf32> to vector<16xf32>
        %get3A_1236 = arith.index_cast %add3A_1227 : i32 to index
        %get3A_1237 = arith.constant 32 : index
        %get3A_1238 = tpu.vector_load %arg5[%get3A_1236, %get3A_1237] {strides = array<i32>} : memref<400x128xf32, #tpu.memory_space<vmem>>, vector<1x16xf32>,
        %get3A_1239 = vector.shape_cast %get3A_1238 : vector<1x16xf32> to vector<16xf32>
        %get3A_1240 = arith.index_cast %add3A_1227 : i32 to index
        %get3A_1241 = arith.constant 48 : index
        %get3A_1242 = tpu.vector_load %arg5[%get3A_1240, %get3A_1241] {strides = array<i32>} : memref<400x128xf32, #tpu.memory_space<vmem>>, vector<1x16xf32>,
        %get3A_1243 = vector.shape_cast %get3A_1242 : vector<1x16xf32> to vector<16xf32>
        %get3A_1244 = arith.index_cast %add3A_1227 : i32 to index
        %get3A_1245 = arith.constant 64 : index
        %get3A_1246 = tpu.vector_load %arg5[%get3A_1244, %get3A_1245] {strides = array<i32>} : memref<400x128xf32, #tpu.memory_space<vmem>>, vector<1x16xf32>,
        %get3A_1247 = vector.shape_cast %get3A_1246 : vector<1x16xf32> to vector<16xf32>
        %get3A_1248 = arith.index_cast %add3A_1227 : i32 to index
        %get3A_1249 = arith.constant 80 : index
        %get3A_1250 = tpu.vector_load %arg5[%get3A_1248, %get3A_1249] {strides = array<i32>} : memref<400x128xf32, #tpu.memory_space<vmem>>, vector<1x16xf32>,
        %get3A_1251 = vector.shape_cast %get3A_1250 : vector<1x16xf32> to vector<16xf32>
        %get3A_1252 = arith.index_cast %add3A_1227 : i32 to index
        %get3A_1253 = arith.constant 96 : index
        %get3A_1254 = tpu.vector_load %arg5[%get3A_1252, %get3A_1253] {strides = array<i32>} : memref<400x128xf32, #tpu.memory_space<vmem>>, vector<1x16xf32>,
        %get3A_1255 = vector.shape_cast %get3A_1254 : vector<1x16xf32> to vector<16xf32>
        %get3A_1256 = arith.index_cast %add3A_1227 : i32 to index
        %get3A_1257 = arith.constant 112 : index
        %get3A_1258 = tpu.vector_load %arg5[%get3A_1256, %get3A_1257] {strides = array<i32>} : memref<400x128xf32, #tpu.memory_space<vmem>>, vector<1x16xf32>,
        %get3A_1259 = vector.shape_cast %get3A_1258 : vector<1x16xf32> to vector<16xf32>
        %add3A_1260 = arith.addf %get3A_1231, %get3A_1235 : vector<16xf32>
        %add3A_1261 = arith.addf %get3A_1239, %get3A_1243 : vector<16xf32>
        %add3A_1262 = arith.addf %add3A_1260, %add3A_1261 : vector<16xf32>
        %add3A_1263 = arith.addf %get3A_1247, %get3A_1251 : vector<16xf32>
        %add3A_1264 = arith.addf %get3A_1255, %get3A_1259 : vector<16xf32>
        %add3A_1265 = arith.addf %add3A_1263, %add3A_1264 : vector<16xf32>
        %add3A_1266 = arith.addf %add3A_1262, %add3A_1265 : vector<16xf32>
        %xor3A_1267 = arith.constant 8 : i32
        %xor3A_1268 = vector.broadcast %xor3A_1267 : i32 to vector<16xi32>
        %xor3A_1269 = arith.xori %iota3A, %xor3A_1268 : vector<16xi32>
        %broadcast_in_dim3A_1270 = vector.shape_cast %xor3A_1269 : vector<16xi32> to vector<16x1xi32>
        %gather3A_1271 = vector.shape_cast %broadcast_in_dim3A_1270 : vector<16x1xi32> to vector<16xi32>
        %gather3A_1272 = tpu.dynamic_gather %add3A_1266[%gather3A_1271] in [0] : vector<16xf32>, vector<16xi32> -> vector<16xf32>
        %add3A_1273 = arith.addf %add3A_1266, %gather3A_1272 : vector<16xf32>
        %xor3A_1274 = arith.constant 4 : i32
        %xor3A_1275 = vector.broadcast %xor3A_1274 : i32 to vector<16xi32>
        %xor3A_1276 = arith.xori %iota3A, %xor3A_1275 : vector<16xi32>
        %broadcast_in_dim3A_1277 = vector.shape_cast %xor3A_1276 : vector<16xi32> to vector<16x1xi32>
        %gather3A_1278 = vector.shape_cast %broadcast_in_dim3A_1277 : vector<16x1xi32> to vector<16xi32>
        %gather3A_1279 = tpu.dynamic_gather %add3A_1273[%gather3A_1278] in [0] : vector<16xf32>, vector<16xi32> -> vector<16xf32>
        %add3A_1280 = arith.addf %add3A_1273, %gather3A_1279 : vector<16xf32>
        %xor3A_1281 = arith.constant 2 : i32
        %xor3A_1282 = vector.broadcast %xor3A_1281 : i32 to vector<16xi32>
        %xor3A_1283 = arith.xori %iota3A, %xor3A_1282 : vector<16xi32>
        %broadcast_in_dim3A_1284 = vector.shape_cast %xor3A_1283 : vector<16xi32> to vector<16x1xi32>
        %gather3A_1285 = vector.shape_cast %broadcast_in_dim3A_1284 : vector<16x1xi32> to vector<16xi32>
        %gather3A_1286 = tpu.dynamic_gather %add3A_1280[%gather3A_1285] in [0] : vector<16xf32>, vector<16xi32> -> vector<16xf32>
        %add3A_1287 = arith.addf %add3A_1280, %gather3A_1286 : vector<16xf32>
        %xor3A_1288 = arith.constant 1 : i32
        %xor3A_1289 = vector.broadcast %xor3A_1288 : i32 to vector<16xi32>
        %xor3A_1290 = arith.xori %iota3A, %xor3A_1289 : vector<16xi32>
        %broadcast_in_dim3A_1291 = vector.shape_cast %xor3A_1290 : vector<16xi32> to vector<16x1xi32>
        %gather3A_1292 = vector.shape_cast %broadcast_in_dim3A_1291 : vector<16x1xi32> to vector<16xi32>
        %gather3A_1293 = tpu.dynamic_gather %add3A_1287[%gather3A_1292] in [0] : vector<16xf32>, vector<16xi32> -> vector<16xf32>
        %add3A_1294 = arith.addf %add3A_1287, %gather3A_1293 : vector<16xf32>
        %eq3A_1295 = arith.constant 15 : i32
        %eq3A_1296 = vector.broadcast %eq3A_1295 : i32 to vector<16xi32>
        %eq3A_1297 = arith.cmpi eq, %iota3A, %eq3A_1296 : vector<16xi32>
        %select_n3A_1298 = arith.select %eq3A_1297, %add3A_1294, %select_n3A_1225 : vector<16xi1>, vector<16xf32>
        %mul3A_1299 = arith.constant 7.812500e-03 : f32
        %mul3A_1300 = vector.broadcast %mul3A_1299 : f32 to vector<16xf32>
        %mul3A_1301 = arith.mulf %select_n3A_1298, %mul3A_1300 : vector<16xf32>
        %swap3A = arith.index_cast %mul3A_134 : i32 to index
        %swap3A_1302 = tpu.vector_load %arg7[%swap3A] {strides = array<i32>} : memref<400xf32, #tpu.memory_space<vmem>>, vector<16xf32>,
        %swap3A_1303 = vector.shape_cast %swap3A_1302 : vector<16xf32> to vector<16xf32>
        %swap3A_1304 = vector.shape_cast %mul3A_1301 : vector<16xf32> to vector<16xf32>
        tpu.vector_store %arg7[%swap3A], %swap3A_1304 {strides = array<i32>} : memref<400xf32, #tpu.memory_space<vmem>>, vector<16xf32>,
      }
      %scan3A_115 = arith.constant 25 : i32
      %mul3A_116 = arith.constant 400 : i32
      %mul3A_117 = arith.muli %add3A_100, %mul3A_116 : i32
      %add3A_118 = arith.addi %mul3A_6, %mul3A_117 : i32
      %dma_start3A_119 = tpu.memref_slice %arg3[%add3A_118] : memref<115200xf32, #tpu.memory_space<hbm>> -> memref<400xf32, #tpu.memory_space<hbm>>
      %dma_start3A_120 = tpu.memref_slice %arg3[%add3A_118] : memref<115200xf32, #tpu.memory_space<hbm>> -> memref<400xf32, #tpu.memory_space<hbm>>
      tpu.enqueue_dma source(%arg7 : memref<400xf32, #tpu.memory_space<vmem>>) target(%dma_start3A_120 : memref<400xf32, #tpu.memory_space<hbm>>) target_semaphore(%arg11 : memref<!tpu.dma_semaphore, #tpu.memory_space<semaphore_mem>>)
      %add3A_121 = arith.constant 2 : i32
      %add3A_122 = arith.addi %add3A_100, %add3A_121 : i32
      %min3A_123 = arith.constant 8 : i32
      %min3A_124 = arith.minsi %add3A_122, %min3A_123 : i32
      %mul3A_125 = arith.constant 400 : i32
      %mul3A_126 = arith.muli %min3A_124, %mul3A_125 : i32
      %add3A_127 = arith.addi %add3A_4, %mul3A_126 : i32
      %dma_start3A_128 = arith.constant 0 : i32
      %dma_start3A_129 = tpu.memref_slice %arg2[%add3A_127, %dma_start3A_128] : memref<320000x128xf32, #tpu.memory_space<hbm>> -> memref<400x128xf32, #tpu.memory_space<hbm>>
      %dma_start3A_130 = arith.constant 0 : i32
      %dma_start3A_131 = tpu.memref_slice %arg2[%add3A_127, %dma_start3A_130] : memref<320000x128xf32, #tpu.memory_space<hbm>> -> memref<400x128xf32, #tpu.memory_space<hbm>>
      tpu.enqueue_dma source(%dma_start3A_131 : memref<400x128xf32, #tpu.memory_space<hbm>>) target(%arg5 : memref<400x128xf32, #tpu.memory_space<vmem>>) target_semaphore(%arg9 : memref<!tpu.dma_semaphore, #tpu.memory_space<semaphore_mem>>)
    }
    %scan3A_29 = arith.constant 4 : i32
    %dma_wait3A = arith.constant 0 : i32
    %dma_wait3A_30 = arith.constant 0 : i32
    %dma_wait3A_31 = tpu.memref_slice %arg2[%dma_wait3A, %dma_wait3A_30] : memref<320000x128xf32, #tpu.memory_space<hbm>> -> memref<400x128xf32, #tpu.memory_space<hbm>>
    %dma_wait3A_32 = arith.constant 0 : i32
    %dma_wait3A_33 = arith.constant 0 : i32
    %dma_wait3A_34 = tpu.memref_slice %arg2[%dma_wait3A_32, %dma_wait3A_33] : memref<320000x128xf32, #tpu.memory_space<hbm>> -> memref<400x128xf32, #tpu.memory_space<hbm>>
    tpu.wait_dma2 semaphore(%arg8 : memref<!tpu.dma_semaphore, #tpu.memory_space<semaphore_mem>>) src(%dma_wait3A_34 : memref<400x128xf32, #tpu.memory_space<hbm>>) dst(%arg4 : memref<400x128xf32, #tpu.memory_space<vmem>>)
    %dma_wait3A_35 = arith.constant 0 : i32
    %dma_wait3A_36 = tpu.memref_slice %arg3[%dma_wait3A_35] : memref<115200xf32, #tpu.memory_space<hbm>> -> memref<400xf32, #tpu.memory_space<hbm>>
    %dma_wait3A_37 = arith.constant 0 : i32
    %dma_wait3A_38 = tpu.memref_slice %arg3[%dma_wait3A_37] : memref<115200xf32, #tpu.memory_space<hbm>> -> memref<400xf32, #tpu.memory_space<hbm>>
    tpu.wait_dma2 semaphore(%arg10 : memref<!tpu.dma_semaphore, #tpu.memory_space<semaphore_mem>>) src(%arg6 : memref<400xf32, #tpu.memory_space<vmem>>) dst(%dma_wait3A_38 : memref<400xf32, #tpu.memory_space<hbm>>)
    %scan3A_39 = arith.constant 0 : i32
    %scan3A_40 = arith.constant 25 : i32
    %scan3A_41 = arith.addi %scan3A_39, %scan3A_40 : i32
    %scan3A_42 = arith.constant 1 : i32
    scf.for %scan3A_62 = %scan3A_39 to %scan3A_41 step %scan3A_42  : i32 {
      %mul3A_63 = arith.constant 16 : i32
      %mul3A_64 = arith.muli %scan3A_62, %mul3A_63 : i32
      %broadcast_in_dim3A = arith.constant 0.000000e+00 : f32
      %broadcast_in_dim3A_65 = vector.broadcast %broadcast_in_dim3A : f32 to vector<16xf32>
      %add3A_66 = arith.constant 0 : i32
      %add3A_67 = arith.addi %mul3A_64, %add3A_66 : i32
      %get3A = arith.index_cast %add3A_67 : i32 to index
      %get3A_68 = arith.constant 0 : index
      %get3A_69 = tpu.vector_load %arg4[%get3A, %get3A_68] {strides = array<i32>} : memref<400x128xf32, #tpu.memory_space<vmem>>, vector<1x16xf32>,
      %get3A_70 = vector.shape_cast %get3A_69 : vector<1x16xf32> to vector<16xf32>
      %get3A_71 = arith.index_cast %add3A_67 : i32 to index
      %get3A_72 = arith.constant 16 : index
      %get3A_73 = tpu.vector_load %arg4[%get3A_71, %get3A_72] {strides = array<i32>} : memref<400x128xf32, #tpu.memory_space<vmem>>, vector<1x16xf32>,
      %get3A_74 = vector.shape_cast %get3A_73 : vector<1x16xf32> to vector<16xf32>
      %get3A_75 = arith.index_cast %add3A_67 : i32 to index
      %get3A_76 = arith.constant 32 : index
      %get3A_77 = tpu.vector_load %arg4[%get3A_75, %get3A_76] {strides = array<i32>} : memref<400x128xf32, #tpu.memory_space<vmem>>, vector<1x16xf32>,
      %get3A_78 = vector.shape_cast %get3A_77 : vector<1x16xf32> to vector<16xf32>
      %get3A_79 = arith.index_cast %add3A_67 : i32 to index
      %get3A_80 = arith.constant 48 : index
      %get3A_81 = tpu.vector_load %arg4[%get3A_79, %get3A_80] {strides = array<i32>} : memref<400x128xf32, #tpu.memory_space<vmem>>, vector<1x16xf32>,
      %get3A_82 = vector.shape_cast %get3A_81 : vector<1x16xf32> to vector<16xf32>
      %get3A_83 = arith.index_cast %add3A_67 : i32 to index
      %get3A_84 = arith.constant 64 : index
      %get3A_85 = tpu.vector_load %arg4[%get3A_83, %get3A_84] {strides = array<i32>} : memref<400x128xf32, #tpu.memory_space<vmem>>, vector<1x16xf32>,
      %get3A_86 = vector.shape_cast %get3A_85 : vector<1x16xf32> to vector<16xf32>
      %get3A_87 = arith.index_cast %add3A_67 : i32 to index
      %get3A_88 = arith.constant 80 : index
      %get3A_89 = tpu.vector_load %arg4[%get3A_87, %get3A_88] {strides = array<i32>} : memref<400x128xf32, #tpu.memory_space<vmem>>, vector<1x16xf32>,
      %get3A_90 = vector.shape_cast %get3A_89 : vector<1x16xf32> to vector<16xf32>
      %get3A_91 = arith.index_cast %add3A_67 : i32 to index
      %get3A_92 = arith.constant 96 : index
      %get3A_93 = tpu.vector_load %arg4[%get3A_91, %get3A_92] {strides = array<i32>} : memref<400x128xf32, #tpu.memory_space<vmem>>, vector<1x16xf32>,
      %get3A_94 = vector.shape_cast %get3A_93 : vector<1x16xf32> to vector<16xf32>
      %get3A_95 = arith.index_cast %add3A_67 : i32 to index
      %get3A_96 = arith.constant 112 : index
      %get3A_97 = tpu.vector_load %arg4[%get3A_95, %get3A_96] {strides = array<i32>} : memref<400x128xf32, #tpu.memory_space<vmem>>, vector<1x16xf32>,
      %get3A_98 = vector.shape_cast %get3A_97 : vector<1x16xf32> to vector<16xf32>
      %add3A_99 = arith.addf %get3A_70, %get3A_74 : vector<16xf32>
      %add3A_100 = arith.addf %get3A_78, %get3A_82 : vector<16xf32>
      %add3A_101 = arith.addf %add3A_99, %add3A_100 : vector<16xf32>
      %add3A_102 = arith.addf %get3A_86, %get3A_90 : vector<16xf32>
      %add3A_103 = arith.addf %get3A_94, %get3A_98 : vector<16xf32>
      %add3A_104 = arith.addf %add3A_102, %add3A_103 : vector<16xf32>
      %add3A_105 = arith.addf %add3A_101, %add3A_104 : vector<16xf32>
      %xor3A = arith.constant 8 : i32
      %xor3A_106 = vector.broadcast %xor3A : i32 to vector<16xi32>
      %xor3A_107 = arith.xori %iota3A, %xor3A_106 : vector<16xi32>
      %broadcast_in_dim3A_108 = vector.shape_cast %xor3A_107 : vector<16xi32> to vector<16x1xi32>
      %gather3A = vector.shape_cast %broadcast_in_dim3A_108 : vector<16x1xi32> to vector<16xi32>
      %gather3A_109 = tpu.dynamic_gather %add3A_105[%gather3A] in [0] : vector<16xf32>, vector<16xi32> -> vector<16xf32>
      %add3A_110 = arith.addf %add3A_105, %gather3A_109 : vector<16xf32>
      %xor3A_111 = arith.constant 4 : i32
      %xor3A_112 = vector.broadcast %xor3A_111 : i32 to vector<16xi32>
      %xor3A_113 = arith.xori %iota3A, %xor3A_112 : vector<16xi32>
      %broadcast_in_dim3A_114 = vector.shape_cast %xor3A_113 : vector<16xi32> to vector<16x1xi32>
      %gather3A_115 = vector.shape_cast %broadcast_in_dim3A_114 : vector<16x1xi32> to vector<16xi32>
      %gather3A_116 = tpu.dynamic_gather %add3A_110[%gather3A_115] in [0] : vector<16xf32>, vector<16xi32> -> vector<16xf32>
      %add3A_117 = arith.addf %add3A_110, %gather3A_116 : vector<16xf32>
      %xor3A_118 = arith.constant 2 : i32
      %xor3A_119 = vector.broadcast %xor3A_118 : i32 to vector<16xi32>
      %xor3A_120 = arith.xori %iota3A, %xor3A_119 : vector<16xi32>
      %broadcast_in_dim3A_121 = vector.shape_cast %xor3A_120 : vector<16xi32> to vector<16x1xi32>
      %gather3A_122 = vector.shape_cast %broadcast_in_dim3A_121 : vector<16x1xi32> to vector<16xi32>
      %gather3A_123 = tpu.dynamic_gather %add3A_117[%gather3A_122] in [0] : vector<16xf32>, vector<16xi32> -> vector<16xf32>
      %add3A_124 = arith.addf %add3A_117, %gather3A_123 : vector<16xf32>
      %xor3A_125 = arith.constant 1 : i32
      %xor3A_126 = vector.broadcast %xor3A_125 : i32 to vector<16xi32>
      %xor3A_127 = arith.xori %iota3A, %xor3A_126 : vector<16xi32>
      %broadcast_in_dim3A_128 = vector.shape_cast %xor3A_127 : vector<16xi32> to vector<16x1xi32>
      %gather3A_129 = vector.shape_cast %broadcast_in_dim3A_128 : vector<16x1xi32> to vector<16xi32>
      %gather3A_130 = tpu.dynamic_gather %add3A_124[%gather3A_129] in [0] : vector<16xf32>, vector<16xi32> -> vector<16xf32>
      %add3A_131 = arith.addf %add3A_124, %gather3A_130 : vector<16xf32>
      %eq3A = arith.constant 0 : i32
      %eq3A_132 = vector.broadcast %eq3A : i32 to vector<16xi32>
      %eq3A_133 = arith.cmpi eq, %iota3A, %eq3A_132 : vector<16xi32>
      %select_n3A = arith.select %eq3A_133, %add3A_131, %broadcast_in_dim3A_65 : vector<16xi1>, vector<16xf32>
      %add3A_134 = arith.constant 1 : i32
      %add3A_135 = arith.addi %mul3A_64, %add3A_134 : i32
      %get3A_136 = arith.index_cast %add3A_135 : i32 to index
      %get3A_137 = arith.constant 0 : index
      %get3A_138 = tpu.vector_load %arg4[%get3A_136, %get3A_137] {strides = array<i32>} : memref<400x128xf32, #tpu.memory_space<vmem>>, vector<1x16xf32>,
      %get3A_139 = vector.shape_cast %get3A_138 : vector<1x16xf32> to vector<16xf32>
      %get3A_140 = arith.index_cast %add3A_135 : i32 to index
      %get3A_141 = arith.constant 16 : index
      %get3A_142 = tpu.vector_load %arg4[%get3A_140, %get3A_141] {strides = array<i32>} : memref<400x128xf32, #tpu.memory_space<vmem>>, vector<1x16xf32>,
      %get3A_143 = vector.shape_cast %get3A_142 : vector<1x16xf32> to vector<16xf32>
      %get3A_144 = arith.index_cast %add3A_135 : i32 to index
      %get3A_145 = arith.constant 32 : index
      %get3A_146 = tpu.vector_load %arg4[%get3A_144, %get3A_145] {strides = array<i32>} : memref<400x128xf32, #tpu.memory_space<vmem>>, vector<1x16xf32>,
      %get3A_147 = vector.shape_cast %get3A_146 : vector<1x16xf32> to vector<16xf32>
      %get3A_148 = arith.index_cast %add3A_135 : i32 to index
      %get3A_149 = arith.constant 48 : index
      %get3A_150 = tpu.vector_load %arg4[%get3A_148, %get3A_149] {strides = array<i32>} : memref<400x128xf32, #tpu.memory_space<vmem>>, vector<1x16xf32>,
      %get3A_151 = vector.shape_cast %get3A_150 : vector<1x16xf32> to vector<16xf32>
      %get3A_152 = arith.index_cast %add3A_135 : i32 to index
      %get3A_153 = arith.constant 64 : index
      %get3A_154 = tpu.vector_load %arg4[%get3A_152, %get3A_153] {strides = array<i32>} : memref<400x128xf32, #tpu.memory_space<vmem>>, vector<1x16xf32>,
      %get3A_155 = vector.shape_cast %get3A_154 : vector<1x16xf32> to vector<16xf32>
      %get3A_156 = arith.index_cast %add3A_135 : i32 to index
      %get3A_157 = arith.constant 80 : index
      %get3A_158 = tpu.vector_load %arg4[%get3A_156, %get3A_157] {strides = array<i32>} : memref<400x128xf32, #tpu.memory_space<vmem>>, vector<1x16xf32>,
      %get3A_159 = vector.shape_cast %get3A_158 : vector<1x16xf32> to vector<16xf32>
      %get3A_160 = arith.index_cast %add3A_135 : i32 to index
      %get3A_161 = arith.constant 96 : index
      %get3A_162 = tpu.vector_load %arg4[%get3A_160, %get3A_161] {strides = array<i32>} : memref<400x128xf32, #tpu.memory_space<vmem>>, vector<1x16xf32>,
      %get3A_163 = vector.shape_cast %get3A_162 : vector<1x16xf32> to vector<16xf32>
      %get3A_164 = arith.index_cast %add3A_135 : i32 to index
      %get3A_165 = arith.constant 112 : index
      %get3A_166 = tpu.vector_load %arg4[%get3A_164, %get3A_165] {strides = array<i32>} : memref<400x128xf32, #tpu.memory_space<vmem>>, vector<1x16xf32>,
      %get3A_167 = vector.shape_cast %get3A_166 : vector<1x16xf32> to vector<16xf32>
      %add3A_168 = arith.addf %get3A_139, %get3A_143 : vector<16xf32>
      %add3A_169 = arith.addf %get3A_147, %get3A_151 : vector<16xf32>
      %add3A_170 = arith.addf %add3A_168, %add3A_169 : vector<16xf32>
      %add3A_171 = arith.addf %get3A_155, %get3A_159 : vector<16xf32>
      %add3A_172 = arith.addf %get3A_163, %get3A_167 : vector<16xf32>
      %add3A_173 = arith.addf %add3A_171, %add3A_172 : vector<16xf32>
      %add3A_174 = arith.addf %add3A_170, %add3A_173 : vector<16xf32>
      %xor3A_175 = arith.constant 8 : i32
      %xor3A_176 = vector.broadcast %xor3A_175 : i32 to vector<16xi32>
      %xor3A_177 = arith.xori %iota3A, %xor3A_176 : vector<16xi32>
      %broadcast_in_dim3A_178 = vector.shape_cast %xor3A_177 : vector<16xi32> to vector<16x1xi32>
      %gather3A_179 = vector.shape_cast %broadcast_in_dim3A_178 : vector<16x1xi32> to vector<16xi32>
      %gather3A_180 = tpu.dynamic_gather %add3A_174[%gather3A_179] in [0] : vector<16xf32>, vector<16xi32> -> vector<16xf32>
      %add3A_181 = arith.addf %add3A_174, %gather3A_180 : vector<16xf32>
      %xor3A_182 = arith.constant 4 : i32
      %xor3A_183 = vector.broadcast %xor3A_182 : i32 to vector<16xi32>
      %xor3A_184 = arith.xori %iota3A, %xor3A_183 : vector<16xi32>
      %broadcast_in_dim3A_185 = vector.shape_cast %xor3A_184 : vector<16xi32> to vector<16x1xi32>
      %gather3A_186 = vector.shape_cast %broadcast_in_dim3A_185 : vector<16x1xi32> to vector<16xi32>
      %gather3A_187 = tpu.dynamic_gather %add3A_181[%gather3A_186] in [0] : vector<16xf32>, vector<16xi32> -> vector<16xf32>
      %add3A_188 = arith.addf %add3A_181, %gather3A_187 : vector<16xf32>
      %xor3A_189 = arith.constant 2 : i32
      %xor3A_190 = vector.broadcast %xor3A_189 : i32 to vector<16xi32>
      %xor3A_191 = arith.xori %iota3A, %xor3A_190 : vector<16xi32>
      %broadcast_in_dim3A_192 = vector.shape_cast %xor3A_191 : vector<16xi32> to vector<16x1xi32>
      %gather3A_193 = vector.shape_cast %broadcast_in_dim3A_192 : vector<16x1xi32> to vector<16xi32>
      %gather3A_194 = tpu.dynamic_gather %add3A_188[%gather3A_193] in [0] : vector<16xf32>, vector<16xi32> -> vector<16xf32>
      %add3A_195 = arith.addf %add3A_188, %gather3A_194 : vector<16xf32>
      %xor3A_196 = arith.constant 1 : i32
      %xor3A_197 = vector.broadcast %xor3A_196 : i32 to vector<16xi32>
      %xor3A_198 = arith.xori %iota3A, %xor3A_197 : vector<16xi32>
      %broadcast_in_dim3A_199 = vector.shape_cast %xor3A_198 : vector<16xi32> to vector<16x1xi32>
      %gather3A_200 = vector.shape_cast %broadcast_in_dim3A_199 : vector<16x1xi32> to vector<16xi32>
      %gather3A_201 = tpu.dynamic_gather %add3A_195[%gather3A_200] in [0] : vector<16xf32>, vector<16xi32> -> vector<16xf32>
      %add3A_202 = arith.addf %add3A_195, %gather3A_201 : vector<16xf32>
      %eq3A_203 = arith.constant 1 : i32
      %eq3A_204 = vector.broadcast %eq3A_203 : i32 to vector<16xi32>
      %eq3A_205 = arith.cmpi eq, %iota3A, %eq3A_204 : vector<16xi32>
      %select_n3A_206 = arith.select %eq3A_205, %add3A_202, %select_n3A : vector<16xi1>, vector<16xf32>
      %add3A_207 = arith.constant 2 : i32
      %add3A_208 = arith.addi %mul3A_64, %add3A_207 : i32
      %get3A_209 = arith.index_cast %add3A_208 : i32 to index
      %get3A_210 = arith.constant 0 : index
      %get3A_211 = tpu.vector_load %arg4[%get3A_209, %get3A_210] {strides = array<i32>} : memref<400x128xf32, #tpu.memory_space<vmem>>, vector<1x16xf32>,
      %get3A_212 = vector.shape_cast %get3A_211 : vector<1x16xf32> to vector<16xf32>
      %get3A_213 = arith.index_cast %add3A_208 : i32 to index
      %get3A_214 = arith.constant 16 : index
      %get3A_215 = tpu.vector_load %arg4[%get3A_213, %get3A_214] {strides = array<i32>} : memref<400x128xf32, #tpu.memory_space<vmem>>, vector<1x16xf32>,
      %get3A_216 = vector.shape_cast %get3A_215 : vector<1x16xf32> to vector<16xf32>
      %get3A_217 = arith.index_cast %add3A_208 : i32 to index
      %get3A_218 = arith.constant 32 : index
      %get3A_219 = tpu.vector_load %arg4[%get3A_217, %get3A_218] {strides = array<i32>} : memref<400x128xf32, #tpu.memory_space<vmem>>, vector<1x16xf32>,
      %get3A_220 = vector.shape_cast %get3A_219 : vector<1x16xf32> to vector<16xf32>
      %get3A_221 = arith.index_cast %add3A_208 : i32 to index
      %get3A_222 = arith.constant 48 : index
      %get3A_223 = tpu.vector_load %arg4[%get3A_221, %get3A_222] {strides = array<i32>} : memref<400x128xf32, #tpu.memory_space<vmem>>, vector<1x16xf32>,
      %get3A_224 = vector.shape_cast %get3A_223 : vector<1x16xf32> to vector<16xf32>
      %get3A_225 = arith.index_cast %add3A_208 : i32 to index
      %get3A_226 = arith.constant 64 : index
      %get3A_227 = tpu.vector_load %arg4[%get3A_225, %get3A_226] {strides = array<i32>} : memref<400x128xf32, #tpu.memory_space<vmem>>, vector<1x16xf32>,
      %get3A_228 = vector.shape_cast %get3A_227 : vector<1x16xf32> to vector<16xf32>
      %get3A_229 = arith.index_cast %add3A_208 : i32 to index
      %get3A_230 = arith.constant 80 : index
      %get3A_231 = tpu.vector_load %arg4[%get3A_229, %get3A_230] {strides = array<i32>} : memref<400x128xf32, #tpu.memory_space<vmem>>, vector<1x16xf32>,
      %get3A_232 = vector.shape_cast %get3A_231 : vector<1x16xf32> to vector<16xf32>
      %get3A_233 = arith.index_cast %add3A_208 : i32 to index
      %get3A_234 = arith.constant 96 : index
      %get3A_235 = tpu.vector_load %arg4[%get3A_233, %get3A_234] {strides = array<i32>} : memref<400x128xf32, #tpu.memory_space<vmem>>, vector<1x16xf32>,
      %get3A_236 = vector.shape_cast %get3A_235 : vector<1x16xf32> to vector<16xf32>
      %get3A_237 = arith.index_cast %add3A_208 : i32 to index
      %get3A_238 = arith.constant 112 : index
      %get3A_239 = tpu.vector_load %arg4[%get3A_237, %get3A_238] {strides = array<i32>} : memref<400x128xf32, #tpu.memory_space<vmem>>, vector<1x16xf32>,
      %get3A_240 = vector.shape_cast %get3A_239 : vector<1x16xf32> to vector<16xf32>
      %add3A_241 = arith.addf %get3A_212, %get3A_216 : vector<16xf32>
      %add3A_242 = arith.addf %get3A_220, %get3A_224 : vector<16xf32>
      %add3A_243 = arith.addf %add3A_241, %add3A_242 : vector<16xf32>
      %add3A_244 = arith.addf %get3A_228, %get3A_232 : vector<16xf32>
      %add3A_245 = arith.addf %get3A_236, %get3A_240 : vector<16xf32>
      %add3A_246 = arith.addf %add3A_244, %add3A_245 : vector<16xf32>
      %add3A_247 = arith.addf %add3A_243, %add3A_246 : vector<16xf32>
      %xor3A_248 = arith.constant 8 : i32
      %xor3A_249 = vector.broadcast %xor3A_248 : i32 to vector<16xi32>
      %xor3A_250 = arith.xori %iota3A, %xor3A_249 : vector<16xi32>
      %broadcast_in_dim3A_251 = vector.shape_cast %xor3A_250 : vector<16xi32> to vector<16x1xi32>
      %gather3A_252 = vector.shape_cast %broadcast_in_dim3A_251 : vector<16x1xi32> to vector<16xi32>
      %gather3A_253 = tpu.dynamic_gather %add3A_247[%gather3A_252] in [0] : vector<16xf32>, vector<16xi32> -> vector<16xf32>
      %add3A_254 = arith.addf %add3A_247, %gather3A_253 : vector<16xf32>
      %xor3A_255 = arith.constant 4 : i32
      %xor3A_256 = vector.broadcast %xor3A_255 : i32 to vector<16xi32>
      %xor3A_257 = arith.xori %iota3A, %xor3A_256 : vector<16xi32>
      %broadcast_in_dim3A_258 = vector.shape_cast %xor3A_257 : vector<16xi32> to vector<16x1xi32>
      %gather3A_259 = vector.shape_cast %broadcast_in_dim3A_258 : vector<16x1xi32> to vector<16xi32>
      %gather3A_260 = tpu.dynamic_gather %add3A_254[%gather3A_259] in [0] : vector<16xf32>, vector<16xi32> -> vector<16xf32>
      %add3A_261 = arith.addf %add3A_254, %gather3A_260 : vector<16xf32>
      %xor3A_262 = arith.constant 2 : i32
      %xor3A_263 = vector.broadcast %xor3A_262 : i32 to vector<16xi32>
      %xor3A_264 = arith.xori %iota3A, %xor3A_263 : vector<16xi32>
      %broadcast_in_dim3A_265 = vector.shape_cast %xor3A_264 : vector<16xi32> to vector<16x1xi32>
      %gather3A_266 = vector.shape_cast %broadcast_in_dim3A_265 : vector<16x1xi32> to vector<16xi32>
      %gather3A_267 = tpu.dynamic_gather %add3A_261[%gather3A_266] in [0] : vector<16xf32>, vector<16xi32> -> vector<16xf32>
      %add3A_268 = arith.addf %add3A_261, %gather3A_267 : vector<16xf32>
      %xor3A_269 = arith.constant 1 : i32
      %xor3A_270 = vector.broadcast %xor3A_269 : i32 to vector<16xi32>
      %xor3A_271 = arith.xori %iota3A, %xor3A_270 : vector<16xi32>
      %broadcast_in_dim3A_272 = vector.shape_cast %xor3A_271 : vector<16xi32> to vector<16x1xi32>
      %gather3A_273 = vector.shape_cast %broadcast_in_dim3A_272 : vector<16x1xi32> to vector<16xi32>
      %gather3A_274 = tpu.dynamic_gather %add3A_268[%gather3A_273] in [0] : vector<16xf32>, vector<16xi32> -> vector<16xf32>
      %add3A_275 = arith.addf %add3A_268, %gather3A_274 : vector<16xf32>
      %eq3A_276 = arith.constant 2 : i32
      %eq3A_277 = vector.broadcast %eq3A_276 : i32 to vector<16xi32>
      %eq3A_278 = arith.cmpi eq, %iota3A, %eq3A_277 : vector<16xi32>
      %select_n3A_279 = arith.select %eq3A_278, %add3A_275, %select_n3A_206 : vector<16xi1>, vector<16xf32>
      %add3A_280 = arith.constant 3 : i32
      %add3A_281 = arith.addi %mul3A_64, %add3A_280 : i32
      %get3A_282 = arith.index_cast %add3A_281 : i32 to index
      %get3A_283 = arith.constant 0 : index
      %get3A_284 = tpu.vector_load %arg4[%get3A_282, %get3A_283] {strides = array<i32>} : memref<400x128xf32, #tpu.memory_space<vmem>>, vector<1x16xf32>,
      %get3A_285 = vector.shape_cast %get3A_284 : vector<1x16xf32> to vector<16xf32>
      %get3A_286 = arith.index_cast %add3A_281 : i32 to index
      %get3A_287 = arith.constant 16 : index
      %get3A_288 = tpu.vector_load %arg4[%get3A_286, %get3A_287] {strides = array<i32>} : memref<400x128xf32, #tpu.memory_space<vmem>>, vector<1x16xf32>,
      %get3A_289 = vector.shape_cast %get3A_288 : vector<1x16xf32> to vector<16xf32>
      %get3A_290 = arith.index_cast %add3A_281 : i32 to index
      %get3A_291 = arith.constant 32 : index
      %get3A_292 = tpu.vector_load %arg4[%get3A_290, %get3A_291] {strides = array<i32>} : memref<400x128xf32, #tpu.memory_space<vmem>>, vector<1x16xf32>,
      %get3A_293 = vector.shape_cast %get3A_292 : vector<1x16xf32> to vector<16xf32>
      %get3A_294 = arith.index_cast %add3A_281 : i32 to index
      %get3A_295 = arith.constant 48 : index
      %get3A_296 = tpu.vector_load %arg4[%get3A_294, %get3A_295] {strides = array<i32>} : memref<400x128xf32, #tpu.memory_space<vmem>>, vector<1x16xf32>,
      %get3A_297 = vector.shape_cast %get3A_296 : vector<1x16xf32> to vector<16xf32>
      %get3A_298 = arith.index_cast %add3A_281 : i32 to index
      %get3A_299 = arith.constant 64 : index
      %get3A_300 = tpu.vector_load %arg4[%get3A_298, %get3A_299] {strides = array<i32>} : memref<400x128xf32, #tpu.memory_space<vmem>>, vector<1x16xf32>,
      %get3A_301 = vector.shape_cast %get3A_300 : vector<1x16xf32> to vector<16xf32>
      %get3A_302 = arith.index_cast %add3A_281 : i32 to index
      %get3A_303 = arith.constant 80 : index
      %get3A_304 = tpu.vector_load %arg4[%get3A_302, %get3A_303] {strides = array<i32>} : memref<400x128xf32, #tpu.memory_space<vmem>>, vector<1x16xf32>,
      %get3A_305 = vector.shape_cast %get3A_304 : vector<1x16xf32> to vector<16xf32>
      %get3A_306 = arith.index_cast %add3A_281 : i32 to index
      %get3A_307 = arith.constant 96 : index
      %get3A_308 = tpu.vector_load %arg4[%get3A_306, %get3A_307] {strides = array<i32>} : memref<400x128xf32, #tpu.memory_space<vmem>>, vector<1x16xf32>,
      %get3A_309 = vector.shape_cast %get3A_308 : vector<1x16xf32> to vector<16xf32>
      %get3A_310 = arith.index_cast %add3A_281 : i32 to index
      %get3A_311 = arith.constant 112 : index
      %get3A_312 = tpu.vector_load %arg4[%get3A_310, %get3A_311] {strides = array<i32>} : memref<400x128xf32, #tpu.memory_space<vmem>>, vector<1x16xf32>,
      %get3A_313 = vector.shape_cast %get3A_312 : vector<1x16xf32> to vector<16xf32>
      %add3A_314 = arith.addf %get3A_285, %get3A_289 : vector<16xf32>
      %add3A_315 = arith.addf %get3A_293, %get3A_297 : vector<16xf32>
      %add3A_316 = arith.addf %add3A_314, %add3A_315 : vector<16xf32>
      %add3A_317 = arith.addf %get3A_301, %get3A_305 : vector<16xf32>
      %add3A_318 = arith.addf %get3A_309, %get3A_313 : vector<16xf32>
      %add3A_319 = arith.addf %add3A_317, %add3A_318 : vector<16xf32>
      %add3A_320 = arith.addf %add3A_316, %add3A_319 : vector<16xf32>
      %xor3A_321 = arith.constant 8 : i32
      %xor3A_322 = vector.broadcast %xor3A_321 : i32 to vector<16xi32>
      %xor3A_323 = arith.xori %iota3A, %xor3A_322 : vector<16xi32>
      %broadcast_in_dim3A_324 = vector.shape_cast %xor3A_323 : vector<16xi32> to vector<16x1xi32>
      %gather3A_325 = vector.shape_cast %broadcast_in_dim3A_324 : vector<16x1xi32> to vector<16xi32>
      %gather3A_326 = tpu.dynamic_gather %add3A_320[%gather3A_325] in [0] : vector<16xf32>, vector<16xi32> -> vector<16xf32>
      %add3A_327 = arith.addf %add3A_320, %gather3A_326 : vector<16xf32>
      %xor3A_328 = arith.constant 4 : i32
      %xor3A_329 = vector.broadcast %xor3A_328 : i32 to vector<16xi32>
      %xor3A_330 = arith.xori %iota3A, %xor3A_329 : vector<16xi32>
      %broadcast_in_dim3A_331 = vector.shape_cast %xor3A_330 : vector<16xi32> to vector<16x1xi32>
      %gather3A_332 = vector.shape_cast %broadcast_in_dim3A_331 : vector<16x1xi32> to vector<16xi32>
      %gather3A_333 = tpu.dynamic_gather %add3A_327[%gather3A_332] in [0] : vector<16xf32>, vector<16xi32> -> vector<16xf32>
      %add3A_334 = arith.addf %add3A_327, %gather3A_333 : vector<16xf32>
      %xor3A_335 = arith.constant 2 : i32
      %xor3A_336 = vector.broadcast %xor3A_335 : i32 to vector<16xi32>
      %xor3A_337 = arith.xori %iota3A, %xor3A_336 : vector<16xi32>
      %broadcast_in_dim3A_338 = vector.shape_cast %xor3A_337 : vector<16xi32> to vector<16x1xi32>
      %gather3A_339 = vector.shape_cast %broadcast_in_dim3A_338 : vector<16x1xi32> to vector<16xi32>
      %gather3A_340 = tpu.dynamic_gather %add3A_334[%gather3A_339] in [0] : vector<16xf32>, vector<16xi32> -> vector<16xf32>
      %add3A_341 = arith.addf %add3A_334, %gather3A_340 : vector<16xf32>
      %xor3A_342 = arith.constant 1 : i32
      %xor3A_343 = vector.broadcast %xor3A_342 : i32 to vector<16xi32>
      %xor3A_344 = arith.xori %iota3A, %xor3A_343 : vector<16xi32>
      %broadcast_in_dim3A_345 = vector.shape_cast %xor3A_344 : vector<16xi32> to vector<16x1xi32>
      %gather3A_346 = vector.shape_cast %broadcast_in_dim3A_345 : vector<16x1xi32> to vector<16xi32>
      %gather3A_347 = tpu.dynamic_gather %add3A_341[%gather3A_346] in [0] : vector<16xf32>, vector<16xi32> -> vector<16xf32>
      %add3A_348 = arith.addf %add3A_341, %gather3A_347 : vector<16xf32>
      %eq3A_349 = arith.constant 3 : i32
      %eq3A_350 = vector.broadcast %eq3A_349 : i32 to vector<16xi32>
      %eq3A_351 = arith.cmpi eq, %iota3A, %eq3A_350 : vector<16xi32>
      %select_n3A_352 = arith.select %eq3A_351, %add3A_348, %select_n3A_279 : vector<16xi1>, vector<16xf32>
      %add3A_353 = arith.constant 4 : i32
      %add3A_354 = arith.addi %mul3A_64, %add3A_353 : i32
      %get3A_355 = arith.index_cast %add3A_354 : i32 to index
      %get3A_356 = arith.constant 0 : index
      %get3A_357 = tpu.vector_load %arg4[%get3A_355, %get3A_356] {strides = array<i32>} : memref<400x128xf32, #tpu.memory_space<vmem>>, vector<1x16xf32>,
      %get3A_358 = vector.shape_cast %get3A_357 : vector<1x16xf32> to vector<16xf32>
      %get3A_359 = arith.index_cast %add3A_354 : i32 to index
      %get3A_360 = arith.constant 16 : index
      %get3A_361 = tpu.vector_load %arg4[%get3A_359, %get3A_360] {strides = array<i32>} : memref<400x128xf32, #tpu.memory_space<vmem>>, vector<1x16xf32>,
      %get3A_362 = vector.shape_cast %get3A_361 : vector<1x16xf32> to vector<16xf32>
      %get3A_363 = arith.index_cast %add3A_354 : i32 to index
      %get3A_364 = arith.constant 32 : index
      %get3A_365 = tpu.vector_load %arg4[%get3A_363, %get3A_364] {strides = array<i32>} : memref<400x128xf32, #tpu.memory_space<vmem>>, vector<1x16xf32>,
      %get3A_366 = vector.shape_cast %get3A_365 : vector<1x16xf32> to vector<16xf32>
      %get3A_367 = arith.index_cast %add3A_354 : i32 to index
      %get3A_368 = arith.constant 48 : index
      %get3A_369 = tpu.vector_load %arg4[%get3A_367, %get3A_368] {strides = array<i32>} : memref<400x128xf32, #tpu.memory_space<vmem>>, vector<1x16xf32>,
      %get3A_370 = vector.shape_cast %get3A_369 : vector<1x16xf32> to vector<16xf32>
      %get3A_371 = arith.index_cast %add3A_354 : i32 to index
      %get3A_372 = arith.constant 64 : index
      %get3A_373 = tpu.vector_load %arg4[%get3A_371, %get3A_372] {strides = array<i32>} : memref<400x128xf32, #tpu.memory_space<vmem>>, vector<1x16xf32>,
      %get3A_374 = vector.shape_cast %get3A_373 : vector<1x16xf32> to vector<16xf32>
      %get3A_375 = arith.index_cast %add3A_354 : i32 to index
      %get3A_376 = arith.constant 80 : index
      %get3A_377 = tpu.vector_load %arg4[%get3A_375, %get3A_376] {strides = array<i32>} : memref<400x128xf32, #tpu.memory_space<vmem>>, vector<1x16xf32>,
      %get3A_378 = vector.shape_cast %get3A_377 : vector<1x16xf32> to vector<16xf32>
      %get3A_379 = arith.index_cast %add3A_354 : i32 to index
      %get3A_380 = arith.constant 96 : index
      %get3A_381 = tpu.vector_load %arg4[%get3A_379, %get3A_380] {strides = array<i32>} : memref<400x128xf32, #tpu.memory_space<vmem>>, vector<1x16xf32>,
      %get3A_382 = vector.shape_cast %get3A_381 : vector<1x16xf32> to vector<16xf32>
      %get3A_383 = arith.index_cast %add3A_354 : i32 to index
      %get3A_384 = arith.constant 112 : index
      %get3A_385 = tpu.vector_load %arg4[%get3A_383, %get3A_384] {strides = array<i32>} : memref<400x128xf32, #tpu.memory_space<vmem>>, vector<1x16xf32>,
      %get3A_386 = vector.shape_cast %get3A_385 : vector<1x16xf32> to vector<16xf32>
      %add3A_387 = arith.addf %get3A_358, %get3A_362 : vector<16xf32>
      %add3A_388 = arith.addf %get3A_366, %get3A_370 : vector<16xf32>
      %add3A_389 = arith.addf %add3A_387, %add3A_388 : vector<16xf32>
      %add3A_390 = arith.addf %get3A_374, %get3A_378 : vector<16xf32>
      %add3A_391 = arith.addf %get3A_382, %get3A_386 : vector<16xf32>
      %add3A_392 = arith.addf %add3A_390, %add3A_391 : vector<16xf32>
      %add3A_393 = arith.addf %add3A_389, %add3A_392 : vector<16xf32>
      %xor3A_394 = arith.constant 8 : i32
      %xor3A_395 = vector.broadcast %xor3A_394 : i32 to vector<16xi32>
      %xor3A_396 = arith.xori %iota3A, %xor3A_395 : vector<16xi32>
      %broadcast_in_dim3A_397 = vector.shape_cast %xor3A_396 : vector<16xi32> to vector<16x1xi32>
      %gather3A_398 = vector.shape_cast %broadcast_in_dim3A_397 : vector<16x1xi32> to vector<16xi32>
      %gather3A_399 = tpu.dynamic_gather %add3A_393[%gather3A_398] in [0] : vector<16xf32>, vector<16xi32> -> vector<16xf32>
      %add3A_400 = arith.addf %add3A_393, %gather3A_399 : vector<16xf32>
      %xor3A_401 = arith.constant 4 : i32
      %xor3A_402 = vector.broadcast %xor3A_401 : i32 to vector<16xi32>
      %xor3A_403 = arith.xori %iota3A, %xor3A_402 : vector<16xi32>
      %broadcast_in_dim3A_404 = vector.shape_cast %xor3A_403 : vector<16xi32> to vector<16x1xi32>
      %gather3A_405 = vector.shape_cast %broadcast_in_dim3A_404 : vector<16x1xi32> to vector<16xi32>
      %gather3A_406 = tpu.dynamic_gather %add3A_400[%gather3A_405] in [0] : vector<16xf32>, vector<16xi32> -> vector<16xf32>
      %add3A_407 = arith.addf %add3A_400, %gather3A_406 : vector<16xf32>
      %xor3A_408 = arith.constant 2 : i32
      %xor3A_409 = vector.broadcast %xor3A_408 : i32 to vector<16xi32>
      %xor3A_410 = arith.xori %iota3A, %xor3A_409 : vector<16xi32>
      %broadcast_in_dim3A_411 = vector.shape_cast %xor3A_410 : vector<16xi32> to vector<16x1xi32>
      %gather3A_412 = vector.shape_cast %broadcast_in_dim3A_411 : vector<16x1xi32> to vector<16xi32>
      %gather3A_413 = tpu.dynamic_gather %add3A_407[%gather3A_412] in [0] : vector<16xf32>, vector<16xi32> -> vector<16xf32>
      %add3A_414 = arith.addf %add3A_407, %gather3A_413 : vector<16xf32>
      %xor3A_415 = arith.constant 1 : i32
      %xor3A_416 = vector.broadcast %xor3A_415 : i32 to vector<16xi32>
      %xor3A_417 = arith.xori %iota3A, %xor3A_416 : vector<16xi32>
      %broadcast_in_dim3A_418 = vector.shape_cast %xor3A_417 : vector<16xi32> to vector<16x1xi32>
      %gather3A_419 = vector.shape_cast %broadcast_in_dim3A_418 : vector<16x1xi32> to vector<16xi32>
      %gather3A_420 = tpu.dynamic_gather %add3A_414[%gather3A_419] in [0] : vector<16xf32>, vector<16xi32> -> vector<16xf32>
      %add3A_421 = arith.addf %add3A_414, %gather3A_420 : vector<16xf32>
      %eq3A_422 = arith.constant 4 : i32
      %eq3A_423 = vector.broadcast %eq3A_422 : i32 to vector<16xi32>
      %eq3A_424 = arith.cmpi eq, %iota3A, %eq3A_423 : vector<16xi32>
      %select_n3A_425 = arith.select %eq3A_424, %add3A_421, %select_n3A_352 : vector<16xi1>, vector<16xf32>
      %add3A_426 = arith.constant 5 : i32
      %add3A_427 = arith.addi %mul3A_64, %add3A_426 : i32
      %get3A_428 = arith.index_cast %add3A_427 : i32 to index
      %get3A_429 = arith.constant 0 : index
      %get3A_430 = tpu.vector_load %arg4[%get3A_428, %get3A_429] {strides = array<i32>} : memref<400x128xf32, #tpu.memory_space<vmem>>, vector<1x16xf32>,
      %get3A_431 = vector.shape_cast %get3A_430 : vector<1x16xf32> to vector<16xf32>
      %get3A_432 = arith.index_cast %add3A_427 : i32 to index
      %get3A_433 = arith.constant 16 : index
      %get3A_434 = tpu.vector_load %arg4[%get3A_432, %get3A_433] {strides = array<i32>} : memref<400x128xf32, #tpu.memory_space<vmem>>, vector<1x16xf32>,
      %get3A_435 = vector.shape_cast %get3A_434 : vector<1x16xf32> to vector<16xf32>
      %get3A_436 = arith.index_cast %add3A_427 : i32 to index
      %get3A_437 = arith.constant 32 : index
      %get3A_438 = tpu.vector_load %arg4[%get3A_436, %get3A_437] {strides = array<i32>} : memref<400x128xf32, #tpu.memory_space<vmem>>, vector<1x16xf32>,
      %get3A_439 = vector.shape_cast %get3A_438 : vector<1x16xf32> to vector<16xf32>
      %get3A_440 = arith.index_cast %add3A_427 : i32 to index
      %get3A_441 = arith.constant 48 : index
      %get3A_442 = tpu.vector_load %arg4[%get3A_440, %get3A_441] {strides = array<i32>} : memref<400x128xf32, #tpu.memory_space<vmem>>, vector<1x16xf32>,
      %get3A_443 = vector.shape_cast %get3A_442 : vector<1x16xf32> to vector<16xf32>
      %get3A_444 = arith.index_cast %add3A_427 : i32 to index
      %get3A_445 = arith.constant 64 : index
      %get3A_446 = tpu.vector_load %arg4[%get3A_444, %get3A_445] {strides = array<i32>} : memref<400x128xf32, #tpu.memory_space<vmem>>, vector<1x16xf32>,
      %get3A_447 = vector.shape_cast %get3A_446 : vector<1x16xf32> to vector<16xf32>
      %get3A_448 = arith.index_cast %add3A_427 : i32 to index
      %get3A_449 = arith.constant 80 : index
      %get3A_450 = tpu.vector_load %arg4[%get3A_448, %get3A_449] {strides = array<i32>} : memref<400x128xf32, #tpu.memory_space<vmem>>, vector<1x16xf32>,
      %get3A_451 = vector.shape_cast %get3A_450 : vector<1x16xf32> to vector<16xf32>
      %get3A_452 = arith.index_cast %add3A_427 : i32 to index
      %get3A_453 = arith.constant 96 : index
      %get3A_454 = tpu.vector_load %arg4[%get3A_452, %get3A_453] {strides = array<i32>} : memref<400x128xf32, #tpu.memory_space<vmem>>, vector<1x16xf32>,
      %get3A_455 = vector.shape_cast %get3A_454 : vector<1x16xf32> to vector<16xf32>
      %get3A_456 = arith.index_cast %add3A_427 : i32 to index
      %get3A_457 = arith.constant 112 : index
      %get3A_458 = tpu.vector_load %arg4[%get3A_456, %get3A_457] {strides = array<i32>} : memref<400x128xf32, #tpu.memory_space<vmem>>, vector<1x16xf32>,
      %get3A_459 = vector.shape_cast %get3A_458 : vector<1x16xf32> to vector<16xf32>
      %add3A_460 = arith.addf %get3A_431, %get3A_435 : vector<16xf32>
      %add3A_461 = arith.addf %get3A_439, %get3A_443 : vector<16xf32>
      %add3A_462 = arith.addf %add3A_460, %add3A_461 : vector<16xf32>
      %add3A_463 = arith.addf %get3A_447, %get3A_451 : vector<16xf32>
      %add3A_464 = arith.addf %get3A_455, %get3A_459 : vector<16xf32>
      %add3A_465 = arith.addf %add3A_463, %add3A_464 : vector<16xf32>
      %add3A_466 = arith.addf %add3A_462, %add3A_465 : vector<16xf32>
      %xor3A_467 = arith.constant 8 : i32
      %xor3A_468 = vector.broadcast %xor3A_467 : i32 to vector<16xi32>
      %xor3A_469 = arith.xori %iota3A, %xor3A_468 : vector<16xi32>
      %broadcast_in_dim3A_470 = vector.shape_cast %xor3A_469 : vector<16xi32> to vector<16x1xi32>
      %gather3A_471 = vector.shape_cast %broadcast_in_dim3A_470 : vector<16x1xi32> to vector<16xi32>
      %gather3A_472 = tpu.dynamic_gather %add3A_466[%gather3A_471] in [0] : vector<16xf32>, vector<16xi32> -> vector<16xf32>
      %add3A_473 = arith.addf %add3A_466, %gather3A_472 : vector<16xf32>
      %xor3A_474 = arith.constant 4 : i32
      %xor3A_475 = vector.broadcast %xor3A_474 : i32 to vector<16xi32>
      %xor3A_476 = arith.xori %iota3A, %xor3A_475 : vector<16xi32>
      %broadcast_in_dim3A_477 = vector.shape_cast %xor3A_476 : vector<16xi32> to vector<16x1xi32>
      %gather3A_478 = vector.shape_cast %broadcast_in_dim3A_477 : vector<16x1xi32> to vector<16xi32>
      %gather3A_479 = tpu.dynamic_gather %add3A_473[%gather3A_478] in [0] : vector<16xf32>, vector<16xi32> -> vector<16xf32>
      %add3A_480 = arith.addf %add3A_473, %gather3A_479 : vector<16xf32>
      %xor3A_481 = arith.constant 2 : i32
      %xor3A_482 = vector.broadcast %xor3A_481 : i32 to vector<16xi32>
      %xor3A_483 = arith.xori %iota3A, %xor3A_482 : vector<16xi32>
      %broadcast_in_dim3A_484 = vector.shape_cast %xor3A_483 : vector<16xi32> to vector<16x1xi32>
      %gather3A_485 = vector.shape_cast %broadcast_in_dim3A_484 : vector<16x1xi32> to vector<16xi32>
      %gather3A_486 = tpu.dynamic_gather %add3A_480[%gather3A_485] in [0] : vector<16xf32>, vector<16xi32> -> vector<16xf32>
      %add3A_487 = arith.addf %add3A_480, %gather3A_486 : vector<16xf32>
      %xor3A_488 = arith.constant 1 : i32
      %xor3A_489 = vector.broadcast %xor3A_488 : i32 to vector<16xi32>
      %xor3A_490 = arith.xori %iota3A, %xor3A_489 : vector<16xi32>
      %broadcast_in_dim3A_491 = vector.shape_cast %xor3A_490 : vector<16xi32> to vector<16x1xi32>
      %gather3A_492 = vector.shape_cast %broadcast_in_dim3A_491 : vector<16x1xi32> to vector<16xi32>
      %gather3A_493 = tpu.dynamic_gather %add3A_487[%gather3A_492] in [0] : vector<16xf32>, vector<16xi32> -> vector<16xf32>
      %add3A_494 = arith.addf %add3A_487, %gather3A_493 : vector<16xf32>
      %eq3A_495 = arith.constant 5 : i32
      %eq3A_496 = vector.broadcast %eq3A_495 : i32 to vector<16xi32>
      %eq3A_497 = arith.cmpi eq, %iota3A, %eq3A_496 : vector<16xi32>
      %select_n3A_498 = arith.select %eq3A_497, %add3A_494, %select_n3A_425 : vector<16xi1>, vector<16xf32>
      %add3A_499 = arith.constant 6 : i32
      %add3A_500 = arith.addi %mul3A_64, %add3A_499 : i32
      %get3A_501 = arith.index_cast %add3A_500 : i32 to index
      %get3A_502 = arith.constant 0 : index
      %get3A_503 = tpu.vector_load %arg4[%get3A_501, %get3A_502] {strides = array<i32>} : memref<400x128xf32, #tpu.memory_space<vmem>>, vector<1x16xf32>,
      %get3A_504 = vector.shape_cast %get3A_503 : vector<1x16xf32> to vector<16xf32>
      %get3A_505 = arith.index_cast %add3A_500 : i32 to index
      %get3A_506 = arith.constant 16 : index
      %get3A_507 = tpu.vector_load %arg4[%get3A_505, %get3A_506] {strides = array<i32>} : memref<400x128xf32, #tpu.memory_space<vmem>>, vector<1x16xf32>,
      %get3A_508 = vector.shape_cast %get3A_507 : vector<1x16xf32> to vector<16xf32>
      %get3A_509 = arith.index_cast %add3A_500 : i32 to index
      %get3A_510 = arith.constant 32 : index
      %get3A_511 = tpu.vector_load %arg4[%get3A_509, %get3A_510] {strides = array<i32>} : memref<400x128xf32, #tpu.memory_space<vmem>>, vector<1x16xf32>,
      %get3A_512 = vector.shape_cast %get3A_511 : vector<1x16xf32> to vector<16xf32>
      %get3A_513 = arith.index_cast %add3A_500 : i32 to index
      %get3A_514 = arith.constant 48 : index
      %get3A_515 = tpu.vector_load %arg4[%get3A_513, %get3A_514] {strides = array<i32>} : memref<400x128xf32, #tpu.memory_space<vmem>>, vector<1x16xf32>,
      %get3A_516 = vector.shape_cast %get3A_515 : vector<1x16xf32> to vector<16xf32>
      %get3A_517 = arith.index_cast %add3A_500 : i32 to index
      %get3A_518 = arith.constant 64 : index
      %get3A_519 = tpu.vector_load %arg4[%get3A_517, %get3A_518] {strides = array<i32>} : memref<400x128xf32, #tpu.memory_space<vmem>>, vector<1x16xf32>,
      %get3A_520 = vector.shape_cast %get3A_519 : vector<1x16xf32> to vector<16xf32>
      %get3A_521 = arith.index_cast %add3A_500 : i32 to index
      %get3A_522 = arith.constant 80 : index
      %get3A_523 = tpu.vector_load %arg4[%get3A_521, %get3A_522] {strides = array<i32>} : memref<400x128xf32, #tpu.memory_space<vmem>>, vector<1x16xf32>,
      %get3A_524 = vector.shape_cast %get3A_523 : vector<1x16xf32> to vector<16xf32>
      %get3A_525 = arith.index_cast %add3A_500 : i32 to index
      %get3A_526 = arith.constant 96 : index
      %get3A_527 = tpu.vector_load %arg4[%get3A_525, %get3A_526] {strides = array<i32>} : memref<400x128xf32, #tpu.memory_space<vmem>>, vector<1x16xf32>,
      %get3A_528 = vector.shape_cast %get3A_527 : vector<1x16xf32> to vector<16xf32>
      %get3A_529 = arith.index_cast %add3A_500 : i32 to index
      %get3A_530 = arith.constant 112 : index
      %get3A_531 = tpu.vector_load %arg4[%get3A_529, %get3A_530] {strides = array<i32>} : memref<400x128xf32, #tpu.memory_space<vmem>>, vector<1x16xf32>,
      %get3A_532 = vector.shape_cast %get3A_531 : vector<1x16xf32> to vector<16xf32>
      %add3A_533 = arith.addf %get3A_504, %get3A_508 : vector<16xf32>
      %add3A_534 = arith.addf %get3A_512, %get3A_516 : vector<16xf32>
      %add3A_535 = arith.addf %add3A_533, %add3A_534 : vector<16xf32>
      %add3A_536 = arith.addf %get3A_520, %get3A_524 : vector<16xf32>
      %add3A_537 = arith.addf %get3A_528, %get3A_532 : vector<16xf32>
      %add3A_538 = arith.addf %add3A_536, %add3A_537 : vector<16xf32>
      %add3A_539 = arith.addf %add3A_535, %add3A_538 : vector<16xf32>
      %xor3A_540 = arith.constant 8 : i32
      %xor3A_541 = vector.broadcast %xor3A_540 : i32 to vector<16xi32>
      %xor3A_542 = arith.xori %iota3A, %xor3A_541 : vector<16xi32>
      %broadcast_in_dim3A_543 = vector.shape_cast %xor3A_542 : vector<16xi32> to vector<16x1xi32>
      %gather3A_544 = vector.shape_cast %broadcast_in_dim3A_543 : vector<16x1xi32> to vector<16xi32>
      %gather3A_545 = tpu.dynamic_gather %add3A_539[%gather3A_544] in [0] : vector<16xf32>, vector<16xi32> -> vector<16xf32>
      %add3A_546 = arith.addf %add3A_539, %gather3A_545 : vector<16xf32>
      %xor3A_547 = arith.constant 4 : i32
      %xor3A_548 = vector.broadcast %xor3A_547 : i32 to vector<16xi32>
      %xor3A_549 = arith.xori %iota3A, %xor3A_548 : vector<16xi32>
      %broadcast_in_dim3A_550 = vector.shape_cast %xor3A_549 : vector<16xi32> to vector<16x1xi32>
      %gather3A_551 = vector.shape_cast %broadcast_in_dim3A_550 : vector<16x1xi32> to vector<16xi32>
      %gather3A_552 = tpu.dynamic_gather %add3A_546[%gather3A_551] in [0] : vector<16xf32>, vector<16xi32> -> vector<16xf32>
      %add3A_553 = arith.addf %add3A_546, %gather3A_552 : vector<16xf32>
      %xor3A_554 = arith.constant 2 : i32
      %xor3A_555 = vector.broadcast %xor3A_554 : i32 to vector<16xi32>
      %xor3A_556 = arith.xori %iota3A, %xor3A_555 : vector<16xi32>
      %broadcast_in_dim3A_557 = vector.shape_cast %xor3A_556 : vector<16xi32> to vector<16x1xi32>
      %gather3A_558 = vector.shape_cast %broadcast_in_dim3A_557 : vector<16x1xi32> to vector<16xi32>
      %gather3A_559 = tpu.dynamic_gather %add3A_553[%gather3A_558] in [0] : vector<16xf32>, vector<16xi32> -> vector<16xf32>
      %add3A_560 = arith.addf %add3A_553, %gather3A_559 : vector<16xf32>
      %xor3A_561 = arith.constant 1 : i32
      %xor3A_562 = vector.broadcast %xor3A_561 : i32 to vector<16xi32>
      %xor3A_563 = arith.xori %iota3A, %xor3A_562 : vector<16xi32>
      %broadcast_in_dim3A_564 = vector.shape_cast %xor3A_563 : vector<16xi32> to vector<16x1xi32>
      %gather3A_565 = vector.shape_cast %broadcast_in_dim3A_564 : vector<16x1xi32> to vector<16xi32>
      %gather3A_566 = tpu.dynamic_gather %add3A_560[%gather3A_565] in [0] : vector<16xf32>, vector<16xi32> -> vector<16xf32>
      %add3A_567 = arith.addf %add3A_560, %gather3A_566 : vector<16xf32>
      %eq3A_568 = arith.constant 6 : i32
      %eq3A_569 = vector.broadcast %eq3A_568 : i32 to vector<16xi32>
      %eq3A_570 = arith.cmpi eq, %iota3A, %eq3A_569 : vector<16xi32>
      %select_n3A_571 = arith.select %eq3A_570, %add3A_567, %select_n3A_498 : vector<16xi1>, vector<16xf32>
      %add3A_572 = arith.constant 7 : i32
      %add3A_573 = arith.addi %mul3A_64, %add3A_572 : i32
      %get3A_574 = arith.index_cast %add3A_573 : i32 to index
      %get3A_575 = arith.constant 0 : index
      %get3A_576 = tpu.vector_load %arg4[%get3A_574, %get3A_575] {strides = array<i32>} : memref<400x128xf32, #tpu.memory_space<vmem>>, vector<1x16xf32>,
      %get3A_577 = vector.shape_cast %get3A_576 : vector<1x16xf32> to vector<16xf32>
      %get3A_578 = arith.index_cast %add3A_573 : i32 to index
      %get3A_579 = arith.constant 16 : index
      %get3A_580 = tpu.vector_load %arg4[%get3A_578, %get3A_579] {strides = array<i32>} : memref<400x128xf32, #tpu.memory_space<vmem>>, vector<1x16xf32>,
      %get3A_581 = vector.shape_cast %get3A_580 : vector<1x16xf32> to vector<16xf32>
      %get3A_582 = arith.index_cast %add3A_573 : i32 to index
      %get3A_583 = arith.constant 32 : index
      %get3A_584 = tpu.vector_load %arg4[%get3A_582, %get3A_583] {strides = array<i32>} : memref<400x128xf32, #tpu.memory_space<vmem>>, vector<1x16xf32>,
      %get3A_585 = vector.shape_cast %get3A_584 : vector<1x16xf32> to vector<16xf32>
      %get3A_586 = arith.index_cast %add3A_573 : i32 to index
      %get3A_587 = arith.constant 48 : index
      %get3A_588 = tpu.vector_load %arg4[%get3A_586, %get3A_587] {strides = array<i32>} : memref<400x128xf32, #tpu.memory_space<vmem>>, vector<1x16xf32>,
      %get3A_589 = vector.shape_cast %get3A_588 : vector<1x16xf32> to vector<16xf32>
      %get3A_590 = arith.index_cast %add3A_573 : i32 to index
      %get3A_591 = arith.constant 64 : index
      %get3A_592 = tpu.vector_load %arg4[%get3A_590, %get3A_591] {strides = array<i32>} : memref<400x128xf32, #tpu.memory_space<vmem>>, vector<1x16xf32>,
      %get3A_593 = vector.shape_cast %get3A_592 : vector<1x16xf32> to vector<16xf32>
      %get3A_594 = arith.index_cast %add3A_573 : i32 to index
      %get3A_595 = arith.constant 80 : index
      %get3A_596 = tpu.vector_load %arg4[%get3A_594, %get3A_595] {strides = array<i32>} : memref<400x128xf32, #tpu.memory_space<vmem>>, vector<1x16xf32>,
      %get3A_597 = vector.shape_cast %get3A_596 : vector<1x16xf32> to vector<16xf32>
      %get3A_598 = arith.index_cast %add3A_573 : i32 to index
      %get3A_599 = arith.constant 96 : index
      %get3A_600 = tpu.vector_load %arg4[%get3A_598, %get3A_599] {strides = array<i32>} : memref<400x128xf32, #tpu.memory_space<vmem>>, vector<1x16xf32>,
      %get3A_601 = vector.shape_cast %get3A_600 : vector<1x16xf32> to vector<16xf32>
      %get3A_602 = arith.index_cast %add3A_573 : i32 to index
      %get3A_603 = arith.constant 112 : index
      %get3A_604 = tpu.vector_load %arg4[%get3A_602, %get3A_603] {strides = array<i32>} : memref<400x128xf32, #tpu.memory_space<vmem>>, vector<1x16xf32>,
      %get3A_605 = vector.shape_cast %get3A_604 : vector<1x16xf32> to vector<16xf32>
      %add3A_606 = arith.addf %get3A_577, %get3A_581 : vector<16xf32>
      %add3A_607 = arith.addf %get3A_585, %get3A_589 : vector<16xf32>
      %add3A_608 = arith.addf %add3A_606, %add3A_607 : vector<16xf32>
      %add3A_609 = arith.addf %get3A_593, %get3A_597 : vector<16xf32>
      %add3A_610 = arith.addf %get3A_601, %get3A_605 : vector<16xf32>
      %add3A_611 = arith.addf %add3A_609, %add3A_610 : vector<16xf32>
      %add3A_612 = arith.addf %add3A_608, %add3A_611 : vector<16xf32>
      %xor3A_613 = arith.constant 8 : i32
      %xor3A_614 = vector.broadcast %xor3A_613 : i32 to vector<16xi32>
      %xor3A_615 = arith.xori %iota3A, %xor3A_614 : vector<16xi32>
      %broadcast_in_dim3A_616 = vector.shape_cast %xor3A_615 : vector<16xi32> to vector<16x1xi32>
      %gather3A_617 = vector.shape_cast %broadcast_in_dim3A_616 : vector<16x1xi32> to vector<16xi32>
      %gather3A_618 = tpu.dynamic_gather %add3A_612[%gather3A_617] in [0] : vector<16xf32>, vector<16xi32> -> vector<16xf32>
      %add3A_619 = arith.addf %add3A_612, %gather3A_618 : vector<16xf32>
      %xor3A_620 = arith.constant 4 : i32
      %xor3A_621 = vector.broadcast %xor3A_620 : i32 to vector<16xi32>
      %xor3A_622 = arith.xori %iota3A, %xor3A_621 : vector<16xi32>
      %broadcast_in_dim3A_623 = vector.shape_cast %xor3A_622 : vector<16xi32> to vector<16x1xi32>
      %gather3A_624 = vector.shape_cast %broadcast_in_dim3A_623 : vector<16x1xi32> to vector<16xi32>
      %gather3A_625 = tpu.dynamic_gather %add3A_619[%gather3A_624] in [0] : vector<16xf32>, vector<16xi32> -> vector<16xf32>
      %add3A_626 = arith.addf %add3A_619, %gather3A_625 : vector<16xf32>
      %xor3A_627 = arith.constant 2 : i32
      %xor3A_628 = vector.broadcast %xor3A_627 : i32 to vector<16xi32>
      %xor3A_629 = arith.xori %iota3A, %xor3A_628 : vector<16xi32>
      %broadcast_in_dim3A_630 = vector.shape_cast %xor3A_629 : vector<16xi32> to vector<16x1xi32>
      %gather3A_631 = vector.shape_cast %broadcast_in_dim3A_630 : vector<16x1xi32> to vector<16xi32>
      %gather3A_632 = tpu.dynamic_gather %add3A_626[%gather3A_631] in [0] : vector<16xf32>, vector<16xi32> -> vector<16xf32>
      %add3A_633 = arith.addf %add3A_626, %gather3A_632 : vector<16xf32>
      %xor3A_634 = arith.constant 1 : i32
      %xor3A_635 = vector.broadcast %xor3A_634 : i32 to vector<16xi32>
      %xor3A_636 = arith.xori %iota3A, %xor3A_635 : vector<16xi32>
      %broadcast_in_dim3A_637 = vector.shape_cast %xor3A_636 : vector<16xi32> to vector<16x1xi32>
      %gather3A_638 = vector.shape_cast %broadcast_in_dim3A_637 : vector<16x1xi32> to vector<16xi32>
      %gather3A_639 = tpu.dynamic_gather %add3A_633[%gather3A_638] in [0] : vector<16xf32>, vector<16xi32> -> vector<16xf32>
      %add3A_640 = arith.addf %add3A_633, %gather3A_639 : vector<16xf32>
      %eq3A_641 = arith.constant 7 : i32
      %eq3A_642 = vector.broadcast %eq3A_641 : i32 to vector<16xi32>
      %eq3A_643 = arith.cmpi eq, %iota3A, %eq3A_642 : vector<16xi32>
      %select_n3A_644 = arith.select %eq3A_643, %add3A_640, %select_n3A_571 : vector<16xi1>, vector<16xf32>
      %add3A_645 = arith.constant 8 : i32
      %add3A_646 = arith.addi %mul3A_64, %add3A_645 : i32
      %get3A_647 = arith.index_cast %add3A_646 : i32 to index
      %get3A_648 = arith.constant 0 : index
      %get3A_649 = tpu.vector_load %arg4[%get3A_647, %get3A_648] {strides = array<i32>} : memref<400x128xf32, #tpu.memory_space<vmem>>, vector<1x16xf32>,
      %get3A_650 = vector.shape_cast %get3A_649 : vector<1x16xf32> to vector<16xf32>
      %get3A_651 = arith.index_cast %add3A_646 : i32 to index
      %get3A_652 = arith.constant 16 : index
      %get3A_653 = tpu.vector_load %arg4[%get3A_651, %get3A_652] {strides = array<i32>} : memref<400x128xf32, #tpu.memory_space<vmem>>, vector<1x16xf32>,
      %get3A_654 = vector.shape_cast %get3A_653 : vector<1x16xf32> to vector<16xf32>
      %get3A_655 = arith.index_cast %add3A_646 : i32 to index
      %get3A_656 = arith.constant 32 : index
      %get3A_657 = tpu.vector_load %arg4[%get3A_655, %get3A_656] {strides = array<i32>} : memref<400x128xf32, #tpu.memory_space<vmem>>, vector<1x16xf32>,
      %get3A_658 = vector.shape_cast %get3A_657 : vector<1x16xf32> to vector<16xf32>
      %get3A_659 = arith.index_cast %add3A_646 : i32 to index
      %get3A_660 = arith.constant 48 : index
      %get3A_661 = tpu.vector_load %arg4[%get3A_659, %get3A_660] {strides = array<i32>} : memref<400x128xf32, #tpu.memory_space<vmem>>, vector<1x16xf32>,
      %get3A_662 = vector.shape_cast %get3A_661 : vector<1x16xf32> to vector<16xf32>
      %get3A_663 = arith.index_cast %add3A_646 : i32 to index
      %get3A_664 = arith.constant 64 : index
      %get3A_665 = tpu.vector_load %arg4[%get3A_663, %get3A_664] {strides = array<i32>} : memref<400x128xf32, #tpu.memory_space<vmem>>, vector<1x16xf32>,
      %get3A_666 = vector.shape_cast %get3A_665 : vector<1x16xf32> to vector<16xf32>
      %get3A_667 = arith.index_cast %add3A_646 : i32 to index
      %get3A_668 = arith.constant 80 : index
      %get3A_669 = tpu.vector_load %arg4[%get3A_667, %get3A_668] {strides = array<i32>} : memref<400x128xf32, #tpu.memory_space<vmem>>, vector<1x16xf32>,
      %get3A_670 = vector.shape_cast %get3A_669 : vector<1x16xf32> to vector<16xf32>
      %get3A_671 = arith.index_cast %add3A_646 : i32 to index
      %get3A_672 = arith.constant 96 : index
      %get3A_673 = tpu.vector_load %arg4[%get3A_671, %get3A_672] {strides = array<i32>} : memref<400x128xf32, #tpu.memory_space<vmem>>, vector<1x16xf32>,
      %get3A_674 = vector.shape_cast %get3A_673 : vector<1x16xf32> to vector<16xf32>
      %get3A_675 = arith.index_cast %add3A_646 : i32 to index
      %get3A_676 = arith.constant 112 : index
      %get3A_677 = tpu.vector_load %arg4[%get3A_675, %get3A_676] {strides = array<i32>} : memref<400x128xf32, #tpu.memory_space<vmem>>, vector<1x16xf32>,
      %get3A_678 = vector.shape_cast %get3A_677 : vector<1x16xf32> to vector<16xf32>
      %add3A_679 = arith.addf %get3A_650, %get3A_654 : vector<16xf32>
      %add3A_680 = arith.addf %get3A_658, %get3A_662 : vector<16xf32>
      %add3A_681 = arith.addf %add3A_679, %add3A_680 : vector<16xf32>
      %add3A_682 = arith.addf %get3A_666, %get3A_670 : vector<16xf32>
      %add3A_683 = arith.addf %get3A_674, %get3A_678 : vector<16xf32>
      %add3A_684 = arith.addf %add3A_682, %add3A_683 : vector<16xf32>
      %add3A_685 = arith.addf %add3A_681, %add3A_684 : vector<16xf32>
      %xor3A_686 = arith.constant 8 : i32
      %xor3A_687 = vector.broadcast %xor3A_686 : i32 to vector<16xi32>
      %xor3A_688 = arith.xori %iota3A, %xor3A_687 : vector<16xi32>
      %broadcast_in_dim3A_689 = vector.shape_cast %xor3A_688 : vector<16xi32> to vector<16x1xi32>
      %gather3A_690 = vector.shape_cast %broadcast_in_dim3A_689 : vector<16x1xi32> to vector<16xi32>
      %gather3A_691 = tpu.dynamic_gather %add3A_685[%gather3A_690] in [0] : vector<16xf32>, vector<16xi32> -> vector<16xf32>
      %add3A_692 = arith.addf %add3A_685, %gather3A_691 : vector<16xf32>
      %xor3A_693 = arith.constant 4 : i32
      %xor3A_694 = vector.broadcast %xor3A_693 : i32 to vector<16xi32>
      %xor3A_695 = arith.xori %iota3A, %xor3A_694 : vector<16xi32>
      %broadcast_in_dim3A_696 = vector.shape_cast %xor3A_695 : vector<16xi32> to vector<16x1xi32>
      %gather3A_697 = vector.shape_cast %broadcast_in_dim3A_696 : vector<16x1xi32> to vector<16xi32>
      %gather3A_698 = tpu.dynamic_gather %add3A_692[%gather3A_697] in [0] : vector<16xf32>, vector<16xi32> -> vector<16xf32>
      %add3A_699 = arith.addf %add3A_692, %gather3A_698 : vector<16xf32>
      %xor3A_700 = arith.constant 2 : i32
      %xor3A_701 = vector.broadcast %xor3A_700 : i32 to vector<16xi32>
      %xor3A_702 = arith.xori %iota3A, %xor3A_701 : vector<16xi32>
      %broadcast_in_dim3A_703 = vector.shape_cast %xor3A_702 : vector<16xi32> to vector<16x1xi32>
      %gather3A_704 = vector.shape_cast %broadcast_in_dim3A_703 : vector<16x1xi32> to vector<16xi32>
      %gather3A_705 = tpu.dynamic_gather %add3A_699[%gather3A_704] in [0] : vector<16xf32>, vector<16xi32> -> vector<16xf32>
      %add3A_706 = arith.addf %add3A_699, %gather3A_705 : vector<16xf32>
      %xor3A_707 = arith.constant 1 : i32
      %xor3A_708 = vector.broadcast %xor3A_707 : i32 to vector<16xi32>
      %xor3A_709 = arith.xori %iota3A, %xor3A_708 : vector<16xi32>
      %broadcast_in_dim3A_710 = vector.shape_cast %xor3A_709 : vector<16xi32> to vector<16x1xi32>
      %gather3A_711 = vector.shape_cast %broadcast_in_dim3A_710 : vector<16x1xi32> to vector<16xi32>
      %gather3A_712 = tpu.dynamic_gather %add3A_706[%gather3A_711] in [0] : vector<16xf32>, vector<16xi32> -> vector<16xf32>
      %add3A_713 = arith.addf %add3A_706, %gather3A_712 : vector<16xf32>
      %eq3A_714 = arith.constant 8 : i32
      %eq3A_715 = vector.broadcast %eq3A_714 : i32 to vector<16xi32>
      %eq3A_716 = arith.cmpi eq, %iota3A, %eq3A_715 : vector<16xi32>
      %select_n3A_717 = arith.select %eq3A_716, %add3A_713, %select_n3A_644 : vector<16xi1>, vector<16xf32>
      %add3A_718 = arith.constant 9 : i32
      %add3A_719 = arith.addi %mul3A_64, %add3A_718 : i32
      %get3A_720 = arith.index_cast %add3A_719 : i32 to index
      %get3A_721 = arith.constant 0 : index
      %get3A_722 = tpu.vector_load %arg4[%get3A_720, %get3A_721] {strides = array<i32>} : memref<400x128xf32, #tpu.memory_space<vmem>>, vector<1x16xf32>,
      %get3A_723 = vector.shape_cast %get3A_722 : vector<1x16xf32> to vector<16xf32>
      %get3A_724 = arith.index_cast %add3A_719 : i32 to index
      %get3A_725 = arith.constant 16 : index
      %get3A_726 = tpu.vector_load %arg4[%get3A_724, %get3A_725] {strides = array<i32>} : memref<400x128xf32, #tpu.memory_space<vmem>>, vector<1x16xf32>,
      %get3A_727 = vector.shape_cast %get3A_726 : vector<1x16xf32> to vector<16xf32>
      %get3A_728 = arith.index_cast %add3A_719 : i32 to index
      %get3A_729 = arith.constant 32 : index
      %get3A_730 = tpu.vector_load %arg4[%get3A_728, %get3A_729] {strides = array<i32>} : memref<400x128xf32, #tpu.memory_space<vmem>>, vector<1x16xf32>,
      %get3A_731 = vector.shape_cast %get3A_730 : vector<1x16xf32> to vector<16xf32>
      %get3A_732 = arith.index_cast %add3A_719 : i32 to index
      %get3A_733 = arith.constant 48 : index
      %get3A_734 = tpu.vector_load %arg4[%get3A_732, %get3A_733] {strides = array<i32>} : memref<400x128xf32, #tpu.memory_space<vmem>>, vector<1x16xf32>,
      %get3A_735 = vector.shape_cast %get3A_734 : vector<1x16xf32> to vector<16xf32>
      %get3A_736 = arith.index_cast %add3A_719 : i32 to index
      %get3A_737 = arith.constant 64 : index
      %get3A_738 = tpu.vector_load %arg4[%get3A_736, %get3A_737] {strides = array<i32>} : memref<400x128xf32, #tpu.memory_space<vmem>>, vector<1x16xf32>,
      %get3A_739 = vector.shape_cast %get3A_738 : vector<1x16xf32> to vector<16xf32>
      %get3A_740 = arith.index_cast %add3A_719 : i32 to index
      %get3A_741 = arith.constant 80 : index
      %get3A_742 = tpu.vector_load %arg4[%get3A_740, %get3A_741] {strides = array<i32>} : memref<400x128xf32, #tpu.memory_space<vmem>>, vector<1x16xf32>,
      %get3A_743 = vector.shape_cast %get3A_742 : vector<1x16xf32> to vector<16xf32>
      %get3A_744 = arith.index_cast %add3A_719 : i32 to index
      %get3A_745 = arith.constant 96 : index
      %get3A_746 = tpu.vector_load %arg4[%get3A_744, %get3A_745] {strides = array<i32>} : memref<400x128xf32, #tpu.memory_space<vmem>>, vector<1x16xf32>,
      %get3A_747 = vector.shape_cast %get3A_746 : vector<1x16xf32> to vector<16xf32>
      %get3A_748 = arith.index_cast %add3A_719 : i32 to index
      %get3A_749 = arith.constant 112 : index
      %get3A_750 = tpu.vector_load %arg4[%get3A_748, %get3A_749] {strides = array<i32>} : memref<400x128xf32, #tpu.memory_space<vmem>>, vector<1x16xf32>,
      %get3A_751 = vector.shape_cast %get3A_750 : vector<1x16xf32> to vector<16xf32>
      %add3A_752 = arith.addf %get3A_723, %get3A_727 : vector<16xf32>
      %add3A_753 = arith.addf %get3A_731, %get3A_735 : vector<16xf32>
      %add3A_754 = arith.addf %add3A_752, %add3A_753 : vector<16xf32>
      %add3A_755 = arith.addf %get3A_739, %get3A_743 : vector<16xf32>
      %add3A_756 = arith.addf %get3A_747, %get3A_751 : vector<16xf32>
      %add3A_757 = arith.addf %add3A_755, %add3A_756 : vector<16xf32>
      %add3A_758 = arith.addf %add3A_754, %add3A_757 : vector<16xf32>
      %xor3A_759 = arith.constant 8 : i32
      %xor3A_760 = vector.broadcast %xor3A_759 : i32 to vector<16xi32>
      %xor3A_761 = arith.xori %iota3A, %xor3A_760 : vector<16xi32>
      %broadcast_in_dim3A_762 = vector.shape_cast %xor3A_761 : vector<16xi32> to vector<16x1xi32>
      %gather3A_763 = vector.shape_cast %broadcast_in_dim3A_762 : vector<16x1xi32> to vector<16xi32>
      %gather3A_764 = tpu.dynamic_gather %add3A_758[%gather3A_763] in [0] : vector<16xf32>, vector<16xi32> -> vector<16xf32>
      %add3A_765 = arith.addf %add3A_758, %gather3A_764 : vector<16xf32>
      %xor3A_766 = arith.constant 4 : i32
      %xor3A_767 = vector.broadcast %xor3A_766 : i32 to vector<16xi32>
      %xor3A_768 = arith.xori %iota3A, %xor3A_767 : vector<16xi32>
      %broadcast_in_dim3A_769 = vector.shape_cast %xor3A_768 : vector<16xi32> to vector<16x1xi32>
      %gather3A_770 = vector.shape_cast %broadcast_in_dim3A_769 : vector<16x1xi32> to vector<16xi32>
      %gather3A_771 = tpu.dynamic_gather %add3A_765[%gather3A_770] in [0] : vector<16xf32>, vector<16xi32> -> vector<16xf32>
      %add3A_772 = arith.addf %add3A_765, %gather3A_771 : vector<16xf32>
      %xor3A_773 = arith.constant 2 : i32
      %xor3A_774 = vector.broadcast %xor3A_773 : i32 to vector<16xi32>
      %xor3A_775 = arith.xori %iota3A, %xor3A_774 : vector<16xi32>
      %broadcast_in_dim3A_776 = vector.shape_cast %xor3A_775 : vector<16xi32> to vector<16x1xi32>
      %gather3A_777 = vector.shape_cast %broadcast_in_dim3A_776 : vector<16x1xi32> to vector<16xi32>
      %gather3A_778 = tpu.dynamic_gather %add3A_772[%gather3A_777] in [0] : vector<16xf32>, vector<16xi32> -> vector<16xf32>
      %add3A_779 = arith.addf %add3A_772, %gather3A_778 : vector<16xf32>
      %xor3A_780 = arith.constant 1 : i32
      %xor3A_781 = vector.broadcast %xor3A_780 : i32 to vector<16xi32>
      %xor3A_782 = arith.xori %iota3A, %xor3A_781 : vector<16xi32>
      %broadcast_in_dim3A_783 = vector.shape_cast %xor3A_782 : vector<16xi32> to vector<16x1xi32>
      %gather3A_784 = vector.shape_cast %broadcast_in_dim3A_783 : vector<16x1xi32> to vector<16xi32>
      %gather3A_785 = tpu.dynamic_gather %add3A_779[%gather3A_784] in [0] : vector<16xf32>, vector<16xi32> -> vector<16xf32>
      %add3A_786 = arith.addf %add3A_779, %gather3A_785 : vector<16xf32>
      %eq3A_787 = arith.constant 9 : i32
      %eq3A_788 = vector.broadcast %eq3A_787 : i32 to vector<16xi32>
      %eq3A_789 = arith.cmpi eq, %iota3A, %eq3A_788 : vector<16xi32>
      %select_n3A_790 = arith.select %eq3A_789, %add3A_786, %select_n3A_717 : vector<16xi1>, vector<16xf32>
      %add3A_791 = arith.constant 10 : i32
      %add3A_792 = arith.addi %mul3A_64, %add3A_791 : i32
      %get3A_793 = arith.index_cast %add3A_792 : i32 to index
      %get3A_794 = arith.constant 0 : index
      %get3A_795 = tpu.vector_load %arg4[%get3A_793, %get3A_794] {strides = array<i32>} : memref<400x128xf32, #tpu.memory_space<vmem>>, vector<1x16xf32>,
      %get3A_796 = vector.shape_cast %get3A_795 : vector<1x16xf32> to vector<16xf32>
      %get3A_797 = arith.index_cast %add3A_792 : i32 to index
      %get3A_798 = arith.constant 16 : index
      %get3A_799 = tpu.vector_load %arg4[%get3A_797, %get3A_798] {strides = array<i32>} : memref<400x128xf32, #tpu.memory_space<vmem>>, vector<1x16xf32>,
      %get3A_800 = vector.shape_cast %get3A_799 : vector<1x16xf32> to vector<16xf32>
      %get3A_801 = arith.index_cast %add3A_792 : i32 to index
      %get3A_802 = arith.constant 32 : index
      %get3A_803 = tpu.vector_load %arg4[%get3A_801, %get3A_802] {strides = array<i32>} : memref<400x128xf32, #tpu.memory_space<vmem>>, vector<1x16xf32>,
      %get3A_804 = vector.shape_cast %get3A_803 : vector<1x16xf32> to vector<16xf32>
      %get3A_805 = arith.index_cast %add3A_792 : i32 to index
      %get3A_806 = arith.constant 48 : index
      %get3A_807 = tpu.vector_load %arg4[%get3A_805, %get3A_806] {strides = array<i32>} : memref<400x128xf32, #tpu.memory_space<vmem>>, vector<1x16xf32>,
      %get3A_808 = vector.shape_cast %get3A_807 : vector<1x16xf32> to vector<16xf32>
      %get3A_809 = arith.index_cast %add3A_792 : i32 to index
      %get3A_810 = arith.constant 64 : index
      %get3A_811 = tpu.vector_load %arg4[%get3A_809, %get3A_810] {strides = array<i32>} : memref<400x128xf32, #tpu.memory_space<vmem>>, vector<1x16xf32>,
      %get3A_812 = vector.shape_cast %get3A_811 : vector<1x16xf32> to vector<16xf32>
      %get3A_813 = arith.index_cast %add3A_792 : i32 to index
      %get3A_814 = arith.constant 80 : index
      %get3A_815 = tpu.vector_load %arg4[%get3A_813, %get3A_814] {strides = array<i32>} : memref<400x128xf32, #tpu.memory_space<vmem>>, vector<1x16xf32>,
      %get3A_816 = vector.shape_cast %get3A_815 : vector<1x16xf32> to vector<16xf32>
      %get3A_817 = arith.index_cast %add3A_792 : i32 to index
      %get3A_818 = arith.constant 96 : index
      %get3A_819 = tpu.vector_load %arg4[%get3A_817, %get3A_818] {strides = array<i32>} : memref<400x128xf32, #tpu.memory_space<vmem>>, vector<1x16xf32>,
      %get3A_820 = vector.shape_cast %get3A_819 : vector<1x16xf32> to vector<16xf32>
      %get3A_821 = arith.index_cast %add3A_792 : i32 to index
      %get3A_822 = arith.constant 112 : index
      %get3A_823 = tpu.vector_load %arg4[%get3A_821, %get3A_822] {strides = array<i32>} : memref<400x128xf32, #tpu.memory_space<vmem>>, vector<1x16xf32>,
      %get3A_824 = vector.shape_cast %get3A_823 : vector<1x16xf32> to vector<16xf32>
      %add3A_825 = arith.addf %get3A_796, %get3A_800 : vector<16xf32>
      %add3A_826 = arith.addf %get3A_804, %get3A_808 : vector<16xf32>
      %add3A_827 = arith.addf %add3A_825, %add3A_826 : vector<16xf32>
      %add3A_828 = arith.addf %get3A_812, %get3A_816 : vector<16xf32>
      %add3A_829 = arith.addf %get3A_820, %get3A_824 : vector<16xf32>
      %add3A_830 = arith.addf %add3A_828, %add3A_829 : vector<16xf32>
      %add3A_831 = arith.addf %add3A_827, %add3A_830 : vector<16xf32>
      %xor3A_832 = arith.constant 8 : i32
      %xor3A_833 = vector.broadcast %xor3A_832 : i32 to vector<16xi32>
      %xor3A_834 = arith.xori %iota3A, %xor3A_833 : vector<16xi32>
      %broadcast_in_dim3A_835 = vector.shape_cast %xor3A_834 : vector<16xi32> to vector<16x1xi32>
      %gather3A_836 = vector.shape_cast %broadcast_in_dim3A_835 : vector<16x1xi32> to vector<16xi32>
      %gather3A_837 = tpu.dynamic_gather %add3A_831[%gather3A_836] in [0] : vector<16xf32>, vector<16xi32> -> vector<16xf32>
      %add3A_838 = arith.addf %add3A_831, %gather3A_837 : vector<16xf32>
      %xor3A_839 = arith.constant 4 : i32
      %xor3A_840 = vector.broadcast %xor3A_839 : i32 to vector<16xi32>
      %xor3A_841 = arith.xori %iota3A, %xor3A_840 : vector<16xi32>
      %broadcast_in_dim3A_842 = vector.shape_cast %xor3A_841 : vector<16xi32> to vector<16x1xi32>
      %gather3A_843 = vector.shape_cast %broadcast_in_dim3A_842 : vector<16x1xi32> to vector<16xi32>
      %gather3A_844 = tpu.dynamic_gather %add3A_838[%gather3A_843] in [0] : vector<16xf32>, vector<16xi32> -> vector<16xf32>
      %add3A_845 = arith.addf %add3A_838, %gather3A_844 : vector<16xf32>
      %xor3A_846 = arith.constant 2 : i32
      %xor3A_847 = vector.broadcast %xor3A_846 : i32 to vector<16xi32>
      %xor3A_848 = arith.xori %iota3A, %xor3A_847 : vector<16xi32>
      %broadcast_in_dim3A_849 = vector.shape_cast %xor3A_848 : vector<16xi32> to vector<16x1xi32>
      %gather3A_850 = vector.shape_cast %broadcast_in_dim3A_849 : vector<16x1xi32> to vector<16xi32>
      %gather3A_851 = tpu.dynamic_gather %add3A_845[%gather3A_850] in [0] : vector<16xf32>, vector<16xi32> -> vector<16xf32>
      %add3A_852 = arith.addf %add3A_845, %gather3A_851 : vector<16xf32>
      %xor3A_853 = arith.constant 1 : i32
      %xor3A_854 = vector.broadcast %xor3A_853 : i32 to vector<16xi32>
      %xor3A_855 = arith.xori %iota3A, %xor3A_854 : vector<16xi32>
      %broadcast_in_dim3A_856 = vector.shape_cast %xor3A_855 : vector<16xi32> to vector<16x1xi32>
      %gather3A_857 = vector.shape_cast %broadcast_in_dim3A_856 : vector<16x1xi32> to vector<16xi32>
      %gather3A_858 = tpu.dynamic_gather %add3A_852[%gather3A_857] in [0] : vector<16xf32>, vector<16xi32> -> vector<16xf32>
      %add3A_859 = arith.addf %add3A_852, %gather3A_858 : vector<16xf32>
      %eq3A_860 = arith.constant 10 : i32
      %eq3A_861 = vector.broadcast %eq3A_860 : i32 to vector<16xi32>
      %eq3A_862 = arith.cmpi eq, %iota3A, %eq3A_861 : vector<16xi32>
      %select_n3A_863 = arith.select %eq3A_862, %add3A_859, %select_n3A_790 : vector<16xi1>, vector<16xf32>
      %add3A_864 = arith.constant 11 : i32
      %add3A_865 = arith.addi %mul3A_64, %add3A_864 : i32
      %get3A_866 = arith.index_cast %add3A_865 : i32 to index
      %get3A_867 = arith.constant 0 : index
      %get3A_868 = tpu.vector_load %arg4[%get3A_866, %get3A_867] {strides = array<i32>} : memref<400x128xf32, #tpu.memory_space<vmem>>, vector<1x16xf32>,
      %get3A_869 = vector.shape_cast %get3A_868 : vector<1x16xf32> to vector<16xf32>
      %get3A_870 = arith.index_cast %add3A_865 : i32 to index
      %get3A_871 = arith.constant 16 : index
      %get3A_872 = tpu.vector_load %arg4[%get3A_870, %get3A_871] {strides = array<i32>} : memref<400x128xf32, #tpu.memory_space<vmem>>, vector<1x16xf32>,
      %get3A_873 = vector.shape_cast %get3A_872 : vector<1x16xf32> to vector<16xf32>
      %get3A_874 = arith.index_cast %add3A_865 : i32 to index
      %get3A_875 = arith.constant 32 : index
      %get3A_876 = tpu.vector_load %arg4[%get3A_874, %get3A_875] {strides = array<i32>} : memref<400x128xf32, #tpu.memory_space<vmem>>, vector<1x16xf32>,
      %get3A_877 = vector.shape_cast %get3A_876 : vector<1x16xf32> to vector<16xf32>
      %get3A_878 = arith.index_cast %add3A_865 : i32 to index
      %get3A_879 = arith.constant 48 : index
      %get3A_880 = tpu.vector_load %arg4[%get3A_878, %get3A_879] {strides = array<i32>} : memref<400x128xf32, #tpu.memory_space<vmem>>, vector<1x16xf32>,
      %get3A_881 = vector.shape_cast %get3A_880 : vector<1x16xf32> to vector<16xf32>
      %get3A_882 = arith.index_cast %add3A_865 : i32 to index
      %get3A_883 = arith.constant 64 : index
      %get3A_884 = tpu.vector_load %arg4[%get3A_882, %get3A_883] {strides = array<i32>} : memref<400x128xf32, #tpu.memory_space<vmem>>, vector<1x16xf32>,
      %get3A_885 = vector.shape_cast %get3A_884 : vector<1x16xf32> to vector<16xf32>
      %get3A_886 = arith.index_cast %add3A_865 : i32 to index
      %get3A_887 = arith.constant 80 : index
      %get3A_888 = tpu.vector_load %arg4[%get3A_886, %get3A_887] {strides = array<i32>} : memref<400x128xf32, #tpu.memory_space<vmem>>, vector<1x16xf32>,
      %get3A_889 = vector.shape_cast %get3A_888 : vector<1x16xf32> to vector<16xf32>
      %get3A_890 = arith.index_cast %add3A_865 : i32 to index
      %get3A_891 = arith.constant 96 : index
      %get3A_892 = tpu.vector_load %arg4[%get3A_890, %get3A_891] {strides = array<i32>} : memref<400x128xf32, #tpu.memory_space<vmem>>, vector<1x16xf32>,
      %get3A_893 = vector.shape_cast %get3A_892 : vector<1x16xf32> to vector<16xf32>
      %get3A_894 = arith.index_cast %add3A_865 : i32 to index
      %get3A_895 = arith.constant 112 : index
      %get3A_896 = tpu.vector_load %arg4[%get3A_894, %get3A_895] {strides = array<i32>} : memref<400x128xf32, #tpu.memory_space<vmem>>, vector<1x16xf32>,
      %get3A_897 = vector.shape_cast %get3A_896 : vector<1x16xf32> to vector<16xf32>
      %add3A_898 = arith.addf %get3A_869, %get3A_873 : vector<16xf32>
      %add3A_899 = arith.addf %get3A_877, %get3A_881 : vector<16xf32>
      %add3A_900 = arith.addf %add3A_898, %add3A_899 : vector<16xf32>
      %add3A_901 = arith.addf %get3A_885, %get3A_889 : vector<16xf32>
      %add3A_902 = arith.addf %get3A_893, %get3A_897 : vector<16xf32>
      %add3A_903 = arith.addf %add3A_901, %add3A_902 : vector<16xf32>
      %add3A_904 = arith.addf %add3A_900, %add3A_903 : vector<16xf32>
      %xor3A_905 = arith.constant 8 : i32
      %xor3A_906 = vector.broadcast %xor3A_905 : i32 to vector<16xi32>
      %xor3A_907 = arith.xori %iota3A, %xor3A_906 : vector<16xi32>
      %broadcast_in_dim3A_908 = vector.shape_cast %xor3A_907 : vector<16xi32> to vector<16x1xi32>
      %gather3A_909 = vector.shape_cast %broadcast_in_dim3A_908 : vector<16x1xi32> to vector<16xi32>
      %gather3A_910 = tpu.dynamic_gather %add3A_904[%gather3A_909] in [0] : vector<16xf32>, vector<16xi32> -> vector<16xf32>
      %add3A_911 = arith.addf %add3A_904, %gather3A_910 : vector<16xf32>
      %xor3A_912 = arith.constant 4 : i32
      %xor3A_913 = vector.broadcast %xor3A_912 : i32 to vector<16xi32>
      %xor3A_914 = arith.xori %iota3A, %xor3A_913 : vector<16xi32>
      %broadcast_in_dim3A_915 = vector.shape_cast %xor3A_914 : vector<16xi32> to vector<16x1xi32>
      %gather3A_916 = vector.shape_cast %broadcast_in_dim3A_915 : vector<16x1xi32> to vector<16xi32>
      %gather3A_917 = tpu.dynamic_gather %add3A_911[%gather3A_916] in [0] : vector<16xf32>, vector<16xi32> -> vector<16xf32>
      %add3A_918 = arith.addf %add3A_911, %gather3A_917 : vector<16xf32>
      %xor3A_919 = arith.constant 2 : i32
      %xor3A_920 = vector.broadcast %xor3A_919 : i32 to vector<16xi32>
      %xor3A_921 = arith.xori %iota3A, %xor3A_920 : vector<16xi32>
      %broadcast_in_dim3A_922 = vector.shape_cast %xor3A_921 : vector<16xi32> to vector<16x1xi32>
      %gather3A_923 = vector.shape_cast %broadcast_in_dim3A_922 : vector<16x1xi32> to vector<16xi32>
      %gather3A_924 = tpu.dynamic_gather %add3A_918[%gather3A_923] in [0] : vector<16xf32>, vector<16xi32> -> vector<16xf32>
      %add3A_925 = arith.addf %add3A_918, %gather3A_924 : vector<16xf32>
      %xor3A_926 = arith.constant 1 : i32
      %xor3A_927 = vector.broadcast %xor3A_926 : i32 to vector<16xi32>
      %xor3A_928 = arith.xori %iota3A, %xor3A_927 : vector<16xi32>
      %broadcast_in_dim3A_929 = vector.shape_cast %xor3A_928 : vector<16xi32> to vector<16x1xi32>
      %gather3A_930 = vector.shape_cast %broadcast_in_dim3A_929 : vector<16x1xi32> to vector<16xi32>
      %gather3A_931 = tpu.dynamic_gather %add3A_925[%gather3A_930] in [0] : vector<16xf32>, vector<16xi32> -> vector<16xf32>
      %add3A_932 = arith.addf %add3A_925, %gather3A_931 : vector<16xf32>
      %eq3A_933 = arith.constant 11 : i32
      %eq3A_934 = vector.broadcast %eq3A_933 : i32 to vector<16xi32>
      %eq3A_935 = arith.cmpi eq, %iota3A, %eq3A_934 : vector<16xi32>
      %select_n3A_936 = arith.select %eq3A_935, %add3A_932, %select_n3A_863 : vector<16xi1>, vector<16xf32>
      %add3A_937 = arith.constant 12 : i32
      %add3A_938 = arith.addi %mul3A_64, %add3A_937 : i32
      %get3A_939 = arith.index_cast %add3A_938 : i32 to index
      %get3A_940 = arith.constant 0 : index
      %get3A_941 = tpu.vector_load %arg4[%get3A_939, %get3A_940] {strides = array<i32>} : memref<400x128xf32, #tpu.memory_space<vmem>>, vector<1x16xf32>,
      %get3A_942 = vector.shape_cast %get3A_941 : vector<1x16xf32> to vector<16xf32>
      %get3A_943 = arith.index_cast %add3A_938 : i32 to index
      %get3A_944 = arith.constant 16 : index
      %get3A_945 = tpu.vector_load %arg4[%get3A_943, %get3A_944] {strides = array<i32>} : memref<400x128xf32, #tpu.memory_space<vmem>>, vector<1x16xf32>,
      %get3A_946 = vector.shape_cast %get3A_945 : vector<1x16xf32> to vector<16xf32>
      %get3A_947 = arith.index_cast %add3A_938 : i32 to index
      %get3A_948 = arith.constant 32 : index
      %get3A_949 = tpu.vector_load %arg4[%get3A_947, %get3A_948] {strides = array<i32>} : memref<400x128xf32, #tpu.memory_space<vmem>>, vector<1x16xf32>,
      %get3A_950 = vector.shape_cast %get3A_949 : vector<1x16xf32> to vector<16xf32>
      %get3A_951 = arith.index_cast %add3A_938 : i32 to index
      %get3A_952 = arith.constant 48 : index
      %get3A_953 = tpu.vector_load %arg4[%get3A_951, %get3A_952] {strides = array<i32>} : memref<400x128xf32, #tpu.memory_space<vmem>>, vector<1x16xf32>,
      %get3A_954 = vector.shape_cast %get3A_953 : vector<1x16xf32> to vector<16xf32>
      %get3A_955 = arith.index_cast %add3A_938 : i32 to index
      %get3A_956 = arith.constant 64 : index
      %get3A_957 = tpu.vector_load %arg4[%get3A_955, %get3A_956] {strides = array<i32>} : memref<400x128xf32, #tpu.memory_space<vmem>>, vector<1x16xf32>,
      %get3A_958 = vector.shape_cast %get3A_957 : vector<1x16xf32> to vector<16xf32>
      %get3A_959 = arith.index_cast %add3A_938 : i32 to index
      %get3A_960 = arith.constant 80 : index
      %get3A_961 = tpu.vector_load %arg4[%get3A_959, %get3A_960] {strides = array<i32>} : memref<400x128xf32, #tpu.memory_space<vmem>>, vector<1x16xf32>,
      %get3A_962 = vector.shape_cast %get3A_961 : vector<1x16xf32> to vector<16xf32>
      %get3A_963 = arith.index_cast %add3A_938 : i32 to index
      %get3A_964 = arith.constant 96 : index
      %get3A_965 = tpu.vector_load %arg4[%get3A_963, %get3A_964] {strides = array<i32>} : memref<400x128xf32, #tpu.memory_space<vmem>>, vector<1x16xf32>,
      %get3A_966 = vector.shape_cast %get3A_965 : vector<1x16xf32> to vector<16xf32>
      %get3A_967 = arith.index_cast %add3A_938 : i32 to index
      %get3A_968 = arith.constant 112 : index
      %get3A_969 = tpu.vector_load %arg4[%get3A_967, %get3A_968] {strides = array<i32>} : memref<400x128xf32, #tpu.memory_space<vmem>>, vector<1x16xf32>,
      %get3A_970 = vector.shape_cast %get3A_969 : vector<1x16xf32> to vector<16xf32>
      %add3A_971 = arith.addf %get3A_942, %get3A_946 : vector<16xf32>
      %add3A_972 = arith.addf %get3A_950, %get3A_954 : vector<16xf32>
      %add3A_973 = arith.addf %add3A_971, %add3A_972 : vector<16xf32>
      %add3A_974 = arith.addf %get3A_958, %get3A_962 : vector<16xf32>
      %add3A_975 = arith.addf %get3A_966, %get3A_970 : vector<16xf32>
      %add3A_976 = arith.addf %add3A_974, %add3A_975 : vector<16xf32>
      %add3A_977 = arith.addf %add3A_973, %add3A_976 : vector<16xf32>
      %xor3A_978 = arith.constant 8 : i32
      %xor3A_979 = vector.broadcast %xor3A_978 : i32 to vector<16xi32>
      %xor3A_980 = arith.xori %iota3A, %xor3A_979 : vector<16xi32>
      %broadcast_in_dim3A_981 = vector.shape_cast %xor3A_980 : vector<16xi32> to vector<16x1xi32>
      %gather3A_982 = vector.shape_cast %broadcast_in_dim3A_981 : vector<16x1xi32> to vector<16xi32>
      %gather3A_983 = tpu.dynamic_gather %add3A_977[%gather3A_982] in [0] : vector<16xf32>, vector<16xi32> -> vector<16xf32>
      %add3A_984 = arith.addf %add3A_977, %gather3A_983 : vector<16xf32>
      %xor3A_985 = arith.constant 4 : i32
      %xor3A_986 = vector.broadcast %xor3A_985 : i32 to vector<16xi32>
      %xor3A_987 = arith.xori %iota3A, %xor3A_986 : vector<16xi32>
      %broadcast_in_dim3A_988 = vector.shape_cast %xor3A_987 : vector<16xi32> to vector<16x1xi32>
      %gather3A_989 = vector.shape_cast %broadcast_in_dim3A_988 : vector<16x1xi32> to vector<16xi32>
      %gather3A_990 = tpu.dynamic_gather %add3A_984[%gather3A_989] in [0] : vector<16xf32>, vector<16xi32> -> vector<16xf32>
      %add3A_991 = arith.addf %add3A_984, %gather3A_990 : vector<16xf32>
      %xor3A_992 = arith.constant 2 : i32
      %xor3A_993 = vector.broadcast %xor3A_992 : i32 to vector<16xi32>
      %xor3A_994 = arith.xori %iota3A, %xor3A_993 : vector<16xi32>
      %broadcast_in_dim3A_995 = vector.shape_cast %xor3A_994 : vector<16xi32> to vector<16x1xi32>
      %gather3A_996 = vector.shape_cast %broadcast_in_dim3A_995 : vector<16x1xi32> to vector<16xi32>
      %gather3A_997 = tpu.dynamic_gather %add3A_991[%gather3A_996] in [0] : vector<16xf32>, vector<16xi32> -> vector<16xf32>
      %add3A_998 = arith.addf %add3A_991, %gather3A_997 : vector<16xf32>
      %xor3A_999 = arith.constant 1 : i32
      %xor3A_1000 = vector.broadcast %xor3A_999 : i32 to vector<16xi32>
      %xor3A_1001 = arith.xori %iota3A, %xor3A_1000 : vector<16xi32>
      %broadcast_in_dim3A_1002 = vector.shape_cast %xor3A_1001 : vector<16xi32> to vector<16x1xi32>
      %gather3A_1003 = vector.shape_cast %broadcast_in_dim3A_1002 : vector<16x1xi32> to vector<16xi32>
      %gather3A_1004 = tpu.dynamic_gather %add3A_998[%gather3A_1003] in [0] : vector<16xf32>, vector<16xi32> -> vector<16xf32>
      %add3A_1005 = arith.addf %add3A_998, %gather3A_1004 : vector<16xf32>
      %eq3A_1006 = arith.constant 12 : i32
      %eq3A_1007 = vector.broadcast %eq3A_1006 : i32 to vector<16xi32>
      %eq3A_1008 = arith.cmpi eq, %iota3A, %eq3A_1007 : vector<16xi32>
      %select_n3A_1009 = arith.select %eq3A_1008, %add3A_1005, %select_n3A_936 : vector<16xi1>, vector<16xf32>
      %add3A_1010 = arith.constant 13 : i32
      %add3A_1011 = arith.addi %mul3A_64, %add3A_1010 : i32
      %get3A_1012 = arith.index_cast %add3A_1011 : i32 to index
      %get3A_1013 = arith.constant 0 : index
      %get3A_1014 = tpu.vector_load %arg4[%get3A_1012, %get3A_1013] {strides = array<i32>} : memref<400x128xf32, #tpu.memory_space<vmem>>, vector<1x16xf32>,
      %get3A_1015 = vector.shape_cast %get3A_1014 : vector<1x16xf32> to vector<16xf32>
      %get3A_1016 = arith.index_cast %add3A_1011 : i32 to index
      %get3A_1017 = arith.constant 16 : index
      %get3A_1018 = tpu.vector_load %arg4[%get3A_1016, %get3A_1017] {strides = array<i32>} : memref<400x128xf32, #tpu.memory_space<vmem>>, vector<1x16xf32>,
      %get3A_1019 = vector.shape_cast %get3A_1018 : vector<1x16xf32> to vector<16xf32>
      %get3A_1020 = arith.index_cast %add3A_1011 : i32 to index
      %get3A_1021 = arith.constant 32 : index
      %get3A_1022 = tpu.vector_load %arg4[%get3A_1020, %get3A_1021] {strides = array<i32>} : memref<400x128xf32, #tpu.memory_space<vmem>>, vector<1x16xf32>,
      %get3A_1023 = vector.shape_cast %get3A_1022 : vector<1x16xf32> to vector<16xf32>
      %get3A_1024 = arith.index_cast %add3A_1011 : i32 to index
      %get3A_1025 = arith.constant 48 : index
      %get3A_1026 = tpu.vector_load %arg4[%get3A_1024, %get3A_1025] {strides = array<i32>} : memref<400x128xf32, #tpu.memory_space<vmem>>, vector<1x16xf32>,
      %get3A_1027 = vector.shape_cast %get3A_1026 : vector<1x16xf32> to vector<16xf32>
      %get3A_1028 = arith.index_cast %add3A_1011 : i32 to index
      %get3A_1029 = arith.constant 64 : index
      %get3A_1030 = tpu.vector_load %arg4[%get3A_1028, %get3A_1029] {strides = array<i32>} : memref<400x128xf32, #tpu.memory_space<vmem>>, vector<1x16xf32>,
      %get3A_1031 = vector.shape_cast %get3A_1030 : vector<1x16xf32> to vector<16xf32>
      %get3A_1032 = arith.index_cast %add3A_1011 : i32 to index
      %get3A_1033 = arith.constant 80 : index
      %get3A_1034 = tpu.vector_load %arg4[%get3A_1032, %get3A_1033] {strides = array<i32>} : memref<400x128xf32, #tpu.memory_space<vmem>>, vector<1x16xf32>,
      %get3A_1035 = vector.shape_cast %get3A_1034 : vector<1x16xf32> to vector<16xf32>
      %get3A_1036 = arith.index_cast %add3A_1011 : i32 to index
      %get3A_1037 = arith.constant 96 : index
      %get3A_1038 = tpu.vector_load %arg4[%get3A_1036, %get3A_1037] {strides = array<i32>} : memref<400x128xf32, #tpu.memory_space<vmem>>, vector<1x16xf32>,
      %get3A_1039 = vector.shape_cast %get3A_1038 : vector<1x16xf32> to vector<16xf32>
      %get3A_1040 = arith.index_cast %add3A_1011 : i32 to index
      %get3A_1041 = arith.constant 112 : index
      %get3A_1042 = tpu.vector_load %arg4[%get3A_1040, %get3A_1041] {strides = array<i32>} : memref<400x128xf32, #tpu.memory_space<vmem>>, vector<1x16xf32>,
      %get3A_1043 = vector.shape_cast %get3A_1042 : vector<1x16xf32> to vector<16xf32>
      %add3A_1044 = arith.addf %get3A_1015, %get3A_1019 : vector<16xf32>
      %add3A_1045 = arith.addf %get3A_1023, %get3A_1027 : vector<16xf32>
      %add3A_1046 = arith.addf %add3A_1044, %add3A_1045 : vector<16xf32>
      %add3A_1047 = arith.addf %get3A_1031, %get3A_1035 : vector<16xf32>
      %add3A_1048 = arith.addf %get3A_1039, %get3A_1043 : vector<16xf32>
      %add3A_1049 = arith.addf %add3A_1047, %add3A_1048 : vector<16xf32>
      %add3A_1050 = arith.addf %add3A_1046, %add3A_1049 : vector<16xf32>
      %xor3A_1051 = arith.constant 8 : i32
      %xor3A_1052 = vector.broadcast %xor3A_1051 : i32 to vector<16xi32>
      %xor3A_1053 = arith.xori %iota3A, %xor3A_1052 : vector<16xi32>
      %broadcast_in_dim3A_1054 = vector.shape_cast %xor3A_1053 : vector<16xi32> to vector<16x1xi32>
      %gather3A_1055 = vector.shape_cast %broadcast_in_dim3A_1054 : vector<16x1xi32> to vector<16xi32>
      %gather3A_1056 = tpu.dynamic_gather %add3A_1050[%gather3A_1055] in [0] : vector<16xf32>, vector<16xi32> -> vector<16xf32>
      %add3A_1057 = arith.addf %add3A_1050, %gather3A_1056 : vector<16xf32>
      %xor3A_1058 = arith.constant 4 : i32
      %xor3A_1059 = vector.broadcast %xor3A_1058 : i32 to vector<16xi32>
      %xor3A_1060 = arith.xori %iota3A, %xor3A_1059 : vector<16xi32>
      %broadcast_in_dim3A_1061 = vector.shape_cast %xor3A_1060 : vector<16xi32> to vector<16x1xi32>
      %gather3A_1062 = vector.shape_cast %broadcast_in_dim3A_1061 : vector<16x1xi32> to vector<16xi32>
      %gather3A_1063 = tpu.dynamic_gather %add3A_1057[%gather3A_1062] in [0] : vector<16xf32>, vector<16xi32> -> vector<16xf32>
      %add3A_1064 = arith.addf %add3A_1057, %gather3A_1063 : vector<16xf32>
      %xor3A_1065 = arith.constant 2 : i32
      %xor3A_1066 = vector.broadcast %xor3A_1065 : i32 to vector<16xi32>
      %xor3A_1067 = arith.xori %iota3A, %xor3A_1066 : vector<16xi32>
      %broadcast_in_dim3A_1068 = vector.shape_cast %xor3A_1067 : vector<16xi32> to vector<16x1xi32>
      %gather3A_1069 = vector.shape_cast %broadcast_in_dim3A_1068 : vector<16x1xi32> to vector<16xi32>
      %gather3A_1070 = tpu.dynamic_gather %add3A_1064[%gather3A_1069] in [0] : vector<16xf32>, vector<16xi32> -> vector<16xf32>
      %add3A_1071 = arith.addf %add3A_1064, %gather3A_1070 : vector<16xf32>
      %xor3A_1072 = arith.constant 1 : i32
      %xor3A_1073 = vector.broadcast %xor3A_1072 : i32 to vector<16xi32>
      %xor3A_1074 = arith.xori %iota3A, %xor3A_1073 : vector<16xi32>
      %broadcast_in_dim3A_1075 = vector.shape_cast %xor3A_1074 : vector<16xi32> to vector<16x1xi32>
      %gather3A_1076 = vector.shape_cast %broadcast_in_dim3A_1075 : vector<16x1xi32> to vector<16xi32>
      %gather3A_1077 = tpu.dynamic_gather %add3A_1071[%gather3A_1076] in [0] : vector<16xf32>, vector<16xi32> -> vector<16xf32>
      %add3A_1078 = arith.addf %add3A_1071, %gather3A_1077 : vector<16xf32>
      %eq3A_1079 = arith.constant 13 : i32
      %eq3A_1080 = vector.broadcast %eq3A_1079 : i32 to vector<16xi32>
      %eq3A_1081 = arith.cmpi eq, %iota3A, %eq3A_1080 : vector<16xi32>
      %select_n3A_1082 = arith.select %eq3A_1081, %add3A_1078, %select_n3A_1009 : vector<16xi1>, vector<16xf32>
      %add3A_1083 = arith.constant 14 : i32
      %add3A_1084 = arith.addi %mul3A_64, %add3A_1083 : i32
      %get3A_1085 = arith.index_cast %add3A_1084 : i32 to index
      %get3A_1086 = arith.constant 0 : index
      %get3A_1087 = tpu.vector_load %arg4[%get3A_1085, %get3A_1086] {strides = array<i32>} : memref<400x128xf32, #tpu.memory_space<vmem>>, vector<1x16xf32>,
      %get3A_1088 = vector.shape_cast %get3A_1087 : vector<1x16xf32> to vector<16xf32>
      %get3A_1089 = arith.index_cast %add3A_1084 : i32 to index
      %get3A_1090 = arith.constant 16 : index
      %get3A_1091 = tpu.vector_load %arg4[%get3A_1089, %get3A_1090] {strides = array<i32>} : memref<400x128xf32, #tpu.memory_space<vmem>>, vector<1x16xf32>,
      %get3A_1092 = vector.shape_cast %get3A_1091 : vector<1x16xf32> to vector<16xf32>
      %get3A_1093 = arith.index_cast %add3A_1084 : i32 to index
      %get3A_1094 = arith.constant 32 : index
      %get3A_1095 = tpu.vector_load %arg4[%get3A_1093, %get3A_1094] {strides = array<i32>} : memref<400x128xf32, #tpu.memory_space<vmem>>, vector<1x16xf32>,
      %get3A_1096 = vector.shape_cast %get3A_1095 : vector<1x16xf32> to vector<16xf32>
      %get3A_1097 = arith.index_cast %add3A_1084 : i32 to index
      %get3A_1098 = arith.constant 48 : index
      %get3A_1099 = tpu.vector_load %arg4[%get3A_1097, %get3A_1098] {strides = array<i32>} : memref<400x128xf32, #tpu.memory_space<vmem>>, vector<1x16xf32>,
      %get3A_1100 = vector.shape_cast %get3A_1099 : vector<1x16xf32> to vector<16xf32>
      %get3A_1101 = arith.index_cast %add3A_1084 : i32 to index
      %get3A_1102 = arith.constant 64 : index
      %get3A_1103 = tpu.vector_load %arg4[%get3A_1101, %get3A_1102] {strides = array<i32>} : memref<400x128xf32, #tpu.memory_space<vmem>>, vector<1x16xf32>,
      %get3A_1104 = vector.shape_cast %get3A_1103 : vector<1x16xf32> to vector<16xf32>
      %get3A_1105 = arith.index_cast %add3A_1084 : i32 to index
      %get3A_1106 = arith.constant 80 : index
      %get3A_1107 = tpu.vector_load %arg4[%get3A_1105, %get3A_1106] {strides = array<i32>} : memref<400x128xf32, #tpu.memory_space<vmem>>, vector<1x16xf32>,
      %get3A_1108 = vector.shape_cast %get3A_1107 : vector<1x16xf32> to vector<16xf32>
      %get3A_1109 = arith.index_cast %add3A_1084 : i32 to index
      %get3A_1110 = arith.constant 96 : index
      %get3A_1111 = tpu.vector_load %arg4[%get3A_1109, %get3A_1110] {strides = array<i32>} : memref<400x128xf32, #tpu.memory_space<vmem>>, vector<1x16xf32>,
      %get3A_1112 = vector.shape_cast %get3A_1111 : vector<1x16xf32> to vector<16xf32>
      %get3A_1113 = arith.index_cast %add3A_1084 : i32 to index
      %get3A_1114 = arith.constant 112 : index
      %get3A_1115 = tpu.vector_load %arg4[%get3A_1113, %get3A_1114] {strides = array<i32>} : memref<400x128xf32, #tpu.memory_space<vmem>>, vector<1x16xf32>,
      %get3A_1116 = vector.shape_cast %get3A_1115 : vector<1x16xf32> to vector<16xf32>
      %add3A_1117 = arith.addf %get3A_1088, %get3A_1092 : vector<16xf32>
      %add3A_1118 = arith.addf %get3A_1096, %get3A_1100 : vector<16xf32>
      %add3A_1119 = arith.addf %add3A_1117, %add3A_1118 : vector<16xf32>
      %add3A_1120 = arith.addf %get3A_1104, %get3A_1108 : vector<16xf32>
      %add3A_1121 = arith.addf %get3A_1112, %get3A_1116 : vector<16xf32>
      %add3A_1122 = arith.addf %add3A_1120, %add3A_1121 : vector<16xf32>
      %add3A_1123 = arith.addf %add3A_1119, %add3A_1122 : vector<16xf32>
      %xor3A_1124 = arith.constant 8 : i32
      %xor3A_1125 = vector.broadcast %xor3A_1124 : i32 to vector<16xi32>
      %xor3A_1126 = arith.xori %iota3A, %xor3A_1125 : vector<16xi32>
      %broadcast_in_dim3A_1127 = vector.shape_cast %xor3A_1126 : vector<16xi32> to vector<16x1xi32>
      %gather3A_1128 = vector.shape_cast %broadcast_in_dim3A_1127 : vector<16x1xi32> to vector<16xi32>
      %gather3A_1129 = tpu.dynamic_gather %add3A_1123[%gather3A_1128] in [0] : vector<16xf32>, vector<16xi32> -> vector<16xf32>
      %add3A_1130 = arith.addf %add3A_1123, %gather3A_1129 : vector<16xf32>
      %xor3A_1131 = arith.constant 4 : i32
      %xor3A_1132 = vector.broadcast %xor3A_1131 : i32 to vector<16xi32>
      %xor3A_1133 = arith.xori %iota3A, %xor3A_1132 : vector<16xi32>
      %broadcast_in_dim3A_1134 = vector.shape_cast %xor3A_1133 : vector<16xi32> to vector<16x1xi32>
      %gather3A_1135 = vector.shape_cast %broadcast_in_dim3A_1134 : vector<16x1xi32> to vector<16xi32>
      %gather3A_1136 = tpu.dynamic_gather %add3A_1130[%gather3A_1135] in [0] : vector<16xf32>, vector<16xi32> -> vector<16xf32>
      %add3A_1137 = arith.addf %add3A_1130, %gather3A_1136 : vector<16xf32>
      %xor3A_1138 = arith.constant 2 : i32
      %xor3A_1139 = vector.broadcast %xor3A_1138 : i32 to vector<16xi32>
      %xor3A_1140 = arith.xori %iota3A, %xor3A_1139 : vector<16xi32>
      %broadcast_in_dim3A_1141 = vector.shape_cast %xor3A_1140 : vector<16xi32> to vector<16x1xi32>
      %gather3A_1142 = vector.shape_cast %broadcast_in_dim3A_1141 : vector<16x1xi32> to vector<16xi32>
      %gather3A_1143 = tpu.dynamic_gather %add3A_1137[%gather3A_1142] in [0] : vector<16xf32>, vector<16xi32> -> vector<16xf32>
      %add3A_1144 = arith.addf %add3A_1137, %gather3A_1143 : vector<16xf32>
      %xor3A_1145 = arith.constant 1 : i32
      %xor3A_1146 = vector.broadcast %xor3A_1145 : i32 to vector<16xi32>
      %xor3A_1147 = arith.xori %iota3A, %xor3A_1146 : vector<16xi32>
      %broadcast_in_dim3A_1148 = vector.shape_cast %xor3A_1147 : vector<16xi32> to vector<16x1xi32>
      %gather3A_1149 = vector.shape_cast %broadcast_in_dim3A_1148 : vector<16x1xi32> to vector<16xi32>
      %gather3A_1150 = tpu.dynamic_gather %add3A_1144[%gather3A_1149] in [0] : vector<16xf32>, vector<16xi32> -> vector<16xf32>
      %add3A_1151 = arith.addf %add3A_1144, %gather3A_1150 : vector<16xf32>
      %eq3A_1152 = arith.constant 14 : i32
      %eq3A_1153 = vector.broadcast %eq3A_1152 : i32 to vector<16xi32>
      %eq3A_1154 = arith.cmpi eq, %iota3A, %eq3A_1153 : vector<16xi32>
      %select_n3A_1155 = arith.select %eq3A_1154, %add3A_1151, %select_n3A_1082 : vector<16xi1>, vector<16xf32>
      %add3A_1156 = arith.constant 15 : i32
      %add3A_1157 = arith.addi %mul3A_64, %add3A_1156 : i32
      %get3A_1158 = arith.index_cast %add3A_1157 : i32 to index
      %get3A_1159 = arith.constant 0 : index
      %get3A_1160 = tpu.vector_load %arg4[%get3A_1158, %get3A_1159] {strides = array<i32>} : memref<400x128xf32, #tpu.memory_space<vmem>>, vector<1x16xf32>,
      %get3A_1161 = vector.shape_cast %get3A_1160 : vector<1x16xf32> to vector<16xf32>
      %get3A_1162 = arith.index_cast %add3A_1157 : i32 to index
      %get3A_1163 = arith.constant 16 : index
      %get3A_1164 = tpu.vector_load %arg4[%get3A_1162, %get3A_1163] {strides = array<i32>} : memref<400x128xf32, #tpu.memory_space<vmem>>, vector<1x16xf32>,
      %get3A_1165 = vector.shape_cast %get3A_1164 : vector<1x16xf32> to vector<16xf32>
      %get3A_1166 = arith.index_cast %add3A_1157 : i32 to index
      %get3A_1167 = arith.constant 32 : index
      %get3A_1168 = tpu.vector_load %arg4[%get3A_1166, %get3A_1167] {strides = array<i32>} : memref<400x128xf32, #tpu.memory_space<vmem>>, vector<1x16xf32>,
      %get3A_1169 = vector.shape_cast %get3A_1168 : vector<1x16xf32> to vector<16xf32>
      %get3A_1170 = arith.index_cast %add3A_1157 : i32 to index
      %get3A_1171 = arith.constant 48 : index
      %get3A_1172 = tpu.vector_load %arg4[%get3A_1170, %get3A_1171] {strides = array<i32>} : memref<400x128xf32, #tpu.memory_space<vmem>>, vector<1x16xf32>,
      %get3A_1173 = vector.shape_cast %get3A_1172 : vector<1x16xf32> to vector<16xf32>
      %get3A_1174 = arith.index_cast %add3A_1157 : i32 to index
      %get3A_1175 = arith.constant 64 : index
      %get3A_1176 = tpu.vector_load %arg4[%get3A_1174, %get3A_1175] {strides = array<i32>} : memref<400x128xf32, #tpu.memory_space<vmem>>, vector<1x16xf32>,
      %get3A_1177 = vector.shape_cast %get3A_1176 : vector<1x16xf32> to vector<16xf32>
      %get3A_1178 = arith.index_cast %add3A_1157 : i32 to index
      %get3A_1179 = arith.constant 80 : index
      %get3A_1180 = tpu.vector_load %arg4[%get3A_1178, %get3A_1179] {strides = array<i32>} : memref<400x128xf32, #tpu.memory_space<vmem>>, vector<1x16xf32>,
      %get3A_1181 = vector.shape_cast %get3A_1180 : vector<1x16xf32> to vector<16xf32>
      %get3A_1182 = arith.index_cast %add3A_1157 : i32 to index
      %get3A_1183 = arith.constant 96 : index
      %get3A_1184 = tpu.vector_load %arg4[%get3A_1182, %get3A_1183] {strides = array<i32>} : memref<400x128xf32, #tpu.memory_space<vmem>>, vector<1x16xf32>,
      %get3A_1185 = vector.shape_cast %get3A_1184 : vector<1x16xf32> to vector<16xf32>
      %get3A_1186 = arith.index_cast %add3A_1157 : i32 to index
      %get3A_1187 = arith.constant 112 : index
      %get3A_1188 = tpu.vector_load %arg4[%get3A_1186, %get3A_1187] {strides = array<i32>} : memref<400x128xf32, #tpu.memory_space<vmem>>, vector<1x16xf32>,
      %get3A_1189 = vector.shape_cast %get3A_1188 : vector<1x16xf32> to vector<16xf32>
      %add3A_1190 = arith.addf %get3A_1161, %get3A_1165 : vector<16xf32>
      %add3A_1191 = arith.addf %get3A_1169, %get3A_1173 : vector<16xf32>
      %add3A_1192 = arith.addf %add3A_1190, %add3A_1191 : vector<16xf32>
      %add3A_1193 = arith.addf %get3A_1177, %get3A_1181 : vector<16xf32>
      %add3A_1194 = arith.addf %get3A_1185, %get3A_1189 : vector<16xf32>
      %add3A_1195 = arith.addf %add3A_1193, %add3A_1194 : vector<16xf32>
      %add3A_1196 = arith.addf %add3A_1192, %add3A_1195 : vector<16xf32>
      %xor3A_1197 = arith.constant 8 : i32
      %xor3A_1198 = vector.broadcast %xor3A_1197 : i32 to vector<16xi32>
      %xor3A_1199 = arith.xori %iota3A, %xor3A_1198 : vector<16xi32>
      %broadcast_in_dim3A_1200 = vector.shape_cast %xor3A_1199 : vector<16xi32> to vector<16x1xi32>
      %gather3A_1201 = vector.shape_cast %broadcast_in_dim3A_1200 : vector<16x1xi32> to vector<16xi32>
      %gather3A_1202 = tpu.dynamic_gather %add3A_1196[%gather3A_1201] in [0] : vector<16xf32>, vector<16xi32> -> vector<16xf32>
      %add3A_1203 = arith.addf %add3A_1196, %gather3A_1202 : vector<16xf32>
      %xor3A_1204 = arith.constant 4 : i32
      %xor3A_1205 = vector.broadcast %xor3A_1204 : i32 to vector<16xi32>
      %xor3A_1206 = arith.xori %iota3A, %xor3A_1205 : vector<16xi32>
      %broadcast_in_dim3A_1207 = vector.shape_cast %xor3A_1206 : vector<16xi32> to vector<16x1xi32>
      %gather3A_1208 = vector.shape_cast %broadcast_in_dim3A_1207 : vector<16x1xi32> to vector<16xi32>
      %gather3A_1209 = tpu.dynamic_gather %add3A_1203[%gather3A_1208] in [0] : vector<16xf32>, vector<16xi32> -> vector<16xf32>
      %add3A_1210 = arith.addf %add3A_1203, %gather3A_1209 : vector<16xf32>
      %xor3A_1211 = arith.constant 2 : i32
      %xor3A_1212 = vector.broadcast %xor3A_1211 : i32 to vector<16xi32>
      %xor3A_1213 = arith.xori %iota3A, %xor3A_1212 : vector<16xi32>
      %broadcast_in_dim3A_1214 = vector.shape_cast %xor3A_1213 : vector<16xi32> to vector<16x1xi32>
      %gather3A_1215 = vector.shape_cast %broadcast_in_dim3A_1214 : vector<16x1xi32> to vector<16xi32>
      %gather3A_1216 = tpu.dynamic_gather %add3A_1210[%gather3A_1215] in [0] : vector<16xf32>, vector<16xi32> -> vector<16xf32>
      %add3A_1217 = arith.addf %add3A_1210, %gather3A_1216 : vector<16xf32>
      %xor3A_1218 = arith.constant 1 : i32
      %xor3A_1219 = vector.broadcast %xor3A_1218 : i32 to vector<16xi32>
      %xor3A_1220 = arith.xori %iota3A, %xor3A_1219 : vector<16xi32>
      %broadcast_in_dim3A_1221 = vector.shape_cast %xor3A_1220 : vector<16xi32> to vector<16x1xi32>
      %gather3A_1222 = vector.shape_cast %broadcast_in_dim3A_1221 : vector<16x1xi32> to vector<16xi32>
      %gather3A_1223 = tpu.dynamic_gather %add3A_1217[%gather3A_1222] in [0] : vector<16xf32>, vector<16xi32> -> vector<16xf32>
      %add3A_1224 = arith.addf %add3A_1217, %gather3A_1223 : vector<16xf32>
      %eq3A_1225 = arith.constant 15 : i32
      %eq3A_1226 = vector.broadcast %eq3A_1225 : i32 to vector<16xi32>
      %eq3A_1227 = arith.cmpi eq, %iota3A, %eq3A_1226 : vector<16xi32>
      %select_n3A_1228 = arith.select %eq3A_1227, %add3A_1224, %select_n3A_1155 : vector<16xi1>, vector<16xf32>
      %mul3A_1229 = arith.constant 7.812500e-03 : f32
      %mul3A_1230 = vector.broadcast %mul3A_1229 : f32 to vector<16xf32>
      %mul3A_1231 = arith.mulf %select_n3A_1228, %mul3A_1230 : vector<16xf32>
      %swap3A = arith.index_cast %mul3A_64 : i32 to index
      %swap3A_1232 = tpu.vector_load %arg6[%swap3A] {strides = array<i32>} : memref<400xf32, #tpu.memory_space<vmem>>, vector<16xf32>,
      %swap3A_1233 = vector.shape_cast %swap3A_1232 : vector<16xf32> to vector<16xf32>
      %swap3A_1234 = vector.shape_cast %mul3A_1231 : vector<16xf32> to vector<16xf32>
      tpu.vector_store %arg6[%swap3A], %swap3A_1234 {strides = array<i32>} : memref<400xf32, #tpu.memory_space<vmem>>, vector<16xf32>,
    }
    %scan3A_43 = arith.constant 25 : i32
    %add3A_44 = arith.constant 3200 : i32
    %add3A_45 = arith.addi %mul3A_6, %add3A_44 : i32
    %dma_start3A_46 = tpu.memref_slice %arg3[%add3A_45] : memref<115200xf32, #tpu.memory_space<hbm>> -> memref<400xf32, #tpu.memory_space<hbm>>
    %dma_start3A_47 = tpu.memref_slice %arg3[%add3A_45] : memref<115200xf32, #tpu.memory_space<hbm>> -> memref<400xf32, #tpu.memory_space<hbm>>
    tpu.enqueue_dma source(%arg6 : memref<400xf32, #tpu.memory_space<vmem>>) target(%dma_start3A_47 : memref<400xf32, #tpu.memory_space<hbm>>) target_semaphore(%arg10 : memref<!tpu.dma_semaphore, #tpu.memory_space<semaphore_mem>>)
    %dma_wait3A_48 = arith.constant 0 : i32
    %dma_wait3A_49 = arith.constant 0 : i32
    %dma_wait3A_50 = tpu.memref_slice %arg2[%dma_wait3A_48, %dma_wait3A_49] : memref<320000x128xf32, #tpu.memory_space<hbm>> -> memref<400x128xf32, #tpu.memory_space<hbm>>
    %dma_wait3A_51 = arith.constant 0 : i32
    %dma_wait3A_52 = arith.constant 0 : i32
    %dma_wait3A_53 = tpu.memref_slice %arg2[%dma_wait3A_51, %dma_wait3A_52] : memref<320000x128xf32, #tpu.memory_space<hbm>> -> memref<400x128xf32, #tpu.memory_space<hbm>>
    tpu.wait_dma2 semaphore(%arg9 : memref<!tpu.dma_semaphore, #tpu.memory_space<semaphore_mem>>) src(%dma_wait3A_53 : memref<400x128xf32, #tpu.memory_space<hbm>>) dst(%arg5 : memref<400x128xf32, #tpu.memory_space<vmem>>)
    %dma_wait3A_54 = arith.constant 0 : i32
    %dma_wait3A_55 = tpu.memref_slice %arg3[%dma_wait3A_54] : memref<115200xf32, #tpu.memory_space<hbm>> -> memref<400xf32, #tpu.memory_space<hbm>>
    %dma_wait3A_56 = arith.constant 0 : i32
    %dma_wait3A_57 = tpu.memref_slice %arg3[%dma_wait3A_56] : memref<115200xf32, #tpu.memory_space<hbm>> -> memref<400xf32, #tpu.memory_space<hbm>>
    tpu.wait_dma2 semaphore(%arg10 : memref<!tpu.dma_semaphore, #tpu.memory_space<semaphore_mem>>) src(%arg6 : memref<400xf32, #tpu.memory_space<vmem>>) dst(%dma_wait3A_57 : memref<400xf32, #tpu.memory_space<hbm>>)
    %dma_wait3A_58 = arith.constant 0 : i32
    %dma_wait3A_59 = tpu.memref_slice %arg3[%dma_wait3A_58] : memref<115200xf32, #tpu.memory_space<hbm>> -> memref<400xf32, #tpu.memory_space<hbm>>
    %dma_wait3A_60 = arith.constant 0 : i32
    %dma_wait3A_61 = tpu.memref_slice %arg3[%dma_wait3A_60] : memref<115200xf32, #tpu.memory_space<hbm>> -> memref<400xf32, #tpu.memory_space<hbm>>
    tpu.wait_dma2 semaphore(%arg11 : memref<!tpu.dma_semaphore, #tpu.memory_space<semaphore_mem>>) src(%arg7 : memref<400xf32, #tpu.memory_space<vmem>>) dst(%dma_wait3A_61 : memref<400xf32, #tpu.memory_space<hbm>>)
    return
  }
}

module attributes {stable_mosaic.version = 14 : i64} {
  func.func @_tc_block(%arg0: i32, %arg1: memref<20480x128xf32, #tpu.memory_space<vmem>>, %arg2: memref<8x20480xf32, #tpu.memory_space<vmem>>) attributes {dimension_semantics = [#tpu.dimension_semantics<arbitrary>], iteration_bounds = array<i64: 10>, scalar_prefetch = 0 : i64, scratch_operands = 0 : i64, tpu.core_type = #tpu.core_type<tc>, window_params = [{transform_indices = @transform_0, window_bounds = array<i64: 20480, 128>}, {transform_indices = @transform_1, window_bounds = array<i64: 8, 20480>}]} {
    %broadcast_in_dim3A = arith.constant 7.812500e-03 : f32
    %broadcast_in_dim3A_0 = vector.broadcast %broadcast_in_dim3A : f32 to vector<8x128xf32>
    %get3A = arith.constant 0 : index
    %get3A_1 = arith.constant 0 : index
    %get3A_2 = vector.load %arg1[%get3A, %get3A_1] : memref<20480x128xf32, #tpu.memory_space<vmem>>, vector<20480x128xf32>
    %dot_general3A = arith.constant dense<0.000000e+00> : vector<8x20480xf32>
    %dot_general3A_3 = tpu.matmul %broadcast_in_dim3A_0, %get3A_2, %dot_general3A {dimension_numbers = #tpu.dot_dimension_numbers<[1], [1], [0], [0], [0, 0, 1, 0], [], []>, transpose_lhs_hint = false} : vector<8x128xf32>, vector<20480x128xf32>, vector<8x20480xf32> -> vector<8x20480xf32>
    %swap3A = arith.constant 0 : index
    %swap3A_4 = arith.constant 0 : index
    %swap3A_5 = vector.load %arg2[%swap3A, %swap3A_4] : memref<8x20480xf32, #tpu.memory_space<vmem>>, vector<8x20480xf32>
    tpu.vector_store %arg2[%swap3A, %swap3A_4], %dot_general3A_3 {strides = array<i32>} : memref<8x20480xf32, #tpu.memory_space<vmem>>, vector<8x20480xf32>,
    return
  }
  func.func @transform_0(%arg0: i32) -> (i32, i32) {
    %add3A = arith.constant 0 : i32
    %add3A_0 = arith.addi %add3A, %arg0 : i32
    %c0_i32 = arith.constant 0 : i32
    %c0_i32_1 = arith.constant 0 : i32
    return %add3A_0, %c0_i32 : i32, i32
  }
  func.func @transform_1(%arg0: i32) -> (i32, i32) {
    %c0_i32 = arith.constant 0 : i32
    %c0_i32_0 = arith.constant 0 : i32
    return %c0_i32, %arg0 : i32, i32
  }
}

</mosaic_0001>

<sc_bundles>
// kernel: kernel.4.cloned.1.call-start
scs
__scs_entry_jumppad:
0x0: {  	(pc) =	sbr.rel $0x88, $3  }
0x1: {  	(tag) =	ssettag $0x0;
	lr =	simm.s32 $0x1  }
0x2: {  	[smem:$0x3FA0] =	sst lr;
	_ =	strace $0xD0000000  }
0x3: {  	_ = 	snop  }
0x4: {  	_ = 	snop  }
0x5: {  	_ = 	snop  }
0x6: {  	_ = 	snop  }
0x7: {  	_ = 	snop  }
__scs_overlays_trampoline_lowered:
0x8: {  	[smem:$0x3FAF] =	sst s0  }
0x9: {  	[smem:$0x3FB0] =	sst s1  }
0xa: {  	[smem:$0x3FB1] =	sst s2  }
0xb: {  	[smem:$0x3FB2] =	sst s3  }
0xc: {  	[smem:$0x3FB3] =	sst s4  }
0xd: {  	[smem:$0x3FB4] =	sst s5  }
0xe: {  	[smem:$0x3FB5] =	sst s6  }
0xf: {  	[smem:$0x3FB6] =	sst s7  }
0x10: {  	[smem:$0x3FB7] =	sst s8  }
0x11: {  	[smem:$0x3FB8] =	sst s9;
	s0 =	simm.s32 @!p0 $0x0  }
0x12: {  	s1 =	sld [smem:$0x3F9E];
	s0 =	simm.s32 @p0 $0x1  }
0x13: {  	[smem:$0x3FB9] =	sst s0;
	s0 =	simm.s32 @!p1 $0x0  }
0x14: {  	s2 =	sld [smem:$0x3F9D];
	s0 =	simm.s32 @p1 $0x1  }
0x15: {  	[smem:$0x3FBA] =	sst s0;
	s0 =	simm.s32 @!p2 $0x0  }
0x16: {  	s3 =	sld [smem:$0x3FDB];
	s0 =	simm.s32 @p2 $0x1  }
0x17: {  	s4 =	simm.s32 $0x1BF5;
	[smem:$0x3FBC] =	sst s0  }
0x18: {  	s0 =	sld [smem:$0x3F9F];
	_ =	swait.ge [sflag:s4], $0x0  }
0x19: {  	s7 =	sld [smem:$0x3FA0]  }
0x1a: {  	s8 =	sadd.s32 $0xFFFFE003, lr  }
0x1b: {  	s9 =	sadd.s32 $0xFFFFFEF7, lr;
	s5 =	simm.s32 $0xFFFFFFFF;
	p2 =	slt.u32 s8, $0xFFFFF086  }
0x1c: {  	p1 =	slt.u32 s9, $0xF7A;
	s5 =	simm.s32 @!p2 $0x0  }
0x1d: {  	s5 =	simm.s32 @p1 $0x1;
	p0 =	seq.s32 s7, s2  }
0x1e: {  	s7 =	smul.u32 @!p0 $0xF7A, s2;
	p2 =	seq.s32 @!p0 s5, $0x0  }
0x1f: {  	s9 =	smul.u32 $0xF7A, s1;
	s8 =	simm.s32 @!p0 $0x1BF5;
	p2 =	por !p2, p0  }
0x20: {  	[sflag:s8] =	ssyncset.s32 @!p0 $0xFFFFF086;
	s6 =	sadd.s32 @!p0 s3, s7;
	s7 =	simm.s32 @!p0 $0x108  }
0x21: {  	s3 =	sadd.s32 s3, s9;
	s6 =	sadd.s32 @!p0 $0x88, s6;
	s7 =	simm.s32 @p2 $0x1082  }
0x22: {  	[simem:s7], [sflag:s8] =	dma.local @!p0 [hbm:s6], $0xF7A  }
0x23: {  	s9 =	sor.u32 $0xD0000000, s2;
	s6 =	simm.s32 $0x108;
	_ =	swait.ge @!p0 [sflag:s8], $0x0  }
0x24: {  	s3 =	sadd.s32 $0x88, s3;
	s6 =	simm.s32 @!p1 $0x1082;
	[sflag:s4] =	ssyncset.s32 $0xFFFFF086  }
0x25: {  	[simem:s6], [sflag:s4] =	dma.local [hbm:s3], $0xF7A  }
0x26: {  	[smem:$0x3FA0] =	sst s1;
	(tag) =	ssettag s2;
	_ =	strace s9  }
0x27: {  	s1 =	sld [smem:$0x3FB0]  }
0x28: {  	s2 =	sld [smem:$0x3FB1]  }
0x29: {  	s4 =	sld [smem:$0x3FB3]  }
0x2a: {  	p0 =	seq.s32 s5, $0x0;
	s5 =	sld [smem:$0x3FB4]  }
0x2b: {  	s6 =	sld [smem:$0x3FB5]  }
0x2c: {  	s7 =	sld [smem:$0x3FB6]  }
0x2d: {  	s3 =	simm.s32 $0x108;
	s8 =	sld [smem:$0x3FB7]  }
0x2e: {  	s3 =	simm.s32 @!p0 $0x1082;
	s9 =	sld [smem:$0x3FB8]  }
0x2f: {  	lr =	sadd.s32 s0, s3;
	s0 =	sld [smem:$0x3FAF]  }
0x30: {  	s3 =	sld [smem:$0x3FB2]  }
0x31: {  	[smem:$0x3FBB] =	sst s10  }
0x32: {  	s10 =	sld [smem:$0x3FB9];
	_ =	sdelay $0x3  }
0x33: {  	p0 =	seq.s32 s10, $0x1;
	s10 =	sld [smem:$0x3FBB];
	_ =	sdelay $0x3  }
0x34: {  	[smem:$0x3FBB] =	sst s10  }
0x35: {  	s10 =	sld [smem:$0x3FBA];
	_ =	sdelay $0x3  }
0x36: {  	p1 =	seq.s32 s10, $0x1;
	s10 =	sld [smem:$0x3FBB];
	_ =	sdelay $0x3  }
0x37: {  	[smem:$0x3FBB] =	sst s10  }
0x38: {  	s10 =	sld [smem:$0x3FBC]  }
0x39: {  	_ = 	snop;
	(pc) =	sbr.ind lr, $3  }
0x3a: {  	_ = 	snop  }
0x3b: {  	_ = 	snop  }
0x3c: {  	p2 =	seq.s32 s10, $0x1;
	s10 =	sld [smem:$0x3FBB]  }
0x3d: {  	_ =	shalt  }
0x3e: {  	_ =	shalt  }
0x3f: {  	_ =	shalt  }
0x40: {  	_ =	shalt  }
0x41: {  	_ =	shalt  }
0x42: {  	_ =	shalt  }
0x43: {  	_ =	shalt  }
0x44: {  	_ =	shalt  }
0x45: {  	_ =	shalt  }
0x46: {  	_ =	shalt  }
0x47: {  	_ =	shalt  }
0x48: {  	_ =	shalt  }
0x49: {  	_ =	shalt  }
0x4a: {  	_ =	shalt  }
0x4b: {  	_ =	shalt  }
0x4c: {  	_ =	shalt  }
0x4d: {  	_ =	shalt  }
0x4e: {  	_ =	shalt  }
0x4f: {  	_ =	shalt  }
0x50: {  	_ =	shalt  }
0x51: {  	_ =	shalt  }
0x52: {  	_ =	shalt  }
0x53: {  	_ =	shalt  }
0x54: {  	_ =	shalt  }
0x55: {  	_ =	shalt  }
0x56: {  	_ =	shalt  }
0x57: {  	_ =	shalt  }
0x58: {  	_ =	shalt  }
0x59: {  	_ =	shalt  }
0x5a: {  	_ =	shalt  }
0x5b: {  	_ =	shalt  }
0x5c: {  	_ =	shalt  }
0x5d: {  	_ =	shalt  }
0x5e: {  	_ =	shalt  }
0x5f: {  	_ =	shalt  }
0x60: {  	_ =	shalt  }
0x61: {  	_ =	shalt  }
0x62: {  	_ =	shalt  }
0x63: {  	_ =	shalt  }
0x64: {  	_ =	shalt  }
0x65: {  	_ =	shalt  }
0x66: {  	_ =	shalt  }
0x67: {  	_ =	shalt  }
0x68: {  	_ =	shalt  }
0x69: {  	_ =	shalt  }
0x6a: {  	_ =	shalt  }
0x6b: {  	_ =	shalt  }
0x6c: {  	_ =	shalt  }
0x6d: {  	_ =	shalt  }
0x6e: {  	_ =	shalt  }
0x6f: {  	_ =	shalt  }
0x70: {  	_ =	shalt  }
0x71: {  	_ =	shalt  }
0x72: {  	_ =	shalt  }
0x73: {  	_ =	shalt  }
0x74: {  	_ =	shalt  }
0x75: {  	_ =	shalt  }
0x76: {  	_ =	shalt  }
0x77: {  	_ =	shalt  }
0x78: {  	_ =	shalt  }
0x79: {  	_ =	shalt  }
0x7a: {  	_ =	shalt  }
0x7b: {  	_ =	shalt  }
0x7c: {  	_ =	shalt  }
0x7d: {  	_ =	shalt  }
0x7e: {  	_ =	shalt  }
0x7f: {  	_ =	shalt  }
0x80: {  	_ =	shalt  }
0x81: {  	_ =	shalt  }
0x82: {  	_ =	shalt  }
0x83: {  	_ =	shalt  }
0x84: {  	_ =	shalt  }
0x85: {  	_ =	shalt  }
0x86: {  	_ =	shalt  }
0x87: {  	_ =	shalt  }
.Lfunc_end0:
.L_simem_size_0:
called_computation_lowered:
.L_overlay_start_0:
0x88: {  	s2 =	sld [smem:$0x3FD9]  }
0x89: {  	s3 =	sld [smem:$0x3FFE];
	_ =	sdelay $0x1  }
0x8a: {  	s1 =	srdreg.scid  }
0x8b: {  	s0 =	sand.u32 $0x1, s1  }
0x8c: {  	s17 =	sshll.u32 s0, $0xA;
	s2 =	sadd.s32 s3, s2  }
0x8d: {  	s2 =	sadd.s32 s2, s17  }
0x8e: {  	[smem:$0x3FC7] =	sst s2  }
0x8f: {  	_ = 	snop  }
0x90: {  	s2 =	sld [smem:$0x3FC9];
	(tm) =	ssettm $0x1  }
0x91: {  	s18 =	sld [smem:$0x3FFB];
	_ =	sdelay $0x3  }
0x92: {  	_ =	strace s18  }
0x93: {  	s3 =	sld [smem:$0x3FFC];
	_ =	sdelay $0x3  }
0x94: {  	_ =	strace s3  }
0x95: {  	s3 =	sld [smem:$0x3FFD];
	_ =	sdelay $0x3  }
0x96: {  	_ =	strace s3  }
0x97: {  	_ =	strace $0x8FFFFFFF  }
0x98: {  	s19 =	sld [smem:$0x3FDB];
	_ =	sdelay $0x1  }
0x99: {  	s4 =	simm.s32 $_scs_section_size  }
0x9a: {  	s5 =	simm.s32 $_size__tile_overlayer_lowered;
	s6 =	simm.s32 $_tile_overlayer_lowered  }
0x9b: {  	s22 =	simm.s32 $0x1BFF;
	s21 =	sshll.u32 s6, $0x1;
	s3 =	sadd.s32 s4, s19  }
0x9c: {  	s7 =	simm.s32 $0x0;
	s20 =	sshll.u32 s5, $0x1;
	s5 =	sadd.s32 s21, s3  }
0x9d: {  	[timem:s7], [sflag:s22] =	dma.local [hbm:s5], s20  }
0x9e: {  	_ =	swait.ge [sflag:s22], s20  }
0x9f: {  	s4 =	ssub.s32 $0x0, s20;
	[sflag:s22] =	ssyncset.done $0x0  }
0xa0: {  	[sflag:s22] =	ssyncadd.s32 s4;
	_ =	sdelay $0x1  }
0xa1: {  	s23 =	simm.s32 $0x1B8B  }
0xa2: {  	_ =	swait.ge [sflag:s23], $0x1  }
0xa3: {  	[sflag:s23] =	ssyncset.done $0x0  }
0xa4: {  	s25 =	simm.s32 $0x1B8E;
	s24 =	sld [smem:$0x3FFE];
	[sflag:s23] =	ssyncadd.s32 $0xFFFFFFFF  }
0xa5: {  	s26 =	simm.s32 $execute0_lowered;
	[smem:$0x3FD2] =	sst s25  }
0xa6: {  	s5 =	sshll.u32 s26, $0x1;
	_ =	strace $0x80000046;
	[dreg:$0x1] =	wrdreg $0xFFFFFFFF  }
0xa7: {  	s28 =	simm.s32 $_size_execute0_lowered;
	s3 =	sadd.s32 s3, s5;
	[dreg:$0x0] =	wrdreg $0x0  }
0xa8: {  	s5 =	sshll.u32 s28, $0x1;
	[dreg:$0x2] =	wrdreg s3  }
0xa9: {  	[dreg:$0x3] =	wrdreg s5  }
0xaa: {  	[dreg:$0x4] =	wrdreg $0xC0  }
0xab: {  	_ =	task [dreg:s7], $0x5FFFF  }
0xac: {  	[dreg:$0x1] =	wrdreg $0xFFFFFFFF  }
0xad: {  	[dreg:$0x0] =	wrdreg $0x60  }
0xae: {  	[dreg:$0x2] =	wrdreg s2  }
0xaf: {  	[dreg:$0x3] =	wrdreg s24  }
0xb0: {  	[dreg:$0x4] =	wrdreg $0x9  }
0xb1: {  	_ =	task.clear_ibuf [dreg:s7], $0x5FFFF;
	_ =	strace $0x90000046  }
0xb2: {  	s29 =	simm.s32 $0x9;
	_ =	strace $0x80000048  }
0xb3: {  	_ =	swait.ge [sflag:s29], $0x1  }
0xb4: {  	[sflag:s29] =	ssyncadd.s32 $0xFFFFFFFF  }
0xb5: {  	_ =	strace $0x90000048  }
0xb6: {  	_ =	sfence  }
0xb7: {  	s30 =	sld [smem:$0x0];
	_ =	sdelay $0x2  }
0xb8: {  	s31 =	sshll.u32 s1, $0xD;
	s1 =	sshrl.u32 s1, $0x2  }
0xb9: {  	s3 =	sand.u32 $0x4000, s31;
	s1 =	sadd.s32 s1, s30  }
0xba: {  	s0 =	sor.u32 s3, s0;
	s1 =	sshll.u32 s1, $0x11  }
0xbb: {  	s0 =	sor.u32 s1, s0  }
0xbc: {  	s0 =	sadd.s32 $0x8F2B, s0  }
0xbd: {  	[sflag:s0] =	ssyncadd.remote.s32 $0x1  }
0xbe: {  	_ =	sfence.sel $0xFFFF  }
0xbf: {  	[dreg:$0x0] =	wrdreg $0xFFFFFFFF;
	(pc) =	sbr.abs _section_cstart, $3  }
0xc0: {  	[dreg:$0x1] =	wrdreg $0xFFFFFFFF  }
0xc1: {  	_ =	task.clear_ibuf [dreg:s7], $0x2FFFF;
	_ =	strace $0x9FFFFFFF  }
0xc2: {  	(tm) =	ssettm $0x7FFFFFFF  }
0xc3: {  	_ =	shalt  }
tec
execute0_lowered:
.L_overlay_start_1:
0x0: {  	(tag) =	ssettag $0x1  }
0x1: {  	v0 =	vimm.s32 $0xFEDCBA98;
	v1 =	vimm.s32 $0x76543210  }
0x2: {  	v2 =	vimm.s32 $0xBA98FEDC;
	v3 =	vimm.s32 $0x32107654;
	v4 =	vimm.s32 $0xDCFE98BA  }
0x3: {  	s2 =	srdreg.scid;
	s1 =	rddreg [dreg:$0x0];
	v5 =	vimm.s32 $0x54761032;
	v6 =	vimm.s32 $0xEFCDAB89;
	v7 =	vimm.s32 $0x67452301  }
0x4: {  	s0 =	stileid.u32;
	s6 =	rddreg [dreg:$0x1];
	vm0 =	vmmov $0x1;
	vm1 =	vmmov $0x3;
	vm2 =	vmmov $0x7  }
0x5: {  	s3 =	simm.s32 $0x0;
	vm3 =	vmmov $0xf;
	vm4 =	vmmov $0x1f;
	s15 =	simm.s32 $0xC800;
	s16 =	simm.s32 $0x19000;
	v0 =	vunpack.c.l.s4.s8 v0  }
0x6: {  	s17 =	simm.s32 $0x19200;
	v1 =	vunpack.c.l.s4.s8 v1;
	v2 =	vunpack.c.l.s4.s8 v2;
	v3 =	vunpack.c.l.s4.s8 v3;
	s5 =	sand.u32 $0x1, s2;
	s26 =	sshll.u32 s0, $0x1  }
0x7: {  	s18 =	simm.s32 $0x1;
	s19 =	simm.s32 $0x3;
	v4 =	vunpack.c.l.s4.s8 v4;
	v5 =	vunpack.c.l.s4.s8 v5;
	v6 =	vunpack.c.l.s4.s8 v6;
	s7 =	sor.u32 s5, s26  }
0x8: {  	s20 =	simm.s32 $0x2;
	s21 =	simm.s32 $0x4;
	v7 =	vunpack.c.l.s4.s8 v7;
	v0 =	vunpack.c.0.s8.s32 v0;
	s4 =	smul.u32 $0xE10, s7;
	v2 =	vunpack.c.0.s8.s32 v2  }
0x9: {  	s22 =	simm.s32 $0x0;
	s2 =	rddreg [dreg:$0x2];
	v3 =	vunpack.c.0.s8.s32 v3;
	v4 =	vunpack.c.0.s8.s32 v4;
	s9 =	smul.u32 $0xE100, s7;
	v1 =	vunpack.c.0.s8.s32 v1  }
0xa: {  	[smem:$0x7FF] =	sst s3;
	s8 =	ssub.s32 $0x2, s5;
	v5 =	vunpack.c.0.s8.s32 v5;
	v6 =	vunpack.c.0.s8.s32 v6;
	s7 =	smul.u32 $0x70800, s7;
	v0 =	vand.u32 $0xF, v0  }
0xb: {  	_ =	strace $0x80000047;
	s5 =	sadd.s32 $0x400, s6;
	v7 =	vunpack.c.0.s8.s32 v7;
	s10 =	sshrl.u32 s8, $0x1;
	v2 =	vcombine.low v3, v2;
	v63 =	vcombine.low v0, v1  }
0xc: {  	vm5 =	vmmov $0x3f;
	vm6 =	vmmov $0x7f;
	s14 =	ssub.s32 s8, s10;
	v54 =	vcombine.low v5, v4;
	s28 =	sadd.s32 s1, s9;
	s29 =	sshrl.u32 s7, $0x3  }
0xd: {  	vm7 =	vmmov $0xff;
	v55 =	vcombine.low v7, v6;
	s7 =	sadd.s32 $0x190, s4;
	s30 =	sshrl.u32 s4, $0x3;
	s11 =	sadd.s32 $0x32320, s4;
	v59 =	vand.u32 $0xF, v2;
	[tilespmem:$0x1FFC0] =	vst v63  }
0xe: {  	vm8 =	vmmov $0x1ff;
	vm9 =	vmmov $0x3ff;
	s12 =	sadd.s32 $0x324B0, s4;
	s14 =	smax.u32 s14, $0x1;
	s6 =	sadd.s32 $0x320000, s28;
	v60 =	vand.u32 $0xF, v54;
	[tilespmem:$0x1FFD0] =	vst v59  }
0xf: {  	vm10 =	vmmov $0x7ff;
	vm11 =	vmmov $0xfff;
	s8 =	sadd.s32 s1, s29;
	s31 =	sshrl.u32 s7, $0x3;
	s9 =	sadd.s32 s5, s30;
	v44 =	vand.u32 $0xF, v55;
	[tilespmem:$0x1FFE0] =	vst v60  }
0x10: {  	vm12 =	vmmov $0x1fff;
	vm13 =	vmmov $0x3fff;
	vm14 =	vmmov $0x7fff;
	s8 =	sadd.s32 $0x321900, s8;
	s10 =	sadd.s32 s5, s31;
	s13 =	sadd.s32 $0x190, s9;
	[tilespmem:$0x1FFF0] =	vst v44  }
.LBB2_1:
0x11: {  	[tilespmem:s3], [sflag:$0x1] =	stream.linear.gather [hbm4b:s6+s3], $0xC800, $0x38;
	[tilespmem:$0x19400] =	vst v63  }
0x12: {  	_ = 	snop  }
0x13: {  	[tilespmem:s15], [sflag:$0x2] =	stream.linear.gather [hbm4b:s8+s3], $0xC800, $0x38;
	[tilespmem:$0x19400] =	vst v63  }
0x14: {  	_ = 	snop  }
0x15: {  	[hbm4b:s9+s3] =	stream.linear.scatter [tilespmem:s16], [sflag:$0x3], $0x190, $0x38;
	[tilespmem:$0x19400] =	vst v63  }
0x16: {  	s23 =	simm.s32 $0x0  }
0x17: {  	v2 =	vmov v59;
	v1 =	vmov v60;
	[hbm4b:s10+s3] =	stream.linear.scatter [tilespmem:s17], [sflag:$0x4], $0x190, $0x38;
	[tilespmem:$0x19400] =	vst v63  }
.LBB2_2:
0x18: {  	_ =	swait.ge [sflag:s18], $0xC800  }
0x19: {  	[sflag:s18] =	ssyncset.done $0x0  }
0x1a: {  	[sflag:s18] =	ssyncadd.s32 $0xFFFF3800  }
0x1b: {  	_ =	swait.ge [sflag:s19], $0x190  }
0x1c: {  	[sflag:s19] =	ssyncset.done $0x0  }
0x1d: {  	s24 =	simm.s32 $0x400;
	[sflag:s19] =	ssyncadd.s32 $0xFFFFFE70  }
0x1e: {  	v4 =	vld [tilespmem:s24+$0x380]  }
0x1f: {  	v5 =	vld [tilespmem:s24+$0x390]  }
0x20: {  	v6 =	vld [tilespmem:s24+$0x3A0]  }
0x21: {  	v7 =	vld [tilespmem:s24+$0x3B0]  }
0x22: {  	v8 =	vld [tilespmem:s24+$0x3C0]  }
0x23: {  	v9 =	vld [tilespmem:s24+$0x3D0]  }
0x24: {  	v10 =	vld [tilespmem:s24+$0x3E0]  }
0x25: {  	v11 =	vld [tilespmem:s24+$0x3F0]  }
0x26: {  	v12 =	vld [tilespmem:s24+$0x300]  }
0x27: {  	v13 =	vld [tilespmem:s24+$0x310]  }
0x28: {  	v14 =	vld [tilespmem:s24+$0x320]  }
0x29: {  	v15 =	vld [tilespmem:s24+$0x330]  }
0x2a: {  	v16 =	vld [tilespmem:s24+$0x340]  }
0x2b: {  	v17 =	vld [tilespmem:s24+$0x350]  }
0x2c: {  	v18 =	vld [tilespmem:s24+$0x360]  }
0x2d: {  	v19 =	vld [tilespmem:s24+$0x370]  }
0x2e: {  	v20 =	vld [tilespmem:s24+$0x280]  }
0x2f: {  	v21 =	vld [tilespmem:s24+$0x290]  }
0x30: {  	v22 =	vld [tilespmem:s24+$0x2A0]  }
0x31: {  	v23 =	vld [tilespmem:s24+$0x2B0]  }
0x32: {  	v24 =	vld [tilespmem:s24+$0x2C0]  }
0x33: {  	v25 =	vld [tilespmem:s24+$0x2D0]  }
0x34: {  	v26 =	vld [tilespmem:s24+$0x2E0]  }
0x35: {  	v27 =	vld [tilespmem:s24+$0x2F0]  }
0x36: {  	v28 =	vld [tilespmem:s24+$0x200]  }
0x37: {  	v29 =	vld [tilespmem:s24+$0x210]  }
0x38: {  	v30 =	vld [tilespmem:s24+$0x220]  }
0x39: {  	v31 =	vld [tilespmem:s24+$0x230]  }
0x3a: {  	v32 =	vld [tilespmem:s24+$0x240]  }
0x3b: {  	v33 =	vld [tilespmem:s24+$0x250]  }
0x3c: {  	v34 =	vld [tilespmem:s24+$0x260]  }
0x3d: {  	v35 =	vld [tilespmem:s24+$0x270]  }
0x3e: {  	v36 =	vld [tilespmem:s24+$0x180]  }
0x3f: {  	v37 =	vld [tilespmem:s24+$0x190]  }
0x40: {  	v38 =	vld [tilespmem:s24+$0x1A0]  }
0x41: {  	v39 =	vld [tilespmem:s24+$0x1B0]  }
0x42: {  	v40 =	vld [tilespmem:s24+$0x1C0]  }
0x43: {  	v41 =	vld [tilespmem:s24+$0x1D0]  }
0x44: {  	v42 =	vld [tilespmem:s24+$0x1E0]  }
0x45: {  	v43 =	vld [tilespmem:s24+$0x1F0]  }
0x46: {  	v44 =	vld [tilespmem:s24+$0x100]  }
0x47: {  	v45 =	vld [tilespmem:s24+$0x110]  }
0x48: {  	v46 =	vld [tilespmem:s24+$0x120]  }
0x49: {  	v47 =	vld [tilespmem:s24+$0x130]  }
0x4a: {  	v48 =	vld [tilespmem:s24+$0x140]  }
0x4b: {  	v49 =	vld [tilespmem:s24+$0x150]  }
0x4c: {  	v50 =	vld [tilespmem:s24+$0x160]  }
0x4d: {  	v51 =	vld [tilespmem:s24+$0x170]  }
0x4e: {  	v52 =	vld [tilespmem:s24+$0x80]  }
0x4f: {  	v53 =	vld [tilespmem:s24+$0x90]  }
0x50: {  	v54 =	vld [tilespmem:s24+$0xA0]  }
0x51: {  	v55 =	vld [tilespmem:s24+$0xB0]  }
0x52: {  	v56 =	vld [tilespmem:s24+$0xC0]  }
0x53: {  	v57 =	vld [tilespmem:s24+$0xD0]  }
0x54: {  	v58 =	vld [tilespmem:s24+$0xE0]  }
0x55: {  	v59 =	vld [tilespmem:s24+$0xF0]  }
0x56: {  	v3 =	vld [tilespmem:s24+$0x0]  }
0x57: {  	v61 =	vld [tilespmem:s24+$0x10]  }
0x58: {  	v62 =	vld [tilespmem:s24+$0x20]  }
0x59: {  	v63 =	vld [tilespmem:s24+$0x30]  }
0x5a: {  	v0 =	vld [tilespmem:s24+$0x40]  }
0x5b: {  	v60 =	vld [tilespmem:s24+$0x50]  }
0x5c: {  	v4 =	vadd.f32 v5, v4;
	v5 =	vadd.f32 v7, v6;
	v7 =	vld [tilespmem:s24+$0x60]  }
0x5d: {  	v6 =	vadd.f32 v9, v8;
	v8 =	vld [tilespmem:s24+$0x70]  }
0x5e: {  	v9 =	vadd.f32 v11, v10;
	v10 =	vld [tilespmem:s24+$0xFFFFFF80]  }
0x5f: {  	v11 =	vadd.f32 v15, v14;
	v15 =	vld [tilespmem:s24+$0xFFFFFFB0]  }
0x60: {  	v14 =	vadd.f32 v19, v18;
	v18 =	vld [tilespmem:s24+$0xFFFFFFC0]  }
0x61: {  	v19 =	vadd.f32 v25, v24;
	v25 =	vld [tilespmem:s24+$0xFFFFFF40]  }
0x62: {  	v24 =	vadd.f32 v35, v34;
	v34 =	vld [tilespmem:$0x1FFC0]  }
0x63: {  	v35 =	vld [tilespmem:$0x1FFC0];
	v54 =	vadd.f32 v55, v54;
	v55 =	vadd.f32 v57, v56  }
0x64: {  	v56 =	vadd.f32 v59, v58;
	v58 =	vadd.f32 v63, v62;
	v63 =	vld [tilespmem:$0x1FFC0]  }
0x65: {  	v53 =	vadd.f32 v53, v52;
	v52 =	vld [tilespmem:s24+$0xFFFFFDA0]  }
0x66: {  	[tilespmem:$0x1FFB0] =	vst v0;
	v62 =	vld [tilespmem:s24+$0xFFFFFDF0]  }
0x67: {  	v59 =	vld [tilespmem:$0x1FFB0]  }
0x68: {  	v4 =	vadd.f32 v5, v4;
	v5 =	vadd.f32 v9, v6;
	v9 =	vld [tilespmem:s24+$0xFFFFFF90]  }
0x69: {  	v6 =	vadd.f32 v13, v12;
	v12 =	vld [tilespmem:s24+$0xFFFFFFA0]  }
0x6a: {  	v13 =	vadd.f32 v17, v16;
	v16 =	vadd.f32 v21, v20;
	v20 =	vld [tilespmem:s24+$0xFFFFFFD0]  }
0x6b: {  	v17 =	vadd.f32 v23, v22;
	v22 =	vld [tilespmem:s24+$0xFFFFFFE0]  }
0x6c: {  	v23 =	vadd.f32 v33, v32;
	v33 =	vld [tilespmem:$0x1FFC0]  }
0x6d: {  	v21 =	vadd.f32 v27, v26;
	v32 =	vld [tilespmem:s24+$0xFFFFFC50]  }
0x6e: {  	v6 =	vadd.f32 v11, v6;
	v11 =	vadd.f32 v14, v13;
	v14 =	vld [tilespmem:s24+$0xFFFFFFF0]  }
0x6f: {  	v13 =	vadd.f32 v17, v16;
	v17 =	vld [tilespmem:s24+$0xFFFFFF00]  }
0x70: {  	v16 =	vadd.f32 v21, v19;
	v19 =	vld [tilespmem:s24+$0xFFFFFF10]  }
0x71: {  	v21 =	vld [tilespmem:s24+$0xFFFFFF30]  }
0x72: {  	v4 =	vadd.f32 v5, v4;
	v6 =	vadd.f32 v11, v6;
	v11 =	vld [tilespmem:s24+$0xFFFFFF20]  }
0x73: {  	v5 =	vadd.f32 v16, v13;
	v13 =	vadd.f32 v29, v28;
	v28 =	vld [tilespmem:s24+$0xFFFFFF50]  }
0x74: {  	v27 =	vperm.xlane v4, v34;
	v34 =	vld [tilespmem:s24+$0xFFFFFEA0]  }
0x75: {  	v16 =	vadd.f32 v31, v30;
	v31 =	vadd.f32 v43, v42;
	v42 =	vld [tilespmem:$0x1FFC0]  }
0x76: {  	v43 =	vld [tilespmem:$0x1FFC0]  }
0x77: {  	v57 =	vadd.f32 v61, v3;
	v61 =	vadd.f32 v60, v59;
	v60 =	vld [tilespmem:s24+$0xFFFFFD20]  }
0x78: {  	v13 =	vadd.f32 v16, v13;
	v16 =	vadd.f32 v24, v23;
	v24 =	vld [tilespmem:s24+$0xFFFFFF60]  }
0x79: {  	v26 =	vperm.xlane v6, v33;
	v33 =	vld [tilespmem:s24+$0xFFFFFE90]  }
0x7a: {  	v7 =	vadd.f32 v8, v7;
	v30 =	vadd.f32 v41, v40;
	v23 =	vperm.xlane v5, v35;
	v35 =	vld [tilespmem:s24+$0xFFFFFED0]  }
0x7b: {  	v4 =	vadd.f32 v4, v27;
	v27 =	vadd.f32 v39, v38;
	v38 =	vld [tilespmem:s24+$0xFFFFFEE0]  }
0x7c: {  	v8 =	vadd.f32 v9, v10;
	v9 =	vadd.f32 v15, v12;
	v39 =	vld [tilespmem:s24+$0xFFFFFEF0]  }
0x7d: {  	v10 =	vadd.f32 v20, v18;
	v7 =	vadd.f32 v7, v61;
	v61 =	vld [tilespmem:s24+$0xFFFFFD30]  }
0x7e: {  	v12 =	vadd.f32 v14, v22;
	v14 =	vadd.f32 v58, v57;
	v22 =	vld [tilespmem:s24+$0xFFFFFD70]  }
0x7f: {  	v8 =	vadd.f32 v9, v8;
	v6 =	vadd.f32 v6, v26;
	v26 =	vld [tilespmem:s24+$0xFFFFFF70]  }
0x80: {  	v16 =	vadd.f32 v16, v13;
	v5 =	vadd.f32 v5, v23;
	v13 =	vld [tilespmem:s24+$0xFFFFFE80];
	v29 =	vperm.xlane v4, v2  }
0x81: {  	v23 =	vadd.f32 v37, v36;
	v36 =	vld [tilespmem:s24+$0xFFFFFEB0];
	v9 =	vadd.f32 v12, v10  }
0x82: {  	v37 =	vld [tilespmem:s24+$0xFFFFFEC0];
	v40 =	vperm.xlane v5, v2;
	v41 =	vperm.xlane v6, v2;
	v4 =	vadd.f32 v4, v29  }
0x83: {  	v23 =	vadd.f32 v27, v23;
	v27 =	vadd.f32 v31, v30;
	v29 =	vperm.xlane v16, v42;
	v42 =	vld [tilespmem:s24+$0xFFFFFE20]  }
0x84: {  	v11 =	vadd.f32 v21, v11;
	v5 =	vadd.f32 v5, v40;
	v40 =	vld [tilespmem:s24+$0xFFFFFE00]  }
0x85: {  	v30 =	vadd.f32 v6, v41;
	v23 =	vadd.f32 v27, v23;
	v6 =	vperm.xlane v4, v1;
	v41 =	vld [tilespmem:s24+$0xFFFFFE10]  }
0x86: {  	v16 =	vadd.f32 v16, v29;
	v13 =	vadd.f32 v33, v13;
	v33 =	vld [tilespmem:s24+$0xFFFFFC60];
	v27 =	vperm.xlane v5, v1  }
0x87: {  	v29 =	vperm.xlane v30, v1;
	v31 =	vperm.xlane v23, v43;
	v4 =	vadd.f32 v4, v6;
	v43 =	vld [tilespmem:s24+$0xFFFFFE30]  }
0x88: {  	v6 =	vadd.f32 v5, v27;
	v27 =	vadd.f32 v45, v44;
	v45 =	vld [tilespmem:s24+$0xFFFFFE40]  }
0x89: {  	v5 =	vadd.f32 v30, v29;
	v30 =	vadd.f32 v49, v48;
	v48 =	vld [tilespmem:s24+$0xFFFFFE50]  }
0x8a: {  	v8 =	vadd.f32 v9, v8;
	v0 =	vperm.xlane v16, v2;
	v23 =	vadd.f32 v23, v31;
	v49 =	vld [tilespmem:s24+$0xFFFFFE60]  }
0x8b: {  	v29 =	vadd.f32 v47, v46;
	v31 =	vadd.f32 v51, v50;
	v44 =	vld [tilespmem:s24+$0xFFFFFE70]  }
0x8c: {  	v9 =	vadd.f32 v7, v14;
	v16 =	vadd.f32 v16, v0;
	v46 =	vld [tilespmem:s24+$0xFFFFFD80]  }
0x8d: {  	v51 =	vld [tilespmem:s24+$0xFFFFFDE0];
	v27 =	vadd.f32 v29, v27;
	v29 =	vadd.f32 v31, v30  }
0x8e: {  	v50 =	vld [tilespmem:s24+$0xFFFFFD90];
	v30 =	vadd.f32 v54, v53;
	v31 =	vadd.f32 v56, v55;
	v15 =	vperm.xlane v16, v1  }
0x8f: {  	v21 =	vadd.f32 v26, v24;
	v47 =	vld [tilespmem:s24+$0xFFFFFDD0];
	v14 =	vperm.xlane v23, v2;
	v12 =	vadd.f32 v29, v27  }
0x90: {  	v0 =	vld [tilespmem:s24+$0xFFFFFD10];
	v10 =	vadd.f32 v31, v30;
	v7 =	vadd.f32 v16, v15;
	v16 =	vperm.xlane v9, v63  }
0x91: {  	v53 =	vld [tilespmem:s24+$0xFFFFFDB0];
	v26 =	vadd.f32 v43, v42;
	v14 =	vadd.f32 v23, v14;
	v20 =	vperm.xlane v12, v63  }
0x92: {  	v54 =	vld [tilespmem:s24+$0xFFFFFDC0];
	v62 =	vadd.f32 v62, v51;
	v18 =	vperm.xlane v10, v63;
	v9 =	vadd.f32 v9, v16  }
0x93: {  	v56 =	vld [tilespmem:s24+$0xFFFFFD00];
	v15 =	vperm.xlane v8, v63;
	v16 =	vadd.f32 v19, v17;
	v12 =	vadd.f32 v12, v20  }
0x94: {  	v42 =	vld [tilespmem:s24+$0xFFFFFCF0];
	v19 =	vadd.f32 v28, v25;
	v10 =	vadd.f32 v10, v18  }
0x95: {  	v27 =	vld [tilespmem:s24+$0xFFFFFC00];
	v8 =	vadd.f32 v8, v15;
	v23 =	vperm.xlane v9, v2;
	v17 =	vperm.xlane v12, v2  }
0x96: {  	v29 =	vld [tilespmem:s24+$0xFFFFFC20];
	v11 =	vadd.f32 v11, v16;
	v16 =	vadd.f32 v21, v19;
	v24 =	vperm.xlane v10, v2  }
0x97: {  	v30 =	vld [tilespmem:s24+$0xFFFFFC30];
	v19 =	vadd.f32 v9, v23;
	v12 =	vadd.f32 v12, v17;
	v17 =	vperm.xlane v8, v2  }
0x98: {  	v31 =	vld [tilespmem:s24+$0xFFFFFC40];
	v28 =	vadd.f32 v47, v54;
	v9 =	vperm.xlane v14, v1;
	v16 =	vadd.f32 v16, v11  }
0x99: {  	v15 =	vld [tilespmem:s24+$0xFFFFFD40];
	v10 =	vadd.f32 v10, v24;
	v21 =	vperm.xlane v19, v1;
	v17 =	vadd.f32 v8, v17  }
0x9a: {  	v25 =	vld [tilespmem:s24+$0xFFFFFC10];
	v11 =	vperm.xlane v12, v1;
	v8 =	vadd.f32 v14, v9;
	v14 =	vperm.xlane v16, v63  }
0x9b: {  	v18 =	vld [tilespmem:s24+$0xFFFFFD50];
	v24 =	vadd.f32 v41, v40;
	v40 =	vadd.f32 v61, v60;
	v23 =	vperm.xlane v10, v1  }
0x9c: {  	v20 =	vld [tilespmem:s24+$0xFFFFFD60];
	v9 =	vadd.f32 v12, v11;
	v16 =	vadd.f32 v16, v14  }
0x9d: {  	v41 =	vld [tilespmem:s24+$0xFFFFFCE0];
	v12 =	vperm.xlane v17, v1;
	v11 =	vadd.f32 v19, v21;
	v10 =	vadd.f32 v10, v23  }
0x9e: {  	v61 =	vld [tilespmem:$0x1FFF0];
	v14 =	vadd.f32 v36, v34;
	v21 =	vadd.f32 v39, v38;
	v23 =	vperm.xlane v16, v2  }
0x9f: {  	v19 =	vld [tilespmem:s24+$0xFFFFFC80];
	v12 =	vadd.f32 v17, v12;
	v17 =	vadd.f32 v35, v37  }
0xa0: {  	v34 =	vld [tilespmem:s24+$0xFFFFFC90];
	v14 =	vadd.f32 v14, v13;
	v13 =	vadd.f32 v16, v23  }
0xa1: {  	v36 =	vld [tilespmem:s24+$0xFFFFFCA0];
	v16 =	vadd.f32 v26, v24;
	v17 =	vadd.f32 v21, v17  }
0xa2: {  	v38 =	vld [tilespmem:s24+$0xFFFFFCC0];
	v21 =	vadd.f32 v50, v46;
	v24 =	vadd.f32 v53, v52  }
0xa3: {  	v39 =	vld [tilespmem:s24+$0xFFFFFCD0];
	v23 =	vadd.f32 v48, v45  }
0xa4: {  	v35 =	vld [tilespmem:s24+$0xFFFFFC70];
	v21 =	vadd.f32 v24, v21;
	v24 =	vadd.f32 v62, v28  }
0xa5: {  	s25 =	simm.s32 $0x0;
	s26 =	simm.s32 $0x40;
	v59 =	vmovc v1;
	v58 =	vmov v2;
	v37 =	vld [tilespmem:s24+$0xFFFFFCB0];
	v26 =	vadd.f32 v44, v49;
	v28 =	vadd.f32 v0, v56  }
.LBB2_3:
0xa6: {  	v21 =	vadd.f32 v24, v21  }
0xa7: {  	v15 =	vadd.f32 v18, v15;
	v18 =	vadd.f32 v22, v20  }
0xa8: {  	v20 =	vadd.f32 v25, v27;
	v22 =	vadd.f32 v30, v29  }
0xa9: {  	v25 =	vadd.f32 v32, v31;
	v27 =	vadd.f32 v35, v33  }
0xaa: {  	v19 =	vadd.f32 v34, v19;
	v29 =	vadd.f32 v37, v36  }
0xab: {  	v30 =	vadd.f32 v39, v38;
	v31 =	vadd.f32 v42, v41  }
0xac: {  	v20 =	vadd.f32 v22, v20;
	v22 =	vadd.f32 v27, v25  }
0xad: {  	v19 =	vadd.f32 v29, v19;
	v25 =	vadd.f32 v31, v30  }
0xae: {  	v27 =	vadd.f32 v40, v28;
	v15 =	vadd.f32 v18, v15  }
0xaf: {  	v18 =	vadd.f32 v22, v20;
	v19 =	vadd.f32 v25, v19  }
0xb0: {  	v15 =	vadd.f32 v15, v27;
	v20 =	vadd.f32 v26, v23  }
0xb1: {  	v14 =	vadd.f32 v17, v14;
	v23 =	vperm.xlane v18, v63;
	v25 =	vperm.xlane v19, v63  }
0xb2: {  	v22 =	vperm.xlane v13, v59;
	v24 =	vperm.xlane v15, v63;
	v16 =	vadd.f32 v20, v16  }
0xb3: {  	v17 =	vadd.f32 v18, v23;
	v18 =	vadd.f32 v19, v25;
	v19 =	vperm.xlane v21, v63  }
0xb4: {  	v15 =	vadd.f32 v15, v24;
	v20 =	vperm.xlane v16, v63;
	v23 =	vperm.xlane v14, v63  }
0xb5: {  	v24 =	vperm.xlane v17, v58;
	v25 =	vperm.xlane v18, v58;
	v19 =	vadd.f32 v21, v19  }
0xb6: {  	v21 =	vperm.xlane v15, v58;
	v16 =	vadd.f32 v16, v20;
	v14 =	vadd.f32 v14, v23  }
0xb7: {  	v17 =	vadd.f32 v17, v24;
	v18 =	vadd.f32 v18, v25;
	v20 =	vperm.xlane v19, v58  }
0xb8: {  	v15 =	vadd.f32 v15, v21;
	v21 =	vperm.xlane v16, v58;
	v23 =	vperm.xlane v14, v58  }
0xb9: {  	v24 =	vperm.xlane v17, v59;
	v25 =	vperm.xlane v18, v59;
	v19 =	vadd.f32 v19, v20  }
0xba: {  	v20 =	vperm.xlane v15, v59;
	v16 =	vadd.f32 v16, v21;
	v14 =	vadd.f32 v14, v23  }
0xbb: {  	v17 =	vadd.f32 v17, v24;
	v18 =	vadd.f32 v18, v25;
	v21 =	vperm.xlane v19, v59  }
0xbc: {  	v15 =	vadd.f32 v15, v20;
	v20 =	vperm.xlane v16, v59;
	v23 =	vperm.xlane v14, v59  }
0xbd: {  	v24 =	vperm.xlane v17, v61;
	v25 =	vperm.xlane v18, v61;
	v19 =	vadd.f32 v19, v21  }
0xbe: {  	v21 =	vperm.xlane v15, v61;
	v16 =	vadd.f32 v16, v20;
	v14 =	vadd.f32 v14, v23  }
0xbf: {  	v17 =	vadd.f32 v17, v24;
	v18 =	vadd.f32 v18, v25;
	v20 =	vperm.xlane v19, v61  }
0xc0: {  	v13 =	vadd.f32 v13, v22;
	v15 =	vadd.f32 v15, v21;
	v21 =	vperm.xlane v16, v61  }
0xc1: {  	v17 =	vsel vm0, v17, v18;
	v18 =	vadd.f32 v19, v20;
	v19 =	vperm.xlane v14, v61  }
0xc2: {  	v16 =	vadd.f32 v16, v21;
	v15 =	vsel vm1, v17, v15;
	v17 =	vperm.xlane v13, v61  }
0xc3: {  	v15 =	vsel vm2, v15, v18;
	v14 =	vadd.f32 v14, v19;
	v18 =	vperm.xlane v12, v61  }
0xc4: {  	v15 =	vsel vm3, v15, v16;
	v13 =	vadd.f32 v13, v17;
	v16 =	vperm.xlane v11, v61  }
0xc5: {  	v14 =	vsel vm4, v15, v14;
	v12 =	vadd.f32 v12, v18;
	v15 =	vperm.xlane v10, v61  }
0xc6: {  	v13 =	vsel vm5, v14, v13;
	v11 =	vadd.f32 v11, v16;
	v14 =	vperm.xlane v9, v61  }
0xc7: {  	v12 =	vsel vm6, v13, v12;
	v10 =	vadd.f32 v10, v15;
	v13 =	vperm.xlane v8, v61  }
0xc8: {  	v11 =	vsel vm7, v12, v11;
	v9 =	vadd.f32 v9, v14;
	v12 =	vperm.xlane v7, v61  }
0xc9: {  	v10 =	vsel vm8, v11, v10;
	v8 =	vadd.f32 v8, v13;
	v11 =	vperm.xlane v6, v61  }
0xca: {  	v9 =	vsel vm9, v10, v9;
	v7 =	vadd.f32 v7, v12;
	v10 =	vperm.xlane v5, v61  }
0xcb: {  	v8 =	vsel vm10, v9, v8;
	v6 =	vadd.f32 v6, v11;
	v9 =	vperm.xlane v4, v61  }
0xcc: {  	v7 =	vsel vm11, v8, v7;
	v5 =	vadd.f32 v5, v10  }
0xcd: {  	v6 =	vsel vm12, v7, v6;
	v4 =	vadd.f32 v4, v9  }
0xce: {  	v5 =	vsel vm13, v6, v5  }
0xcf: {  	v4 =	vsel vm14, v5, v4  }
0xd0: {  	v4 =	vmul.f32 $7.812500000e-03, v4  }
0xd1: {  	s28 =	sshra.s32 s25, $0x2  }
0xd2: {  	s24 =	sadd.s32 $0x800, s24;
	[tilespmem:s28+$0x19000] =	vst v4  }
0xd3: {  	v6 =	vld [tilespmem:s24+$0x380]  }
0xd4: {  	v12 =	vld [tilespmem:s24+$0x390]  }
0xd5: {  	v13 =	vld [tilespmem:s24+$0x3A0]  }
0xd6: {  	v14 =	vld [tilespmem:s24+$0x3B0]  }
0xd7: {  	v16 =	vld [tilespmem:s24+$0x3C0]  }
0xd8: {  	v17 =	vld [tilespmem:s24+$0x3D0]  }
0xd9: {  	v19 =	vld [tilespmem:s24+$0x3E0]  }
0xda: {  	v22 =	vld [tilespmem:s24+$0x3F0]  }
0xdb: {  	v24 =	vld [tilespmem:s24+$0x300]  }
0xdc: {  	v29 =	vld [tilespmem:s24+$0x310]  }
0xdd: {  	v34 =	vld [tilespmem:s24+$0x320]  }
0xde: {  	v39 =	vld [tilespmem:s24+$0x330]  }
0xdf: {  	v40 =	vld [tilespmem:s24+$0x340]  }
0xe0: {  	v42 =	vld [tilespmem:s24+$0x350]  }
0xe1: {  	v43 =	vld [tilespmem:s24+$0x360]  }
0xe2: {  	v45 =	vld [tilespmem:s24+$0x370]  }
0xe3: {  	v48 =	vld [tilespmem:s24+$0x280]  }
0xe4: {  	v49 =	vld [tilespmem:s24+$0x290]  }
0xe5: {  	v51 =	vld [tilespmem:s24+$0x2A0]  }
0xe6: {  	v52 =	vld [tilespmem:s24+$0x2B0]  }
0xe7: {  	v54 =	vld [tilespmem:s24+$0x2C0]  }
0xe8: {  	v56 =	vld [tilespmem:s24+$0x2D0]  }
0xe9: {  	v57 =	vld [tilespmem:s24+$0x2E0]  }
0xea: {  	v58 =	vld [tilespmem:s24+$0x2F0]  }
0xeb: {  	v59 =	vld [tilespmem:s24+$0x200]  }
0xec: {  	v60 =	vld [tilespmem:s24+$0x210]  }
0xed: {  	v3 =	vld [tilespmem:s24+$0x220]  }
0xee: {  	v62 =	vld [tilespmem:s24+$0x230]  }
0xef: {  	v63 =	vld [tilespmem:s24+$0x240]  }
0xf0: {  	v0 =	vld [tilespmem:s24+$0x250]  }
0xf1: {  	v1 =	vld [tilespmem:s24+$0x260]  }
0xf2: {  	v2 =	vld [tilespmem:s24+$0x270]  }
0xf3: {  	v15 =	vld [tilespmem:s24+$0x180]  }
0xf4: {  	v11 =	vld [tilespmem:s24+$0x190]  }
0xf5: {  	v9 =	vld [tilespmem:s24+$0x1A0]  }
0xf6: {  	v5 =	vld [tilespmem:s24+$0x1B0]  }
0xf7: {  	v10 =	vld [tilespmem:s24+$0x1C0]  }
0xf8: {  	v7 =	vld [tilespmem:s24+$0x1D0]  }
0xf9: {  	v8 =	vld [tilespmem:s24+$0x1E0]  }
0xfa: {  	v4 =	vld [tilespmem:s24+$0x1F0]  }
0xfb: {  	v18 =	vld [tilespmem:s24+$0x100]  }
0xfc: {  	v23 =	vld [tilespmem:s24+$0x170]  }
0xfd: {  	v21 =	vld [tilespmem:s24+$0x80]  }
0xfe: {  	v26 =	vld [tilespmem:s24+$0x90]  }
0xff: {  	v28 =	vld [tilespmem:s24+$0xA0]  }
0x100: {  	v33 =	vld [tilespmem:s24+$0xB0]  }
0x101: {  	v31 =	vld [tilespmem:s24+$0xC0]  }
0x102: {  	v36 =	vld [tilespmem:s24+$0xD0]  }
0x103: {  	v38 =	vld [tilespmem:s24+$0xE0]  }
0x104: {  	v41 =	vld [tilespmem:s24+$0xF0]  }
0x105: {  	v20 =	vld [tilespmem:s24+$0x0]  }
0x106: {  	v25 =	vld [tilespmem:s24+$0x10]  }
0x107: {  	v27 =	vld [tilespmem:s24+$0x20]  }
0x108: {  	v32 =	vld [tilespmem:s24+$0x30]  }
0x109: {  	v30 =	vld [tilespmem:s24+$0x40]  }
0x10a: {  	v35 =	vld [tilespmem:s24+$0x50]  }
0x10b: {  	v37 =	vld [tilespmem:s24+$0x60]  }
0x10c: {  	v44 =	vld [tilespmem:s24+$0x70]  }
0x10d: {  	v46 =	vld [tilespmem:s24+$0xFFFFFF80]  }
0x10e: {  	v47 =	vld [tilespmem:s24+$0xFFFFFF90]  }
0x10f: {  	v50 =	vld [tilespmem:s24+$0xFFFFFFA0]  }
0x110: {  	v53 =	vld [tilespmem:s24+$0xFFFFFFB0]  }
0x111: {  	v55 =	vld [tilespmem:s24+$0xFFFFFFC0];
	v6 =	vadd.f32 v12, v6  }
0x112: {  	[tilespmem:$0x1FF50] =	vst v18;
	v18 =	vld [tilespmem:s24+$0x110];
	v12 =	vadd.f32 v14, v13;
	v13 =	vadd.f32 v17, v16  }
0x113: {  	v16 =	vadd.f32 v42, v40;
	v40 =	vadd.f32 v58, v57;
	v57 =	vld [tilespmem:s24+$0xFFFFFFF0]  }
0x114: {  	v58 =	vld [tilespmem:$0x1FFD0]  }
0x115: {  	v0 =	vadd.f32 v0, v63;
	v63 =	vld [tilespmem:$0x1FFC0]  }
0x116: {  	v17 =	vadd.f32 v45, v43;
	v45 =	vld [tilespmem:s24+$0xFFFFFF50]  }
0x117: {  	v14 =	vadd.f32 v22, v19;
	v19 =	vadd.f32 v49, v48;
	v49 =	vld [tilespmem:s24+$0xFFFFFF60]  }
0x118: {  	v22 =	vadd.f32 v52, v51;
	v1 =	vadd.f32 v2, v1;
	v52 =	vld [tilespmem:s24+$0xFFFFFF70]  }
0x119: {  	v5 =	vadd.f32 v5, v9;
	v48 =	vld [tilespmem:s24+$0xFFFFFE10];
	v6 =	vadd.f32 v12, v6  }
0x11a: {  	v13 =	vadd.f32 v14, v13;
	v12 =	vadd.f32 v29, v24;
	v24 =	vld [tilespmem:s24+$0xFFFFFFD0]  }
0x11b: {  	v14 =	vadd.f32 v39, v34;
	v29 =	vadd.f32 v56, v54;
	v56 =	vld [tilespmem:s24+$0xFFFFFFE0]  }
0x11c: {  	v16 =	vadd.f32 v17, v16;
	v17 =	vadd.f32 v22, v19;
	v22 =	vld [tilespmem:s24+$0xFFFFFF10]  }
0x11d: {  	v39 =	vld [tilespmem:s24+$0xFFFFFF30];
	v14 =	vadd.f32 v14, v12;
	v19 =	vadd.f32 v40, v29  }
0x11e: {  	v7 =	vadd.f32 v7, v10;
	v34 =	vld [tilespmem:s24+$0xFFFFFEE0];
	v6 =	vadd.f32 v13, v6  }
0x11f: {  	v12 =	vld [tilespmem:s24+$0xFFFFFF00];
	v13 =	vadd.f32 v19, v17;
	v14 =	vadd.f32 v16, v14  }
0x120: {  	v29 =	vld [tilespmem:s24+$0xFFFFFF20];
	v16 =	vadd.f32 v60, v59;
	v17 =	vadd.f32 v62, v3  }
0x121: {  	v0 =	vadd.f32 v1, v0;
	[tilespmem:$0x1FF60] =	vst v18;
	v18 =	vld [tilespmem:s24+$0x120];
	v60 =	vadd.f32 v11, v15  }
0x122: {  	v40 =	vld [tilespmem:s24+$0xFFFFFF40];
	v19 =	vperm.xlane v6, v63;
	v3 =	vadd.f32 v4, v8;
	v16 =	vadd.f32 v17, v16  }
0x123: {  	v59 =	vld [tilespmem:$0x1FFE0];
	v11 =	vadd.f32 v33, v28;
	v15 =	vadd.f32 v36, v31;
	v43 =	vperm.xlane v13, v63  }
0x124: {  	v28 =	vld [tilespmem:s24+$0xFFFFFE70];
	v24 =	vadd.f32 v24, v55;
	v51 =	vadd.f32 v0, v16  }
0x125: {  	v33 =	vld [tilespmem:s24+$0xFFFFFC60];
	v42 =	vperm.xlane v14, v63;
	v6 =	vadd.f32 v6, v19;
	v54 =	vadd.f32 v13, v43  }
0x126: {  	v1 =	vadd.f32 v5, v60;
	v3 =	vadd.f32 v3, v7;
	[tilespmem:$0x1FF70] =	vst v18;
	v18 =	vld [tilespmem:s24+$0x130];
	v5 =	vperm.xlane v51, v63  }
0x127: {  	v36 =	vld [tilespmem:s24+$0xFFFFFCA0];
	v2 =	vadd.f32 v14, v42;
	v9 =	vperm.xlane v6, v58;
	v4 =	vperm.xlane v54, v58  }
0x128: {  	v55 =	vld [tilespmem:s24+$0xFFFFFD00];
	v1 =	vadd.f32 v3, v1;
	v3 =	vadd.f32 v51, v5  }
0x129: {  	v19 =	vld [tilespmem:s24+$0xFFFFFEC0];
	v6 =	vadd.f32 v6, v9;
	v7 =	vadd.f32 v54, v4  }
0x12a: {  	v0 =	vld [tilespmem:s24+$0xFFFFFED0];
	v8 =	vperm.xlane v2, v58;
	v10 =	vperm.xlane v3, v58  }
0x12b: {  	v4 =	vperm.xlane v6, v59;
	[tilespmem:$0x1FF80] =	vst v18;
	v18 =	vld [tilespmem:s24+$0x140];
	v5 =	vperm.xlane v7, v59  }
0x12c: {  	v2 =	vadd.f32 v2, v8;
	v62 =	vadd.f32 v3, v10;
	v3 =	vld [tilespmem:$0x1FF50]  }
0x12d: {  	v4 =	vadd.f32 v6, v4;
	v6 =	vadd.f32 v7, v5;
	v7 =	vld [tilespmem:$0x1FF60]  }
0x12e: {  	v51 =	vld [tilespmem:s24+$0xFFFFFE20]  }
0x12f: {  	v54 =	vld [tilespmem:s24+$0xFFFFFE30];
	v8 =	vperm.xlane v2, v59  }
0x130: {  	[tilespmem:$0x1FF90] =	vst v18;
	v18 =	vld [tilespmem:s24+$0x150]  }
0x131: {  	v5 =	vadd.f32 v2, v8;
	v8 =	vld [tilespmem:$0x1FF80]  }
0x132: {  	v3 =	vadd.f32 v7, v3;
	v7 =	vld [tilespmem:$0x1FF70]  }
0x133: {  	v10 =	vadd.f32 v26, v21;
	v26 =	vld [tilespmem:s24+$0xFFFFFE60]  }
0x134: {  	v9 =	vperm.xlane v1, v63;
	v2 =	vld [tilespmem:s24+$0xFFFFFD10]  }
0x135: {  	[tilespmem:$0x1FFA0] =	vst v18;
	v18 =	vld [tilespmem:s24+$0x160]  }
0x136: {  	v1 =	vadd.f32 v1, v9;
	v9 =	vld [tilespmem:$0x1FFA0]  }
0x137: {  	v7 =	vadd.f32 v8, v7;
	v8 =	vld [tilespmem:$0x1FF90]  }
0x138: {  	v17 =	vld [tilespmem:s24+$0xFFFFFEB0]  }
0x139: {  	v13 =	vld [tilespmem:s24+$0xFFFFFE80]  }
0x13a: {  	v14 =	vld [tilespmem:s24+$0xFFFFFE90];
	v0 =	vadd.f32 v0, v19;
	v54 =	vadd.f32 v54, v51  }
0x13b: {  	v16 =	vld [tilespmem:s24+$0xFFFFFEA0];
	v26 =	vadd.f32 v28, v26;
	v28 =	vadd.f32 v2, v55  }
0x13c: {  	v42 =	vld [tilespmem:s24+$0xFFFFFEF0];
	v8 =	vadd.f32 v9, v8;
	v9 =	vadd.f32 v23, v18  }
0x13d: {  	v43 =	vld [tilespmem:s24+$0xFFFFFE00];
	v3 =	vadd.f32 v7, v3;
	v18 =	vadd.f32 v41, v38  }
0x13e: {  	v19 =	vld [tilespmem:s24+$0xFFFFFC80];
	v7 =	vadd.f32 v9, v8;
	v8 =	vadd.f32 v11, v10  }
0x13f: {  	v21 =	vld [tilespmem:s24+$0xFFFFFE50];
	v9 =	vadd.f32 v18, v15;
	v10 =	vadd.f32 v25, v20  }
0x140: {  	v23 =	vld [tilespmem:s24+$0xFFFFFE40];
	v11 =	vadd.f32 v32, v27;
	v15 =	vadd.f32 v35, v30  }
0x141: {  	v38 =	vld [tilespmem:s24+$0xFFFFFD80];
	v18 =	vadd.f32 v44, v37;
	v20 =	vadd.f32 v47, v46  }
0x142: {  	v41 =	vld [tilespmem:s24+$0xFFFFFD90];
	v25 =	vadd.f32 v53, v50;
	v27 =	vadd.f32 v57, v56  }
0x143: {  	v44 =	vld [tilespmem:s24+$0xFFFFFDA0];
	v10 =	vadd.f32 v11, v10;
	v11 =	vadd.f32 v18, v15  }
0x144: {  	v46 =	vld [tilespmem:s24+$0xFFFFFDB0];
	v15 =	vadd.f32 v25, v20;
	v18 =	vadd.f32 v27, v24  }
0x145: {  	v47 =	vld [tilespmem:s24+$0xFFFFFDC0];
	v8 =	vadd.f32 v9, v8;
	v3 =	vadd.f32 v7, v3  }
0x146: {  	v53 =	vld [tilespmem:s24+$0xFFFFFDF0];
	v7 =	vperm.xlane v62, v59;
	v27 =	vadd.f32 v52, v49;
	v52 =	vadd.f32 v48, v43  }
0x147: {  	v24 =	vld [tilespmem:s24+$0xFFFFFDE0];
	v23 =	vadd.f32 v21, v23;
	v10 =	vadd.f32 v11, v10;
	v11 =	vperm.xlane v1, v58  }
0x148: {  	v50 =	vld [tilespmem:s24+$0xFFFFFDD0];
	v9 =	vadd.f32 v18, v15;
	v15 =	vperm.xlane v8, v63;
	v18 =	vperm.xlane v3, v63  }
0x149: {  	v56 =	vld [tilespmem:s24+$0xFFFFFD20];
	v7 =	vadd.f32 v62, v7;
	v1 =	vadd.f32 v1, v11  }
0x14a: {  	v57 =	vld [tilespmem:s24+$0xFFFFFD30];
	v25 =	vperm.xlane v10, v63;
	v8 =	vadd.f32 v8, v15;
	v3 =	vadd.f32 v3, v18  }
0x14b: {  	v32 =	vld [tilespmem:s24+$0xFFFFFC50];
	v20 =	vperm.xlane v9, v63;
	v11 =	vadd.f32 v22, v12;
	v12 =	vadd.f32 v39, v29  }
0x14c: {  	v35 =	vld [tilespmem:s24+$0xFFFFFC70];
	v24 =	vadd.f32 v53, v24;
	v10 =	vadd.f32 v10, v25  }
0x14d: {  	v37 =	vld [tilespmem:s24+$0xFFFFFCB0];
	v9 =	vadd.f32 v9, v20;
	v22 =	vperm.xlane v3, v58;
	v25 =	vadd.f32 v45, v40  }
0x14e: {  	v15 =	vld [tilespmem:s24+$0xFFFFFD40];
	v30 =	vperm.xlane v8, v58;
	v11 =	vadd.f32 v12, v11;
	v29 =	vperm.xlane v10, v58  }
0x14f: {  	v18 =	vld [tilespmem:s24+$0xFFFFFD50];
	v3 =	vadd.f32 v3, v22;
	v12 =	vadd.f32 v27, v25;
	v31 =	vperm.xlane v9, v58  }
0x150: {  	v39 =	vld [tilespmem:s24+$0xFFFFFCD0];
	v60 =	vadd.f32 v8, v30;
	v8 =	vperm.xlane v1, v59;
	v10 =	vadd.f32 v10, v29  }
0x151: {  	v20 =	vld [tilespmem:s24+$0xFFFFFD60];
	v12 =	vadd.f32 v12, v11;
	v62 =	vadd.f32 v9, v31;
	v9 =	vperm.xlane v3, v59  }
0x152: {  	v22 =	vld [tilespmem:s24+$0xFFFFFD70];
	v40 =	vperm.xlane v60, v59;
	v8 =	vadd.f32 v1, v8;
	v11 =	vperm.xlane v10, v59  }
0x153: {  	v25 =	vld [tilespmem:s24+$0xFFFFFC10];
	v45 =	vperm.xlane v12, v63;
	v9 =	vadd.f32 v3, v9;
	v3 =	vadd.f32 v14, v13  }
0x154: {  	v27 =	vld [tilespmem:s24+$0xFFFFFC00];
	v49 =	vperm.xlane v62, v59;
	v13 =	vadd.f32 v17, v16;
	v17 =	vadd.f32 v42, v34  }
0x155: {  	v30 =	vld [tilespmem:s24+$0xFFFFFC30];
	v11 =	vadd.f32 v10, v11;
	v10 =	vadd.f32 v60, v40  }
0x156: {  	p0 =	sne.s32 s26, $0x600;
	v29 =	vld [tilespmem:s24+$0xFFFFFC20];
	v1 =	vadd.f32 v12, v45;
	v12 =	vadd.f32 v62, v49  }
.Ltmp0:
0x157: {  	v31 =	vld [tilespmem:s24+$0xFFFFFC40];
	v14 =	vadd.f32 v13, v3;
	v60 =	vadd.f32 v41, v38;
	(pc) =	sbr.rel @p0 .LBB2_3-.Ltmp0, $4  }
0x158: {  	v34 =	vld [tilespmem:s24+$0xFFFFFC90];
	v62 =	vadd.f32 v46, v44;
	v3 =	vadd.f32 v50, v47  }
0x159: {  	v42 =	vld [tilespmem:s24+$0xFFFFFCF0];
	v17 =	vadd.f32 v17, v0;
	v40 =	vadd.f32 v57, v56;
	v16 =	vperm.xlane v1, v58  }
0x15a: {  	v38 =	vld [tilespmem:s24+$0xFFFFFCC0];
	v21 =	vadd.f32 v62, v60;
	v24 =	vadd.f32 v24, v3  }
0x15b: {  	s25 =	smov.u32 s26;
	s26 =	sadd.s32 $0x40, s26;
	v41 =	vld [tilespmem:s24+$0xFFFFFCE0];
	v13 =	vadd.f32 v1, v16;
	v16 =	vadd.f32 v54, v52  }
0x15c: {  	v0 =	vadd.f32 v18, v15  }
0x15d: {  	v1 =	vadd.f32 v22, v20;
	v2 =	vadd.f32 v25, v27  }
0x15e: {  	v3 =	vadd.f32 v30, v29;
	v15 =	vadd.f32 v32, v31  }
0x15f: {  	v18 =	vadd.f32 v35, v33;
	v20 =	vadd.f32 v37, v36  }
0x160: {  	v19 =	vadd.f32 v34, v19;
	v2 =	vadd.f32 v3, v2  }
0x161: {  	v22 =	vadd.f32 v39, v38;
	v25 =	vadd.f32 v42, v41  }
0x162: {  	v3 =	vadd.f32 v18, v15;
	v0 =	vadd.f32 v1, v0  }
0x163: {  	v15 =	vadd.f32 v20, v19;
	v18 =	vadd.f32 v25, v22  }
0x164: {  	v19 =	vadd.f32 v40, v28;
	v20 =	vadd.f32 v24, v21  }
0x165: {  	v54 =	vadd.f32 v3, v2;
	v55 =	vadd.f32 v18, v15  }
0x166: {  	v3 =	vadd.f32 v26, v23;
	v0 =	vadd.f32 v0, v19  }
0x167: {  	v14 =	vadd.f32 v17, v14;
	v18 =	vperm.xlane v54, v63;
	v19 =	vperm.xlane v55, v63  }
0x168: {  	v3 =	vadd.f32 v3, v16;
	v16 =	vperm.xlane v20, v63;
	v21 =	vperm.xlane v0, v63  }
0x169: {  	v15 =	vperm.xlane v13, v59;
	v1 =	vadd.f32 v54, v18;
	v2 =	vadd.f32 v55, v19  }
0x16a: {  	v17 =	vperm.xlane v3, v63;
	v0 =	vadd.f32 v0, v21;
	v18 =	vperm.xlane v14, v63  }
0x16b: {  	v16 =	vadd.f32 v20, v16;
	v19 =	vperm.xlane v1, v58;
	v21 =	vperm.xlane v2, v58  }
0x16c: {  	v3 =	vadd.f32 v3, v17;
	v20 =	vperm.xlane v0, v58;
	v14 =	vadd.f32 v14, v18  }
0x16d: {  	v17 =	vperm.xlane v16, v58;
	v1 =	vadd.f32 v1, v19;
	v2 =	vadd.f32 v2, v21  }
0x16e: {  	v18 =	vperm.xlane v3, v58;
	v0 =	vadd.f32 v0, v20;
	v19 =	vperm.xlane v14, v58  }
0x16f: {  	v16 =	vadd.f32 v16, v17;
	v20 =	vperm.xlane v1, v59;
	v21 =	vperm.xlane v2, v59  }
0x170: {  	v3 =	vadd.f32 v3, v18;
	v17 =	vperm.xlane v0, v59;
	v14 =	vadd.f32 v14, v19  }
0x171: {  	v18 =	vperm.xlane v16, v59;
	v1 =	vadd.f32 v1, v20;
	v2 =	vadd.f32 v2, v21  }
0x172: {  	v0 =	vadd.f32 v0, v17;
	v17 =	vperm.xlane v3, v59;
	v19 =	vperm.xlane v14, v59  }
0x173: {  	v16 =	vadd.f32 v16, v18;
	v20 =	vperm.xlane v1, v61;
	v21 =	vperm.xlane v2, v61  }
0x174: {  	v18 =	vperm.xlane v0, v61;
	v3 =	vadd.f32 v3, v17;
	v14 =	vadd.f32 v14, v19  }
0x175: {  	v17 =	vperm.xlane v16, v61;
	v1 =	vadd.f32 v1, v20;
	v2 =	vadd.f32 v2, v21  }
0x176: {  	v13 =	vadd.f32 v13, v15;
	v0 =	vadd.f32 v0, v18;
	v18 =	vperm.xlane v3, v61  }
0x177: {  	v56 =	vadd.f32 v16, v17;
	v15 =	vperm.xlane v14, v61;
	v1 =	vsel vm0, v1, v2  }
0x178: {  	v57 =	vadd.f32 v3, v18;
	v3 =	vperm.xlane v13, v61;
	v0 =	vsel vm1, v1, v0  }
0x179: {  	v58 =	vadd.f32 v14, v15;
	v14 =	vperm.xlane v12, v61;
	v0 =	vsel vm2, v0, v56  }
0x17a: {  	v59 =	vadd.f32 v13, v3;
	v3 =	vperm.xlane v11, v61;
	v0 =	vsel vm3, v0, v57  }
0x17b: {  	v60 =	vadd.f32 v12, v14;
	v12 =	vperm.xlane v10, v61;
	v0 =	vsel vm4, v0, v58  }
0x17c: {  	v62 =	vadd.f32 v11, v3;
	v3 =	vperm.xlane v9, v61;
	v0 =	vsel vm5, v0, v59  }
0x17d: {  	v32 =	vadd.f32 v10, v12;
	v10 =	vperm.xlane v8, v61;
	v0 =	vsel vm6, v0, v60  }
0x17e: {  	v33 =	vadd.f32 v9, v3;
	v3 =	vperm.xlane v7, v61;
	v0 =	vsel vm7, v0, v62  }
0x17f: {  	v34 =	vadd.f32 v8, v10;
	v8 =	vperm.xlane v6, v61;
	v0 =	vsel vm8, v0, v32  }
0x180: {  	v35 =	vadd.f32 v7, v3;
	v3 =	vperm.xlane v5, v61;
	v0 =	vsel vm9, v0, v33  }
0x181: {  	v36 =	vadd.f32 v6, v8;
	v6 =	vperm.xlane v4, v61;
	v0 =	vsel vm10, v0, v34  }
0x182: {  	v37 =	vadd.f32 v5, v3;
	v0 =	vsel vm11, v0, v35  }
0x183: {  	v38 =	vadd.f32 v4, v6;
	v0 =	vsel vm12, v0, v36  }
0x184: {  	s24 =	smul.u32 $0x320, s23;
	v0 =	vsel vm13, v0, v37  }
0x185: {  	v0 =	vsel vm14, v0, v38  }
0x186: {  	s26 =	sadd.s32 s4, s24;
	v0 =	vmul.f32 $7.812500000e-03, v0  }
0x187: {  	s25 =	sshra.s32 s25, $0x2;
	s26 =	sshrl.u32 s26, $0x3  }
0x188: {  	s31 =	sadd.s32 s24, s11;
	s26 =	sadd.s32 s5, s26;
	[tilespmem:s25+$0x19000] =	vst v0;
	s25 =	simm.s32 $0x0  }
0x189: {  	[hbm4b:s26+s25] =	stream.linear.scatter [tilespmem:s16], [sflag:$0x3], $0x190, $0x38;
	[tilespmem:$0x19400] =	vst v63  }
0x18a: {  	s26 =	sshll.u32 s31, $0x4  }
0x18b: {  	s26 =	sadd.s32 s1, s26  }
0x18c: {  	[tilespmem:s25], [sflag:$0x1] =	stream.linear.gather [hbm4b:s26+s25], $0xC800, $0x38;
	[tilespmem:$0x19400] =	vst v63  }
0x18d: {  	_ =	swait.ge [sflag:s20], $0xC800  }
0x18e: {  	[sflag:s20] =	ssyncset.done $0x0  }
0x18f: {  	[sflag:s20] =	ssyncadd.s32 $0xFFFF3800  }
0x190: {  	_ =	swait.ge [sflag:s21], $0x190  }
0x191: {  	[sflag:s21] =	ssyncset.done $0x0  }
0x192: {  	s26 =	simm.s32 $0xCC00;
	[sflag:s21] =	ssyncadd.s32 $0xFFFFFE70  }
0x193: {  	v0 =	vld [tilespmem:s26+$0x380]  }
0x194: {  	v1 =	vld [tilespmem:s26+$0x390]  }
0x195: {  	v2 =	vld [tilespmem:s26+$0x3A0]  }
0x196: {  	v3 =	vld [tilespmem:s26+$0x3B0]  }
0x197: {  	v4 =	vld [tilespmem:s26+$0x3C0]  }
0x198: {  	v5 =	vld [tilespmem:s26+$0x3D0]  }
0x199: {  	v6 =	vld [tilespmem:s26+$0x3E0]  }
0x19a: {  	v7 =	vld [tilespmem:s26+$0x3F0]  }
0x19b: {  	v8 =	vld [tilespmem:s26+$0x300]  }
0x19c: {  	v9 =	vld [tilespmem:s26+$0x310]  }
0x19d: {  	v10 =	vld [tilespmem:s26+$0x320]  }
0x19e: {  	v11 =	vld [tilespmem:s26+$0x330]  }
0x19f: {  	v12 =	vld [tilespmem:s26+$0x340]  }
0x1a0: {  	v13 =	vld [tilespmem:s26+$0x350]  }
0x1a1: {  	v14 =	vld [tilespmem:s26+$0x360]  }
0x1a2: {  	v15 =	vld [tilespmem:s26+$0x370]  }
0x1a3: {  	v16 =	vld [tilespmem:s26+$0x280]  }
0x1a4: {  	v17 =	vld [tilespmem:s26+$0x290]  }
0x1a5: {  	v18 =	vld [tilespmem:s26+$0x2A0]  }
0x1a6: {  	v19 =	vld [tilespmem:s26+$0x2B0]  }
0x1a7: {  	v20 =	vld [tilespmem:s26+$0x2C0]  }
0x1a8: {  	v21 =	vld [tilespmem:s26+$0x2D0]  }
0x1a9: {  	v22 =	vld [tilespmem:s26+$0x2E0]  }
0x1aa: {  	v23 =	vld [tilespmem:s26+$0x2F0]  }
0x1ab: {  	v24 =	vld [tilespmem:s26+$0x200]  }
0x1ac: {  	v25 =	vld [tilespmem:s26+$0x210]  }
0x1ad: {  	v26 =	vld [tilespmem:s26+$0x220]  }
0x1ae: {  	v27 =	vld [tilespmem:s26+$0x230]  }
0x1af: {  	v28 =	vld [tilespmem:s26+$0x240]  }
0x1b0: {  	v29 =	vld [tilespmem:s26+$0x250]  }
0x1b1: {  	v30 =	vld [tilespmem:s26+$0x260]  }
0x1b2: {  	v31 =	vld [tilespmem:s26+$0x270]  }
0x1b3: {  	v32 =	vld [tilespmem:s26+$0x180]  }
0x1b4: {  	v33 =	vld [tilespmem:s26+$0x190]  }
0x1b5: {  	v34 =	vld [tilespmem:s26+$0x1A0]  }
0x1b6: {  	v35 =	vld [tilespmem:s26+$0x1B0]  }
0x1b7: {  	v36 =	vld [tilespmem:s26+$0x1C0]  }
0x1b8: {  	v37 =	vld [tilespmem:s26+$0x1D0]  }
0x1b9: {  	v38 =	vld [tilespmem:s26+$0x1E0]  }
0x1ba: {  	v39 =	vld [tilespmem:s26+$0x1F0]  }
0x1bb: {  	v40 =	vld [tilespmem:s26+$0x100]  }
0x1bc: {  	v41 =	vld [tilespmem:s26+$0x110]  }
0x1bd: {  	v42 =	vld [tilespmem:s26+$0x120]  }
0x1be: {  	v43 =	vld [tilespmem:s26+$0x130]  }
0x1bf: {  	v44 =	vld [tilespmem:s26+$0x140]  }
0x1c0: {  	v45 =	vld [tilespmem:s26+$0x150]  }
0x1c1: {  	v46 =	vld [tilespmem:s26+$0x160]  }
0x1c2: {  	v47 =	vld [tilespmem:s26+$0x170]  }
0x1c3: {  	v48 =	vld [tilespmem:s26+$0x80]  }
0x1c4: {  	v49 =	vld [tilespmem:s26+$0x90]  }
0x1c5: {  	v50 =	vld [tilespmem:s26+$0xA0]  }
0x1c6: {  	v51 =	vld [tilespmem:s26+$0xB0]  }
0x1c7: {  	v52 =	vld [tilespmem:s26+$0xC0]  }
0x1c8: {  	v53 =	vld [tilespmem:s26+$0xD0]  }
0x1c9: {  	v54 =	vld [tilespmem:s26+$0xE0]  }
0x1ca: {  	v55 =	vld [tilespmem:s26+$0xF0]  }
0x1cb: {  	v56 =	vld [tilespmem:s26+$0x0]  }
0x1cc: {  	v57 =	vld [tilespmem:s26+$0x10]  }
0x1cd: {  	v58 =	vld [tilespmem:s26+$0x20]  }
0x1ce: {  	v59 =	vld [tilespmem:s26+$0x30]  }
0x1cf: {  	v60 =	vld [tilespmem:s26+$0x40]  }
0x1d0: {  	v62 =	vld [tilespmem:s26+$0x70]  }
0x1d1: {  	[tilespmem:$0x1FF40] =	vst v56;
	v56 =	vld [tilespmem:s26+$0x50]  }
0x1d2: {  	v0 =	vadd.f32 v1, v0;
	v1 =	vadd.f32 v3, v2;
	v2 =	vld [tilespmem:s26+$0x60]  }
0x1d3: {  	v3 =	vadd.f32 v5, v4;
	v4 =	vadd.f32 v7, v6;
	v7 =	vld [tilespmem:s26+$0xFFFFFF80]  }
0x1d4: {  	v5 =	vadd.f32 v11, v10;
	v10 =	vld [tilespmem:s26+$0xFFFFFFB0]  }
0x1d5: {  	v11 =	vadd.f32 v17, v16;
	v17 =	vld [tilespmem:s26+$0xFFFFFFE0]  }
0x1d6: {  	v6 =	vadd.f32 v13, v12;
	v13 =	vadd.f32 v21, v20;
	v20 =	vld [tilespmem:s26+$0xFFFFFF40]  }
0x1d7: {  	v16 =	vadd.f32 v23, v22;
	v23 =	vld [tilespmem:s26+$0xFFFFFF50]  }
0x1d8: {  	v12 =	vadd.f32 v19, v18;
	v18 =	vadd.f32 v29, v28;
	v28 =	vld [tilespmem:s26+$0xFFFFFEA0]  }
0x1d9: {  	v29 =	vld [tilespmem:$0x1FFD0]  }
0x1da: {  	v19 =	vadd.f32 v31, v30;
	v30 =	vld [tilespmem:$0x1FFD0]  }
0x1db: {  	v31 =	vadd.f32 v53, v52;
	v52 =	vld [tilespmem:s26+$0xFFFFFDE0]  }
0x1dc: {  	v53 =	vld [tilespmem:s26+$0xFFFFFDF0]  }
0x1dd: {  	v55 =	vadd.f32 v55, v54;
	v54 =	vld [tilespmem:s26+$0xFFFFFD00]  }
0x1de: {  	v0 =	vadd.f32 v1, v0;
	v1 =	vadd.f32 v4, v3;
	v3 =	vld [tilespmem:s26+$0xFFFFFF90]  }
0x1df: {  	v4 =	vadd.f32 v9, v8;
	v8 =	vld [tilespmem:s26+$0xFFFFFFA0]  }
0x1e0: {  	v9 =	vadd.f32 v15, v14;
	v14 =	vld [tilespmem:s26+$0xFFFFFFC0]  }
0x1e1: {  	v15 =	vld [tilespmem:s26+$0xFFFFFFD0]  }
0x1e2: {  	v4 =	vadd.f32 v5, v4;
	v5 =	vadd.f32 v9, v6;
	v9 =	vld [tilespmem:s26+$0xFFFFFFF0]  }
0x1e3: {  	v6 =	vadd.f32 v12, v11;
	v12 =	vld [tilespmem:s26+$0xFFFFFF00]  }
0x1e4: {  	v0 =	vadd.f32 v1, v0;
	v1 =	vld [tilespmem:s26+$0xFFFFFF10]  }
0x1e5: {  	v11 =	vadd.f32 v16, v13;
	v16 =	vld [tilespmem:s26+$0xFFFFFF30]  }
0x1e6: {  	v13 =	vadd.f32 v27, v26;
	v26 =	vld [tilespmem:s26+$0xFFFFFE90]  }
0x1e7: {  	v27 =	vadd.f32 v39, v38;
	v39 =	vld [tilespmem:$0x1FFD0]  }
0x1e8: {  	v38 =	vld [tilespmem:s26+$0xFFFFFE00]  }
0x1e9: {  	v2 =	vadd.f32 v62, v2;
	v62 =	vld [tilespmem:s26+$0xFFFFFDB0]  }
0x1ea: {  	v6 =	vadd.f32 v11, v6;
	v11 =	vld [tilespmem:s26+$0xFFFFFF20]  }
0x1eb: {  	v4 =	vadd.f32 v5, v4;
	v5 =	vadd.f32 v25, v24;
	v24 =	vld [tilespmem:s26+$0xFFFFFF60]  }
0x1ec: {  	v22 =	vperm.xlane v0, v63;
	v25 =	vadd.f32 v37, v36;
	v36 =	vld [tilespmem:s26+$0xFFFFFEE0]  }
0x1ed: {  	v37 =	vld [tilespmem:s26+$0xFFFFFEF0]  }
0x1ee: {  	v21 =	vperm.xlane v4, v63;
	v5 =	vadd.f32 v13, v5;
	v0 =	vadd.f32 v0, v22;
	v22 =	vld [tilespmem:$0x1FFD0]  }
0x1ef: {  	v13 =	vadd.f32 v19, v18;
	v18 =	vperm.xlane v6, v63;
	v19 =	vadd.f32 v35, v34;
	v34 =	vld [tilespmem:s26+$0xFFFFFEC0]  }
0x1f0: {  	v35 =	vld [tilespmem:s26+$0xFFFFFED0];
	v4 =	vadd.f32 v4, v21  }
0x1f1: {  	v21 =	vld [tilespmem:s26+$0xFFFFFF70];
	v6 =	vadd.f32 v6, v18;
	v18 =	vadd.f32 v33, v32  }
0x1f2: {  	v5 =	vadd.f32 v13, v5;
	v13 =	vld [tilespmem:s26+$0xFFFFFE80];
	v30 =	vperm.xlane v4, v30  }
0x1f3: {  	v33 =	vld [tilespmem:s26+$0xFFFFFEB0];
	v18 =	vadd.f32 v19, v18;
	v22 =	vperm.xlane v0, v22  }
0x1f4: {  	v29 =	vperm.xlane v6, v29;
	v19 =	vadd.f32 v27, v25;
	v25 =	vadd.f32 v4, v30;
	v4 =	vld [tilespmem:$0x1FFE0]  }
0x1f5: {  	v3 =	vadd.f32 v3, v7;
	v32 =	vld [tilespmem:s26+$0xFFFFFC50];
	v0 =	vadd.f32 v0, v22;
	v22 =	vperm.xlane v5, v63  }
0x1f6: {  	v6 =	vadd.f32 v6, v29;
	v29 =	vadd.f32 v49, v48;
	v48 =	vld [tilespmem:s26+$0xFFFFFDA0]  }
0x1f7: {  	v18 =	vadd.f32 v19, v18;
	v19 =	vadd.f32 v5, v22;
	v5 =	vld [tilespmem:$0x1FFE0]  }
0x1f8: {  	v7 =	vadd.f32 v10, v8;
	v8 =	vadd.f32 v15, v14;
	v22 =	vld [tilespmem:$0x1FFE0]  }
0x1f9: {  	v9 =	vadd.f32 v9, v17;
	v30 =	vadd.f32 v51, v50;
	v50 =	vld [tilespmem:s26+$0xFFFFFDC0];
	v4 =	vperm.xlane v0, v4  }
0x1fa: {  	v11 =	vadd.f32 v16, v11;
	v51 =	vld [tilespmem:s26+$0xFFFFFDD0];
	v16 =	vadd.f32 v21, v24;
	v27 =	vperm.xlane v18, v63  }
0x1fb: {  	v21 =	vadd.f32 v37, v36;
	v36 =	vld [tilespmem:s26+$0xFFFFFCA0];
	v4 =	vadd.f32 v0, v4;
	v0 =	vperm.xlane v19, v39  }
0x1fc: {  	v3 =	vadd.f32 v7, v3;
	v37 =	vld [tilespmem:s26+$0xFFFFFCB0];
	v18 =	vadd.f32 v18, v27;
	v5 =	vperm.xlane v6, v5  }
0x1fd: {  	v27 =	vadd.f32 v47, v46;
	v46 =	vld [tilespmem:s26+$0xFFFFFD80];
	v22 =	vperm.xlane v25, v22;
	v0 =	vadd.f32 v19, v0  }
0x1fe: {  	v47 =	vld [tilespmem:s26+$0xFFFFFD90];
	v19 =	vadd.f32 v41, v40;
	v6 =	vadd.f32 v6, v5  }
0x1ff: {  	v39 =	vld [tilespmem:s26+$0xFFFFFE10];
	v5 =	vadd.f32 v25, v22;
	v22 =	vadd.f32 v43, v42  }
0x200: {  	v1 =	vadd.f32 v1, v12;
	v40 =	vld [tilespmem:s26+$0xFFFFFE20];
	v25 =	vadd.f32 v45, v44  }
0x201: {  	v7 =	vadd.f32 v9, v8;
	v41 =	vld [tilespmem:s26+$0xFFFFFE30];
	v19 =	vadd.f32 v22, v19  }
0x202: {  	v22 =	vadd.f32 v27, v25;
	v25 =	vadd.f32 v30, v29;
	v29 =	vld [tilespmem:$0x1FF40]  }
0x203: {  	v3 =	vadd.f32 v7, v3;
	v1 =	vadd.f32 v11, v1;
	v44 =	vld [tilespmem:s26+$0xFFFFFE60]  }
0x204: {  	v27 =	vadd.f32 v55, v31;
	v31 =	vadd.f32 v56, v60;
	v60 =	vld [tilespmem:$0x1FFE0]  }
0x205: {  	v24 =	vadd.f32 v53, v52;
	v62 =	vadd.f32 v62, v48;
	v45 =	vld [tilespmem:s26+$0xFFFFFE70]  }
0x206: {  	v42 =	vld [tilespmem:s26+$0xFFFFFE40];
	v30 =	vadd.f32 v59, v58;
	v58 =	vadd.f32 v47, v46  }
0x207: {  	v59 =	vld [tilespmem:$0x1FFD0];
	v8 =	vadd.f32 v27, v25;
	v29 =	vadd.f32 v57, v29  }
0x208: {  	v55 =	vld [tilespmem:s26+$0xFFFFFD20];
	v2 =	vadd.f32 v2, v31;
	v9 =	vadd.f32 v22, v19  }
0x209: {  	v56 =	vld [tilespmem:s26+$0xFFFFFD30];
	v15 =	vperm.xlane v8, v63;
	v14 =	vperm.xlane v0, v60;
	v10 =	vadd.f32 v30, v29  }
0x20a: {  	v43 =	vld [tilespmem:s26+$0xFFFFFE50];
	v17 =	vperm.xlane v9, v63;
	v57 =	vadd.f32 v26, v13;
	v26 =	vadd.f32 v45, v44  }
0x20b: {  	v22 =	vld [tilespmem:s26+$0xFFFFFD70];
	v7 =	vadd.f32 v0, v14;
	v14 =	vperm.xlane v3, v63;
	v2 =	vadd.f32 v2, v10  }
0x20c: {  	v25 =	vld [tilespmem:s26+$0xFFFFFC10];
	v8 =	vadd.f32 v8, v15;
	v9 =	vadd.f32 v9, v17;
	v10 =	vperm.xlane v18, v59  }
0x20d: {  	v27 =	vld [tilespmem:s26+$0xFFFFFC00];
	v3 =	vadd.f32 v3, v14;
	v14 =	vadd.f32 v23, v20;
	v19 =	vperm.xlane v2, v63  }
0x20e: {  	v31 =	vld [tilespmem:s26+$0xFFFFFC40];
	v12 =	vperm.xlane v9, v59;
	v23 =	vadd.f32 v41, v40;
	v40 =	vadd.f32 v56, v55  }
0x20f: {  	v15 =	vld [tilespmem:s26+$0xFFFFFD40];
	v10 =	vadd.f32 v18, v10;
	v18 =	vperm.xlane v8, v59;
	v2 =	vadd.f32 v2, v19  }
0x210: {  	v0 =	vld [tilespmem:s26+$0xFFFFFD10];
	v9 =	vadd.f32 v9, v12;
	v11 =	vadd.f32 v16, v14  }
0x211: {  	v29 =	vld [tilespmem:s26+$0xFFFFFC20];
	v12 =	vperm.xlane v3, v59;
	v14 =	vadd.f32 v8, v18;
	v17 =	vperm.xlane v2, v59  }
0x212: {  	v30 =	vld [tilespmem:s26+$0xFFFFFC30];
	v8 =	vperm.xlane v10, v60;
	v1 =	vadd.f32 v11, v1;
	v11 =	vperm.xlane v9, v60  }
0x213: {  	v20 =	vld [tilespmem:s26+$0xFFFFFD60];
	v3 =	vadd.f32 v3, v12;
	v16 =	vperm.xlane v14, v60;
	v2 =	vadd.f32 v2, v17  }
0x214: {  	v41 =	vld [tilespmem:s26+$0xFFFFFCE0];
	v8 =	vadd.f32 v10, v8;
	v9 =	vadd.f32 v9, v11;
	v17 =	vperm.xlane v1, v63  }
0x215: {  	v19 =	vld [tilespmem:s26+$0xFFFFFD50];
	v10 =	vadd.f32 v14, v16;
	v16 =	vadd.f32 v39, v38;
	v12 =	vperm.xlane v2, v60  }
0x216: {  	v18 =	vperm.xlane v3, v60;
	v38 =	vld [tilespmem:s26+$0xFFFFFCC0];
	v1 =	vadd.f32 v1, v17;
	v17 =	vadd.f32 v35, v34  }
0x217: {  	v39 =	vld [tilespmem:s26+$0xFFFFFCD0];
	v16 =	vadd.f32 v23, v16;
	v11 =	vadd.f32 v2, v12  }
0x218: {  	v35 =	vld [tilespmem:s26+$0xFFFFFC70];
	v12 =	vadd.f32 v3, v18;
	v3 =	vadd.f32 v33, v28  }
0x219: {  	v34 =	vld [tilespmem:s26+$0xFFFFFC90];
	v23 =	vadd.f32 v43, v42;
	v17 =	vadd.f32 v21, v17  }
0x21a: {  	v42 =	vld [tilespmem:s26+$0xFFFFFCF0];
	v13 =	vperm.xlane v1, v59;
	v14 =	vadd.f32 v3, v57;
	v3 =	vadd.f32 v51, v50  }
0x21b: {  	v33 =	vld [tilespmem:s26+$0xFFFFFC60];
	v21 =	vadd.f32 v62, v58;
	v28 =	vadd.f32 v0, v54  }
0x21c: {  	s28 =	simm.s32 $0x40;
	v18 =	vld [tilespmem:s26+$0xFFFFFC80];
	v13 =	vadd.f32 v1, v13;
	v24 =	vadd.f32 v24, v3  }
.LBB2_5:
0x21d: {  	v14 =	vadd.f32 v17, v14  }
0x21e: {  	v0 =	vadd.f32 v19, v15;
	v1 =	vadd.f32 v22, v20  }
0x21f: {  	v2 =	vadd.f32 v25, v27;
	v3 =	vadd.f32 v30, v29  }
0x220: {  	v15 =	vadd.f32 v32, v31;
	v19 =	vadd.f32 v35, v33  }
0x221: {  	v18 =	vadd.f32 v34, v18;
	v20 =	vadd.f32 v37, v36  }
0x222: {  	v22 =	vadd.f32 v39, v38;
	v25 =	vadd.f32 v42, v41  }
0x223: {  	v2 =	vadd.f32 v3, v2;
	v3 =	vadd.f32 v19, v15  }
0x224: {  	v15 =	vadd.f32 v20, v18;
	v18 =	vadd.f32 v25, v22  }
0x225: {  	v19 =	vadd.f32 v40, v28;
	v0 =	vadd.f32 v1, v0  }
0x226: {  	v37 =	vadd.f32 v3, v2;
	v38 =	vadd.f32 v18, v15  }
0x227: {  	v0 =	vadd.f32 v0, v19;
	v3 =	vadd.f32 v26, v23  }
0x228: {  	v20 =	vadd.f32 v24, v21;
	v18 =	vperm.xlane v37, v63;
	v19 =	vperm.xlane v38, v63  }
0x229: {  	v15 =	vperm.xlane v13, v60;
	v21 =	vperm.xlane v0, v63;
	v3 =	vadd.f32 v3, v16  }
0x22a: {  	v16 =	vperm.xlane v20, v63;
	v1 =	vadd.f32 v37, v18;
	v2 =	vadd.f32 v38, v19  }
0x22b: {  	v0 =	vadd.f32 v0, v21;
	v17 =	vperm.xlane v3, v63;
	v18 =	vperm.xlane v14, v63  }
0x22c: {  	v16 =	vadd.f32 v20, v16;
	v19 =	vperm.xlane v1, v59;
	v21 =	vperm.xlane v2, v59  }
0x22d: {  	v20 =	vperm.xlane v0, v59;
	v3 =	vadd.f32 v3, v17;
	v14 =	vadd.f32 v14, v18  }
0x22e: {  	v17 =	vperm.xlane v16, v59;
	v1 =	vadd.f32 v1, v19;
	v2 =	vadd.f32 v2, v21  }
0x22f: {  	v0 =	vadd.f32 v0, v20;
	v18 =	vperm.xlane v3, v59;
	v19 =	vperm.xlane v14, v59  }
0x230: {  	v16 =	vadd.f32 v16, v17;
	v20 =	vperm.xlane v1, v60;
	v21 =	vperm.xlane v2, v60  }
0x231: {  	v17 =	vperm.xlane v0, v60;
	v3 =	vadd.f32 v3, v18;
	v14 =	vadd.f32 v14, v19  }
0x232: {  	v18 =	vperm.xlane v16, v60;
	v1 =	vadd.f32 v1, v20;
	v2 =	vadd.f32 v2, v21  }
0x233: {  	v0 =	vadd.f32 v0, v17;
	v17 =	vperm.xlane v3, v60;
	v19 =	vperm.xlane v14, v60  }
0x234: {  	v16 =	vadd.f32 v16, v18;
	v20 =	vperm.xlane v1, v61;
	v21 =	vperm.xlane v2, v61  }
0x235: {  	v18 =	vperm.xlane v0, v61;
	v3 =	vadd.f32 v3, v17;
	v14 =	vadd.f32 v14, v19  }
0x236: {  	v17 =	vperm.xlane v16, v61;
	v1 =	vadd.f32 v1, v20;
	v2 =	vadd.f32 v2, v21  }
0x237: {  	v13 =	vadd.f32 v13, v15;
	v0 =	vadd.f32 v0, v18;
	v18 =	vperm.xlane v3, v61  }
0x238: {  	v39 =	vadd.f32 v16, v17;
	v15 =	vperm.xlane v14, v61;
	v1 =	vsel vm0, v1, v2  }
0x239: {  	v40 =	vadd.f32 v3, v18;
	v3 =	vperm.xlane v13, v61;
	v0 =	vsel vm1, v1, v0  }
0x23a: {  	v41 =	vadd.f32 v14, v15;
	v14 =	vperm.xlane v12, v61;
	v0 =	vsel vm2, v0, v39  }
0x23b: {  	v42 =	vadd.f32 v13, v3;
	v3 =	vperm.xlane v11, v61;
	v0 =	vsel vm3, v0, v40  }
0x23c: {  	v43 =	vadd.f32 v12, v14;
	v12 =	vperm.xlane v10, v61;
	v0 =	vsel vm4, v0, v41  }
0x23d: {  	v44 =	vadd.f32 v11, v3;
	v3 =	vperm.xlane v9, v61;
	v0 =	vsel vm5, v0, v42  }
0x23e: {  	v45 =	vadd.f32 v10, v12;
	v10 =	vperm.xlane v8, v61;
	v0 =	vsel vm6, v0, v43  }
0x23f: {  	v46 =	vadd.f32 v9, v3;
	v3 =	vperm.xlane v7, v61;
	v0 =	vsel vm7, v0, v44  }
0x240: {  	v47 =	vadd.f32 v8, v10;
	v8 =	vperm.xlane v6, v61;
	v0 =	vsel vm8, v0, v45  }
0x241: {  	v48 =	vadd.f32 v7, v3;
	v3 =	vperm.xlane v5, v61;
	v0 =	vsel vm9, v0, v46  }
0x242: {  	v49 =	vadd.f32 v6, v8;
	v6 =	vperm.xlane v4, v61;
	v0 =	vsel vm10, v0, v47  }
0x243: {  	v50 =	vadd.f32 v5, v3;
	v0 =	vsel vm11, v0, v48  }
0x244: {  	v51 =	vadd.f32 v4, v6;
	v0 =	vsel vm12, v0, v49  }
0x245: {  	v0 =	vsel vm13, v0, v50  }
0x246: {  	v0 =	vsel vm14, v0, v51  }
0x247: {  	v0 =	vmul.f32 $7.812500000e-03, v0  }
0x248: {  	s29 =	sshra.s32 s25, $0x2  }
0x249: {  	s26 =	sadd.s32 $0x800, s26;
	[tilespmem:s29+$0x19200] =	vst v0  }
0x24a: {  	v23 =	vld [tilespmem:s26+$0x380]  }
0x24b: {  	v1 =	vld [tilespmem:s26+$0x390]  }
0x24c: {  	v2 =	vld [tilespmem:s26+$0x3A0]  }
0x24d: {  	v3 =	vld [tilespmem:s26+$0x3B0]  }
0x24e: {  	v6 =	vld [tilespmem:s26+$0x3C0]  }
0x24f: {  	v12 =	vld [tilespmem:s26+$0x3D0]  }
0x250: {  	v13 =	vld [tilespmem:s26+$0x3E0]  }
0x251: {  	v14 =	vld [tilespmem:s26+$0x3F0]  }
0x252: {  	v16 =	vld [tilespmem:s26+$0x300]  }
0x253: {  	v17 =	vld [tilespmem:s26+$0x310]  }
0x254: {  	v18 =	vld [tilespmem:s26+$0x320]  }
0x255: {  	v22 =	vld [tilespmem:s26+$0x330]  }
0x256: {  	v24 =	vld [tilespmem:s26+$0x340]  }
0x257: {  	v29 =	vld [tilespmem:s26+$0x350]  }
0x258: {  	v34 =	vld [tilespmem:s26+$0x360]  }
0x259: {  	v39 =	vld [tilespmem:s26+$0x370]  }
0x25a: {  	v40 =	vld [tilespmem:s26+$0x280]  }
0x25b: {  	v42 =	vld [tilespmem:s26+$0x290]  }
0x25c: {  	v43 =	vld [tilespmem:s26+$0x2A0]  }
0x25d: {  	v45 =	vld [tilespmem:s26+$0x2B0]  }
0x25e: {  	v48 =	vld [tilespmem:s26+$0x2C0]  }
0x25f: {  	v49 =	vld [tilespmem:s26+$0x2D0]  }
0x260: {  	v51 =	vld [tilespmem:s26+$0x2E0]  }
0x261: {  	v52 =	vld [tilespmem:s26+$0x2F0]  }
0x262: {  	v54 =	vld [tilespmem:s26+$0x200]  }
0x263: {  	v56 =	vld [tilespmem:s26+$0x210]  }
0x264: {  	v57 =	vld [tilespmem:s26+$0x220]  }
0x265: {  	v58 =	vld [tilespmem:s26+$0x230]  }
0x266: {  	v59 =	vld [tilespmem:s26+$0x240]  }
0x267: {  	v60 =	vld [tilespmem:s26+$0x250]  }
0x268: {  	v0 =	vld [tilespmem:s26+$0x260]  }
0x269: {  	v62 =	vld [tilespmem:s26+$0x270]  }
0x26a: {  	v4 =	vld [tilespmem:s26+$0x180]  }
0x26b: {  	v5 =	vld [tilespmem:s26+$0x190]  }
0x26c: {  	v63 =	vld [tilespmem:s26+$0x1A0]  }
0x26d: {  	v44 =	vld [tilespmem:s26+$0x1B0]  }
0x26e: {  	v46 =	vld [tilespmem:s26+$0x1C0]  }
0x26f: {  	v47 =	vld [tilespmem:s26+$0x1D0]  }
0x270: {  	v50 =	vld [tilespmem:s26+$0x1E0]  }
0x271: {  	v7 =	vld [tilespmem:s26+$0x1F0]  }
0x272: {  	v8 =	vld [tilespmem:s26+$0x100]  }
0x273: {  	v9 =	vld [tilespmem:s26+$0x120]  }
0x274: {  	v10 =	vld [tilespmem:s26+$0x140]  }
0x275: {  	v15 =	vld [tilespmem:s26+$0x150]  }
0x276: {  	v19 =	vld [tilespmem:s26+$0x160]  }
0x277: {  	v11 =	vld [tilespmem:s26+$0x170]  }
0x278: {  	v21 =	vld [tilespmem:s26+$0x80]  }
0x279: {  	v26 =	vld [tilespmem:s26+$0x90]  }
0x27a: {  	v28 =	vld [tilespmem:s26+$0xA0]  }
0x27b: {  	v33 =	vld [tilespmem:s26+$0xB0]  }
0x27c: {  	v31 =	vld [tilespmem:s26+$0xC0]  }
0x27d: {  	v36 =	vld [tilespmem:s26+$0xD0]  }
0x27e: {  	v38 =	vld [tilespmem:s26+$0xE0]  }
0x27f: {  	v41 =	vld [tilespmem:s26+$0xF0]  }
0x280: {  	v20 =	vld [tilespmem:s26+$0x0]  }
0x281: {  	v25 =	vld [tilespmem:s26+$0x10]  }
0x282: {  	v27 =	vld [tilespmem:s26+$0x20]  }
0x283: {  	v32 =	vld [tilespmem:s26+$0x30]  }
0x284: {  	v30 =	vld [tilespmem:s26+$0x40]  }
0x285: {  	v35 =	vld [tilespmem:s26+$0x50]  }
0x286: {  	v37 =	vld [tilespmem:s26+$0x60]  }
0x287: {  	v55 =	vld [tilespmem:s26+$0xFFFFFFC0]  }
0x288: {  	[tilespmem:$0x1FF20] =	vst v8;
	v8 =	vld [tilespmem:s26+$0x110]  }
0x289: {  	[tilespmem:$0x1FF30] =	vst v9;
	v9 =	vld [tilespmem:s26+$0x130]  }
0x28a: {  	v53 =	vadd.f32 v1, v23;
	v23 =	vld [tilespmem:s26+$0x70]  }
0x28b: {  	v3 =	vadd.f32 v3, v2;
	v1 =	vld [tilespmem:s26+$0xFFFFFF80]  }
0x28c: {  	v6 =	vadd.f32 v12, v6;
	v12 =	vadd.f32 v14, v13;
	v2 =	vld [tilespmem:s26+$0xFFFFFF90]  }
0x28d: {  	v14 =	vadd.f32 v22, v18;
	v18 =	vadd.f32 v42, v40;
	v40 =	vld [tilespmem:s26+$0xFFFFFF40]  }
0x28e: {  	v22 =	vadd.f32 v45, v43;
	v45 =	vld [tilespmem:s26+$0xFFFFFF50]  }
0x28f: {  	v4 =	vadd.f32 v5, v4;
	v5 =	vadd.f32 v44, v63;
	v63 =	vld [tilespmem:$0x1FFC0]  }
0x290: {  	v44 =	vld [tilespmem:s26+$0xFFFFFEB0]  }
0x291: {  	v10 =	vadd.f32 v15, v10;
	v15 =	vadd.f32 v26, v21;
	v21 =	vld [tilespmem:s26+$0xFFFFFE50]  }
0x292: {  	v26 =	vld [tilespmem:s26+$0xFFFFFE60]  }
0x293: {  	v11 =	vadd.f32 v11, v19;
	v19 =	vadd.f32 v33, v28;
	v28 =	vld [tilespmem:s26+$0xFFFFFE70]  }
0x294: {  	v33 =	vld [tilespmem:s26+$0xFFFFFC60]  }
0x295: {  	v0 =	vadd.f32 v62, v0;
	v62 =	vadd.f32 v7, v50;
	v7 =	vld [tilespmem:$0x1FF20]  }
0x296: {  	v13 =	vadd.f32 v3, v53;
	v3 =	vld [tilespmem:s26+$0xFFFFFFA0]  }
0x297: {  	v6 =	vadd.f32 v12, v6;
	v53 =	vld [tilespmem:s26+$0xFFFFFFB0]  }
0x298: {  	v12 =	vadd.f32 v17, v16;
	v16 =	vadd.f32 v29, v24;
	v24 =	vld [tilespmem:s26+$0xFFFFFFD0]  }
0x299: {  	v17 =	vadd.f32 v39, v34;
	v39 =	vld [tilespmem:s26+$0xFFFFFFE0]  }
0x29a: {  	v18 =	vadd.f32 v22, v18;
	v22 =	vld [tilespmem:s26+$0xFFFFFF10]  }
0x29b: {  	v34 =	vadd.f32 v60, v59;
	v60 =	vld [tilespmem:$0x1FFE0]  }
0x29c: {  	v59 =	vld [tilespmem:$0x1FFD0]  }
0x29d: {  	v52 =	vadd.f32 v52, v51;
	v29 =	vadd.f32 v49, v48;
	v49 =	vld [tilespmem:s26+$0xFFFFFF60]  }
0x29e: {  	v16 =	vadd.f32 v17, v16;
	v17 =	vld [tilespmem:s26+$0xFFFFFFF0]  }
0x29f: {  	v14 =	vadd.f32 v14, v12;
	v29 =	vadd.f32 v52, v29;
	v12 =	vld [tilespmem:s26+$0xFFFFFF00]  }
0x2a0: {  	v52 =	vld [tilespmem:$0x1FFC0]  }
0x2a1: {  	v6 =	vadd.f32 v6, v13;
	v13 =	vadd.f32 v29, v18;
	v29 =	vld [tilespmem:s26+$0xFFFFFF20]  }
0x2a2: {  	v14 =	vadd.f32 v16, v14;
	v16 =	vadd.f32 v56, v54;
	v56 =	vld [tilespmem:s26+$0xFFFFFF30]  }
0x2a3: {  	v54 =	vld [tilespmem:$0x1FFC0]  }
0x2a4: {  	v46 =	vadd.f32 v47, v46;
	v18 =	vadd.f32 v58, v57;
	v58 =	vld [tilespmem:$0x1FFC0]  }
0x2a5: {  	v4 =	vadd.f32 v5, v4;
	v8 =	vadd.f32 v8, v7;
	v7 =	vld [tilespmem:$0x1FF30]  }
0x2a6: {  	v5 =	vadd.f32 v62, v46;
	v24 =	vadd.f32 v24, v55;
	v55 =	vld [tilespmem:s26+$0xFFFFFDF0]  }
0x2a7: {  	v16 =	vadd.f32 v18, v16;
	v18 =	vadd.f32 v0, v34;
	v0 =	vld [tilespmem:s26+$0xFFFFFED0];
	v43 =	vperm.xlane v14, v52  }
0x2a8: {  	v31 =	vadd.f32 v36, v31;
	v50 =	vadd.f32 v5, v4;
	v52 =	vld [tilespmem:s26+$0xFFFFFF70]  }
0x2a9: {  	v17 =	vadd.f32 v17, v39;
	v39 =	vld [tilespmem:s26+$0xFFFFFDC0];
	v34 =	vperm.xlane v13, v58;
	v42 =	vadd.f32 v14, v43  }
0x2aa: {  	v43 =	vadd.f32 v18, v16;
	v14 =	vld [tilespmem:s26+$0xFFFFFE90];
	v9 =	vadd.f32 v9, v7  }
0x2ab: {  	v16 =	vld [tilespmem:s26+$0xFFFFFEA0];
	v36 =	vadd.f32 v17, v24;
	v34 =	vadd.f32 v13, v34  }
0x2ac: {  	v24 =	vld [tilespmem:s26+$0xFFFFFDE0];
	v8 =	vadd.f32 v9, v8;
	v9 =	vadd.f32 v11, v10  }
0x2ad: {  	v57 =	vperm.xlane v6, v54;
	v13 =	vld [tilespmem:s26+$0xFFFFFE80];
	v10 =	vadd.f32 v19, v15;
	v15 =	vadd.f32 v25, v20  }
0x2ae: {  	v20 =	vadd.f32 v35, v30;
	v35 =	vadd.f32 v53, v3;
	v3 =	vld [tilespmem:s26+$0xFFFFFDB0]  }
0x2af: {  	v1 =	vadd.f32 v2, v1;
	v6 =	vadd.f32 v6, v57;
	v57 =	vperm.xlane v42, v59;
	v53 =	vld [tilespmem:s26+$0xFFFFFDD0]  }
0x2b0: {  	v26 =	vadd.f32 v28, v26;
	v58 =	vperm.xlane v43, v63;
	v19 =	vadd.f32 v32, v27;
	v32 =	vld [tilespmem:s26+$0xFFFFFC50]  }
0x2b1: {  	v7 =	vadd.f32 v23, v37;
	v48 =	vadd.f32 v42, v57;
	v42 =	vld [tilespmem:s26+$0xFFFFFEF0]  }
0x2b2: {  	v25 =	vadd.f32 v45, v40;
	v46 =	vadd.f32 v43, v58;
	v43 =	vld [tilespmem:s26+$0xFFFFFE00]  }
0x2b3: {  	v27 =	vadd.f32 v52, v49;
	v18 =	vperm.xlane v6, v59;
	v58 =	vadd.f32 v41, v38;
	v38 =	vld [tilespmem:s26+$0xFFFFFD80]  }
0x2b4: {  	v54 =	vperm.xlane v34, v59;
	v41 =	vld [tilespmem:s26+$0xFFFFFD90];
	v15 =	vadd.f32 v19, v15;
	v7 =	vadd.f32 v7, v20  }
0x2b5: {  	v1 =	vadd.f32 v35, v1;
	v8 =	vadd.f32 v9, v8;
	v57 =	vld [tilespmem:s26+$0xFFFFFD00]  }
0x2b6: {  	v20 =	vld [tilespmem:s26+$0xFFFFFD60];
	v6 =	vadd.f32 v6, v18;
	v47 =	vadd.f32 v34, v54  }
0x2b7: {  	v35 =	vld [tilespmem:s26+$0xFFFFFC70];
	v51 =	vperm.xlane v48, v60;
	v62 =	vperm.xlane v46, v59;
	v11 =	vadd.f32 v58, v31  }
0x2b8: {  	v18 =	vld [tilespmem:s26+$0xFFFFFEC0];
	v1 =	vadd.f32 v36, v1;
	v37 =	vadd.f32 v7, v15;
	v17 =	vperm.xlane v8, v63  }
0x2b9: {  	v34 =	vld [tilespmem:s26+$0xFFFFFEE0];
	v4 =	vperm.xlane v6, v60;
	v5 =	vperm.xlane v47, v60;
	v46 =	vadd.f32 v46, v62  }
0x2ba: {  	v54 =	vperm.xlane v50, v63;
	v58 =	vld [tilespmem:s26+$0xFFFFFD30];
	v10 =	vadd.f32 v11, v10;
	v8 =	vadd.f32 v8, v17  }
0x2bb: {  	v62 =	vld [tilespmem:s26+$0xFFFFFE40];
	v19 =	vperm.xlane v37, v63;
	v4 =	vadd.f32 v6, v4;
	v6 =	vadd.f32 v47, v5  }
0x2bc: {  	v5 =	vadd.f32 v48, v51;
	v47 =	vadd.f32 v50, v54;
	v51 =	vld [tilespmem:s26+$0xFFFFFE20]  }
0x2bd: {  	v54 =	vld [tilespmem:s26+$0xFFFFFE30];
	v9 =	vperm.xlane v46, v60;
	v15 =	vperm.xlane v10, v63;
	v2 =	vadd.f32 v37, v19  }
0x2be: {  	v50 =	vld [tilespmem:s26+$0xFFFFFDA0];
	v17 =	vperm.xlane v8, v59;
	v0 =	vadd.f32 v0, v18;
	v11 =	vperm.xlane v47, v59  }
0x2bf: {  	v31 =	vld [tilespmem:s26+$0xFFFFFC40];
	v7 =	vadd.f32 v46, v9;
	v9 =	vperm.xlane v1, v63;
	v10 =	vadd.f32 v10, v15  }
0x2c0: {  	v36 =	vld [tilespmem:s26+$0xFFFFFCA0];
	v17 =	vadd.f32 v8, v17;
	v23 =	vadd.f32 v21, v62  }
0x2c1: {  	v48 =	vld [tilespmem:s26+$0xFFFFFE10];
	v11 =	vadd.f32 v47, v11;
	v1 =	vadd.f32 v1, v9  }
0x2c2: {  	v19 =	vld [tilespmem:s26+$0xFFFFFD50];
	v9 =	vadd.f32 v22, v12;
	v12 =	vadd.f32 v56, v29  }
0x2c3: {  	v46 =	vld [tilespmem:s26+$0xFFFFFD10];
	v29 =	vperm.xlane v2, v59;
	v51 =	vadd.f32 v54, v51;
	v54 =	vadd.f32 v3, v50  }
0x2c4: {  	v37 =	vld [tilespmem:s26+$0xFFFFFCB0];
	v30 =	vperm.xlane v10, v59;
	v8 =	vadd.f32 v12, v9;
	v9 =	vadd.f32 v27, v25  }
0x2c5: {  	v18 =	vld [tilespmem:s26+$0xFFFFFC80];
	v3 =	vadd.f32 v55, v24;
	v12 =	vperm.xlane v1, v59;
	v2 =	vadd.f32 v2, v29  }
0x2c6: {  	v15 =	vld [tilespmem:s26+$0xFFFFFD40];
	v10 =	vadd.f32 v10, v30;
	v30 =	vperm.xlane v11, v60;
	v40 =	vadd.f32 v9, v8  }
0x2c7: {  	v47 =	vld [tilespmem:s26+$0xFFFFFD20];
	v1 =	vadd.f32 v1, v12;
	v9 =	vperm.xlane v17, v60;
	v12 =	vperm.xlane v2, v60  }
0x2c8: {  	v22 =	vld [tilespmem:s26+$0xFFFFFD70];
	v28 =	vadd.f32 v46, v57;
	v45 =	vperm.xlane v10, v60;
	v8 =	vadd.f32 v11, v30  }
0x2c9: {  	v25 =	vld [tilespmem:s26+$0xFFFFFC10];
	v49 =	vperm.xlane v40, v63;
	v9 =	vadd.f32 v17, v9;
	v11 =	vadd.f32 v2, v12  }
0x2ca: {  	v27 =	vld [tilespmem:s26+$0xFFFFFC00];
	v52 =	vperm.xlane v1, v60;
	v10 =	vadd.f32 v10, v45;
	v45 =	vadd.f32 v14, v13  }
0x2cb: {  	v29 =	vld [tilespmem:s26+$0xFFFFFC20];
	v13 =	vadd.f32 v44, v16;
	v56 =	vadd.f32 v40, v49  }
0x2cc: {  	p0 =	sne.s32 s28, $0x600;
	v30 =	vld [tilespmem:s26+$0xFFFFFC30];
	v17 =	vadd.f32 v42, v34;
	v12 =	vadd.f32 v1, v52  }
.Ltmp1:
0x2cd: {  	v34 =	vld [tilespmem:s26+$0xFFFFFC90];
	v49 =	vadd.f32 v48, v43;
	v14 =	vadd.f32 v13, v45;
	v16 =	vperm.xlane v56, v59;
	(pc) =	sbr.rel @p0 .LBB2_5-.Ltmp1, $4  }
0x2ce: {  	v42 =	vld [tilespmem:s26+$0xFFFFFCF0];
	v17 =	vadd.f32 v17, v0;
	v52 =	vadd.f32 v41, v38  }
0x2cf: {  	v38 =	vld [tilespmem:s26+$0xFFFFFCC0];
	v13 =	vadd.f32 v56, v16;
	v56 =	vadd.f32 v53, v39  }
0x2d0: {  	v41 =	vld [tilespmem:s26+$0xFFFFFCE0];
	v40 =	vadd.f32 v58, v47;
	v21 =	vadd.f32 v54, v52  }
0x2d1: {  	s25 =	smov.u32 s28;
	s28 =	sadd.s32 $0x40, s28;
	v16 =	vadd.f32 v51, v49;
	v39 =	vld [tilespmem:s26+$0xFFFFFCD0];
	v24 =	vadd.f32 v3, v56  }
0x2d2: {  	v0 =	vadd.f32 v19, v15;
	v1 =	vadd.f32 v22, v20  }
0x2d3: {  	v2 =	vadd.f32 v25, v27;
	v3 =	vadd.f32 v30, v29  }
0x2d4: {  	v56 =	vadd.f32 v32, v31;
	v57 =	vadd.f32 v35, v33  }
0x2d5: {  	v18 =	vadd.f32 v34, v18;
	v58 =	vadd.f32 v37, v36  }
0x2d6: {  	v29 =	vadd.f32 v42, v41;
	v62 =	vadd.f32 v39, v38  }
0x2d7: {  	v2 =	vadd.f32 v3, v2;
	v3 =	vadd.f32 v57, v56  }
0x2d8: {  	v30 =	vadd.f32 v58, v18;
	v31 =	vadd.f32 v29, v62  }
0x2d9: {  	v32 =	vadd.f32 v40, v28;
	v0 =	vadd.f32 v1, v0  }
0x2da: {  	v1 =	vadd.f32 v3, v2;
	v2 =	vadd.f32 v31, v30  }
0x2db: {  	v33 =	vperm.xlane v13, v60;
	v0 =	vadd.f32 v0, v32;
	v3 =	vadd.f32 v26, v23  }
0x2dc: {  	v36 =	vadd.f32 v24, v21;
	v34 =	vperm.xlane v1, v63;
	v35 =	vperm.xlane v2, v63  }
0x2dd: {  	v14 =	vadd.f32 v17, v14;
	v37 =	vperm.xlane v0, v63;
	v3 =	vadd.f32 v3, v16  }
0x2de: {  	v38 =	vperm.xlane v36, v63;
	v1 =	vadd.f32 v1, v34;
	v2 =	vadd.f32 v2, v35  }
0x2df: {  	v40 =	vperm.xlane v14, v63;
	v0 =	vadd.f32 v0, v37;
	v39 =	vperm.xlane v3, v63  }
0x2e0: {  	v16 =	vadd.f32 v36, v38;
	v41 =	vperm.xlane v1, v59;
	v42 =	vperm.xlane v2, v59  }
0x2e1: {  	v14 =	vadd.f32 v14, v40;
	v43 =	vperm.xlane v0, v59;
	v3 =	vadd.f32 v3, v39  }
0x2e2: {  	v44 =	vperm.xlane v16, v59;
	v1 =	vadd.f32 v1, v41;
	v2 =	vadd.f32 v2, v42  }
0x2e3: {  	v46 =	vperm.xlane v14, v59;
	v0 =	vadd.f32 v0, v43;
	v45 =	vperm.xlane v3, v59  }
0x2e4: {  	v16 =	vadd.f32 v16, v44;
	v47 =	vperm.xlane v1, v60;
	v21 =	vperm.xlane v2, v60  }
0x2e5: {  	v14 =	vadd.f32 v14, v46;
	v48 =	vperm.xlane v0, v60;
	v3 =	vadd.f32 v3, v45  }
0x2e6: {  	v49 =	vperm.xlane v16, v60;
	v1 =	vadd.f32 v1, v47;
	v2 =	vadd.f32 v2, v21  }
0x2e7: {  	v19 =	vperm.xlane v14, v60;
	v0 =	vadd.f32 v0, v48;
	v50 =	vperm.xlane v3, v60  }
0x2e8: {  	v16 =	vadd.f32 v16, v49;
	v20 =	vperm.xlane v1, v61;
	v21 =	vperm.xlane v2, v61  }
0x2e9: {  	v14 =	vadd.f32 v14, v19;
	v51 =	vperm.xlane v0, v61;
	v3 =	vadd.f32 v3, v50  }
0x2ea: {  	v52 =	vperm.xlane v16, v61;
	v1 =	vadd.f32 v1, v20;
	v2 =	vadd.f32 v2, v21  }
0x2eb: {  	v13 =	vadd.f32 v13, v33;
	v0 =	vadd.f32 v0, v51;
	v53 =	vperm.xlane v3, v61  }
0x2ec: {  	v54 =	vperm.xlane v14, v61;
	v1 =	vsel vm0, v1, v2;
	v2 =	vadd.f32 v16, v52  }
0x2ed: {  	v0 =	vsel vm1, v1, v0;
	v1 =	vadd.f32 v3, v53;
	v3 =	vperm.xlane v13, v61  }
0x2ee: {  	v55 =	vperm.xlane v12, v61;
	v0 =	vsel vm2, v0, v2;
	v2 =	vadd.f32 v14, v54  }
0x2ef: {  	v0 =	vsel vm3, v0, v1;
	v1 =	vadd.f32 v13, v3;
	v3 =	vperm.xlane v11, v61  }
0x2f0: {  	v56 =	vperm.xlane v10, v61;
	v0 =	vsel vm4, v0, v2;
	v2 =	vadd.f32 v12, v55  }
0x2f1: {  	v0 =	vsel vm5, v0, v1;
	v1 =	vadd.f32 v11, v3;
	v3 =	vperm.xlane v9, v61  }
0x2f2: {  	v57 =	vperm.xlane v8, v61;
	v0 =	vsel vm6, v0, v2;
	v2 =	vadd.f32 v10, v56  }
0x2f3: {  	v0 =	vsel vm7, v0, v1;
	v1 =	vadd.f32 v9, v3;
	v3 =	vperm.xlane v7, v61  }
0x2f4: {  	v58 =	vperm.xlane v6, v61;
	v0 =	vsel vm8, v0, v2;
	v2 =	vadd.f32 v8, v57  }
0x2f5: {  	v0 =	vsel vm9, v0, v1;
	v1 =	vadd.f32 v7, v3;
	v3 =	vperm.xlane v5, v61  }
0x2f6: {  	v62 =	vperm.xlane v4, v61;
	v0 =	vsel vm10, v0, v2;
	v2 =	vadd.f32 v6, v58  }
0x2f7: {  	v0 =	vsel vm11, v0, v1;
	v1 =	vadd.f32 v5, v3  }
0x2f8: {  	v0 =	vsel vm12, v0, v2;
	v2 =	vadd.f32 v4, v62  }
0x2f9: {  	s26 =	sshll.u32 s23, $0x1;
	v0 =	vsel vm13, v0, v1  }
0x2fa: {  	s26 =	smin.u32 s26, $0x5;
	v0 =	vsel vm14, v0, v2  }
0x2fb: {  	s24 =	sadd.s32 s24, s7;
	s23 =	sadd.s32 $0x1, s23;
	s30 =	smul.u32 $0x190, s26;
	v0 =	vmul.f32 $7.812500000e-03, v0  }
0x2fc: {  	s25 =	sshra.s32 s25, $0x2;
	s24 =	sshrl.u32 s24, $0x3;
	p0 =	sne.s32 s23, $0x4  }
.Ltmp2:
0x2fd: {  	s24 =	sadd.s32 s5, s24;
	s31 =	sadd.s32 s30, s12;
	[tilespmem:s25+$0x19200] =	vst v0;
	(pc) =	sbr.rel @p0 .LBB2_2-.Ltmp2, $4  }
0x2fe: {  	[hbm4b:s24+s3] =	stream.linear.scatter [tilespmem:s17], [sflag:$0x4], $0x190, $0x38;
	[tilespmem:$0x19400] =	vst v63  }
0x2ff: {  	s24 =	sshll.u32 s31, $0x4  }
0x300: {  	s24 =	sadd.s32 s1, s24  }
0x301: {  	v1 =	vmov v60;
	v2 =	vmov v59;
	[tilespmem:s15], [sflag:$0x2] =	stream.linear.gather [hbm4b:s24+s3], $0xC800, $0x38;
	[tilespmem:$0x19400] =	vst v63  }
0x302: {  	_ =	swait.ge [sflag:s18], $0xC800  }
0x303: {  	[sflag:s18] =	ssyncset.done $0x0  }
0x304: {  	[sflag:s18] =	ssyncadd.s32 $0xFFFF3800  }
0x305: {  	_ =	swait.ge [sflag:s19], $0x190  }
0x306: {  	[sflag:s19] =	ssyncset.done $0x0  }
0x307: {  	s23 =	simm.s32 $0x400;
	[sflag:s19] =	ssyncadd.s32 $0xFFFFFE70  }
0x308: {  	v0 =	vld [tilespmem:s23+$0x380]  }
0x309: {  	v56 =	vld [tilespmem:s23+$0x390]  }
0x30a: {  	v62 =	vld [tilespmem:s23+$0x3A0]  }
0x30b: {  	v3 =	vld [tilespmem:s23+$0x3B0]  }
0x30c: {  	v8 =	vld [tilespmem:s23+$0x3C0]  }
0x30d: {  	v4 =	vld [tilespmem:s23+$0x3D0]  }
0x30e: {  	v6 =	vld [tilespmem:s23+$0x3E0]  }
0x30f: {  	v7 =	vld [tilespmem:s23+$0x3F0]  }
0x310: {  	v24 =	vld [tilespmem:s23+$0x300]  }
0x311: {  	v9 =	vld [tilespmem:s23+$0x310]  }
0x312: {  	v10 =	vld [tilespmem:s23+$0x320]  }
0x313: {  	v11 =	vld [tilespmem:s23+$0x330]  }
0x314: {  	v12 =	vld [tilespmem:s23+$0x340]  }
0x315: {  	v13 =	vld [tilespmem:s23+$0x350]  }
0x316: {  	v14 =	vld [tilespmem:s23+$0x360]  }
0x317: {  	v15 =	vld [tilespmem:s23+$0x370]  }
0x318: {  	v16 =	vld [tilespmem:s23+$0x280]  }
0x319: {  	v17 =	vld [tilespmem:s23+$0x290]  }
0x31a: {  	v18 =	vld [tilespmem:s23+$0x2A0]  }
0x31b: {  	v19 =	vld [tilespmem:s23+$0x2B0]  }
0x31c: {  	v20 =	vld [tilespmem:s23+$0x2C0]  }
0x31d: {  	v21 =	vld [tilespmem:s23+$0x2D0]  }
0x31e: {  	v22 =	vld [tilespmem:s23+$0x2E0]  }
0x31f: {  	v23 =	vld [tilespmem:s23+$0x2F0]  }
0x320: {  	v32 =	vld [tilespmem:s23+$0x200]  }
0x321: {  	v25 =	vld [tilespmem:s23+$0x210]  }
0x322: {  	v26 =	vld [tilespmem:s23+$0x220]  }
0x323: {  	v27 =	vld [tilespmem:s23+$0x230]  }
0x324: {  	v28 =	vld [tilespmem:s23+$0x240]  }
0x325: {  	v29 =	vld [tilespmem:s23+$0x250]  }
0x326: {  	v30 =	vld [tilespmem:s23+$0x260]  }
0x327: {  	v31 =	vld [tilespmem:s23+$0x270]  }
0x328: {  	v40 =	vld [tilespmem:s23+$0x180]  }
0x329: {  	v33 =	vld [tilespmem:s23+$0x190]  }
0x32a: {  	v34 =	vld [tilespmem:s23+$0x1A0]  }
0x32b: {  	v35 =	vld [tilespmem:s23+$0x1B0]  }
0x32c: {  	v36 =	vld [tilespmem:s23+$0x1C0]  }
0x32d: {  	v37 =	vld [tilespmem:s23+$0x1D0]  }
0x32e: {  	v38 =	vld [tilespmem:s23+$0x1E0]  }
0x32f: {  	v39 =	vld [tilespmem:s23+$0x1F0]  }
0x330: {  	v57 =	vld [tilespmem:s23+$0x100]  }
0x331: {  	v41 =	vld [tilespmem:s23+$0x110]  }
0x332: {  	v58 =	vld [tilespmem:s23+$0x120]  }
0x333: {  	v43 =	vld [tilespmem:s23+$0x130]  }
0x334: {  	v5 =	vld [tilespmem:s23+$0x0]  }
0x335: {  	v44 =	vld [tilespmem:s23+$0x140]  }
0x336: {  	v45 =	vld [tilespmem:s23+$0x150]  }
0x337: {  	v46 =	vld [tilespmem:s23+$0x160]  }
0x338: {  	v47 =	vld [tilespmem:s23+$0x170]  }
0x339: {  	[tilespmem:$0x1FEE0] =	vst v5;
	v5 =	vld [tilespmem:s23+$0x10]  }
0x33a: {  	v52 =	vld [tilespmem:s23+$0xC0]  }
0x33b: {  	v53 =	vld [tilespmem:s23+$0xD0]  }
0x33c: {  	v54 =	vld [tilespmem:s23+$0xE0]  }
0x33d: {  	v55 =	vld [tilespmem:s23+$0xF0]  }
0x33e: {  	[tilespmem:$0x1FEF0] =	vst v5;
	v5 =	vld [tilespmem:s23+$0x20]  }
0x33f: {  	v48 =	vld [tilespmem:s23+$0x80]  }
0x340: {  	v49 =	vld [tilespmem:s23+$0x90]  }
0x341: {  	v50 =	vld [tilespmem:s23+$0xA0]  }
0x342: {  	v51 =	vld [tilespmem:s23+$0xB0];
	v53 =	vadd.f32 v53, v52  }
0x343: {  	v59 =	vld [tilespmem:s23+$0x30];
	v55 =	vadd.f32 v55, v54;
	[tilespmem:$0x1FF00] =	vst v5;
	v5 =	vadd.f32 v56, v0  }
0x344: {  	v60 =	vld [tilespmem:s23+$0x40];
	v0 =	vadd.f32 v3, v62;
	v3 =	vadd.f32 v4, v8  }
0x345: {  	v61 =	vld [tilespmem:s23+$0x50];
	v4 =	vadd.f32 v7, v6;
	v6 =	vadd.f32 v13, v12  }
0x346: {  	v42 =	vld [tilespmem:s23+$0xFFFFFF80];
	v12 =	vadd.f32 v19, v18;
	v13 =	vadd.f32 v21, v20  }
0x347: {  	v52 =	vld [tilespmem:s23+$0xFFFFFDE0];
	v18 =	vadd.f32 v29, v28;
	v19 =	vadd.f32 v31, v30  }
0x348: {  	v54 =	vld [tilespmem:s23+$0xFFFFFD00];
	v31 =	vadd.f32 v51, v50;
	v7 =	vadd.f32 v0, v5  }
0x349: {  	v56 =	vld [tilespmem:s23+$0x60];
	v0 =	vadd.f32 v4, v3;
	v4 =	vadd.f32 v9, v24  }
0x34a: {  	v62 =	vld [tilespmem:s23+$0x70];
	v5 =	vadd.f32 v11, v10;
	v9 =	vadd.f32 v15, v14  }
0x34b: {  	v8 =	vld [tilespmem:s23+$0xFFFFFFA0];
	v11 =	vadd.f32 v17, v16;
	v16 =	vadd.f32 v23, v22  }
0x34c: {  	v20 =	vld [tilespmem:s23+$0xFFFFFF40];
	v4 =	vadd.f32 v5, v4;
	v5 =	vadd.f32 v9, v6  }
0x34d: {  	v28 =	vld [tilespmem:s23+$0xFFFFFEA0];
	v6 =	vadd.f32 v12, v11;
	v11 =	vadd.f32 v16, v13  }
0x34e: {  	v50 =	vld [tilespmem:s23+$0xFFFFFDC0];
	v0 =	vadd.f32 v0, v7;
	v13 =	vadd.f32 v27, v26  }
0x34f: {  	v51 =	vld [tilespmem:s23+$0xFFFFFDD0];
	v4 =	vadd.f32 v5, v4;
	v5 =	vadd.f32 v25, v32  }
0x350: {  	v3 =	vld [tilespmem:s23+$0xFFFFFF90];
	v6 =	vadd.f32 v11, v6;
	v22 =	vperm.xlane v0, v63  }
0x351: {  	v10 =	vld [tilespmem:s23+$0xFFFFFFB0];
	v27 =	vadd.f32 v39, v38;
	v21 =	vperm.xlane v4, v63;
	v5 =	vadd.f32 v13, v5  }
0x352: {  	v14 =	vld [tilespmem:s23+$0xFFFFFFC0];
	v13 =	vadd.f32 v19, v18;
	v18 =	vperm.xlane v6, v63;
	v0 =	vadd.f32 v0, v22  }
0x353: {  	v15 =	vld [tilespmem:s23+$0xFFFFFFD0];
	v25 =	vadd.f32 v37, v36;
	v22 =	vadd.f32 v35, v34  }
0x354: {  	v17 =	vld [tilespmem:s23+$0xFFFFFFE0];
	v4 =	vadd.f32 v4, v21;
	v6 =	vadd.f32 v6, v18;
	v24 =	vperm.xlane v0, v2  }
0x355: {  	v23 =	vld [tilespmem:s23+$0xFFFFFF50];
	v5 =	vadd.f32 v13, v5;
	v18 =	vadd.f32 v33, v40  }
0x356: {  	v9 =	vld [tilespmem:s23+$0xFFFFFFF0];
	v29 =	vperm.xlane v6, v2;
	v30 =	vperm.xlane v4, v2;
	v0 =	vadd.f32 v0, v24  }
0x357: {  	v12 =	vld [tilespmem:s23+$0xFFFFFF00];
	v18 =	vadd.f32 v22, v18;
	v22 =	vadd.f32 v27, v25;
	v25 =	vperm.xlane v5, v63  }
0x358: {  	v16 =	vld [tilespmem:s23+$0xFFFFFF30];
	v6 =	vadd.f32 v6, v29;
	v27 =	vadd.f32 v4, v30  }
0x359: {  	v26 =	vld [tilespmem:s23+$0xFFFFFE90];
	v18 =	vadd.f32 v22, v18;
	v22 =	vadd.f32 v5, v25;
	v4 =	vperm.xlane v0, v1  }
0x35a: {  	v38 =	vld [tilespmem:s23+$0xFFFFFE00];
	v30 =	vadd.f32 v49, v48;
	v5 =	vperm.xlane v6, v1;
	v25 =	vperm.xlane v27, v1  }
0x35b: {  	v39 =	vld [tilespmem:s23+$0xFFFFFE10];
	v29 =	vperm.xlane v18, v63;
	v4 =	vadd.f32 v0, v4;
	v40 =	vperm.xlane v22, v2  }
0x35c: {  	v7 =	vld [tilespmem:$0x1FEE0];
	v6 =	vadd.f32 v6, v5;
	v5 =	vadd.f32 v27, v25  }
0x35d: {  	v11 =	vld [tilespmem:s23+$0xFFFFFF20];
	v18 =	vadd.f32 v18, v29;
	v0 =	vadd.f32 v22, v40  }
0x35e: {  	v36 =	vld [tilespmem:s23+$0xFFFFFEE0];
	v22 =	vadd.f32 v41, v57;
	v25 =	vadd.f32 v43, v58  }
0x35f: {  	v37 =	vld [tilespmem:s23+$0xFFFFFEF0];
	v27 =	vadd.f32 v45, v44;
	v29 =	vadd.f32 v47, v46  }
0x360: {  	v32 =	vld [tilespmem:s23+$0xFFFFFC50];
	v22 =	vadd.f32 v25, v22  }
0x361: {  	v25 =	vadd.f32 v29, v27;
	v27 =	vadd.f32 v31, v30;
	v30 =	vld [tilespmem:$0x1FEF0]  }
0x362: {  	v3 =	vadd.f32 v3, v42;
	v42 =	vld [tilespmem:s23+$0xFFFFFCF0]  }
0x363: {  	v19 =	vld [tilespmem:s23+$0xFFFFFF60]  }
0x364: {  	v34 =	vld [tilespmem:s23+$0xFFFFFEC0]  }
0x365: {  	v35 =	vld [tilespmem:s23+$0xFFFFFED0]  }
0x366: {  	v30 =	vadd.f32 v30, v7;
	v7 =	vld [tilespmem:$0x1FF00]  }
0x367: {  	[tilespmem:$0x1FF10] =	vst v12;
	v12 =	vld [tilespmem:s23+$0xFFFFFF10]  }
0x368: {  	v21 =	vld [tilespmem:s23+$0xFFFFFF70]  }
0x369: {  	v13 =	vld [tilespmem:s23+$0xFFFFFE80]  }
0x36a: {  	v33 =	vld [tilespmem:s23+$0xFFFFFC60]  }
0x36b: {  	v9 =	vadd.f32 v9, v17;
	v24 =	vld [tilespmem:s23+$0xFFFFFEB0];
	v31 =	vadd.f32 v59, v7  }
0x36c: {  	v48 =	vld [tilespmem:s23+$0xFFFFFDA0];
	v7 =	vadd.f32 v10, v8;
	v8 =	vadd.f32 v15, v14  }
0x36d: {  	v49 =	vld [tilespmem:s23+$0xFFFFFDB0]  }
0x36e: {  	v40 =	vld [tilespmem:s23+$0xFFFFFE20];
	v3 =	vadd.f32 v7, v3;
	v7 =	vadd.f32 v9, v8  }
0x36f: {  	v41 =	vld [tilespmem:s23+$0xFFFFFE30]  }
0x370: {  	v57 =	vld [tilespmem:s23+$0xFFFFFE40];
	v58 =	vadd.f32 v61, v60;
	v14 =	vperm.xlane v0, v1;
	v3 =	vadd.f32 v7, v3  }
0x371: {  	v43 =	vld [tilespmem:s23+$0xFFFFFE50];
	v29 =	vadd.f32 v55, v53;
	v59 =	vadd.f32 v62, v56  }
0x372: {  	v44 =	vld [tilespmem:s23+$0xFFFFFE60];
	v10 =	vadd.f32 v31, v30;
	v7 =	vadd.f32 v0, v14;
	v14 =	vperm.xlane v3, v63  }
0x373: {  	v45 =	vld [tilespmem:s23+$0xFFFFFE70];
	v15 =	vadd.f32 v59, v58;
	v9 =	vadd.f32 v25, v22  }
0x374: {  	v8 =	vadd.f32 v29, v27;
	v3 =	vadd.f32 v3, v14;
	v14 =	vld [tilespmem:$0x1FF10]  }
0x375: {  	v46 =	vld [tilespmem:s23+$0xFFFFFD80];
	v25 =	vadd.f32 v15, v10;
	v17 =	vperm.xlane v9, v63  }
0x376: {  	v47 =	vld [tilespmem:s23+$0xFFFFFD90];
	v15 =	vperm.xlane v8, v63  }
0x377: {  	v11 =	vadd.f32 v16, v11;
	v60 =	vld [tilespmem:s23+$0xFFFFFD20];
	v22 =	vperm.xlane v25, v63;
	v9 =	vadd.f32 v9, v17  }
0x378: {  	v16 =	vadd.f32 v21, v19;
	v61 =	vld [tilespmem:s23+$0xFFFFFD30];
	v10 =	vperm.xlane v18, v2;
	v8 =	vadd.f32 v8, v15  }
0x379: {  	v53 =	vld [tilespmem:s23+$0xFFFFFDF0];
	v27 =	vadd.f32 v25, v22;
	v25 =	vadd.f32 v12, v14;
	v12 =	vperm.xlane v9, v2  }
0x37a: {  	v29 =	vld [tilespmem:s23+$0xFFFFFC20];
	v10 =	vadd.f32 v18, v10;
	v14 =	vadd.f32 v23, v20  }
0x37b: {  	v30 =	vld [tilespmem:s23+$0xFFFFFC30];
	v19 =	vperm.xlane v8, v2;
	v17 =	vperm.xlane v27, v2;
	v9 =	vadd.f32 v9, v12  }
0x37c: {  	v31 =	vld [tilespmem:s23+$0xFFFFFC40];
	v23 =	vadd.f32 v11, v25;
	v11 =	vadd.f32 v16, v14  }
0x37d: {  	v0 =	vld [tilespmem:s23+$0xFFFFFD10];
	v21 =	vadd.f32 v27, v17;
	v12 =	vperm.xlane v3, v2;
	v14 =	vadd.f32 v8, v19  }
0x37e: {  	v15 =	vld [tilespmem:s23+$0xFFFFFD40];
	v8 =	vperm.xlane v10, v1;
	v23 =	vadd.f32 v11, v23;
	v11 =	vperm.xlane v9, v1  }
0x37f: {  	v18 =	vld [tilespmem:s23+$0xFFFFFD50];
	v3 =	vadd.f32 v3, v12;
	v12 =	vperm.xlane v21, v1;
	v16 =	vperm.xlane v14, v1  }
0x380: {  	v22 =	vld [tilespmem:s23+$0xFFFFFD70];
	v8 =	vadd.f32 v10, v8;
	v9 =	vadd.f32 v9, v11  }
0x381: {  	v27 =	vld [tilespmem:s23+$0xFFFFFC00];
	v17 =	vperm.xlane v23, v63;
	v11 =	vadd.f32 v21, v12;
	v10 =	vadd.f32 v14, v16  }
0x382: {  	v20 =	vld [tilespmem:s23+$0xFFFFFD60];
	v19 =	vperm.xlane v3, v1;
	v14 =	vadd.f32 v26, v13;
	v21 =	vadd.f32 v37, v36  }
0x383: {  	v25 =	vld [tilespmem:s23+$0xFFFFFC10];
	v16 =	vadd.f32 v39, v38;
	v26 =	vadd.f32 v45, v44  }
0x384: {  	v36 =	vld [tilespmem:s23+$0xFFFFFCA0];
	v62 =	vadd.f32 v23, v17;
	v12 =	vadd.f32 v3, v19  }
0x385: {  	v37 =	vld [tilespmem:s23+$0xFFFFFCB0];
	v3 =	vadd.f32 v24, v28;
	v17 =	vadd.f32 v35, v34  }
0x386: {  	v38 =	vld [tilespmem:s23+$0xFFFFFCC0];
	v23 =	vadd.f32 v41, v40;
	v28 =	vadd.f32 v47, v46  }
0x387: {  	v39 =	vld [tilespmem:s23+$0xFFFFFCD0];
	v24 =	vadd.f32 v53, v52;
	v40 =	vadd.f32 v61, v60  }
0x388: {  	v44 =	vld [tilespmem:$0x1FFF0];
	v14 =	vadd.f32 v3, v14;
	v16 =	vadd.f32 v23, v16  }
0x389: {  	v35 =	vld [tilespmem:s23+$0xFFFFFC70];
	v13 =	vperm.xlane v62, v2;
	v17 =	vadd.f32 v21, v17;
	v21 =	vadd.f32 v49, v48  }
0x38a: {  	v19 =	vld [tilespmem:s23+$0xFFFFFC80];
	v3 =	vadd.f32 v51, v50;
	v23 =	vadd.f32 v43, v57  }
0x38b: {  	v34 =	vld [tilespmem:s23+$0xFFFFFC90];
	v13 =	vadd.f32 v62, v13;
	v21 =	vadd.f32 v21, v28  }
0x38c: {  	s24 =	simm.s32 $0x0;
	s25 =	simm.s32 $0x40;
	v59 =	vmovc v2;
	v41 =	vld [tilespmem:s23+$0xFFFFFCE0];
	v60 =	vmov v1;
	v24 =	vadd.f32 v24, v3;
	v28 =	vadd.f32 v0, v54  }
.LBB2_8:
0x38d: {  	v14 =	vadd.f32 v17, v14  }
0x38e: {  	v0 =	vadd.f32 v18, v15;
	v1 =	vadd.f32 v22, v20  }
0x38f: {  	v2 =	vadd.f32 v25, v27;
	v3 =	vadd.f32 v30, v29  }
0x390: {  	v15 =	vadd.f32 v32, v31;
	v18 =	vadd.f32 v35, v33  }
0x391: {  	v19 =	vadd.f32 v34, v19;
	v20 =	vadd.f32 v37, v36  }
0x392: {  	v22 =	vadd.f32 v39, v38;
	v25 =	vadd.f32 v42, v41  }
0x393: {  	v2 =	vadd.f32 v3, v2;
	v3 =	vadd.f32 v18, v15  }
0x394: {  	v15 =	vadd.f32 v20, v19;
	v18 =	vadd.f32 v25, v22  }
0x395: {  	v19 =	vadd.f32 v40, v28;
	v0 =	vadd.f32 v1, v0  }
0x396: {  	v36 =	vadd.f32 v3, v2;
	v37 =	vadd.f32 v18, v15  }
0x397: {  	v0 =	vadd.f32 v0, v19;
	v3 =	vadd.f32 v26, v23  }
0x398: {  	v20 =	vadd.f32 v24, v21;
	v18 =	vperm.xlane v36, v63;
	v19 =	vperm.xlane v37, v63  }
0x399: {  	v15 =	vperm.xlane v13, v60;
	v21 =	vperm.xlane v0, v63;
	v3 =	vadd.f32 v3, v16  }
0x39a: {  	v16 =	vperm.xlane v20, v63;
	v1 =	vadd.f32 v36, v18;
	v2 =	vadd.f32 v37, v19  }
0x39b: {  	v0 =	vadd.f32 v0, v21;
	v17 =	vperm.xlane v3, v63;
	v18 =	vperm.xlane v14, v63  }
0x39c: {  	v16 =	vadd.f32 v20, v16;
	v19 =	vperm.xlane v1, v59;
	v21 =	vperm.xlane v2, v59  }
0x39d: {  	v20 =	vperm.xlane v0, v59;
	v3 =	vadd.f32 v3, v17;
	v14 =	vadd.f32 v14, v18  }
0x39e: {  	v17 =	vperm.xlane v16, v59;
	v1 =	vadd.f32 v1, v19;
	v2 =	vadd.f32 v2, v21  }
0x39f: {  	v0 =	vadd.f32 v0, v20;
	v18 =	vperm.xlane v3, v59;
	v19 =	vperm.xlane v14, v59  }
0x3a0: {  	v16 =	vadd.f32 v16, v17;
	v20 =	vperm.xlane v1, v60;
	v21 =	vperm.xlane v2, v60  }
0x3a1: {  	v17 =	vperm.xlane v0, v60;
	v3 =	vadd.f32 v3, v18;
	v14 =	vadd.f32 v14, v19  }
0x3a2: {  	v18 =	vperm.xlane v16, v60;
	v1 =	vadd.f32 v1, v20;
	v2 =	vadd.f32 v2, v21  }
0x3a3: {  	v0 =	vadd.f32 v0, v17;
	v17 =	vperm.xlane v3, v60;
	v19 =	vperm.xlane v14, v60  }
0x3a4: {  	v16 =	vadd.f32 v16, v18;
	v20 =	vperm.xlane v1, v44;
	v21 =	vperm.xlane v2, v44  }
0x3a5: {  	v18 =	vperm.xlane v0, v44;
	v3 =	vadd.f32 v3, v17;
	v14 =	vadd.f32 v14, v19  }
0x3a6: {  	v17 =	vperm.xlane v16, v44;
	v1 =	vadd.f32 v1, v20;
	v2 =	vadd.f32 v2, v21  }
0x3a7: {  	v13 =	vadd.f32 v13, v15;
	v0 =	vadd.f32 v0, v18;
	v18 =	vperm.xlane v3, v44  }
0x3a8: {  	v38 =	vadd.f32 v16, v17;
	v15 =	vperm.xlane v14, v44;
	v1 =	vsel vm0, v1, v2  }
0x3a9: {  	v39 =	vadd.f32 v3, v18;
	v3 =	vperm.xlane v13, v44;
	v0 =	vsel vm1, v1, v0  }
0x3aa: {  	v40 =	vadd.f32 v14, v15;
	v14 =	vperm.xlane v12, v44;
	v0 =	vsel vm2, v0, v38  }
0x3ab: {  	v41 =	vadd.f32 v13, v3;
	v3 =	vperm.xlane v11, v44;
	v0 =	vsel vm3, v0, v39  }
0x3ac: {  	v42 =	vadd.f32 v12, v14;
	v12 =	vperm.xlane v10, v44;
	v0 =	vsel vm4, v0, v40  }
0x3ad: {  	v43 =	vadd.f32 v11, v3;
	v3 =	vperm.xlane v9, v44;
	v0 =	vsel vm5, v0, v41  }
0x3ae: {  	v45 =	vadd.f32 v10, v12;
	v10 =	vperm.xlane v8, v44;
	v0 =	vsel vm6, v0, v42  }
0x3af: {  	v46 =	vadd.f32 v9, v3;
	v3 =	vperm.xlane v7, v44;
	v0 =	vsel vm7, v0, v43  }
0x3b0: {  	v47 =	vadd.f32 v8, v10;
	v8 =	vperm.xlane v6, v44;
	v0 =	vsel vm8, v0, v45  }
0x3b1: {  	v48 =	vadd.f32 v7, v3;
	v3 =	vperm.xlane v5, v44;
	v0 =	vsel vm9, v0, v46  }
0x3b2: {  	v49 =	vadd.f32 v6, v8;
	v6 =	vperm.xlane v4, v44;
	v0 =	vsel vm10, v0, v47  }
0x3b3: {  	v50 =	vadd.f32 v5, v3;
	v0 =	vsel vm11, v0, v48  }
0x3b4: {  	v51 =	vadd.f32 v4, v6;
	v0 =	vsel vm12, v0, v49  }
0x3b5: {  	v0 =	vsel vm13, v0, v50  }
0x3b6: {  	v0 =	vsel vm14, v0, v51  }
0x3b7: {  	v0 =	vmul.f32 $7.812500000e-03, v0  }
0x3b8: {  	s26 =	sshra.s32 s24, $0x2  }
0x3b9: {  	s23 =	sadd.s32 $0x800, s23;
	[tilespmem:s26+$0x19000] =	vst v0  }
0x3ba: {  	v7 =	vld [tilespmem:s23+$0x380]  }
0x3bb: {  	v1 =	vld [tilespmem:s23+$0x390]  }
0x3bc: {  	v2 =	vld [tilespmem:s23+$0x3A0]  }
0x3bd: {  	v3 =	vld [tilespmem:s23+$0x3B0]  }
0x3be: {  	v6 =	vld [tilespmem:s23+$0x3C0]  }
0x3bf: {  	v12 =	vld [tilespmem:s23+$0x3D0]  }
0x3c0: {  	v13 =	vld [tilespmem:s23+$0x3E0]  }
0x3c1: {  	v14 =	vld [tilespmem:s23+$0x3F0]  }
0x3c2: {  	v16 =	vld [tilespmem:s23+$0x300]  }
0x3c3: {  	v17 =	vld [tilespmem:s23+$0x310]  }
0x3c4: {  	v19 =	vld [tilespmem:s23+$0x320]  }
0x3c5: {  	v22 =	vld [tilespmem:s23+$0x330]  }
0x3c6: {  	v24 =	vld [tilespmem:s23+$0x340]  }
0x3c7: {  	v29 =	vld [tilespmem:s23+$0x350]  }
0x3c8: {  	v34 =	vld [tilespmem:s23+$0x360]  }
0x3c9: {  	v39 =	vld [tilespmem:s23+$0x370]  }
0x3ca: {  	v40 =	vld [tilespmem:s23+$0x280]  }
0x3cb: {  	v42 =	vld [tilespmem:s23+$0x290]  }
0x3cc: {  	v43 =	vld [tilespmem:s23+$0x2A0]  }
0x3cd: {  	v45 =	vld [tilespmem:s23+$0x2B0]  }
0x3ce: {  	v48 =	vld [tilespmem:s23+$0x2C0]  }
0x3cf: {  	v49 =	vld [tilespmem:s23+$0x2D0]  }
0x3d0: {  	v51 =	vld [tilespmem:s23+$0x2E0]  }
0x3d1: {  	v52 =	vld [tilespmem:s23+$0x2F0]  }
0x3d2: {  	v54 =	vld [tilespmem:s23+$0x200]  }
0x3d3: {  	v56 =	vld [tilespmem:s23+$0x210]  }
0x3d4: {  	v57 =	vld [tilespmem:s23+$0x220]  }
0x3d5: {  	v58 =	vld [tilespmem:s23+$0x230]  }
0x3d6: {  	v59 =	vld [tilespmem:s23+$0x240]  }
0x3d7: {  	v60 =	vld [tilespmem:s23+$0x250]  }
0x3d8: {  	v61 =	vld [tilespmem:s23+$0x260]  }
0x3d9: {  	v62 =	vld [tilespmem:s23+$0x270]  }
0x3da: {  	v8 =	vld [tilespmem:s23+$0x180]  }
0x3db: {  	v4 =	vld [tilespmem:s23+$0x190]  }
0x3dc: {  	v63 =	vld [tilespmem:s23+$0x1A0]  }
0x3dd: {  	v5 =	vld [tilespmem:s23+$0x1B0]  }
0x3de: {  	v46 =	vld [tilespmem:s23+$0x1C0]  }
0x3df: {  	v47 =	vld [tilespmem:s23+$0x1D0]  }
0x3e0: {  	v50 =	vld [tilespmem:s23+$0x1E0]  }
0x3e1: {  	v0 =	vld [tilespmem:s23+$0x1F0]  }
0x3e2: {  	v9 =	vld [tilespmem:s23+$0x100]  }
0x3e3: {  	v11 =	vld [tilespmem:s23+$0x130]  }
0x3e4: {  	v10 =	vld [tilespmem:s23+$0x140]  }
0x3e5: {  	v15 =	vld [tilespmem:s23+$0x150]  }
0x3e6: {  	v18 =	vld [tilespmem:s23+$0x160]  }
0x3e7: {  	v23 =	vld [tilespmem:s23+$0x170]  }
0x3e8: {  	v21 =	vld [tilespmem:s23+$0x80]  }
0x3e9: {  	v26 =	vld [tilespmem:s23+$0x90]  }
0x3ea: {  	v28 =	vld [tilespmem:s23+$0xA0]  }
0x3eb: {  	v33 =	vld [tilespmem:s23+$0xB0]  }
0x3ec: {  	v31 =	vld [tilespmem:s23+$0xC0]  }
0x3ed: {  	v36 =	vld [tilespmem:s23+$0xD0]  }
0x3ee: {  	v38 =	vld [tilespmem:s23+$0xE0]  }
0x3ef: {  	v41 =	vld [tilespmem:s23+$0xF0]  }
0x3f0: {  	v20 =	vld [tilespmem:s23+$0x0]  }
0x3f1: {  	v25 =	vld [tilespmem:s23+$0x10]  }
0x3f2: {  	v27 =	vld [tilespmem:s23+$0x20]  }
0x3f3: {  	v32 =	vld [tilespmem:s23+$0x30]  }
0x3f4: {  	v30 =	vld [tilespmem:s23+$0x40]  }
0x3f5: {  	v35 =	vld [tilespmem:s23+$0x50]  }
0x3f6: {  	v37 =	vld [tilespmem:s23+$0x60]  }
0x3f7: {  	v55 =	vld [tilespmem:s23+$0xFFFFFFC0]  }
0x3f8: {  	[tilespmem:$0x1FEC0] =	vst v9;
	v9 =	vld [tilespmem:s23+$0x110]  }
0x3f9: {  	v53 =	vadd.f32 v1, v7;
	v7 =	vld [tilespmem:s23+$0x70]  }
0x3fa: {  	v3 =	vadd.f32 v3, v2;
	v1 =	vld [tilespmem:s23+$0xFFFFFF80]  }
0x3fb: {  	v6 =	vadd.f32 v12, v6;
	v12 =	vadd.f32 v14, v13;
	v2 =	vld [tilespmem:s23+$0xFFFFFF90]  }
0x3fc: {  	v14 =	vadd.f32 v22, v19;
	v19 =	vadd.f32 v42, v40;
	v40 =	vld [tilespmem:s23+$0xFFFFFF40]  }
0x3fd: {  	v22 =	vadd.f32 v45, v43;
	v45 =	vld [tilespmem:s23+$0xFFFFFF50]  }
0x3fe: {  	v5 =	vadd.f32 v5, v63;
	v63 =	vld [tilespmem:$0x1FFC0]  }
0x3ff: {  	v10 =	vadd.f32 v15, v10;
	v15 =	vadd.f32 v26, v21;
	v21 =	vld [tilespmem:s23+$0xFFFFFE50]  }
0x400: {  	v26 =	vld [tilespmem:s23+$0xFFFFFE60]  }
0x401: {  	v4 =	vadd.f32 v4, v8;
	v8 =	vld [tilespmem:$0x1FEC0]  }
0x402: {  	v13 =	vadd.f32 v3, v53;
	v3 =	vld [tilespmem:s23+$0xFFFFFFA0]  }
0x403: {  	v6 =	vadd.f32 v12, v6;
	v53 =	vld [tilespmem:s23+$0xFFFFFFB0]  }
0x404: {  	v12 =	vadd.f32 v17, v16;
	v16 =	vadd.f32 v29, v24;
	v24 =	vld [tilespmem:s23+$0xFFFFFFD0]  }
0x405: {  	v46 =	vadd.f32 v47, v46;
	v17 =	vadd.f32 v39, v34;
	v39 =	vld [tilespmem:s23+$0xFFFFFFE0]  }
0x406: {  	v0 =	vadd.f32 v0, v50;
	v19 =	vadd.f32 v22, v19;
	v22 =	vld [tilespmem:s23+$0xFFFFFF10]  }
0x407: {  	v29 =	vadd.f32 v49, v48;
	v49 =	vld [tilespmem:s23+$0xFFFFFF60]  }
0x408: {  	v4 =	vadd.f32 v5, v4;
	v5 =	vadd.f32 v0, v46;
	v0 =	vld [tilespmem:s23+$0xFFFFFED0]  }
0x409: {  	v52 =	vadd.f32 v52, v51;
	v16 =	vadd.f32 v17, v16;
	v17 =	vld [tilespmem:s23+$0xFFFFFFF0]  }
0x40a: {  	v14 =	vadd.f32 v14, v12;
	v12 =	vld [tilespmem:s23+$0xFFFFFF00]  }
0x40b: {  	v29 =	vadd.f32 v52, v29;
	v52 =	vld [tilespmem:$0x1FFC0]  }
0x40c: {  	[tilespmem:$0x1FED0] =	vst v9;
	v9 =	vld [tilespmem:s23+$0x120]  }
0x40d: {  	v6 =	vadd.f32 v6, v13;
	v13 =	vadd.f32 v29, v19;
	v29 =	vld [tilespmem:s23+$0xFFFFFF20]  }
0x40e: {  	v14 =	vadd.f32 v16, v14;
	v16 =	vadd.f32 v56, v54;
	v56 =	vld [tilespmem:s23+$0xFFFFFF30]  }
0x40f: {  	v54 =	vadd.f32 v60, v59;
	v60 =	vld [tilespmem:$0x1FFE0]  }
0x410: {  	v59 =	vld [tilespmem:$0x1FFD0]  }
0x411: {  	v19 =	vadd.f32 v58, v57;
	v58 =	vld [tilespmem:$0x1FFC0]  }
0x412: {  	v57 =	vadd.f32 v62, v61;
	v61 =	vld [tilespmem:$0x1FFC0]  }
0x413: {  	v24 =	vadd.f32 v24, v55;
	v55 =	vld [tilespmem:s23+$0xFFFFFDF0]  }
0x414: {  	v34 =	vperm.xlane v13, v52;
	v52 =	vld [tilespmem:s23+$0xFFFFFF70]  }
0x415: {  	v31 =	vadd.f32 v36, v31;
	v17 =	vadd.f32 v17, v39;
	v39 =	vld [tilespmem:s23+$0xFFFFFDC0]  }
0x416: {  	v9 =	vadd.f32 v11, v9;
	v11 =	vadd.f32 v23, v18;
	v23 =	vld [tilespmem:s23+$0xFFFFFE40]  }
0x417: {  	v50 =	vadd.f32 v5, v4;
	v18 =	vadd.f32 v33, v28;
	v28 =	vld [tilespmem:s23+$0xFFFFFE70];
	v62 =	vperm.xlane v6, v61  }
0x418: {  	v16 =	vadd.f32 v19, v16;
	v19 =	vadd.f32 v57, v54;
	v33 =	vld [tilespmem:s23+$0xFFFFFC60];
	v43 =	vperm.xlane v14, v58  }
0x419: {  	v34 =	vadd.f32 v13, v34;
	v13 =	vld [tilespmem:s23+$0xFFFFFE80];
	v6 =	vadd.f32 v6, v62  }
0x41a: {  	v61 =	vld [tilespmem:s23+$0xFFFFFEB0];
	v42 =	vadd.f32 v14, v43;
	v43 =	vadd.f32 v19, v16  }
0x41b: {  	v36 =	vadd.f32 v17, v24;
	v24 =	vld [tilespmem:s23+$0xFFFFFDE0];
	v54 =	vperm.xlane v34, v59;
	v19 =	vperm.xlane v6, v59  }
0x41c: {  	v7 =	vadd.f32 v7, v37;
	v14 =	vld [tilespmem:s23+$0xFFFFFE90];
	v57 =	vperm.xlane v42, v59;
	v58 =	vperm.xlane v43, v63  }
0x41d: {  	v16 =	vld [tilespmem:s23+$0xFFFFFEA0];
	v47 =	vadd.f32 v34, v54;
	v6 =	vadd.f32 v6, v19  }
0x41e: {  	v54 =	vperm.xlane v50, v63;
	v48 =	vadd.f32 v42, v57;
	v46 =	vadd.f32 v43, v58;
	v58 =	vld [tilespmem:$0x1FED0]  }
0x41f: {  	v1 =	vadd.f32 v2, v1;
	v19 =	vld [tilespmem:s23+$0xFFFFFEC0];
	v5 =	vperm.xlane v47, v60;
	v4 =	vperm.xlane v6, v60  }
0x420: {  	v34 =	vld [tilespmem:s23+$0xFFFFFEE0];
	v23 =	vadd.f32 v21, v23;
	v26 =	vadd.f32 v28, v26;
	v51 =	vperm.xlane v48, v60  }
0x421: {  	v42 =	vld [tilespmem:s23+$0xFFFFFEF0];
	v62 =	vperm.xlane v46, v59;
	v4 =	vadd.f32 v6, v4;
	v6 =	vadd.f32 v47, v5  }
0x422: {  	v43 =	vld [tilespmem:s23+$0xFFFFFE00];
	v5 =	vadd.f32 v48, v51;
	v47 =	vadd.f32 v50, v54  }
0x423: {  	v57 =	vld [tilespmem:s23+$0xFFFFFD00];
	v46 =	vadd.f32 v46, v62;
	v8 =	vadd.f32 v58, v8  }
0x424: {  	v48 =	vld [tilespmem:s23+$0xFFFFFE10];
	v62 =	vadd.f32 v41, v38;
	v0 =	vadd.f32 v0, v19  }
0x425: {  	v51 =	vld [tilespmem:s23+$0xFFFFFE20];
	v8 =	vadd.f32 v9, v8;
	v9 =	vadd.f32 v11, v10  }
0x426: {  	v54 =	vld [tilespmem:s23+$0xFFFFFE30];
	v10 =	vadd.f32 v18, v15;
	v11 =	vadd.f32 v62, v31  }
0x427: {  	v38 =	vld [tilespmem:s23+$0xFFFFFD80];
	v15 =	vadd.f32 v25, v20;
	v18 =	vadd.f32 v32, v27  }
0x428: {  	v41 =	vld [tilespmem:s23+$0xFFFFFD90];
	v20 =	vadd.f32 v35, v30;
	v35 =	vadd.f32 v53, v3  }
0x429: {  	v50 =	vld [tilespmem:s23+$0xFFFFFDA0];
	v25 =	vadd.f32 v45, v40;
	v27 =	vadd.f32 v52, v49  }
0x42a: {  	v58 =	vld [tilespmem:s23+$0xFFFFFD30];
	v49 =	vadd.f32 v14, v13;
	v13 =	vadd.f32 v61, v16  }
0x42b: {  	v3 =	vld [tilespmem:s23+$0xFFFFFDB0];
	v15 =	vadd.f32 v18, v15;
	v7 =	vadd.f32 v7, v20  }
0x42c: {  	v19 =	vld [tilespmem:s23+$0xFFFFFC80];
	v1 =	vadd.f32 v35, v1;
	v10 =	vadd.f32 v11, v10  }
0x42d: {  	v53 =	vld [tilespmem:s23+$0xFFFFFDD0];
	v8 =	vadd.f32 v9, v8;
	v9 =	vperm.xlane v46, v60;
	v54 =	vadd.f32 v54, v51  }
0x42e: {  	v31 =	vld [tilespmem:s23+$0xFFFFFC40];
	v11 =	vperm.xlane v47, v59;
	v14 =	vadd.f32 v13, v49;
	v1 =	vadd.f32 v36, v1  }
0x42f: {  	v32 =	vld [tilespmem:s23+$0xFFFFFC50];
	v37 =	vadd.f32 v7, v15;
	v17 =	vperm.xlane v8, v63;
	v7 =	vadd.f32 v46, v9  }
0x430: {  	v15 =	vperm.xlane v10, v63;
	v46 =	vld [tilespmem:s23+$0xFFFFFD10];
	v11 =	vadd.f32 v47, v11;
	v61 =	vadd.f32 v3, v50  }
0x431: {  	v20 =	vld [tilespmem:s23+$0xFFFFFD60];
	v9 =	vperm.xlane v1, v63;
	v18 =	vperm.xlane v37, v63;
	v8 =	vadd.f32 v8, v17  }
0x432: {  	v35 =	vld [tilespmem:s23+$0xFFFFFC70];
	v3 =	vadd.f32 v55, v24;
	v10 =	vadd.f32 v10, v15  }
0x433: {  	v47 =	vld [tilespmem:s23+$0xFFFFFD20];
	v1 =	vadd.f32 v1, v9;
	v2 =	vadd.f32 v37, v18;
	v17 =	vperm.xlane v8, v59  }
0x434: {  	v36 =	vld [tilespmem:s23+$0xFFFFFCA0];
	v9 =	vadd.f32 v22, v12;
	v12 =	vadd.f32 v56, v29  }
0x435: {  	v15 =	vld [tilespmem:s23+$0xFFFFFD40];
	v30 =	vperm.xlane v10, v59;
	v28 =	vadd.f32 v46, v57;
	v17 =	vadd.f32 v8, v17  }
0x436: {  	v18 =	vld [tilespmem:s23+$0xFFFFFD50];
	v29 =	vperm.xlane v2, v59;
	v8 =	vadd.f32 v12, v9;
	v9 =	vadd.f32 v27, v25  }
0x437: {  	v22 =	vld [tilespmem:s23+$0xFFFFFD70];
	v12 =	vperm.xlane v1, v59;
	v10 =	vadd.f32 v10, v30;
	v30 =	vperm.xlane v11, v60  }
0x438: {  	v37 =	vld [tilespmem:s23+$0xFFFFFCB0];
	v2 =	vadd.f32 v2, v29;
	v52 =	vadd.f32 v9, v8;
	v9 =	vperm.xlane v17, v60  }
0x439: {  	v25 =	vld [tilespmem:s23+$0xFFFFFC10];
	v1 =	vadd.f32 v1, v12;
	v56 =	vperm.xlane v10, v60;
	v8 =	vadd.f32 v11, v30  }
0x43a: {  	v27 =	vld [tilespmem:s23+$0xFFFFFC00];
	v12 =	vperm.xlane v2, v60;
	v62 =	vperm.xlane v52, v63;
	v9 =	vadd.f32 v17, v9  }
0x43b: {  	v29 =	vld [tilespmem:s23+$0xFFFFFC20];
	v40 =	vperm.xlane v1, v60;
	v10 =	vadd.f32 v10, v56;
	v17 =	vadd.f32 v42, v34  }
0x43c: {  	p0 =	sne.s32 s25, $0x600;
	v30 =	vld [tilespmem:s23+$0xFFFFFC30];
	v56 =	vadd.f32 v41, v38;
	v11 =	vadd.f32 v2, v12  }
.Ltmp3:
0x43d: {  	v34 =	vld [tilespmem:s23+$0xFFFFFC90];
	v45 =	vadd.f32 v52, v62;
	v12 =	vadd.f32 v1, v40;
	(pc) =	sbr.rel @p0 .LBB2_8-.Ltmp3, $4  }
0x43e: {  	v38 =	vld [tilespmem:s23+$0xFFFFFCC0];
	v52 =	vadd.f32 v48, v43;
	v62 =	vadd.f32 v53, v39  }
0x43f: {  	v41 =	vld [tilespmem:s23+$0xFFFFFCE0];
	v17 =	vadd.f32 v17, v0;
	v21 =	vadd.f32 v61, v56;
	v16 =	vperm.xlane v45, v59  }
0x440: {  	v42 =	vld [tilespmem:s23+$0xFFFFFCF0];
	v40 =	vadd.f32 v58, v47;
	v24 =	vadd.f32 v3, v62  }
0x441: {  	s24 =	smov.u32 s25;
	s25 =	sadd.s32 $0x40, s25;
	v39 =	vld [tilespmem:s23+$0xFFFFFCD0];
	v13 =	vadd.f32 v45, v16;
	v16 =	vadd.f32 v54, v52  }
0x442: {  	v0 =	vadd.f32 v18, v15  }
0x443: {  	v1 =	vadd.f32 v22, v20;
	v2 =	vadd.f32 v25, v27  }
0x444: {  	v3 =	vadd.f32 v30, v29;
	v32 =	vadd.f32 v32, v31  }
0x445: {  	v35 =	vadd.f32 v35, v33;
	v19 =	vadd.f32 v34, v19  }
0x446: {  	v43 =	vadd.f32 v37, v36;
	v50 =	vadd.f32 v40, v28  }
0x447: {  	v46 =	vadd.f32 v42, v41;
	v45 =	vadd.f32 v39, v38  }
0x448: {  	v2 =	vadd.f32 v3, v2;
	v47 =	vadd.f32 v35, v32  }
0x449: {  	v48 =	vadd.f32 v43, v19;
	v49 =	vadd.f32 v46, v45  }
0x44a: {  	v53 =	vadd.f32 v26, v23;
	v0 =	vadd.f32 v1, v0  }
0x44b: {  	v51 =	vadd.f32 v47, v2;
	v52 =	vadd.f32 v49, v48  }
0x44c: {  	v57 =	vadd.f32 v24, v21;
	v0 =	vadd.f32 v0, v50  }
0x44d: {  	v14 =	vadd.f32 v17, v14;
	v55 =	vperm.xlane v51, v63;
	v56 =	vperm.xlane v52, v63  }
0x44e: {  	v54 =	vperm.xlane v13, v60;
	v3 =	vadd.f32 v53, v16;
	v58 =	vperm.xlane v0, v63  }
0x44f: {  	v61 =	vperm.xlane v57, v63;
	v1 =	vadd.f32 v51, v55;
	v2 =	vadd.f32 v52, v56  }
0x450: {  	v62 =	vperm.xlane v3, v63;
	v0 =	vadd.f32 v0, v58;
	v63 =	vperm.xlane v14, v63  }
0x451: {  	v16 =	vadd.f32 v57, v61;
	v24 =	vperm.xlane v1, v59;
	v25 =	vperm.xlane v2, v59  }
0x452: {  	v3 =	vadd.f32 v3, v62;
	v26 =	vperm.xlane v0, v59;
	v14 =	vadd.f32 v14, v63  }
0x453: {  	v27 =	vperm.xlane v16, v59;
	v1 =	vadd.f32 v1, v24;
	v2 =	vadd.f32 v2, v25  }
0x454: {  	v28 =	vperm.xlane v3, v59;
	v0 =	vadd.f32 v0, v26;
	v29 =	vperm.xlane v14, v59  }
0x455: {  	v16 =	vadd.f32 v16, v27;
	v30 =	vperm.xlane v1, v60;
	v21 =	vperm.xlane v2, v60  }
0x456: {  	v3 =	vadd.f32 v3, v28;
	v31 =	vperm.xlane v0, v60;
	v14 =	vadd.f32 v14, v29  }
0x457: {  	v32 =	vperm.xlane v16, v60;
	v1 =	vadd.f32 v1, v30;
	v2 =	vadd.f32 v2, v21  }
0x458: {  	v33 =	vperm.xlane v3, v60;
	v0 =	vadd.f32 v0, v31;
	v19 =	vperm.xlane v14, v60  }
0x459: {  	v16 =	vadd.f32 v16, v32;
	v20 =	vperm.xlane v1, v44;
	v21 =	vperm.xlane v2, v44  }
0x45a: {  	v3 =	vadd.f32 v3, v33;
	v34 =	vperm.xlane v0, v44;
	v14 =	vadd.f32 v14, v19  }
0x45b: {  	v35 =	vperm.xlane v16, v44;
	v1 =	vadd.f32 v1, v20;
	v2 =	vadd.f32 v2, v21  }
0x45c: {  	v13 =	vadd.f32 v13, v54;
	v36 =	vperm.xlane v3, v44;
	v0 =	vadd.f32 v0, v34  }
0x45d: {  	v37 =	vadd.f32 v16, v35;
	v38 =	vperm.xlane v14, v44;
	v1 =	vsel vm0, v1, v2  }
0x45e: {  	v40 =	vperm.xlane v13, v44;
	v39 =	vadd.f32 v3, v36;
	v0 =	vsel vm1, v1, v0  }
0x45f: {  	v42 =	vperm.xlane v12, v44;
	v41 =	vadd.f32 v14, v38;
	v0 =	vsel vm2, v0, v37  }
0x460: {  	v45 =	vperm.xlane v11, v44;
	v43 =	vadd.f32 v13, v40;
	v0 =	vsel vm3, v0, v39  }
0x461: {  	v47 =	vperm.xlane v10, v44;
	v46 =	vadd.f32 v12, v42;
	v0 =	vsel vm4, v0, v41  }
0x462: {  	v48 =	vadd.f32 v11, v45;
	v49 =	vperm.xlane v9, v44;
	v0 =	vsel vm5, v0, v43  }
0x463: {  	v50 =	vadd.f32 v10, v47;
	v51 =	vperm.xlane v8, v44;
	v0 =	vsel vm6, v0, v46  }
0x464: {  	v53 =	vperm.xlane v7, v44;
	v52 =	vadd.f32 v9, v49;
	v0 =	vsel vm7, v0, v48  }
0x465: {  	v55 =	vperm.xlane v6, v44;
	v54 =	vadd.f32 v8, v51;
	v0 =	vsel vm8, v0, v50  }
0x466: {  	v57 =	vperm.xlane v5, v44;
	v56 =	vadd.f32 v7, v53;
	v0 =	vsel vm9, v0, v52  }
0x467: {  	v61 =	vperm.xlane v4, v44;
	v58 =	vadd.f32 v6, v55;
	v0 =	vsel vm10, v0, v54  }
0x468: {  	v62 =	vadd.f32 v5, v57;
	v0 =	vsel vm11, v0, v56  }
0x469: {  	v63 =	vadd.f32 v4, v61;
	v0 =	vsel vm12, v0, v58  }
0x46a: {  	v0 =	vsel vm13, v0, v62  }
0x46b: {  	v0 =	vsel vm14, v0, v63  }
0x46c: {  	v0 =	vmul.f32 $7.812500000e-03, v0  }
0x46d: {  	s23 =	sshra.s32 s24, $0x2  }
0x46e: {  	[tilespmem:s23+$0x19000] =	vst v0  }
0x46f: {  	[hbm4b:s13+s3] =	stream.linear.scatter [tilespmem:s16], [sflag:$0x3], $0x190, $0x38;
	[tilespmem:$0x19400] =	vst v63  }
0x470: {  	_ =	swait.ge [sflag:s20], $0xC800  }
0x471: {  	[sflag:s20] =	ssyncset.done $0x0  }
0x472: {  	s22 =	sadd.s32 $0x1, s22;
	[sflag:s20] =	ssyncadd.s32 $0xFFFF3800  }
0x473: {  	p0 =	sne.s32 s22, s14;
	_ =	swait.ge [sflag:s19], $0x190  }
.Ltmp4:
0x474: {  	[sflag:s19] =	ssyncset.done $0x0;
	(pc) =	sbr.rel @p0 .LBB2_1-.Ltmp4, $4  }
0x475: {  	[sflag:s19] =	ssyncadd.s32 $0xFFFFFE70  }
0x476: {  	_ =	swait.ge [sflag:s21], $0x190  }
0x477: {  	[sflag:s21] =	ssyncset.done $0x0  }
0x478: {  	[sflag:s21] =	ssyncadd.s32 $0xFFFFFE70  }
0x479: {  	_ =	sfence.sel $0x180000  }
0x47a: {  	[bflag:$0x0] =	sbarrier.arrive $0xFFFF  }
0x47b: {  	p0 =	sne.s32 s0, $0x0;
	_ =	strace $0x90000047  }
0x47c: {  	s0 =	sadd.s32 @!p0 $0x100000, s2;
	[bflag:$0x2] =	sbarrier.arrive $0xFFFF  }
0x47d: {  	[sflag:s0] =	ssyncadd.tile.s32 @!p0 $0x1;
	_ =	shalt  }
.Lfunc_end2:
_tile_overlayer_lowered:
.L_overlay_start_2:
0x47e: {  	(tag) =	ssettag $0x2  }
0x47f: {  	s0 =	rddreg [dreg:$0x0];
	s2 =	stileid.u32  }
0x480: {  	s1 =	rddreg [dreg:$0x1];
	p0 =	sne.s32 s2, $0x0  }
0x481: {  	s3 =	rddreg [dreg:$0x2];
	[bflag:$0x3] =	sbarrier.arrive $0xFFFF;
	s2 =	simm.s32 @!p0 $0x1C05  }
0x482: {  	[timem:s3], [sflag:s2] =	dma.local @!p0 [hbm:s0], s1  }
0x483: {  	s0 =	simm.s32 @!p0 $0x5  }
0x484: {  	_ =	swait.ge @!p0 [sflag:s0], s1  }
0x485: {  	s1 =	ssub.s32 @!p0 $0x0, s1;
	[sflag:s0] =	ssyncset.done @!p0 $0x0  }
0x486: {  	[sflag:s0] =	ssyncadd.s32 @!p0 s1  }
0x487: {  	[bflag:$0x3] =	sbarrier.arrive $0xFFFF  }
0x488: {  	_ =	shalt  }

</sc_bundles>
